<compile_context>
chip_gen: v7x
topology: tpu7x:2x2x1
jax: 0.10.2.dev20260603
libtpu: 0.0.44.dev20260713+nightly
codegen_flags: <defaults>
</compile_context>

<pallas_src>
import functools

import jax
import jax.numpy as jnp
from jax import lax
from jax.experimental import pallas as pl
from jax.experimental.pallas import tpu as pltpu
from jax.experimental.pallas import tpu_sc as plsc

NC = 2
NS = 16
NW = NC * NS
LEAK = 0.01


def _leaky(x):
    return jnp.where(x >= 0, x, LEAK * x)


def _sc_mesh():
    return plsc.VectorSubcoreMesh(core_axis_name="c", subcore_axis_name="s")


RB = 80
GRP = 8


def _chunk_bounds(s, total_chunks):
    lo = (total_chunks * s) // NS
    hi = (total_chunks * (s + 1)) // NS
    return lo, hi


def _degree_partials(send3d, recv3d, n_nodes):
    _, nchunk, ch = send3d.shape
    nzc = n_nodes // RB

    @functools.partial(
        pl.kernel,
        out_type=jax.ShapeDtypeStruct((NC * 2 * n_nodes,), jnp.float32),
        mesh=_sc_mesh(),
        scratch_types=[
            pltpu.VMEM_SHARED((n_nodes,), jnp.float32),
            pltpu.VMEM_SHARED((n_nodes,), jnp.float32),
            pltpu.VMEM((nchunk, ch), jnp.int32),
            pltpu.VMEM((nchunk, ch), jnp.int32),
            pltpu.VMEM((128,), jnp.float32),
            pltpu.VMEM((RB,), jnp.float32),
            pltpu.SemaphoreType.DMA,
            pltpu.SemaphoreType.DMA,
        ],
    )
    def deg_k(send_hbm, recv_hbm, out_hbm, acc_s, acc_r, sidx, ridx, ones_v, buf, sem_s, sem_r):
        c = lax.axis_index("c")
        s = lax.axis_index("s")
        wid = s * NC + c
        pltpu.async_copy(send_hbm.at[wid], sidx, sem_s)
        pltpu.async_copy(recv_hbm.at[wid], ridx, sem_s)
        ones = jnp.ones((16,), jnp.float32)
        zeros = jnp.zeros((16,), jnp.float32)

        def fill_ones(i, carry):
            ones_v[pl.ds(i * 16, 16)] = ones
            return carry

        lax.fori_loop(0, 8, fill_ones, 0)

        def fill_zeros(i, carry):
            buf[pl.ds(i * 16, 16)] = zeros
            return carry

        lax.fori_loop(0, RB // 16, fill_zeros, 0)
        lo, hi = _chunk_bounds(s, nzc)

        def zero_acc(m, carry):
            pltpu.async_copy(buf, acc_s.at[pl.ds(m * RB, RB)], sem_r)
            pltpu.async_copy(buf, acc_r.at[pl.ds(m * RB, RB)], sem_r)
            return carry

        lax.fori_loop(lo, hi, zero_acc, 0)
        pltpu.make_async_copy(send_hbm.at[wid], sidx, sem_s).wait()
        pltpu.make_async_copy(recv_hbm.at[wid], ridx, sem_s).wait()

        def zero_drain(m, carry):
            pltpu.make_async_copy(buf, acc_s.at[pl.ds(m * RB, RB)], sem_r).wait()
            pltpu.make_async_copy(buf, acc_r.at[pl.ds(m * RB, RB)], sem_r).wait()
            return carry

        lax.fori_loop(lo, hi, zero_drain, 0)
        plsc.subcore_barrier()

        def fire(g):
            for k in range(GRP):
                j = g * GRP + k
                pltpu.async_copy(
                    ones_v.at[pl.ds(0, ch)], acc_s.at[sidx.at[j]], sem_s, add=True)
                pltpu.async_copy(
                    ones_v.at[pl.ds(0, ch)], acc_r.at[ridx.at[j]], sem_r, add=True)

        def drain(g):
            for k in range(GRP):
                j = g * GRP + k
                pltpu.make_async_copy(
                    ones_v.at[pl.ds(0, ch)], acc_s.at[sidx.at[j]], sem_s).wait()
                pltpu.make_async_copy(
                    ones_v.at[pl.ds(0, ch)], acc_r.at[ridx.at[j]], sem_r).wait()

        ngroups = nchunk // GRP
        fire(0)

        def body(g, carry):
            fire(g)
            drain(g - 1)
            return carry

        lax.fori_loop(1, ngroups, body, 0)
        drain(ngroups - 1)
        plsc.subcore_barrier()

        def writeback(m, carry):
            base = c * 2 * n_nodes + m * RB
            pltpu.sync_copy(acc_s.at[pl.ds(m * RB, RB)], buf)
            pltpu.sync_copy(buf, out_hbm.at[pl.ds(base, RB)])
            pltpu.sync_copy(acc_r.at[pl.ds(m * RB, RB)], buf)
            pltpu.sync_copy(buf, out_hbm.at[pl.ds(base + n_nodes, RB)])
            return carry

        lax.fori_loop(lo, hi, writeback, 0)

    return deg_k(send3d, recv3d)


def _aggregate(h, send3d, recv3d):
    n_nodes, d = h.shape
    _, nchunk, ch = send3d.shape
    nzc = n_nodes // RB

    @functools.partial(
        pl.kernel,
        out_type=jax.ShapeDtypeStruct((NC, n_nodes, d), jnp.float32),
        mesh=_sc_mesh(),
        scratch_types=[
            pltpu.VMEM_SHARED((n_nodes, d), jnp.float32),
            pltpu.VMEM((GRP, ch), jnp.int32),
            pltpu.VMEM((GRP, ch), jnp.int32),
            pltpu.VMEM((GRP, ch), jnp.int32),
            pltpu.VMEM((GRP, ch), jnp.int32),
            pltpu.VMEM((ch, d), jnp.float32),
            pltpu.VMEM((ch, d), jnp.float32),
            pltpu.SemaphoreType.DMA,
            pltpu.SemaphoreType.DMA,
            pltpu.SemaphoreType.DMA,
            pltpu.SemaphoreType.DMA,
            pltpu.SemaphoreType.DMA,
            pltpu.SemaphoreType.DMA,
        ],
    )
    def agg_k(h_hbm, send_hbm, recv_hbm, out_hbm, acc,
              sidx0, ridx0, sidx1, ridx1, rows0, rows1,
              sem0, sem1, isem0, isem1, ssem0, ssem1):
        c = lax.axis_index("c")
        s = lax.axis_index("s")
        wid = s * NC + c
        zeros = jnp.zeros((16,), jnp.float32)
        nl = d // 16

        def zero_rows(t, carry):
            rows0[t // nl, pl.ds((t % nl) * 16, 16)] = zeros
            return carry

        lax.fori_loop(0, RB * nl, zero_rows, 0)
        lo, hi = _chunk_bounds(s, nzc)

        def zero_acc(m, carry):
            pltpu.async_copy(rows0.at[pl.ds(0, RB)], acc.at[pl.ds(m * RB, RB)], sem0)
            return carry

        lax.fori_loop(lo, hi, zero_acc, 0)

        def zero_drain(m, carry):
            pltpu.make_async_copy(rows0.at[pl.ds(0, RB)], acc.at[pl.ds(m * RB, RB)], sem0).wait()
            return carry

        lax.fori_loop(lo, hi, zero_drain, 0)
        plsc.subcore_barrier()

        bufs = [(rows0, sem0, ssem0), (rows1, sem1, ssem1)]
        ibufs = [(sidx0, ridx0, isem0), (sidx1, ridx1, isem1)]
        ngroups = nchunk // GRP
        npairs = ngroups // 2

        def _idx_load(g, par):
            sidx, ridx, isem = ibufs[par]
            pltpu.async_copy(send_hbm.at[wid, pl.ds(g * GRP, GRP)], sidx, isem)
            pltpu.async_copy(recv_hbm.at[wid, pl.ds(g * GRP, GRP)], ridx, isem)

        def _idx_wait(g, par):
            sidx, ridx, isem = ibufs[par]
            pltpu.make_async_copy(send_hbm.at[wid, pl.ds(g * GRP, GRP)], sidx, isem).wait()
            pltpu.make_async_copy(recv_hbm.at[wid, pl.ds(g * GRP, GRP)], ridx, isem).wait()

        def _run_group(g, par, last):
            sidx, ridx, _ = ibufs[par]
            _idx_wait(g, par)

            @pl.when(jnp.logical_not(last))
            def _():
                _idx_load(g + 1, 1 - par)

            pltpu.async_copy(h_hbm.at[sidx.at[0]], rows0, sem0)
            for k in range(GRP):
                buf, gsem, ssem = bufs[k % 2]
                nbuf, ngsem, pssem = bufs[(k + 1) % 2]
                pltpu.make_async_copy(h_hbm.at[sidx.at[k]], buf, gsem).wait()
                if k == 0:
                    @pl.when(g > 0)
                    def _():
                        pltpu.make_async_copy(
                            nbuf, acc.at[ridx.at[0]], pssem).wait()
                else:
                    pltpu.make_async_copy(
                        nbuf, acc.at[ridx.at[k - 1]], pssem).wait()
                if k < GRP - 1:
                    pltpu.async_copy(h_hbm.at[sidx.at[k + 1]], nbuf, ngsem)
                pltpu.async_copy(buf, acc.at[ridx.at[k]], ssem, add=True)

        _idx_load(0, 0)

        def pair(p, carry):
            g0 = 2 * p
            _run_group(g0, 0, jnp.bool_(False))
            _run_group(g0 + 1, 1, g0 + 1 == ngroups - 1)
            return carry

        lax.fori_loop(0, npairs, pair, 0)
        lbuf, _, lssem = bufs[(GRP - 1) % 2]
        pltpu.make_async_copy(
            lbuf, acc.at[ibufs[(ngroups - 1) % 2][1].at[GRP - 1]], lssem).wait()
        plsc.subcore_barrier()

        def writeback(m, carry):
            pltpu.sync_copy(acc.at[pl.ds(m * RB, RB)], out_hbm.at[c, pl.ds(m * RB, RB)])
            return carry

        lax.fori_loop(lo, hi, writeback, 0)

    return agg_k(h, send3d, recv3d)


def _inv(a_ref, b_ref):
    return lax.rsqrt(jnp.maximum(a_ref[...] + b_ref[...], 1.0))


def _vec_spec(bm):
    return pl.BlockSpec((bm, 1), lambda i: (i, 0))


def _mlp_scaled(x, W1, b1, W2, b2, ds0, ds1):
    n, d = x.shape
    h = W2.shape[1]
    bm = 2000

    def k(x_ref, w1_ref, b1_ref, w2_ref, b2_ref, s0_ref, s1_ref, o_ref):
        t = jnp.dot(x_ref[...], w1_ref[...], preferred_element_type=jnp.float32)
        t = _leaky(t + b1_ref[...])
        t = jnp.dot(t, w2_ref[...], preferred_element_type=jnp.float32)
        o_ref[...] = (t + b2_ref[...]) * _inv(s0_ref, s1_ref)

    return pl.pallas_call(
        k,
        grid=(n // bm,),
        in_specs=[
            pl.BlockSpec((bm, d), lambda i: (i, 0)),
            pl.BlockSpec((d, h), lambda i: (0, 0)),
            pl.BlockSpec((1, h), lambda i: (0, 0)),
            pl.BlockSpec((h, h), lambda i: (0, 0)),
            pl.BlockSpec((1, h), lambda i: (0, 0)),
            _vec_spec(bm),
            _vec_spec(bm),
        ],
        out_specs=pl.BlockSpec((bm, h), lambda i: (i, 0)),
        out_shape=jax.ShapeDtypeStruct((n, h), jnp.float32),
    )(x, W1, b1.reshape(1, h), W2, b2.reshape(1, h), ds0, ds1)


def _mid_scaled(p0, p1, dr0, dr1, ds0, ds1, W3, b3):
    n, h = p0.shape
    cdim = W3.shape[1]
    bm = 2000

    def k(p0_ref, p1_ref, r0_ref, r1_ref, w3_ref, b3_ref, s0_ref, s1_ref, o_ref):
        t = _leaky((p0_ref[...] + p1_ref[...]) * _inv(r0_ref, r1_ref))
        t = jnp.dot(t, w3_ref[...], preferred_element_type=jnp.float32)
        o_ref[...] = (t + b3_ref[...]) * _inv(s0_ref, s1_ref)

    return pl.pallas_call(
        k,
        grid=(n // bm,),
        in_specs=[
            pl.BlockSpec((bm, h), lambda i: (i, 0)),
            pl.BlockSpec((bm, h), lambda i: (i, 0)),
            _vec_spec(bm),
            _vec_spec(bm),
            pl.BlockSpec((h, cdim), lambda i: (0, 0)),
            pl.BlockSpec((1, cdim), lambda i: (0, 0)),
            _vec_spec(bm),
            _vec_spec(bm),
        ],
        out_specs=pl.BlockSpec((bm, cdim), lambda i: (i, 0)),
        out_shape=jax.ShapeDtypeStruct((n, cdim), jnp.float32),
    )(p0, p1, dr0, dr1, W3, b3.reshape(1, cdim), ds0, ds1)


def _softmax_scaled(q0, q1, dr0, dr1):
    n, cdim = q0.shape
    bm = 2000

    def k(q0_ref, q1_ref, r0_ref, r1_ref, o_ref):
        z = (q0_ref[...] + q1_ref[...]) * _inv(r0_ref, r1_ref)
        z = z - jnp.max(z, axis=-1, keepdims=True)
        e = jnp.exp(z)
        o_ref[...] = e / jnp.sum(e, axis=-1, keepdims=True)

    return pl.pallas_call(
        k,
        grid=(n // bm,),
        in_specs=[
            pl.BlockSpec((bm, cdim), lambda i: (i, 0)),
            pl.BlockSpec((bm, cdim), lambda i: (i, 0)),
            _vec_spec(bm),
            _vec_spec(bm),
        ],
        out_specs=pl.BlockSpec((bm, cdim), lambda i: (i, 0)),
        out_shape=jax.ShapeDtypeStruct((n, cdim), jnp.float32),
    )(q0, q1, dr0, dr1)


def kernel(x, edge_index, W1, b1, W2, b2, W3, b3, training=False):
    n, _ = x.shape
    e = edge_index.shape[1]
    ept = e // NW
    ch = 125
    nchunk = ept // ch
    senders = edge_index[0]
    receivers = edge_index[1]
    send3d = senders.reshape(NW, nchunk, ch)
    recv3d = receivers.reshape(NW, nchunk, ch)

    degf = _degree_partials(send3d, recv3d, n)
    ds0 = degf[0 * n:1 * n].reshape(n, 1)
    dr0 = degf[1 * n:2 * n].reshape(n, 1)
    ds1 = degf[2 * n:3 * n].reshape(n, 1)
    dr1 = degf[3 * n:4 * n].reshape(n, 1)

    h = _mlp_scaled(x, W1, b1, W2, b2, ds0, ds1)
    p = _aggregate(h, send3d, recv3d)
    h2 = _mid_scaled(p[0], p[1], dr0, dr1, ds0, ds1, W3, b3)
    q = _aggregate(h2, send3d, recv3d)
    return _softmax_scaled(q[0], q[1], dr0, dr1)

# --- scband reference (transcript-rebuilt; emitter-appended) ---
"""Pipeline reference for scband-gcn-10522669875462 (READ-ONLY COPY).

The authoritative reference and input builder live on the scoring server;
editing this copy changes nothing except your own understanding.
"""

import jax, jax.numpy as jnp
import numpy as np

N, E, D, H, C = 10000, 320000, 128, 128, 128


def _he_normal(key, shape):
    fan_in = shape[0]
    return jax.random.normal(key, shape, dtype=jnp.float32) * jnp.sqrt(2.0 / fan_in)


def setup_inputs(seed: int = 0) -> dict:
    key = jax.random.key(seed)
    ks = jax.random.split(key, 8)
    x = jax.random.normal(ks[0], (N, D), dtype=jnp.float32)
    edge_index = jax.random.randint(ks[1], (2, E), 0, N, dtype=jnp.int32)
    W1 = _he_normal(ks[2], (D, H))
    b1 = jnp.zeros((H,), dtype=jnp.float32)
    W2 = _he_normal(ks[3], (H, H))
    b2 = jnp.zeros((H,), dtype=jnp.float32)
    W3 = _he_normal(ks[4], (H, C))
    b3 = jnp.zeros((C,), dtype=jnp.float32)
    return {"x": x, "edge_index": edge_index, "W1": W1, "b1": b1, "W2": W2, "b2": b2, "W3": W3, "b3": b3, "training": False}


def _gcn_aggregate(nodes, senders, receivers, num_nodes):
    # jraph.GraphConvolution with symmetric_normalization=True, add_self_edges=False
    ones = jnp.ones_like(senders, dtype=nodes.dtype)
    sender_degree = jax.ops.segment_sum(ones, senders, num_segments=num_nodes)
    receiver_degree = jax.ops.segment_sum(ones, receivers, num_segments=num_nodes)
    nodes = nodes * jax.lax.rsqrt(jnp.maximum(sender_degree, 1.0))[:, None]
    nodes = jax.ops.segment_sum(nodes[senders], receivers, num_segments=num_nodes)
    nodes = nodes * jax.lax.rsqrt(jnp.maximum(receiver_degree, 1.0))[:, None]
    return nodes


def reference(x, edge_index, W1, b1, W2, b2, W3, b3, training=False):
    senders = edge_index[0]
    receivers = edge_index[1]
    num_nodes = x.shape[0]
    # --- convolution 1: GraphConvolution(MLP([H, H])) ---
    # MLP: Dense -> leaky_relu -> Dense (no activation on final output)
    h = x @ W1 + b1
    h = jax.nn.leaky_relu(h)
    h = h @ W2 + b2
    h = _gcn_aggregate(h, senders, receivers, num_nodes)
    # post-convolution activation on nodes
    h = jax.nn.leaky_relu(h)
    # dropout: deterministic (training=False) -> identity
    # --- output convolution: GraphConvolution(Dense(number_classes)) ---
    h = h @ W3 + b3
    h = _gcn_aggregate(h, senders, receivers, num_nodes)
    out = jax.nn.softmax(h, axis=-1)
    return out

if __name__ == "__main__":
    import jax
    _d = setup_inputs()
    print(jax.jit(kernel)(*tuple(_d.values())))

</pallas_src>

<mosaic_0001>
#map = affine_map<(d0, d1) -> (0, 0)>
#map1 = affine_map<(d0, d1) -> (0, 0, 0)>
module attributes {stable_mosaic.version = 14 : i64} {
  func.func @agg_k(%arg0: i32, %arg1: i32, %arg2: memref<10000x128xf32, #tpu.memory_space<hbm>>, %arg3: memref<32x80x125xi32, #tpu.memory_space<hbm>>, %arg4: memref<32x80x125xi32, #tpu.memory_space<hbm>>, %arg5: memref<2x10000x128xf32, #tpu.memory_space<hbm>>, %arg6: memref<10000x128xf32, #tpu.memory_space<vmem_shared>>, %arg7: memref<8x125xi32, #tpu.memory_space<vmem>>, %arg8: memref<8x125xi32, #tpu.memory_space<vmem>>, %arg9: memref<8x125xi32, #tpu.memory_space<vmem>>, %arg10: memref<8x125xi32, #tpu.memory_space<vmem>>, %arg11: memref<125x128xf32, #tpu.memory_space<vmem>>, %arg12: memref<125x128xf32, #tpu.memory_space<vmem>>, %arg13: memref<!tpu.dma_semaphore, #tpu.memory_space<semaphore_mem>>, %arg14: memref<!tpu.dma_semaphore, #tpu.memory_space<semaphore_mem>>, %arg15: memref<!tpu.dma_semaphore, #tpu.memory_space<semaphore_mem>>, %arg16: memref<!tpu.dma_semaphore, #tpu.memory_space<semaphore_mem>>, %arg17: memref<!tpu.dma_semaphore, #tpu.memory_space<semaphore_mem>>, %arg18: memref<!tpu.dma_semaphore, #tpu.memory_space<semaphore_mem>>) attributes {dimension_semantics = [#tpu.dimension_semantics<core_parallel>, #tpu.dimension_semantics<subcore_parallel>], iteration_bounds = array<i64: 2, 16>, scalar_prefetch = 0 : i64, scratch_operands = 13 : i64, tpu.core_type = #tpu.core_type<sc_vector_subcore>, window_params = [{transform_indices = #map}, {transform_indices = #map1}, {transform_indices = #map1}, {transform_indices = #map1}]} {
    %mul3A = arith.constant 2 : i32
    %mul3A_0 = arith.muli %arg1, %mul3A : i32
    %add3A = arith.addi %mul3A_0, %arg0 : i32
    %broadcast_in_dim3A = arith.constant 0.000000e+00 : f32
    %broadcast_in_dim3A_1 = vector.broadcast %broadcast_in_dim3A : f32 to vector<16xf32>
    %scan3A = arith.constant 0 : i32
    %scan3A_2 = arith.constant 0 : i32
    %scan3A_3 = arith.constant 640 : i32
    %scan3A_4 = arith.addi %scan3A_2, %scan3A_3 : i32
    %scan3A_5 = arith.constant 1 : i32
    scf.for %scan3A_107 = %scan3A_2 to %scan3A_4 step %scan3A_5  : i32 {
      %jit3A_108 = arith.constant 8 : i32
      %div3A_109 = arith.divsi %scan3A_107, %jit3A_108 : i32
      %sign3A_110 = arith.constant 0 : i32
      %sign3A_111 = arith.cmpi sgt, %scan3A_107, %sign3A_110 : i32
      %sign3A_112 = arith.extui %sign3A_111 : i1 to i32
      %sign3A_113 = arith.constant 0 : i32
      %sign3A_114 = arith.cmpi slt, %scan3A_107, %sign3A_113 : i32
      %sign3A_115 = arith.extui %sign3A_114 : i1 to i32
      %sign3A_116 = arith.subi %sign3A_112, %sign3A_115 : i32
      %sign3A_117 = arith.constant 0 : i32
      %sign3A_118 = arith.cmpi sgt, %jit3A_108, %sign3A_117 : i32
      %sign3A_119 = arith.extui %sign3A_118 : i1 to i32
      %sign3A_120 = arith.constant 0 : i32
      %sign3A_121 = arith.cmpi slt, %jit3A_108, %sign3A_120 : i32
      %sign3A_122 = arith.extui %sign3A_121 : i1 to i32
      %sign3A_123 = arith.subi %sign3A_119, %sign3A_122 : i32
      %ne3A_124 = arith.cmpi ne, %sign3A_116, %sign3A_123 : i32
      %rem3A_125 = arith.remsi %scan3A_107, %jit3A_108 : i32
      %ne3A_126 = arith.constant 0 : i32
      %ne3A_127 = arith.cmpi ne, %rem3A_125, %ne3A_126 : i32
      %and3A_128 = arith.andi %ne3A_124, %ne3A_127 : i1
      %sub3A_129 = arith.constant 1 : i32
      %sub3A_130 = arith.subi %div3A_109, %sub3A_129 : i32
      %select_n3A_131 = arith.select %and3A_128, %sub3A_130, %div3A_109 : i32
      %jit3A_132 = arith.constant 8 : i32
      %eq3A = arith.constant 0 : i32
      %eq3A_133 = arith.cmpi eq, %jit3A_132, %eq3A : i32
      %jit3A_134 = arith.constant 1 : i32
      %select_n3A_135 = arith.select %eq3A_133, %jit3A_134, %jit3A_132 : i32
      %rem3A_136 = arith.remsi %scan3A_107, %select_n3A_135 : i32
      %ne3A_137 = arith.constant 0 : i32
      %ne3A_138 = arith.cmpi ne, %rem3A_136, %ne3A_137 : i32
      %lt3A = arith.constant 0 : i32
      %lt3A_139 = arith.cmpi slt, %rem3A_136, %lt3A : i32
      %lt3A_140 = arith.constant 0 : i32
      %lt3A_141 = arith.cmpi slt, %select_n3A_135, %lt3A_140 : i32
      %ne3A_142 = arith.xori %lt3A_139, %lt3A_141 : i1
      %and3A_143 = arith.andi %ne3A_142, %ne3A_138 : i1
      %add3A_144 = arith.addi %rem3A_136, %select_n3A_135 : i32
      %select_n3A_145 = arith.select %and3A_143, %add3A_144, %rem3A_136 : i32
      %mul3A_146 = arith.constant 16 : i32
      %mul3A_147 = arith.muli %select_n3A_145, %mul3A_146 : i32
      %swap3A = arith.index_cast %select_n3A_131 : i32 to index
      %swap3A_148 = arith.index_cast %mul3A_147 : i32 to index
      %swap3A_149 = tpu.vector_load %arg11[%swap3A, %swap3A_148] {strides = array<i32>} : memref<125x128xf32, #tpu.memory_space<vmem>>, vector<1x16xf32>,
      %swap3A_150 = vector.shape_cast %swap3A_149 : vector<1x16xf32> to vector<16xf32>
      %swap3A_151 = vector.shape_cast %broadcast_in_dim3A_1 : vector<16xf32> to vector<1x16xf32>
      tpu.vector_store %arg11[%swap3A, %swap3A_148], %swap3A_151 {strides = array<i32>} : memref<125x128xf32, #tpu.memory_space<vmem>>, vector<1x16xf32>,
    }
    %scan3A_6 = arith.constant 640 : i32
    %mul3A_7 = arith.constant 125 : i32
    %mul3A_8 = arith.muli %mul3A_7, %arg1 : i32
    %jit3A = arith.constant 16 : i32
    %div3A = arith.divsi %mul3A_8, %jit3A : i32
    %sign3A = arith.constant 0 : i32
    %sign3A_9 = arith.cmpi sgt, %mul3A_8, %sign3A : i32
    %sign3A_10 = arith.extui %sign3A_9 : i1 to i32
    %sign3A_11 = arith.constant 0 : i32
    %sign3A_12 = arith.cmpi slt, %mul3A_8, %sign3A_11 : i32
    %sign3A_13 = arith.extui %sign3A_12 : i1 to i32
    %sign3A_14 = arith.subi %sign3A_10, %sign3A_13 : i32
    %sign3A_15 = arith.constant 0 : i32
    %sign3A_16 = arith.cmpi sgt, %jit3A, %sign3A_15 : i32
    %sign3A_17 = arith.extui %sign3A_16 : i1 to i32
    %sign3A_18 = arith.constant 0 : i32
    %sign3A_19 = arith.cmpi slt, %jit3A, %sign3A_18 : i32
    %sign3A_20 = arith.extui %sign3A_19 : i1 to i32
    %sign3A_21 = arith.subi %sign3A_17, %sign3A_20 : i32
    %ne3A = arith.cmpi ne, %sign3A_14, %sign3A_21 : i32
    %rem3A = arith.remsi %mul3A_8, %jit3A : i32
    %ne3A_22 = arith.constant 0 : i32
    %ne3A_23 = arith.cmpi ne, %rem3A, %ne3A_22 : i32
    %and3A = arith.andi %ne3A, %ne3A_23 : i1
    %sub3A = arith.constant 1 : i32
    %sub3A_24 = arith.subi %div3A, %sub3A : i32
    %select_n3A = arith.select %and3A, %sub3A_24, %div3A : i32
    %add3A_25 = arith.constant 1 : i32
    %add3A_26 = arith.addi %arg1, %add3A_25 : i32
    %mul3A_27 = arith.constant 125 : i32
    %mul3A_28 = arith.muli %mul3A_27, %add3A_26 : i32
    %jit3A_29 = arith.constant 16 : i32
    %div3A_30 = arith.divsi %mul3A_28, %jit3A_29 : i32
    %sign3A_31 = arith.constant 0 : i32
    %sign3A_32 = arith.cmpi sgt, %mul3A_28, %sign3A_31 : i32
    %sign3A_33 = arith.extui %sign3A_32 : i1 to i32
    %sign3A_34 = arith.constant 0 : i32
    %sign3A_35 = arith.cmpi slt, %mul3A_28, %sign3A_34 : i32
    %sign3A_36 = arith.extui %sign3A_35 : i1 to i32
    %sign3A_37 = arith.subi %sign3A_33, %sign3A_36 : i32
    %sign3A_38 = arith.constant 0 : i32
    %sign3A_39 = arith.cmpi sgt, %jit3A_29, %sign3A_38 : i32
    %sign3A_40 = arith.extui %sign3A_39 : i1 to i32
    %sign3A_41 = arith.constant 0 : i32
    %sign3A_42 = arith.cmpi slt, %jit3A_29, %sign3A_41 : i32
    %sign3A_43 = arith.extui %sign3A_42 : i1 to i32
    %sign3A_44 = arith.subi %sign3A_40, %sign3A_43 : i32
    %ne3A_45 = arith.cmpi ne, %sign3A_37, %sign3A_44 : i32
    %rem3A_46 = arith.remsi %mul3A_28, %jit3A_29 : i32
    %ne3A_47 = arith.constant 0 : i32
    %ne3A_48 = arith.cmpi ne, %rem3A_46, %ne3A_47 : i32
    %and3A_49 = arith.andi %ne3A_45, %ne3A_48 : i1
    %sub3A_50 = arith.constant 1 : i32
    %sub3A_51 = arith.subi %div3A_30, %sub3A_50 : i32
    %select_n3A_52 = arith.select %and3A_49, %sub3A_51, %div3A_30 : i32
    %while3A = arith.constant 0 : i32
    %while3A_53 = arith.subi %select_n3A_52, %select_n3A : i32
    %while3A_54 = arith.addi %select_n3A, %while3A_53 : i32
    %while3A_55 = arith.constant 1 : i32
    %while3A_56 = arith.divsi %while3A_53, %while3A_55 : i32
    %while3A_57 = arith.muli %while3A_56, %while3A_55 : i32
    %while3A_58 = arith.addi %select_n3A, %while3A_57 : i32
    %while3A_59 = arith.constant 1 : i32
    scf.for %while3A_107 = %select_n3A to %while3A_58 step %while3A_59  : i32 {
      %mul3A_108 = arith.constant 80 : i32
      %mul3A_109 = arith.muli %while3A_107, %mul3A_108 : i32
      %dma_start3A_110 = arith.constant 0 : i32
      %dma_start3A_111 = arith.constant 0 : i32
      %dma_start3A_112 = tpu.memref_slice %arg11[%dma_start3A_110, %dma_start3A_111] : memref<125x128xf32, #tpu.memory_space<vmem>> -> memref<80x128xf32, #tpu.memory_space<vmem>>
      %dma_start3A_113 = arith.constant 0 : i32
      %dma_start3A_114 = tpu.memref_slice %arg6[%mul3A_109, %dma_start3A_113] : memref<10000x128xf32, #tpu.memory_space<vmem_shared>> -> memref<80x128xf32, #tpu.memory_space<vmem_shared>>
      %dma_start3A_115 = arith.constant 0 : i32
      %dma_start3A_116 = tpu.memref_slice %arg6[%mul3A_109, %dma_start3A_115] : memref<10000x128xf32, #tpu.memory_space<vmem_shared>> -> memref<80x128xf32, #tpu.memory_space<vmem_shared>>
      %dma_start3A_117 = arith.constant 0 : i32
      %dma_start3A_118 = arith.constant 0 : i32
      %dma_start3A_119 = tpu.memref_slice %arg11[%dma_start3A_117, %dma_start3A_118] : memref<125x128xf32, #tpu.memory_space<vmem>> -> memref<80x128xf32, #tpu.memory_space<vmem>>
      tpu.enqueue_dma source(%dma_start3A_119 : memref<80x128xf32, #tpu.memory_space<vmem>>) target(%dma_start3A_116 : memref<80x128xf32, #tpu.memory_space<vmem_shared>>) target_semaphore(%arg13 : memref<!tpu.dma_semaphore, #tpu.memory_space<semaphore_mem>>)
    }
    %while3A_60 = arith.constant 1 : i32
    scf.for %while3A_107 = %while3A_58 to %while3A_54 step %while3A_60  : i32 {
      %mul3A_108 = arith.constant 80 : i32
      %mul3A_109 = arith.muli %while3A_107, %mul3A_108 : i32
      %dma_start3A_110 = arith.constant 0 : i32
      %dma_start3A_111 = arith.constant 0 : i32
      %dma_start3A_112 = tpu.memref_slice %arg11[%dma_start3A_110, %dma_start3A_111] : memref<125x128xf32, #tpu.memory_space<vmem>> -> memref<80x128xf32, #tpu.memory_space<vmem>>
      %dma_start3A_113 = arith.constant 0 : i32
      %dma_start3A_114 = tpu.memref_slice %arg6[%mul3A_109, %dma_start3A_113] : memref<10000x128xf32, #tpu.memory_space<vmem_shared>> -> memref<80x128xf32, #tpu.memory_space<vmem_shared>>
      %dma_start3A_115 = arith.constant 0 : i32
      %dma_start3A_116 = tpu.memref_slice %arg6[%mul3A_109, %dma_start3A_115] : memref<10000x128xf32, #tpu.memory_space<vmem_shared>> -> memref<80x128xf32, #tpu.memory_space<vmem_shared>>
      %dma_start3A_117 = arith.constant 0 : i32
      %dma_start3A_118 = arith.constant 0 : i32
      %dma_start3A_119 = tpu.memref_slice %arg11[%dma_start3A_117, %dma_start3A_118] : memref<125x128xf32, #tpu.memory_space<vmem>> -> memref<80x128xf32, #tpu.memory_space<vmem>>
      tpu.enqueue_dma source(%dma_start3A_119 : memref<80x128xf32, #tpu.memory_space<vmem>>) target(%dma_start3A_116 : memref<80x128xf32, #tpu.memory_space<vmem_shared>>) target_semaphore(%arg13 : memref<!tpu.dma_semaphore, #tpu.memory_space<semaphore_mem>>)
    }
    %while3A_61 = arith.constant 0 : i32
    %while3A_62 = arith.subi %select_n3A_52, %select_n3A : i32
    %while3A_63 = arith.addi %select_n3A, %while3A_62 : i32
    %while3A_64 = arith.constant 1 : i32
    %while3A_65 = arith.divsi %while3A_62, %while3A_64 : i32
    %while3A_66 = arith.muli %while3A_65, %while3A_64 : i32
    %while3A_67 = arith.addi %select_n3A, %while3A_66 : i32
    %while3A_68 = arith.constant 1 : i32
    scf.for %while3A_107 = %select_n3A to %while3A_67 step %while3A_68  : i32 {
      %mul3A_108 = arith.constant 80 : i32
      %mul3A_109 = arith.muli %while3A_107, %mul3A_108 : i32
      %dma_wait3A_110 = arith.constant 0 : i32
      %dma_wait3A_111 = arith.constant 0 : i32
      %dma_wait3A_112 = tpu.memref_slice %arg11[%dma_wait3A_110, %dma_wait3A_111] : memref<125x128xf32, #tpu.memory_space<vmem>> -> memref<80x128xf32, #tpu.memory_space<vmem>>
      %dma_wait3A_113 = arith.constant 0 : i32
      %dma_wait3A_114 = tpu.memref_slice %arg6[%mul3A_109, %dma_wait3A_113] : memref<10000x128xf32, #tpu.memory_space<vmem_shared>> -> memref<80x128xf32, #tpu.memory_space<vmem_shared>>
      %dma_wait3A_115 = arith.constant 0 : i32
      %dma_wait3A_116 = tpu.memref_slice %arg6[%mul3A_109, %dma_wait3A_115] : memref<10000x128xf32, #tpu.memory_space<vmem_shared>> -> memref<80x128xf32, #tpu.memory_space<vmem_shared>>
      %dma_wait3A_117 = arith.constant 0 : i32
      %dma_wait3A_118 = arith.constant 0 : i32
      %dma_wait3A_119 = tpu.memref_slice %arg11[%dma_wait3A_117, %dma_wait3A_118] : memref<125x128xf32, #tpu.memory_space<vmem>> -> memref<80x128xf32, #tpu.memory_space<vmem>>
      tpu.wait_dma2 semaphore(%arg13 : memref<!tpu.dma_semaphore, #tpu.memory_space<semaphore_mem>>) src(%dma_wait3A_119 : memref<80x128xf32, #tpu.memory_space<vmem>>) dst(%dma_wait3A_116 : memref<80x128xf32, #tpu.memory_space<vmem_shared>>)
    }
    %while3A_69 = arith.constant 1 : i32
    scf.for %while3A_107 = %while3A_67 to %while3A_63 step %while3A_69  : i32 {
      %mul3A_108 = arith.constant 80 : i32
      %mul3A_109 = arith.muli %while3A_107, %mul3A_108 : i32
      %dma_wait3A_110 = arith.constant 0 : i32
      %dma_wait3A_111 = arith.constant 0 : i32
      %dma_wait3A_112 = tpu.memref_slice %arg11[%dma_wait3A_110, %dma_wait3A_111] : memref<125x128xf32, #tpu.memory_space<vmem>> -> memref<80x128xf32, #tpu.memory_space<vmem>>
      %dma_wait3A_113 = arith.constant 0 : i32
      %dma_wait3A_114 = tpu.memref_slice %arg6[%mul3A_109, %dma_wait3A_113] : memref<10000x128xf32, #tpu.memory_space<vmem_shared>> -> memref<80x128xf32, #tpu.memory_space<vmem_shared>>
      %dma_wait3A_115 = arith.constant 0 : i32
      %dma_wait3A_116 = tpu.memref_slice %arg6[%mul3A_109, %dma_wait3A_115] : memref<10000x128xf32, #tpu.memory_space<vmem_shared>> -> memref<80x128xf32, #tpu.memory_space<vmem_shared>>
      %dma_wait3A_117 = arith.constant 0 : i32
      %dma_wait3A_118 = arith.constant 0 : i32
      %dma_wait3A_119 = tpu.memref_slice %arg11[%dma_wait3A_117, %dma_wait3A_118] : memref<125x128xf32, #tpu.memory_space<vmem>> -> memref<80x128xf32, #tpu.memory_space<vmem>>
      tpu.wait_dma2 semaphore(%arg13 : memref<!tpu.dma_semaphore, #tpu.memory_space<semaphore_mem>>) src(%dma_wait3A_119 : memref<80x128xf32, #tpu.memory_space<vmem>>) dst(%dma_wait3A_116 : memref<80x128xf32, #tpu.memory_space<vmem_shared>>)
    }
    %barrier3A = arith.constant 0 : index
    tpu.barrier barrier_id(%barrier3A)
    %dma_start3A = arith.constant 0 : i32
    %dma_start3A_70 = arith.constant 0 : i32
    %dma_start3A_71 = tpu.memref_slice %arg3[%add3A, %dma_start3A, %dma_start3A_70] : memref<32x80x125xi32, #tpu.memory_space<hbm>> -> memref<1x8x125xi32, #tpu.memory_space<hbm>>
    %dma_start3A_72 = tpu.memref_squeeze %dma_start3A_71 : memref<1x8x125xi32, #tpu.memory_space<hbm>> -> memref<8x125xi32, #tpu.memory_space<hbm>>
    %dma_start3A_73 = arith.constant 0 : i32
    %dma_start3A_74 = arith.constant 0 : i32
    %dma_start3A_75 = tpu.memref_slice %arg3[%add3A, %dma_start3A_73, %dma_start3A_74] : memref<32x80x125xi32, #tpu.memory_space<hbm>> -> memref<1x8x125xi32, #tpu.memory_space<hbm>>
    %dma_start3A_76 = tpu.memref_squeeze %dma_start3A_75 : memref<1x8x125xi32, #tpu.memory_space<hbm>> -> memref<8x125xi32, #tpu.memory_space<hbm>>
    tpu.enqueue_dma source(%dma_start3A_76 : memref<8x125xi32, #tpu.memory_space<hbm>>) target(%arg7 : memref<8x125xi32, #tpu.memory_space<vmem>>) target_semaphore(%arg15 : memref<!tpu.dma_semaphore, #tpu.memory_space<semaphore_mem>>)
    %dma_start3A_77 = arith.constant 0 : i32
    %dma_start3A_78 = arith.constant 0 : i32
    %dma_start3A_79 = tpu.memref_slice %arg4[%add3A, %dma_start3A_77, %dma_start3A_78] : memref<32x80x125xi32, #tpu.memory_space<hbm>> -> memref<1x8x125xi32, #tpu.memory_space<hbm>>
    %dma_start3A_80 = tpu.memref_squeeze %dma_start3A_79 : memref<1x8x125xi32, #tpu.memory_space<hbm>> -> memref<8x125xi32, #tpu.memory_space<hbm>>
    %dma_start3A_81 = arith.constant 0 : i32
    %dma_start3A_82 = arith.constant 0 : i32
    %dma_start3A_83 = tpu.memref_slice %arg4[%add3A, %dma_start3A_81, %dma_start3A_82] : memref<32x80x125xi32, #tpu.memory_space<hbm>> -> memref<1x8x125xi32, #tpu.memory_space<hbm>>
    %dma_start3A_84 = tpu.memref_squeeze %dma_start3A_83 : memref<1x8x125xi32, #tpu.memory_space<hbm>> -> memref<8x125xi32, #tpu.memory_space<hbm>>
    tpu.enqueue_dma source(%dma_start3A_84 : memref<8x125xi32, #tpu.memory_space<hbm>>) target(%arg8 : memref<8x125xi32, #tpu.memory_space<vmem>>) target_semaphore(%arg15 : memref<!tpu.dma_semaphore, #tpu.memory_space<semaphore_mem>>)
    %scan3A_85 = arith.constant 0 : i32
    %scan3A_86 = arith.constant 0 : i32
    %scan3A_87 = arith.constant 5 : i32
    %scan3A_88 = arith.addi %scan3A_86, %scan3A_87 : i32
    %scan3A_89 = arith.constant 1 : i32
    scf.for %scan3A_107 = %scan3A_86 to %scan3A_88 step %scan3A_89  : i32 {
      %mul3A_108 = arith.constant 2 : i32
      %mul3A_109 = arith.muli %mul3A_108, %scan3A_107 : i32
      %mul3A_110 = arith.constant 8 : i32
      %mul3A_111 = arith.muli %mul3A_109, %mul3A_110 : i32
      %dma_wait3A_112 = arith.constant 0 : i32
      %dma_wait3A_113 = tpu.memref_slice %arg3[%add3A, %mul3A_111, %dma_wait3A_112] : memref<32x80x125xi32, #tpu.memory_space<hbm>> -> memref<1x8x125xi32, #tpu.memory_space<hbm>>
      %dma_wait3A_114 = tpu.memref_squeeze %dma_wait3A_113 : memref<1x8x125xi32, #tpu.memory_space<hbm>> -> memref<8x125xi32, #tpu.memory_space<hbm>>
      %dma_wait3A_115 = arith.constant 0 : i32
      %dma_wait3A_116 = tpu.memref_slice %arg3[%add3A, %mul3A_111, %dma_wait3A_115] : memref<32x80x125xi32, #tpu.memory_space<hbm>> -> memref<1x8x125xi32, #tpu.memory_space<hbm>>
      %dma_wait3A_117 = tpu.memref_squeeze %dma_wait3A_116 : memref<1x8x125xi32, #tpu.memory_space<hbm>> -> memref<8x125xi32, #tpu.memory_space<hbm>>
      tpu.wait_dma2 semaphore(%arg15 : memref<!tpu.dma_semaphore, #tpu.memory_space<semaphore_mem>>) src(%dma_wait3A_117 : memref<8x125xi32, #tpu.memory_space<hbm>>) dst(%arg7 : memref<8x125xi32, #tpu.memory_space<vmem>>)
      %mul3A_118 = arith.constant 8 : i32
      %mul3A_119 = arith.muli %mul3A_109, %mul3A_118 : i32
      %dma_wait3A_120 = arith.constant 0 : i32
      %dma_wait3A_121 = tpu.memref_slice %arg4[%add3A, %mul3A_119, %dma_wait3A_120] : memref<32x80x125xi32, #tpu.memory_space<hbm>> -> memref<1x8x125xi32, #tpu.memory_space<hbm>>
      %dma_wait3A_122 = tpu.memref_squeeze %dma_wait3A_121 : memref<1x8x125xi32, #tpu.memory_space<hbm>> -> memref<8x125xi32, #tpu.memory_space<hbm>>
      %dma_wait3A_123 = arith.constant 0 : i32
      %dma_wait3A_124 = tpu.memref_slice %arg4[%add3A, %mul3A_119, %dma_wait3A_123] : memref<32x80x125xi32, #tpu.memory_space<hbm>> -> memref<1x8x125xi32, #tpu.memory_space<hbm>>
      %dma_wait3A_125 = tpu.memref_squeeze %dma_wait3A_124 : memref<1x8x125xi32, #tpu.memory_space<hbm>> -> memref<8x125xi32, #tpu.memory_space<hbm>>
      tpu.wait_dma2 semaphore(%arg15 : memref<!tpu.dma_semaphore, #tpu.memory_space<semaphore_mem>>) src(%dma_wait3A_125 : memref<8x125xi32, #tpu.memory_space<hbm>>) dst(%arg8 : memref<8x125xi32, #tpu.memory_space<vmem>>)
      %not3A = arith.constant false
      %not3A_126 = arith.constant true
      %not3A_127 = arith.xori %not3A, %not3A_126 : i1
      %convert_element_type3A = arith.extui %not3A_127 : i1 to i32
      %cond3A = arith.constant 0 : i32
      %cond3A_128 = arith.cmpi ne, %convert_element_type3A, %cond3A : i32
      scf.if %cond3A_128 {
        %add3A_598 = arith.constant 1 : i32
        %add3A_599 = arith.addi %mul3A_109, %add3A_598 : i32
        %mul3A_600 = arith.constant 8 : i32
        %mul3A_601 = arith.muli %add3A_599, %mul3A_600 : i32
        %dma_start3A_602 = arith.constant 0 : i32
        %dma_start3A_603 = tpu.memref_slice %arg3[%add3A, %mul3A_601, %dma_start3A_602] : memref<32x80x125xi32, #tpu.memory_space<hbm>> -> memref<1x8x125xi32, #tpu.memory_space<hbm>>
        %dma_start3A_604 = tpu.memref_squeeze %dma_start3A_603 : memref<1x8x125xi32, #tpu.memory_space<hbm>> -> memref<8x125xi32, #tpu.memory_space<hbm>>
        %dma_start3A_605 = arith.constant 0 : i32
        %dma_start3A_606 = tpu.memref_slice %arg3[%add3A, %mul3A_601, %dma_start3A_605] : memref<32x80x125xi32, #tpu.memory_space<hbm>> -> memref<1x8x125xi32, #tpu.memory_space<hbm>>
        %dma_start3A_607 = tpu.memref_squeeze %dma_start3A_606 : memref<1x8x125xi32, #tpu.memory_space<hbm>> -> memref<8x125xi32, #tpu.memory_space<hbm>>
        tpu.enqueue_dma source(%dma_start3A_607 : memref<8x125xi32, #tpu.memory_space<hbm>>) target(%arg9 : memref<8x125xi32, #tpu.memory_space<vmem>>) target_semaphore(%arg16 : memref<!tpu.dma_semaphore, #tpu.memory_space<semaphore_mem>>)
        %mul3A_608 = arith.constant 8 : i32
        %mul3A_609 = arith.muli %add3A_599, %mul3A_608 : i32
        %dma_start3A_610 = arith.constant 0 : i32
        %dma_start3A_611 = tpu.memref_slice %arg4[%add3A, %mul3A_609, %dma_start3A_610] : memref<32x80x125xi32, #tpu.memory_space<hbm>> -> memref<1x8x125xi32, #tpu.memory_space<hbm>>
        %dma_start3A_612 = tpu.memref_squeeze %dma_start3A_611 : memref<1x8x125xi32, #tpu.memory_space<hbm>> -> memref<8x125xi32, #tpu.memory_space<hbm>>
        %dma_start3A_613 = arith.constant 0 : i32
        %dma_start3A_614 = tpu.memref_slice %arg4[%add3A, %mul3A_609, %dma_start3A_613] : memref<32x80x125xi32, #tpu.memory_space<hbm>> -> memref<1x8x125xi32, #tpu.memory_space<hbm>>
        %dma_start3A_615 = tpu.memref_squeeze %dma_start3A_614 : memref<1x8x125xi32, #tpu.memory_space<hbm>> -> memref<8x125xi32, #tpu.memory_space<hbm>>
        tpu.enqueue_dma source(%dma_start3A_615 : memref<8x125xi32, #tpu.memory_space<hbm>>) target(%arg10 : memref<8x125xi32, #tpu.memory_space<vmem>>) target_semaphore(%arg16 : memref<!tpu.dma_semaphore, #tpu.memory_space<semaphore_mem>>)
      } else {
      }
      %dma_start3A_129 = arith.constant 0 : i32
      %dma_start3A_130 = arith.constant 0 : i32
      %dma_start3A_131 = tpu.memref_slice %arg7[%dma_start3A_129, %dma_start3A_130] : memref<8x125xi32, #tpu.memory_space<vmem>> -> memref<1x125xi32, #tpu.memory_space<vmem>>
      %dma_start3A_132 = tpu.memref_squeeze %dma_start3A_131 : memref<1x125xi32, #tpu.memory_space<vmem>> -> memref<125xi32, #tpu.memory_space<vmem>>
      %dma_start3A_133 = arith.constant 0 : i32
      %dma_start3A_134 = arith.constant 0 : i32
      %dma_start3A_135 = tpu.memref_slice %arg2[%dma_start3A_133, %dma_start3A_134] : memref<10000x128xf32, #tpu.memory_space<hbm>> -> memref<10000x128xf32, #tpu.memory_space<hbm>>
      tpu.enqueue_indirect_dma source(%dma_start3A_135 : memref<10000x128xf32, #tpu.memory_space<hbm>>) target(%arg11 : memref<125x128xf32, #tpu.memory_space<vmem>>) offsets(%dma_start3A_132 : memref<125xi32, #tpu.memory_space<vmem>>) semaphore(%arg13 : memref<!tpu.dma_semaphore, #tpu.memory_space<semaphore_mem>>)
      %dma_wait3A_136 = arith.constant 0 : i32
      %dma_wait3A_137 = arith.constant 0 : i32
      %dma_wait3A_138 = tpu.memref_slice %arg7[%dma_wait3A_136, %dma_wait3A_137] : memref<8x125xi32, #tpu.memory_space<vmem>> -> memref<1x125xi32, #tpu.memory_space<vmem>>
      %dma_wait3A_139 = tpu.memref_squeeze %dma_wait3A_138 : memref<1x125xi32, #tpu.memory_space<vmem>> -> memref<125xi32, #tpu.memory_space<vmem>>
      %dma_wait3A_140 = arith.constant 0 : i32
      %dma_wait3A_141 = arith.constant 0 : i32
      %dma_wait3A_142 = tpu.memref_slice %arg2[%dma_wait3A_140, %dma_wait3A_141] : memref<10000x128xf32, #tpu.memory_space<hbm>> -> memref<10000x128xf32, #tpu.memory_space<hbm>>
      tpu.wait_indirect_dma semaphore(%arg13 : memref<!tpu.dma_semaphore, #tpu.memory_space<semaphore_mem>>) src(%dma_wait3A_142 : memref<10000x128xf32, #tpu.memory_space<hbm>>) dst(%arg11 : memref<125x128xf32, #tpu.memory_space<vmem>>)
      %gt3A = arith.constant 0 : i32
      %gt3A_143 = arith.cmpi sgt, %mul3A_109, %gt3A : i32
      %convert_element_type3A_144 = arith.extui %gt3A_143 : i1 to i32
      %cond3A_145 = arith.constant 0 : i32
      %cond3A_146 = arith.cmpi ne, %convert_element_type3A_144, %cond3A_145 : i32
      scf.if %cond3A_146 {
        %dma_wait3A_598 = arith.constant 0 : i32
        %dma_wait3A_599 = arith.constant 0 : i32
        %dma_wait3A_600 = tpu.memref_slice %arg8[%dma_wait3A_598, %dma_wait3A_599] : memref<8x125xi32, #tpu.memory_space<vmem>> -> memref<1x125xi32, #tpu.memory_space<vmem>>
        %dma_wait3A_601 = tpu.memref_squeeze %dma_wait3A_600 : memref<1x125xi32, #tpu.memory_space<vmem>> -> memref<125xi32, #tpu.memory_space<vmem>>
        %dma_wait3A_602 = arith.constant 0 : i32
        %dma_wait3A_603 = arith.constant 0 : i32
        %dma_wait3A_604 = tpu.memref_slice %arg6[%dma_wait3A_602, %dma_wait3A_603] : memref<10000x128xf32, #tpu.memory_space<vmem_shared>> -> memref<10000x128xf32, #tpu.memory_space<vmem_shared>>
        tpu.wait_indirect_dma semaphore(%arg18 : memref<!tpu.dma_semaphore, #tpu.memory_space<semaphore_mem>>) src(%arg12 : memref<125x128xf32, #tpu.memory_space<vmem>>) dst(%dma_wait3A_604 : memref<10000x128xf32, #tpu.memory_space<vmem_shared>>)
      } else {
      }
      %dma_start3A_147 = arith.constant 1 : i32
      %dma_start3A_148 = arith.constant 0 : i32
      %dma_start3A_149 = tpu.memref_slice %arg7[%dma_start3A_147, %dma_start3A_148] : memref<8x125xi32, #tpu.memory_space<vmem>> -> memref<1x125xi32, #tpu.memory_space<vmem>>
      %dma_start3A_150 = tpu.memref_squeeze %dma_start3A_149 : memref<1x125xi32, #tpu.memory_space<vmem>> -> memref<125xi32, #tpu.memory_space<vmem>>
      %dma_start3A_151 = arith.constant 0 : i32
      %dma_start3A_152 = arith.constant 0 : i32
      %dma_start3A_153 = tpu.memref_slice %arg2[%dma_start3A_151, %dma_start3A_152] : memref<10000x128xf32, #tpu.memory_space<hbm>> -> memref<10000x128xf32, #tpu.memory_space<hbm>>
      tpu.enqueue_indirect_dma source(%dma_start3A_153 : memref<10000x128xf32, #tpu.memory_space<hbm>>) target(%arg12 : memref<125x128xf32, #tpu.memory_space<vmem>>) offsets(%dma_start3A_150 : memref<125xi32, #tpu.memory_space<vmem>>) semaphore(%arg14 : memref<!tpu.dma_semaphore, #tpu.memory_space<semaphore_mem>>)
      %dma_start3A_154 = arith.constant 0 : i32
      %dma_start3A_155 = arith.constant 0 : i32
      %dma_start3A_156 = tpu.memref_slice %arg8[%dma_start3A_154, %dma_start3A_155] : memref<8x125xi32, #tpu.memory_space<vmem>> -> memref<1x125xi32, #tpu.memory_space<vmem>>
      %dma_start3A_157 = tpu.memref_squeeze %dma_start3A_156 : memref<1x125xi32, #tpu.memory_space<vmem>> -> memref<125xi32, #tpu.memory_space<vmem>>
      %dma_start3A_158 = arith.constant 0 : i32
      %dma_start3A_159 = arith.constant 0 : i32
      %dma_start3A_160 = tpu.memref_slice %arg6[%dma_start3A_158, %dma_start3A_159] : memref<10000x128xf32, #tpu.memory_space<vmem_shared>> -> memref<10000x128xf32, #tpu.memory_space<vmem_shared>>
      tpu.enqueue_indirect_dma source(%arg11 : memref<125x128xf32, #tpu.memory_space<vmem>>) target(%dma_start3A_160 : memref<10000x128xf32, #tpu.memory_space<vmem_shared>>) offsets(%dma_start3A_157 : memref<125xi32, #tpu.memory_space<vmem>>) semaphore(%arg17 : memref<!tpu.dma_semaphore, #tpu.memory_space<semaphore_mem>>) {add = true}
      %dma_wait3A_161 = arith.constant 1 : i32
      %dma_wait3A_162 = arith.constant 0 : i32
      %dma_wait3A_163 = tpu.memref_slice %arg7[%dma_wait3A_161, %dma_wait3A_162] : memref<8x125xi32, #tpu.memory_space<vmem>> -> memref<1x125xi32, #tpu.memory_space<vmem>>
      %dma_wait3A_164 = tpu.memref_squeeze %dma_wait3A_163 : memref<1x125xi32, #tpu.memory_space<vmem>> -> memref<125xi32, #tpu.memory_space<vmem>>
      %dma_wait3A_165 = arith.constant 0 : i32
      %dma_wait3A_166 = arith.constant 0 : i32
      %dma_wait3A_167 = tpu.memref_slice %arg2[%dma_wait3A_165, %dma_wait3A_166] : memref<10000x128xf32, #tpu.memory_space<hbm>> -> memref<10000x128xf32, #tpu.memory_space<hbm>>
      tpu.wait_indirect_dma semaphore(%arg14 : memref<!tpu.dma_semaphore, #tpu.memory_space<semaphore_mem>>) src(%dma_wait3A_167 : memref<10000x128xf32, #tpu.memory_space<hbm>>) dst(%arg12 : memref<125x128xf32, #tpu.memory_space<vmem>>)
      %dma_wait3A_168 = arith.constant 0 : i32
      %dma_wait3A_169 = arith.constant 0 : i32
      %dma_wait3A_170 = tpu.memref_slice %arg8[%dma_wait3A_168, %dma_wait3A_169] : memref<8x125xi32, #tpu.memory_space<vmem>> -> memref<1x125xi32, #tpu.memory_space<vmem>>
      %dma_wait3A_171 = tpu.memref_squeeze %dma_wait3A_170 : memref<1x125xi32, #tpu.memory_space<vmem>> -> memref<125xi32, #tpu.memory_space<vmem>>
      %dma_wait3A_172 = arith.constant 0 : i32
      %dma_wait3A_173 = arith.constant 0 : i32
      %dma_wait3A_174 = tpu.memref_slice %arg6[%dma_wait3A_172, %dma_wait3A_173] : memref<10000x128xf32, #tpu.memory_space<vmem_shared>> -> memref<10000x128xf32, #tpu.memory_space<vmem_shared>>
      tpu.wait_indirect_dma semaphore(%arg17 : memref<!tpu.dma_semaphore, #tpu.memory_space<semaphore_mem>>) src(%arg11 : memref<125x128xf32, #tpu.memory_space<vmem>>) dst(%dma_wait3A_174 : memref<10000x128xf32, #tpu.memory_space<vmem_shared>>)
      %dma_start3A_175 = arith.constant 2 : i32
      %dma_start3A_176 = arith.constant 0 : i32
      %dma_start3A_177 = tpu.memref_slice %arg7[%dma_start3A_175, %dma_start3A_176] : memref<8x125xi32, #tpu.memory_space<vmem>> -> memref<1x125xi32, #tpu.memory_space<vmem>>
      %dma_start3A_178 = tpu.memref_squeeze %dma_start3A_177 : memref<1x125xi32, #tpu.memory_space<vmem>> -> memref<125xi32, #tpu.memory_space<vmem>>
      %dma_start3A_179 = arith.constant 0 : i32
      %dma_start3A_180 = arith.constant 0 : i32
      %dma_start3A_181 = tpu.memref_slice %arg2[%dma_start3A_179, %dma_start3A_180] : memref<10000x128xf32, #tpu.memory_space<hbm>> -> memref<10000x128xf32, #tpu.memory_space<hbm>>
      tpu.enqueue_indirect_dma source(%dma_start3A_181 : memref<10000x128xf32, #tpu.memory_space<hbm>>) target(%arg11 : memref<125x128xf32, #tpu.memory_space<vmem>>) offsets(%dma_start3A_178 : memref<125xi32, #tpu.memory_space<vmem>>) semaphore(%arg13 : memref<!tpu.dma_semaphore, #tpu.memory_space<semaphore_mem>>)
      %dma_start3A_182 = arith.constant 1 : i32
      %dma_start3A_183 = arith.constant 0 : i32
      %dma_start3A_184 = tpu.memref_slice %arg8[%dma_start3A_182, %dma_start3A_183] : memref<8x125xi32, #tpu.memory_space<vmem>> -> memref<1x125xi32, #tpu.memory_space<vmem>>
      %dma_start3A_185 = tpu.memref_squeeze %dma_start3A_184 : memref<1x125xi32, #tpu.memory_space<vmem>> -> memref<125xi32, #tpu.memory_space<vmem>>
      %dma_start3A_186 = arith.constant 0 : i32
      %dma_start3A_187 = arith.constant 0 : i32
      %dma_start3A_188 = tpu.memref_slice %arg6[%dma_start3A_186, %dma_start3A_187] : memref<10000x128xf32, #tpu.memory_space<vmem_shared>> -> memref<10000x128xf32, #tpu.memory_space<vmem_shared>>
      tpu.enqueue_indirect_dma source(%arg12 : memref<125x128xf32, #tpu.memory_space<vmem>>) target(%dma_start3A_188 : memref<10000x128xf32, #tpu.memory_space<vmem_shared>>) offsets(%dma_start3A_185 : memref<125xi32, #tpu.memory_space<vmem>>) semaphore(%arg18 : memref<!tpu.dma_semaphore, #tpu.memory_space<semaphore_mem>>) {add = true}
      %dma_wait3A_189 = arith.constant 2 : i32
      %dma_wait3A_190 = arith.constant 0 : i32
      %dma_wait3A_191 = tpu.memref_slice %arg7[%dma_wait3A_189, %dma_wait3A_190] : memref<8x125xi32, #tpu.memory_space<vmem>> -> memref<1x125xi32, #tpu.memory_space<vmem>>
      %dma_wait3A_192 = tpu.memref_squeeze %dma_wait3A_191 : memref<1x125xi32, #tpu.memory_space<vmem>> -> memref<125xi32, #tpu.memory_space<vmem>>
      %dma_wait3A_193 = arith.constant 0 : i32
      %dma_wait3A_194 = arith.constant 0 : i32
      %dma_wait3A_195 = tpu.memref_slice %arg2[%dma_wait3A_193, %dma_wait3A_194] : memref<10000x128xf32, #tpu.memory_space<hbm>> -> memref<10000x128xf32, #tpu.memory_space<hbm>>
      tpu.wait_indirect_dma semaphore(%arg13 : memref<!tpu.dma_semaphore, #tpu.memory_space<semaphore_mem>>) src(%dma_wait3A_195 : memref<10000x128xf32, #tpu.memory_space<hbm>>) dst(%arg11 : memref<125x128xf32, #tpu.memory_space<vmem>>)
      %dma_wait3A_196 = arith.constant 1 : i32
      %dma_wait3A_197 = arith.constant 0 : i32
      %dma_wait3A_198 = tpu.memref_slice %arg8[%dma_wait3A_196, %dma_wait3A_197] : memref<8x125xi32, #tpu.memory_space<vmem>> -> memref<1x125xi32, #tpu.memory_space<vmem>>
      %dma_wait3A_199 = tpu.memref_squeeze %dma_wait3A_198 : memref<1x125xi32, #tpu.memory_space<vmem>> -> memref<125xi32, #tpu.memory_space<vmem>>
      %dma_wait3A_200 = arith.constant 0 : i32
      %dma_wait3A_201 = arith.constant 0 : i32
      %dma_wait3A_202 = tpu.memref_slice %arg6[%dma_wait3A_200, %dma_wait3A_201] : memref<10000x128xf32, #tpu.memory_space<vmem_shared>> -> memref<10000x128xf32, #tpu.memory_space<vmem_shared>>
      tpu.wait_indirect_dma semaphore(%arg18 : memref<!tpu.dma_semaphore, #tpu.memory_space<semaphore_mem>>) src(%arg12 : memref<125x128xf32, #tpu.memory_space<vmem>>) dst(%dma_wait3A_202 : memref<10000x128xf32, #tpu.memory_space<vmem_shared>>)
      %dma_start3A_203 = arith.constant 3 : i32
      %dma_start3A_204 = arith.constant 0 : i32
      %dma_start3A_205 = tpu.memref_slice %arg7[%dma_start3A_203, %dma_start3A_204] : memref<8x125xi32, #tpu.memory_space<vmem>> -> memref<1x125xi32, #tpu.memory_space<vmem>>
      %dma_start3A_206 = tpu.memref_squeeze %dma_start3A_205 : memref<1x125xi32, #tpu.memory_space<vmem>> -> memref<125xi32, #tpu.memory_space<vmem>>
      %dma_start3A_207 = arith.constant 0 : i32
      %dma_start3A_208 = arith.constant 0 : i32
      %dma_start3A_209 = tpu.memref_slice %arg2[%dma_start3A_207, %dma_start3A_208] : memref<10000x128xf32, #tpu.memory_space<hbm>> -> memref<10000x128xf32, #tpu.memory_space<hbm>>
      tpu.enqueue_indirect_dma source(%dma_start3A_209 : memref<10000x128xf32, #tpu.memory_space<hbm>>) target(%arg12 : memref<125x128xf32, #tpu.memory_space<vmem>>) offsets(%dma_start3A_206 : memref<125xi32, #tpu.memory_space<vmem>>) semaphore(%arg14 : memref<!tpu.dma_semaphore, #tpu.memory_space<semaphore_mem>>)
      %dma_start3A_210 = arith.constant 2 : i32
      %dma_start3A_211 = arith.constant 0 : i32
      %dma_start3A_212 = tpu.memref_slice %arg8[%dma_start3A_210, %dma_start3A_211] : memref<8x125xi32, #tpu.memory_space<vmem>> -> memref<1x125xi32, #tpu.memory_space<vmem>>
      %dma_start3A_213 = tpu.memref_squeeze %dma_start3A_212 : memref<1x125xi32, #tpu.memory_space<vmem>> -> memref<125xi32, #tpu.memory_space<vmem>>
      %dma_start3A_214 = arith.constant 0 : i32
      %dma_start3A_215 = arith.constant 0 : i32
      %dma_start3A_216 = tpu.memref_slice %arg6[%dma_start3A_214, %dma_start3A_215] : memref<10000x128xf32, #tpu.memory_space<vmem_shared>> -> memref<10000x128xf32, #tpu.memory_space<vmem_shared>>
      tpu.enqueue_indirect_dma source(%arg11 : memref<125x128xf32, #tpu.memory_space<vmem>>) target(%dma_start3A_216 : memref<10000x128xf32, #tpu.memory_space<vmem_shared>>) offsets(%dma_start3A_213 : memref<125xi32, #tpu.memory_space<vmem>>) semaphore(%arg17 : memref<!tpu.dma_semaphore, #tpu.memory_space<semaphore_mem>>) {add = true}
      %dma_wait3A_217 = arith.constant 3 : i32
      %dma_wait3A_218 = arith.constant 0 : i32
      %dma_wait3A_219 = tpu.memref_slice %arg7[%dma_wait3A_217, %dma_wait3A_218] : memref<8x125xi32, #tpu.memory_space<vmem>> -> memref<1x125xi32, #tpu.memory_space<vmem>>
      %dma_wait3A_220 = tpu.memref_squeeze %dma_wait3A_219 : memref<1x125xi32, #tpu.memory_space<vmem>> -> memref<125xi32, #tpu.memory_space<vmem>>
      %dma_wait3A_221 = arith.constant 0 : i32
      %dma_wait3A_222 = arith.constant 0 : i32
      %dma_wait3A_223 = tpu.memref_slice %arg2[%dma_wait3A_221, %dma_wait3A_222] : memref<10000x128xf32, #tpu.memory_space<hbm>> -> memref<10000x128xf32, #tpu.memory_space<hbm>>
      tpu.wait_indirect_dma semaphore(%arg14 : memref<!tpu.dma_semaphore, #tpu.memory_space<semaphore_mem>>) src(%dma_wait3A_223 : memref<10000x128xf32, #tpu.memory_space<hbm>>) dst(%arg12 : memref<125x128xf32, #tpu.memory_space<vmem>>)
      %dma_wait3A_224 = arith.constant 2 : i32
      %dma_wait3A_225 = arith.constant 0 : i32
      %dma_wait3A_226 = tpu.memref_slice %arg8[%dma_wait3A_224, %dma_wait3A_225] : memref<8x125xi32, #tpu.memory_space<vmem>> -> memref<1x125xi32, #tpu.memory_space<vmem>>
      %dma_wait3A_227 = tpu.memref_squeeze %dma_wait3A_226 : memref<1x125xi32, #tpu.memory_space<vmem>> -> memref<125xi32, #tpu.memory_space<vmem>>
      %dma_wait3A_228 = arith.constant 0 : i32
      %dma_wait3A_229 = arith.constant 0 : i32
      %dma_wait3A_230 = tpu.memref_slice %arg6[%dma_wait3A_228, %dma_wait3A_229] : memref<10000x128xf32, #tpu.memory_space<vmem_shared>> -> memref<10000x128xf32, #tpu.memory_space<vmem_shared>>
      tpu.wait_indirect_dma semaphore(%arg17 : memref<!tpu.dma_semaphore, #tpu.memory_space<semaphore_mem>>) src(%arg11 : memref<125x128xf32, #tpu.memory_space<vmem>>) dst(%dma_wait3A_230 : memref<10000x128xf32, #tpu.memory_space<vmem_shared>>)
      %dma_start3A_231 = arith.constant 4 : i32
      %dma_start3A_232 = arith.constant 0 : i32
      %dma_start3A_233 = tpu.memref_slice %arg7[%dma_start3A_231, %dma_start3A_232] : memref<8x125xi32, #tpu.memory_space<vmem>> -> memref<1x125xi32, #tpu.memory_space<vmem>>
      %dma_start3A_234 = tpu.memref_squeeze %dma_start3A_233 : memref<1x125xi32, #tpu.memory_space<vmem>> -> memref<125xi32, #tpu.memory_space<vmem>>
      %dma_start3A_235 = arith.constant 0 : i32
      %dma_start3A_236 = arith.constant 0 : i32
      %dma_start3A_237 = tpu.memref_slice %arg2[%dma_start3A_235, %dma_start3A_236] : memref<10000x128xf32, #tpu.memory_space<hbm>> -> memref<10000x128xf32, #tpu.memory_space<hbm>>
      tpu.enqueue_indirect_dma source(%dma_start3A_237 : memref<10000x128xf32, #tpu.memory_space<hbm>>) target(%arg11 : memref<125x128xf32, #tpu.memory_space<vmem>>) offsets(%dma_start3A_234 : memref<125xi32, #tpu.memory_space<vmem>>) semaphore(%arg13 : memref<!tpu.dma_semaphore, #tpu.memory_space<semaphore_mem>>)
      %dma_start3A_238 = arith.constant 3 : i32
      %dma_start3A_239 = arith.constant 0 : i32
      %dma_start3A_240 = tpu.memref_slice %arg8[%dma_start3A_238, %dma_start3A_239] : memref<8x125xi32, #tpu.memory_space<vmem>> -> memref<1x125xi32, #tpu.memory_space<vmem>>
      %dma_start3A_241 = tpu.memref_squeeze %dma_start3A_240 : memref<1x125xi32, #tpu.memory_space<vmem>> -> memref<125xi32, #tpu.memory_space<vmem>>
      %dma_start3A_242 = arith.constant 0 : i32
      %dma_start3A_243 = arith.constant 0 : i32
      %dma_start3A_244 = tpu.memref_slice %arg6[%dma_start3A_242, %dma_start3A_243] : memref<10000x128xf32, #tpu.memory_space<vmem_shared>> -> memref<10000x128xf32, #tpu.memory_space<vmem_shared>>
      tpu.enqueue_indirect_dma source(%arg12 : memref<125x128xf32, #tpu.memory_space<vmem>>) target(%dma_start3A_244 : memref<10000x128xf32, #tpu.memory_space<vmem_shared>>) offsets(%dma_start3A_241 : memref<125xi32, #tpu.memory_space<vmem>>) semaphore(%arg18 : memref<!tpu.dma_semaphore, #tpu.memory_space<semaphore_mem>>) {add = true}
      %dma_wait3A_245 = arith.constant 4 : i32
      %dma_wait3A_246 = arith.constant 0 : i32
      %dma_wait3A_247 = tpu.memref_slice %arg7[%dma_wait3A_245, %dma_wait3A_246] : memref<8x125xi32, #tpu.memory_space<vmem>> -> memref<1x125xi32, #tpu.memory_space<vmem>>
      %dma_wait3A_248 = tpu.memref_squeeze %dma_wait3A_247 : memref<1x125xi32, #tpu.memory_space<vmem>> -> memref<125xi32, #tpu.memory_space<vmem>>
      %dma_wait3A_249 = arith.constant 0 : i32
      %dma_wait3A_250 = arith.constant 0 : i32
      %dma_wait3A_251 = tpu.memref_slice %arg2[%dma_wait3A_249, %dma_wait3A_250] : memref<10000x128xf32, #tpu.memory_space<hbm>> -> memref<10000x128xf32, #tpu.memory_space<hbm>>
      tpu.wait_indirect_dma semaphore(%arg13 : memref<!tpu.dma_semaphore, #tpu.memory_space<semaphore_mem>>) src(%dma_wait3A_251 : memref<10000x128xf32, #tpu.memory_space<hbm>>) dst(%arg11 : memref<125x128xf32, #tpu.memory_space<vmem>>)
      %dma_wait3A_252 = arith.constant 3 : i32
      %dma_wait3A_253 = arith.constant 0 : i32
      %dma_wait3A_254 = tpu.memref_slice %arg8[%dma_wait3A_252, %dma_wait3A_253] : memref<8x125xi32, #tpu.memory_space<vmem>> -> memref<1x125xi32, #tpu.memory_space<vmem>>
      %dma_wait3A_255 = tpu.memref_squeeze %dma_wait3A_254 : memref<1x125xi32, #tpu.memory_space<vmem>> -> memref<125xi32, #tpu.memory_space<vmem>>
      %dma_wait3A_256 = arith.constant 0 : i32
      %dma_wait3A_257 = arith.constant 0 : i32
      %dma_wait3A_258 = tpu.memref_slice %arg6[%dma_wait3A_256, %dma_wait3A_257] : memref<10000x128xf32, #tpu.memory_space<vmem_shared>> -> memref<10000x128xf32, #tpu.memory_space<vmem_shared>>
      tpu.wait_indirect_dma semaphore(%arg18 : memref<!tpu.dma_semaphore, #tpu.memory_space<semaphore_mem>>) src(%arg12 : memref<125x128xf32, #tpu.memory_space<vmem>>) dst(%dma_wait3A_258 : memref<10000x128xf32, #tpu.memory_space<vmem_shared>>)
      %dma_start3A_259 = arith.constant 5 : i32
      %dma_start3A_260 = arith.constant 0 : i32
      %dma_start3A_261 = tpu.memref_slice %arg7[%dma_start3A_259, %dma_start3A_260] : memref<8x125xi32, #tpu.memory_space<vmem>> -> memref<1x125xi32, #tpu.memory_space<vmem>>
      %dma_start3A_262 = tpu.memref_squeeze %dma_start3A_261 : memref<1x125xi32, #tpu.memory_space<vmem>> -> memref<125xi32, #tpu.memory_space<vmem>>
      %dma_start3A_263 = arith.constant 0 : i32
      %dma_start3A_264 = arith.constant 0 : i32
      %dma_start3A_265 = tpu.memref_slice %arg2[%dma_start3A_263, %dma_start3A_264] : memref<10000x128xf32, #tpu.memory_space<hbm>> -> memref<10000x128xf32, #tpu.memory_space<hbm>>
      tpu.enqueue_indirect_dma source(%dma_start3A_265 : memref<10000x128xf32, #tpu.memory_space<hbm>>) target(%arg12 : memref<125x128xf32, #tpu.memory_space<vmem>>) offsets(%dma_start3A_262 : memref<125xi32, #tpu.memory_space<vmem>>) semaphore(%arg14 : memref<!tpu.dma_semaphore, #tpu.memory_space<semaphore_mem>>)
      %dma_start3A_266 = arith.constant 4 : i32
      %dma_start3A_267 = arith.constant 0 : i32
      %dma_start3A_268 = tpu.memref_slice %arg8[%dma_start3A_266, %dma_start3A_267] : memref<8x125xi32, #tpu.memory_space<vmem>> -> memref<1x125xi32, #tpu.memory_space<vmem>>
      %dma_start3A_269 = tpu.memref_squeeze %dma_start3A_268 : memref<1x125xi32, #tpu.memory_space<vmem>> -> memref<125xi32, #tpu.memory_space<vmem>>
      %dma_start3A_270 = arith.constant 0 : i32
      %dma_start3A_271 = arith.constant 0 : i32
      %dma_start3A_272 = tpu.memref_slice %arg6[%dma_start3A_270, %dma_start3A_271] : memref<10000x128xf32, #tpu.memory_space<vmem_shared>> -> memref<10000x128xf32, #tpu.memory_space<vmem_shared>>
      tpu.enqueue_indirect_dma source(%arg11 : memref<125x128xf32, #tpu.memory_space<vmem>>) target(%dma_start3A_272 : memref<10000x128xf32, #tpu.memory_space<vmem_shared>>) offsets(%dma_start3A_269 : memref<125xi32, #tpu.memory_space<vmem>>) semaphore(%arg17 : memref<!tpu.dma_semaphore, #tpu.memory_space<semaphore_mem>>) {add = true}
      %dma_wait3A_273 = arith.constant 5 : i32
      %dma_wait3A_274 = arith.constant 0 : i32
      %dma_wait3A_275 = tpu.memref_slice %arg7[%dma_wait3A_273, %dma_wait3A_274] : memref<8x125xi32, #tpu.memory_space<vmem>> -> memref<1x125xi32, #tpu.memory_space<vmem>>
      %dma_wait3A_276 = tpu.memref_squeeze %dma_wait3A_275 : memref<1x125xi32, #tpu.memory_space<vmem>> -> memref<125xi32, #tpu.memory_space<vmem>>
      %dma_wait3A_277 = arith.constant 0 : i32
      %dma_wait3A_278 = arith.constant 0 : i32
      %dma_wait3A_279 = tpu.memref_slice %arg2[%dma_wait3A_277, %dma_wait3A_278] : memref<10000x128xf32, #tpu.memory_space<hbm>> -> memref<10000x128xf32, #tpu.memory_space<hbm>>
      tpu.wait_indirect_dma semaphore(%arg14 : memref<!tpu.dma_semaphore, #tpu.memory_space<semaphore_mem>>) src(%dma_wait3A_279 : memref<10000x128xf32, #tpu.memory_space<hbm>>) dst(%arg12 : memref<125x128xf32, #tpu.memory_space<vmem>>)
      %dma_wait3A_280 = arith.constant 4 : i32
      %dma_wait3A_281 = arith.constant 0 : i32
      %dma_wait3A_282 = tpu.memref_slice %arg8[%dma_wait3A_280, %dma_wait3A_281] : memref<8x125xi32, #tpu.memory_space<vmem>> -> memref<1x125xi32, #tpu.memory_space<vmem>>
      %dma_wait3A_283 = tpu.memref_squeeze %dma_wait3A_282 : memref<1x125xi32, #tpu.memory_space<vmem>> -> memref<125xi32, #tpu.memory_space<vmem>>
      %dma_wait3A_284 = arith.constant 0 : i32
      %dma_wait3A_285 = arith.constant 0 : i32
      %dma_wait3A_286 = tpu.memref_slice %arg6[%dma_wait3A_284, %dma_wait3A_285] : memref<10000x128xf32, #tpu.memory_space<vmem_shared>> -> memref<10000x128xf32, #tpu.memory_space<vmem_shared>>
      tpu.wait_indirect_dma semaphore(%arg17 : memref<!tpu.dma_semaphore, #tpu.memory_space<semaphore_mem>>) src(%arg11 : memref<125x128xf32, #tpu.memory_space<vmem>>) dst(%dma_wait3A_286 : memref<10000x128xf32, #tpu.memory_space<vmem_shared>>)
      %dma_start3A_287 = arith.constant 6 : i32
      %dma_start3A_288 = arith.constant 0 : i32
      %dma_start3A_289 = tpu.memref_slice %arg7[%dma_start3A_287, %dma_start3A_288] : memref<8x125xi32, #tpu.memory_space<vmem>> -> memref<1x125xi32, #tpu.memory_space<vmem>>
      %dma_start3A_290 = tpu.memref_squeeze %dma_start3A_289 : memref<1x125xi32, #tpu.memory_space<vmem>> -> memref<125xi32, #tpu.memory_space<vmem>>
      %dma_start3A_291 = arith.constant 0 : i32
      %dma_start3A_292 = arith.constant 0 : i32
      %dma_start3A_293 = tpu.memref_slice %arg2[%dma_start3A_291, %dma_start3A_292] : memref<10000x128xf32, #tpu.memory_space<hbm>> -> memref<10000x128xf32, #tpu.memory_space<hbm>>
      tpu.enqueue_indirect_dma source(%dma_start3A_293 : memref<10000x128xf32, #tpu.memory_space<hbm>>) target(%arg11 : memref<125x128xf32, #tpu.memory_space<vmem>>) offsets(%dma_start3A_290 : memref<125xi32, #tpu.memory_space<vmem>>) semaphore(%arg13 : memref<!tpu.dma_semaphore, #tpu.memory_space<semaphore_mem>>)
      %dma_start3A_294 = arith.constant 5 : i32
      %dma_start3A_295 = arith.constant 0 : i32
      %dma_start3A_296 = tpu.memref_slice %arg8[%dma_start3A_294, %dma_start3A_295] : memref<8x125xi32, #tpu.memory_space<vmem>> -> memref<1x125xi32, #tpu.memory_space<vmem>>
      %dma_start3A_297 = tpu.memref_squeeze %dma_start3A_296 : memref<1x125xi32, #tpu.memory_space<vmem>> -> memref<125xi32, #tpu.memory_space<vmem>>
      %dma_start3A_298 = arith.constant 0 : i32
      %dma_start3A_299 = arith.constant 0 : i32
      %dma_start3A_300 = tpu.memref_slice %arg6[%dma_start3A_298, %dma_start3A_299] : memref<10000x128xf32, #tpu.memory_space<vmem_shared>> -> memref<10000x128xf32, #tpu.memory_space<vmem_shared>>
      tpu.enqueue_indirect_dma source(%arg12 : memref<125x128xf32, #tpu.memory_space<vmem>>) target(%dma_start3A_300 : memref<10000x128xf32, #tpu.memory_space<vmem_shared>>) offsets(%dma_start3A_297 : memref<125xi32, #tpu.memory_space<vmem>>) semaphore(%arg18 : memref<!tpu.dma_semaphore, #tpu.memory_space<semaphore_mem>>) {add = true}
      %dma_wait3A_301 = arith.constant 6 : i32
      %dma_wait3A_302 = arith.constant 0 : i32
      %dma_wait3A_303 = tpu.memref_slice %arg7[%dma_wait3A_301, %dma_wait3A_302] : memref<8x125xi32, #tpu.memory_space<vmem>> -> memref<1x125xi32, #tpu.memory_space<vmem>>
      %dma_wait3A_304 = tpu.memref_squeeze %dma_wait3A_303 : memref<1x125xi32, #tpu.memory_space<vmem>> -> memref<125xi32, #tpu.memory_space<vmem>>
      %dma_wait3A_305 = arith.constant 0 : i32
      %dma_wait3A_306 = arith.constant 0 : i32
      %dma_wait3A_307 = tpu.memref_slice %arg2[%dma_wait3A_305, %dma_wait3A_306] : memref<10000x128xf32, #tpu.memory_space<hbm>> -> memref<10000x128xf32, #tpu.memory_space<hbm>>
      tpu.wait_indirect_dma semaphore(%arg13 : memref<!tpu.dma_semaphore, #tpu.memory_space<semaphore_mem>>) src(%dma_wait3A_307 : memref<10000x128xf32, #tpu.memory_space<hbm>>) dst(%arg11 : memref<125x128xf32, #tpu.memory_space<vmem>>)
      %dma_wait3A_308 = arith.constant 5 : i32
      %dma_wait3A_309 = arith.constant 0 : i32
      %dma_wait3A_310 = tpu.memref_slice %arg8[%dma_wait3A_308, %dma_wait3A_309] : memref<8x125xi32, #tpu.memory_space<vmem>> -> memref<1x125xi32, #tpu.memory_space<vmem>>
      %dma_wait3A_311 = tpu.memref_squeeze %dma_wait3A_310 : memref<1x125xi32, #tpu.memory_space<vmem>> -> memref<125xi32, #tpu.memory_space<vmem>>
      %dma_wait3A_312 = arith.constant 0 : i32
      %dma_wait3A_313 = arith.constant 0 : i32
      %dma_wait3A_314 = tpu.memref_slice %arg6[%dma_wait3A_312, %dma_wait3A_313] : memref<10000x128xf32, #tpu.memory_space<vmem_shared>> -> memref<10000x128xf32, #tpu.memory_space<vmem_shared>>
      tpu.wait_indirect_dma semaphore(%arg18 : memref<!tpu.dma_semaphore, #tpu.memory_space<semaphore_mem>>) src(%arg12 : memref<125x128xf32, #tpu.memory_space<vmem>>) dst(%dma_wait3A_314 : memref<10000x128xf32, #tpu.memory_space<vmem_shared>>)
      %dma_start3A_315 = arith.constant 7 : i32
      %dma_start3A_316 = arith.constant 0 : i32
      %dma_start3A_317 = tpu.memref_slice %arg7[%dma_start3A_315, %dma_start3A_316] : memref<8x125xi32, #tpu.memory_space<vmem>> -> memref<1x125xi32, #tpu.memory_space<vmem>>
      %dma_start3A_318 = tpu.memref_squeeze %dma_start3A_317 : memref<1x125xi32, #tpu.memory_space<vmem>> -> memref<125xi32, #tpu.memory_space<vmem>>
      %dma_start3A_319 = arith.constant 0 : i32
      %dma_start3A_320 = arith.constant 0 : i32
      %dma_start3A_321 = tpu.memref_slice %arg2[%dma_start3A_319, %dma_start3A_320] : memref<10000x128xf32, #tpu.memory_space<hbm>> -> memref<10000x128xf32, #tpu.memory_space<hbm>>
      tpu.enqueue_indirect_dma source(%dma_start3A_321 : memref<10000x128xf32, #tpu.memory_space<hbm>>) target(%arg12 : memref<125x128xf32, #tpu.memory_space<vmem>>) offsets(%dma_start3A_318 : memref<125xi32, #tpu.memory_space<vmem>>) semaphore(%arg14 : memref<!tpu.dma_semaphore, #tpu.memory_space<semaphore_mem>>)
      %dma_start3A_322 = arith.constant 6 : i32
      %dma_start3A_323 = arith.constant 0 : i32
      %dma_start3A_324 = tpu.memref_slice %arg8[%dma_start3A_322, %dma_start3A_323] : memref<8x125xi32, #tpu.memory_space<vmem>> -> memref<1x125xi32, #tpu.memory_space<vmem>>
      %dma_start3A_325 = tpu.memref_squeeze %dma_start3A_324 : memref<1x125xi32, #tpu.memory_space<vmem>> -> memref<125xi32, #tpu.memory_space<vmem>>
      %dma_start3A_326 = arith.constant 0 : i32
      %dma_start3A_327 = arith.constant 0 : i32
      %dma_start3A_328 = tpu.memref_slice %arg6[%dma_start3A_326, %dma_start3A_327] : memref<10000x128xf32, #tpu.memory_space<vmem_shared>> -> memref<10000x128xf32, #tpu.memory_space<vmem_shared>>
      tpu.enqueue_indirect_dma source(%arg11 : memref<125x128xf32, #tpu.memory_space<vmem>>) target(%dma_start3A_328 : memref<10000x128xf32, #tpu.memory_space<vmem_shared>>) offsets(%dma_start3A_325 : memref<125xi32, #tpu.memory_space<vmem>>) semaphore(%arg17 : memref<!tpu.dma_semaphore, #tpu.memory_space<semaphore_mem>>) {add = true}
      %dma_wait3A_329 = arith.constant 7 : i32
      %dma_wait3A_330 = arith.constant 0 : i32
      %dma_wait3A_331 = tpu.memref_slice %arg7[%dma_wait3A_329, %dma_wait3A_330] : memref<8x125xi32, #tpu.memory_space<vmem>> -> memref<1x125xi32, #tpu.memory_space<vmem>>
      %dma_wait3A_332 = tpu.memref_squeeze %dma_wait3A_331 : memref<1x125xi32, #tpu.memory_space<vmem>> -> memref<125xi32, #tpu.memory_space<vmem>>
      %dma_wait3A_333 = arith.constant 0 : i32
      %dma_wait3A_334 = arith.constant 0 : i32
      %dma_wait3A_335 = tpu.memref_slice %arg2[%dma_wait3A_333, %dma_wait3A_334] : memref<10000x128xf32, #tpu.memory_space<hbm>> -> memref<10000x128xf32, #tpu.memory_space<hbm>>
      tpu.wait_indirect_dma semaphore(%arg14 : memref<!tpu.dma_semaphore, #tpu.memory_space<semaphore_mem>>) src(%dma_wait3A_335 : memref<10000x128xf32, #tpu.memory_space<hbm>>) dst(%arg12 : memref<125x128xf32, #tpu.memory_space<vmem>>)
      %dma_wait3A_336 = arith.constant 6 : i32
      %dma_wait3A_337 = arith.constant 0 : i32
      %dma_wait3A_338 = tpu.memref_slice %arg8[%dma_wait3A_336, %dma_wait3A_337] : memref<8x125xi32, #tpu.memory_space<vmem>> -> memref<1x125xi32, #tpu.memory_space<vmem>>
      %dma_wait3A_339 = tpu.memref_squeeze %dma_wait3A_338 : memref<1x125xi32, #tpu.memory_space<vmem>> -> memref<125xi32, #tpu.memory_space<vmem>>
      %dma_wait3A_340 = arith.constant 0 : i32
      %dma_wait3A_341 = arith.constant 0 : i32
      %dma_wait3A_342 = tpu.memref_slice %arg6[%dma_wait3A_340, %dma_wait3A_341] : memref<10000x128xf32, #tpu.memory_space<vmem_shared>> -> memref<10000x128xf32, #tpu.memory_space<vmem_shared>>
      tpu.wait_indirect_dma semaphore(%arg17 : memref<!tpu.dma_semaphore, #tpu.memory_space<semaphore_mem>>) src(%arg11 : memref<125x128xf32, #tpu.memory_space<vmem>>) dst(%dma_wait3A_342 : memref<10000x128xf32, #tpu.memory_space<vmem_shared>>)
      %dma_start3A_343 = arith.constant 7 : i32
      %dma_start3A_344 = arith.constant 0 : i32
      %dma_start3A_345 = tpu.memref_slice %arg8[%dma_start3A_343, %dma_start3A_344] : memref<8x125xi32, #tpu.memory_space<vmem>> -> memref<1x125xi32, #tpu.memory_space<vmem>>
      %dma_start3A_346 = tpu.memref_squeeze %dma_start3A_345 : memref<1x125xi32, #tpu.memory_space<vmem>> -> memref<125xi32, #tpu.memory_space<vmem>>
      %dma_start3A_347 = arith.constant 0 : i32
      %dma_start3A_348 = arith.constant 0 : i32
      %dma_start3A_349 = tpu.memref_slice %arg6[%dma_start3A_347, %dma_start3A_348] : memref<10000x128xf32, #tpu.memory_space<vmem_shared>> -> memref<10000x128xf32, #tpu.memory_space<vmem_shared>>
      tpu.enqueue_indirect_dma source(%arg12 : memref<125x128xf32, #tpu.memory_space<vmem>>) target(%dma_start3A_349 : memref<10000x128xf32, #tpu.memory_space<vmem_shared>>) offsets(%dma_start3A_346 : memref<125xi32, #tpu.memory_space<vmem>>) semaphore(%arg18 : memref<!tpu.dma_semaphore, #tpu.memory_space<semaphore_mem>>) {add = true}
      %add3A_350 = arith.constant 1 : i32
      %add3A_351 = arith.addi %mul3A_109, %add3A_350 : i32
      %add3A_352 = arith.constant 1 : i32
      %add3A_353 = arith.addi %mul3A_109, %add3A_352 : i32
      %eq3A = arith.constant 9 : i32
      %eq3A_354 = arith.cmpi eq, %add3A_353, %eq3A : i32
      %mul3A_355 = arith.constant 8 : i32
      %mul3A_356 = arith.muli %add3A_351, %mul3A_355 : i32
      %dma_wait3A_357 = arith.constant 0 : i32
      %dma_wait3A_358 = tpu.memref_slice %arg3[%add3A, %mul3A_356, %dma_wait3A_357] : memref<32x80x125xi32, #tpu.memory_space<hbm>> -> memref<1x8x125xi32, #tpu.memory_space<hbm>>
      %dma_wait3A_359 = tpu.memref_squeeze %dma_wait3A_358 : memref<1x8x125xi32, #tpu.memory_space<hbm>> -> memref<8x125xi32, #tpu.memory_space<hbm>>
      %dma_wait3A_360 = arith.constant 0 : i32
      %dma_wait3A_361 = tpu.memref_slice %arg3[%add3A, %mul3A_356, %dma_wait3A_360] : memref<32x80x125xi32, #tpu.memory_space<hbm>> -> memref<1x8x125xi32, #tpu.memory_space<hbm>>
      %dma_wait3A_362 = tpu.memref_squeeze %dma_wait3A_361 : memref<1x8x125xi32, #tpu.memory_space<hbm>> -> memref<8x125xi32, #tpu.memory_space<hbm>>
      tpu.wait_dma2 semaphore(%arg16 : memref<!tpu.dma_semaphore, #tpu.memory_space<semaphore_mem>>) src(%dma_wait3A_362 : memref<8x125xi32, #tpu.memory_space<hbm>>) dst(%arg9 : memref<8x125xi32, #tpu.memory_space<vmem>>)
      %mul3A_363 = arith.constant 8 : i32
      %mul3A_364 = arith.muli %add3A_351, %mul3A_363 : i32
      %dma_wait3A_365 = arith.constant 0 : i32
      %dma_wait3A_366 = tpu.memref_slice %arg4[%add3A, %mul3A_364, %dma_wait3A_365] : memref<32x80x125xi32, #tpu.memory_space<hbm>> -> memref<1x8x125xi32, #tpu.memory_space<hbm>>
      %dma_wait3A_367 = tpu.memref_squeeze %dma_wait3A_366 : memref<1x8x125xi32, #tpu.memory_space<hbm>> -> memref<8x125xi32, #tpu.memory_space<hbm>>
      %dma_wait3A_368 = arith.constant 0 : i32
      %dma_wait3A_369 = tpu.memref_slice %arg4[%add3A, %mul3A_364, %dma_wait3A_368] : memref<32x80x125xi32, #tpu.memory_space<hbm>> -> memref<1x8x125xi32, #tpu.memory_space<hbm>>
      %dma_wait3A_370 = tpu.memref_squeeze %dma_wait3A_369 : memref<1x8x125xi32, #tpu.memory_space<hbm>> -> memref<8x125xi32, #tpu.memory_space<hbm>>
      tpu.wait_dma2 semaphore(%arg16 : memref<!tpu.dma_semaphore, #tpu.memory_space<semaphore_mem>>) src(%dma_wait3A_370 : memref<8x125xi32, #tpu.memory_space<hbm>>) dst(%arg10 : memref<8x125xi32, #tpu.memory_space<vmem>>)
      %not3A_371 = arith.constant true
      %not3A_372 = arith.xori %eq3A_354, %not3A_371 : i1
      %convert_element_type3A_373 = arith.extui %not3A_372 : i1 to i32
      %cond3A_374 = arith.constant 0 : i32
      %cond3A_375 = arith.cmpi ne, %convert_element_type3A_373, %cond3A_374 : i32
      scf.if %cond3A_375 {
        %add3A_598 = arith.constant 1 : i32
        %add3A_599 = arith.addi %add3A_351, %add3A_598 : i32
        %mul3A_600 = arith.constant 8 : i32
        %mul3A_601 = arith.muli %add3A_599, %mul3A_600 : i32
        %dma_start3A_602 = arith.constant 0 : i32
        %dma_start3A_603 = tpu.memref_slice %arg3[%add3A, %mul3A_601, %dma_start3A_602] : memref<32x80x125xi32, #tpu.memory_space<hbm>> -> memref<1x8x125xi32, #tpu.memory_space<hbm>>
        %dma_start3A_604 = tpu.memref_squeeze %dma_start3A_603 : memref<1x8x125xi32, #tpu.memory_space<hbm>> -> memref<8x125xi32, #tpu.memory_space<hbm>>
        %dma_start3A_605 = arith.constant 0 : i32
        %dma_start3A_606 = tpu.memref_slice %arg3[%add3A, %mul3A_601, %dma_start3A_605] : memref<32x80x125xi32, #tpu.memory_space<hbm>> -> memref<1x8x125xi32, #tpu.memory_space<hbm>>
        %dma_start3A_607 = tpu.memref_squeeze %dma_start3A_606 : memref<1x8x125xi32, #tpu.memory_space<hbm>> -> memref<8x125xi32, #tpu.memory_space<hbm>>
        tpu.enqueue_dma source(%dma_start3A_607 : memref<8x125xi32, #tpu.memory_space<hbm>>) target(%arg7 : memref<8x125xi32, #tpu.memory_space<vmem>>) target_semaphore(%arg15 : memref<!tpu.dma_semaphore, #tpu.memory_space<semaphore_mem>>)
        %mul3A_608 = arith.constant 8 : i32
        %mul3A_609 = arith.muli %add3A_599, %mul3A_608 : i32
        %dma_start3A_610 = arith.constant 0 : i32
        %dma_start3A_611 = tpu.memref_slice %arg4[%add3A, %mul3A_609, %dma_start3A_610] : memref<32x80x125xi32, #tpu.memory_space<hbm>> -> memref<1x8x125xi32, #tpu.memory_space<hbm>>
        %dma_start3A_612 = tpu.memref_squeeze %dma_start3A_611 : memref<1x8x125xi32, #tpu.memory_space<hbm>> -> memref<8x125xi32, #tpu.memory_space<hbm>>
        %dma_start3A_613 = arith.constant 0 : i32
        %dma_start3A_614 = tpu.memref_slice %arg4[%add3A, %mul3A_609, %dma_start3A_613] : memref<32x80x125xi32, #tpu.memory_space<hbm>> -> memref<1x8x125xi32, #tpu.memory_space<hbm>>
        %dma_start3A_615 = tpu.memref_squeeze %dma_start3A_614 : memref<1x8x125xi32, #tpu.memory_space<hbm>> -> memref<8x125xi32, #tpu.memory_space<hbm>>
        tpu.enqueue_dma source(%dma_start3A_615 : memref<8x125xi32, #tpu.memory_space<hbm>>) target(%arg8 : memref<8x125xi32, #tpu.memory_space<vmem>>) target_semaphore(%arg15 : memref<!tpu.dma_semaphore, #tpu.memory_space<semaphore_mem>>)
      } else {
      }
      %dma_start3A_376 = arith.constant 0 : i32
      %dma_start3A_377 = arith.constant 0 : i32
      %dma_start3A_378 = tpu.memref_slice %arg9[%dma_start3A_376, %dma_start3A_377] : memref<8x125xi32, #tpu.memory_space<vmem>> -> memref<1x125xi32, #tpu.memory_space<vmem>>
      %dma_start3A_379 = tpu.memref_squeeze %dma_start3A_378 : memref<1x125xi32, #tpu.memory_space<vmem>> -> memref<125xi32, #tpu.memory_space<vmem>>
      %dma_start3A_380 = arith.constant 0 : i32
      %dma_start3A_381 = arith.constant 0 : i32
      %dma_start3A_382 = tpu.memref_slice %arg2[%dma_start3A_380, %dma_start3A_381] : memref<10000x128xf32, #tpu.memory_space<hbm>> -> memref<10000x128xf32, #tpu.memory_space<hbm>>
      tpu.enqueue_indirect_dma source(%dma_start3A_382 : memref<10000x128xf32, #tpu.memory_space<hbm>>) target(%arg11 : memref<125x128xf32, #tpu.memory_space<vmem>>) offsets(%dma_start3A_379 : memref<125xi32, #tpu.memory_space<vmem>>) semaphore(%arg13 : memref<!tpu.dma_semaphore, #tpu.memory_space<semaphore_mem>>)
      %dma_wait3A_383 = arith.constant 0 : i32
      %dma_wait3A_384 = arith.constant 0 : i32
      %dma_wait3A_385 = tpu.memref_slice %arg9[%dma_wait3A_383, %dma_wait3A_384] : memref<8x125xi32, #tpu.memory_space<vmem>> -> memref<1x125xi32, #tpu.memory_space<vmem>>
      %dma_wait3A_386 = tpu.memref_squeeze %dma_wait3A_385 : memref<1x125xi32, #tpu.memory_space<vmem>> -> memref<125xi32, #tpu.memory_space<vmem>>
      %dma_wait3A_387 = arith.constant 0 : i32
      %dma_wait3A_388 = arith.constant 0 : i32
      %dma_wait3A_389 = tpu.memref_slice %arg2[%dma_wait3A_387, %dma_wait3A_388] : memref<10000x128xf32, #tpu.memory_space<hbm>> -> memref<10000x128xf32, #tpu.memory_space<hbm>>
      tpu.wait_indirect_dma semaphore(%arg13 : memref<!tpu.dma_semaphore, #tpu.memory_space<semaphore_mem>>) src(%dma_wait3A_389 : memref<10000x128xf32, #tpu.memory_space<hbm>>) dst(%arg11 : memref<125x128xf32, #tpu.memory_space<vmem>>)
      %gt3A_390 = arith.constant 0 : i32
      %gt3A_391 = arith.cmpi sgt, %add3A_351, %gt3A_390 : i32
      %convert_element_type3A_392 = arith.extui %gt3A_391 : i1 to i32
      %cond3A_393 = arith.constant 0 : i32
      %cond3A_394 = arith.cmpi ne, %convert_element_type3A_392, %cond3A_393 : i32
      scf.if %cond3A_394 {
        %dma_wait3A_598 = arith.constant 0 : i32
        %dma_wait3A_599 = arith.constant 0 : i32
        %dma_wait3A_600 = tpu.memref_slice %arg10[%dma_wait3A_598, %dma_wait3A_599] : memref<8x125xi32, #tpu.memory_space<vmem>> -> memref<1x125xi32, #tpu.memory_space<vmem>>
        %dma_wait3A_601 = tpu.memref_squeeze %dma_wait3A_600 : memref<1x125xi32, #tpu.memory_space<vmem>> -> memref<125xi32, #tpu.memory_space<vmem>>
        %dma_wait3A_602 = arith.constant 0 : i32
        %dma_wait3A_603 = arith.constant 0 : i32
        %dma_wait3A_604 = tpu.memref_slice %arg6[%dma_wait3A_602, %dma_wait3A_603] : memref<10000x128xf32, #tpu.memory_space<vmem_shared>> -> memref<10000x128xf32, #tpu.memory_space<vmem_shared>>
        tpu.wait_indirect_dma semaphore(%arg18 : memref<!tpu.dma_semaphore, #tpu.memory_space<semaphore_mem>>) src(%arg12 : memref<125x128xf32, #tpu.memory_space<vmem>>) dst(%dma_wait3A_604 : memref<10000x128xf32, #tpu.memory_space<vmem_shared>>)
      } else {
      }
      %dma_start3A_395 = arith.constant 1 : i32
      %dma_start3A_396 = arith.constant 0 : i32
      %dma_start3A_397 = tpu.memref_slice %arg9[%dma_start3A_395, %dma_start3A_396] : memref<8x125xi32, #tpu.memory_space<vmem>> -> memref<1x125xi32, #tpu.memory_space<vmem>>
      %dma_start3A_398 = tpu.memref_squeeze %dma_start3A_397 : memref<1x125xi32, #tpu.memory_space<vmem>> -> memref<125xi32, #tpu.memory_space<vmem>>
      %dma_start3A_399 = arith.constant 0 : i32
      %dma_start3A_400 = arith.constant 0 : i32
      %dma_start3A_401 = tpu.memref_slice %arg2[%dma_start3A_399, %dma_start3A_400] : memref<10000x128xf32, #tpu.memory_space<hbm>> -> memref<10000x128xf32, #tpu.memory_space<hbm>>
      tpu.enqueue_indirect_dma source(%dma_start3A_401 : memref<10000x128xf32, #tpu.memory_space<hbm>>) target(%arg12 : memref<125x128xf32, #tpu.memory_space<vmem>>) offsets(%dma_start3A_398 : memref<125xi32, #tpu.memory_space<vmem>>) semaphore(%arg14 : memref<!tpu.dma_semaphore, #tpu.memory_space<semaphore_mem>>)
      %dma_start3A_402 = arith.constant 0 : i32
      %dma_start3A_403 = arith.constant 0 : i32
      %dma_start3A_404 = tpu.memref_slice %arg10[%dma_start3A_402, %dma_start3A_403] : memref<8x125xi32, #tpu.memory_space<vmem>> -> memref<1x125xi32, #tpu.memory_space<vmem>>
      %dma_start3A_405 = tpu.memref_squeeze %dma_start3A_404 : memref<1x125xi32, #tpu.memory_space<vmem>> -> memref<125xi32, #tpu.memory_space<vmem>>
      %dma_start3A_406 = arith.constant 0 : i32
      %dma_start3A_407 = arith.constant 0 : i32
      %dma_start3A_408 = tpu.memref_slice %arg6[%dma_start3A_406, %dma_start3A_407] : memref<10000x128xf32, #tpu.memory_space<vmem_shared>> -> memref<10000x128xf32, #tpu.memory_space<vmem_shared>>
      tpu.enqueue_indirect_dma source(%arg11 : memref<125x128xf32, #tpu.memory_space<vmem>>) target(%dma_start3A_408 : memref<10000x128xf32, #tpu.memory_space<vmem_shared>>) offsets(%dma_start3A_405 : memref<125xi32, #tpu.memory_space<vmem>>) semaphore(%arg17 : memref<!tpu.dma_semaphore, #tpu.memory_space<semaphore_mem>>) {add = true}
      %dma_wait3A_409 = arith.constant 1 : i32
      %dma_wait3A_410 = arith.constant 0 : i32
      %dma_wait3A_411 = tpu.memref_slice %arg9[%dma_wait3A_409, %dma_wait3A_410] : memref<8x125xi32, #tpu.memory_space<vmem>> -> memref<1x125xi32, #tpu.memory_space<vmem>>
      %dma_wait3A_412 = tpu.memref_squeeze %dma_wait3A_411 : memref<1x125xi32, #tpu.memory_space<vmem>> -> memref<125xi32, #tpu.memory_space<vmem>>
      %dma_wait3A_413 = arith.constant 0 : i32
      %dma_wait3A_414 = arith.constant 0 : i32
      %dma_wait3A_415 = tpu.memref_slice %arg2[%dma_wait3A_413, %dma_wait3A_414] : memref<10000x128xf32, #tpu.memory_space<hbm>> -> memref<10000x128xf32, #tpu.memory_space<hbm>>
      tpu.wait_indirect_dma semaphore(%arg14 : memref<!tpu.dma_semaphore, #tpu.memory_space<semaphore_mem>>) src(%dma_wait3A_415 : memref<10000x128xf32, #tpu.memory_space<hbm>>) dst(%arg12 : memref<125x128xf32, #tpu.memory_space<vmem>>)
      %dma_wait3A_416 = arith.constant 0 : i32
      %dma_wait3A_417 = arith.constant 0 : i32
      %dma_wait3A_418 = tpu.memref_slice %arg10[%dma_wait3A_416, %dma_wait3A_417] : memref<8x125xi32, #tpu.memory_space<vmem>> -> memref<1x125xi32, #tpu.memory_space<vmem>>
      %dma_wait3A_419 = tpu.memref_squeeze %dma_wait3A_418 : memref<1x125xi32, #tpu.memory_space<vmem>> -> memref<125xi32, #tpu.memory_space<vmem>>
      %dma_wait3A_420 = arith.constant 0 : i32
      %dma_wait3A_421 = arith.constant 0 : i32
      %dma_wait3A_422 = tpu.memref_slice %arg6[%dma_wait3A_420, %dma_wait3A_421] : memref<10000x128xf32, #tpu.memory_space<vmem_shared>> -> memref<10000x128xf32, #tpu.memory_space<vmem_shared>>
      tpu.wait_indirect_dma semaphore(%arg17 : memref<!tpu.dma_semaphore, #tpu.memory_space<semaphore_mem>>) src(%arg11 : memref<125x128xf32, #tpu.memory_space<vmem>>) dst(%dma_wait3A_422 : memref<10000x128xf32, #tpu.memory_space<vmem_shared>>)
      %dma_start3A_423 = arith.constant 2 : i32
      %dma_start3A_424 = arith.constant 0 : i32
      %dma_start3A_425 = tpu.memref_slice %arg9[%dma_start3A_423, %dma_start3A_424] : memref<8x125xi32, #tpu.memory_space<vmem>> -> memref<1x125xi32, #tpu.memory_space<vmem>>
      %dma_start3A_426 = tpu.memref_squeeze %dma_start3A_425 : memref<1x125xi32, #tpu.memory_space<vmem>> -> memref<125xi32, #tpu.memory_space<vmem>>
      %dma_start3A_427 = arith.constant 0 : i32
      %dma_start3A_428 = arith.constant 0 : i32
      %dma_start3A_429 = tpu.memref_slice %arg2[%dma_start3A_427, %dma_start3A_428] : memref<10000x128xf32, #tpu.memory_space<hbm>> -> memref<10000x128xf32, #tpu.memory_space<hbm>>
      tpu.enqueue_indirect_dma source(%dma_start3A_429 : memref<10000x128xf32, #tpu.memory_space<hbm>>) target(%arg11 : memref<125x128xf32, #tpu.memory_space<vmem>>) offsets(%dma_start3A_426 : memref<125xi32, #tpu.memory_space<vmem>>) semaphore(%arg13 : memref<!tpu.dma_semaphore, #tpu.memory_space<semaphore_mem>>)
      %dma_start3A_430 = arith.constant 1 : i32
      %dma_start3A_431 = arith.constant 0 : i32
      %dma_start3A_432 = tpu.memref_slice %arg10[%dma_start3A_430, %dma_start3A_431] : memref<8x125xi32, #tpu.memory_space<vmem>> -> memref<1x125xi32, #tpu.memory_space<vmem>>
      %dma_start3A_433 = tpu.memref_squeeze %dma_start3A_432 : memref<1x125xi32, #tpu.memory_space<vmem>> -> memref<125xi32, #tpu.memory_space<vmem>>
      %dma_start3A_434 = arith.constant 0 : i32
      %dma_start3A_435 = arith.constant 0 : i32
      %dma_start3A_436 = tpu.memref_slice %arg6[%dma_start3A_434, %dma_start3A_435] : memref<10000x128xf32, #tpu.memory_space<vmem_shared>> -> memref<10000x128xf32, #tpu.memory_space<vmem_shared>>
      tpu.enqueue_indirect_dma source(%arg12 : memref<125x128xf32, #tpu.memory_space<vmem>>) target(%dma_start3A_436 : memref<10000x128xf32, #tpu.memory_space<vmem_shared>>) offsets(%dma_start3A_433 : memref<125xi32, #tpu.memory_space<vmem>>) semaphore(%arg18 : memref<!tpu.dma_semaphore, #tpu.memory_space<semaphore_mem>>) {add = true}
      %dma_wait3A_437 = arith.constant 2 : i32
      %dma_wait3A_438 = arith.constant 0 : i32
      %dma_wait3A_439 = tpu.memref_slice %arg9[%dma_wait3A_437, %dma_wait3A_438] : memref<8x125xi32, #tpu.memory_space<vmem>> -> memref<1x125xi32, #tpu.memory_space<vmem>>
      %dma_wait3A_440 = tpu.memref_squeeze %dma_wait3A_439 : memref<1x125xi32, #tpu.memory_space<vmem>> -> memref<125xi32, #tpu.memory_space<vmem>>
      %dma_wait3A_441 = arith.constant 0 : i32
      %dma_wait3A_442 = arith.constant 0 : i32
      %dma_wait3A_443 = tpu.memref_slice %arg2[%dma_wait3A_441, %dma_wait3A_442] : memref<10000x128xf32, #tpu.memory_space<hbm>> -> memref<10000x128xf32, #tpu.memory_space<hbm>>
      tpu.wait_indirect_dma semaphore(%arg13 : memref<!tpu.dma_semaphore, #tpu.memory_space<semaphore_mem>>) src(%dma_wait3A_443 : memref<10000x128xf32, #tpu.memory_space<hbm>>) dst(%arg11 : memref<125x128xf32, #tpu.memory_space<vmem>>)
      %dma_wait3A_444 = arith.constant 1 : i32
      %dma_wait3A_445 = arith.constant 0 : i32
      %dma_wait3A_446 = tpu.memref_slice %arg10[%dma_wait3A_444, %dma_wait3A_445] : memref<8x125xi32, #tpu.memory_space<vmem>> -> memref<1x125xi32, #tpu.memory_space<vmem>>
      %dma_wait3A_447 = tpu.memref_squeeze %dma_wait3A_446 : memref<1x125xi32, #tpu.memory_space<vmem>> -> memref<125xi32, #tpu.memory_space<vmem>>
      %dma_wait3A_448 = arith.constant 0 : i32
      %dma_wait3A_449 = arith.constant 0 : i32
      %dma_wait3A_450 = tpu.memref_slice %arg6[%dma_wait3A_448, %dma_wait3A_449] : memref<10000x128xf32, #tpu.memory_space<vmem_shared>> -> memref<10000x128xf32, #tpu.memory_space<vmem_shared>>
      tpu.wait_indirect_dma semaphore(%arg18 : memref<!tpu.dma_semaphore, #tpu.memory_space<semaphore_mem>>) src(%arg12 : memref<125x128xf32, #tpu.memory_space<vmem>>) dst(%dma_wait3A_450 : memref<10000x128xf32, #tpu.memory_space<vmem_shared>>)
      %dma_start3A_451 = arith.constant 3 : i32
      %dma_start3A_452 = arith.constant 0 : i32
      %dma_start3A_453 = tpu.memref_slice %arg9[%dma_start3A_451, %dma_start3A_452] : memref<8x125xi32, #tpu.memory_space<vmem>> -> memref<1x125xi32, #tpu.memory_space<vmem>>
      %dma_start3A_454 = tpu.memref_squeeze %dma_start3A_453 : memref<1x125xi32, #tpu.memory_space<vmem>> -> memref<125xi32, #tpu.memory_space<vmem>>
      %dma_start3A_455 = arith.constant 0 : i32
      %dma_start3A_456 = arith.constant 0 : i32
      %dma_start3A_457 = tpu.memref_slice %arg2[%dma_start3A_455, %dma_start3A_456] : memref<10000x128xf32, #tpu.memory_space<hbm>> -> memref<10000x128xf32, #tpu.memory_space<hbm>>
      tpu.enqueue_indirect_dma source(%dma_start3A_457 : memref<10000x128xf32, #tpu.memory_space<hbm>>) target(%arg12 : memref<125x128xf32, #tpu.memory_space<vmem>>) offsets(%dma_start3A_454 : memref<125xi32, #tpu.memory_space<vmem>>) semaphore(%arg14 : memref<!tpu.dma_semaphore, #tpu.memory_space<semaphore_mem>>)
      %dma_start3A_458 = arith.constant 2 : i32
      %dma_start3A_459 = arith.constant 0 : i32
      %dma_start3A_460 = tpu.memref_slice %arg10[%dma_start3A_458, %dma_start3A_459] : memref<8x125xi32, #tpu.memory_space<vmem>> -> memref<1x125xi32, #tpu.memory_space<vmem>>
      %dma_start3A_461 = tpu.memref_squeeze %dma_start3A_460 : memref<1x125xi32, #tpu.memory_space<vmem>> -> memref<125xi32, #tpu.memory_space<vmem>>
      %dma_start3A_462 = arith.constant 0 : i32
      %dma_start3A_463 = arith.constant 0 : i32
      %dma_start3A_464 = tpu.memref_slice %arg6[%dma_start3A_462, %dma_start3A_463] : memref<10000x128xf32, #tpu.memory_space<vmem_shared>> -> memref<10000x128xf32, #tpu.memory_space<vmem_shared>>
      tpu.enqueue_indirect_dma source(%arg11 : memref<125x128xf32, #tpu.memory_space<vmem>>) target(%dma_start3A_464 : memref<10000x128xf32, #tpu.memory_space<vmem_shared>>) offsets(%dma_start3A_461 : memref<125xi32, #tpu.memory_space<vmem>>) semaphore(%arg17 : memref<!tpu.dma_semaphore, #tpu.memory_space<semaphore_mem>>) {add = true}
      %dma_wait3A_465 = arith.constant 3 : i32
      %dma_wait3A_466 = arith.constant 0 : i32
      %dma_wait3A_467 = tpu.memref_slice %arg9[%dma_wait3A_465, %dma_wait3A_466] : memref<8x125xi32, #tpu.memory_space<vmem>> -> memref<1x125xi32, #tpu.memory_space<vmem>>
      %dma_wait3A_468 = tpu.memref_squeeze %dma_wait3A_467 : memref<1x125xi32, #tpu.memory_space<vmem>> -> memref<125xi32, #tpu.memory_space<vmem>>
      %dma_wait3A_469 = arith.constant 0 : i32
      %dma_wait3A_470 = arith.constant 0 : i32
      %dma_wait3A_471 = tpu.memref_slice %arg2[%dma_wait3A_469, %dma_wait3A_470] : memref<10000x128xf32, #tpu.memory_space<hbm>> -> memref<10000x128xf32, #tpu.memory_space<hbm>>
      tpu.wait_indirect_dma semaphore(%arg14 : memref<!tpu.dma_semaphore, #tpu.memory_space<semaphore_mem>>) src(%dma_wait3A_471 : memref<10000x128xf32, #tpu.memory_space<hbm>>) dst(%arg12 : memref<125x128xf32, #tpu.memory_space<vmem>>)
      %dma_wait3A_472 = arith.constant 2 : i32
      %dma_wait3A_473 = arith.constant 0 : i32
      %dma_wait3A_474 = tpu.memref_slice %arg10[%dma_wait3A_472, %dma_wait3A_473] : memref<8x125xi32, #tpu.memory_space<vmem>> -> memref<1x125xi32, #tpu.memory_space<vmem>>
      %dma_wait3A_475 = tpu.memref_squeeze %dma_wait3A_474 : memref<1x125xi32, #tpu.memory_space<vmem>> -> memref<125xi32, #tpu.memory_space<vmem>>
      %dma_wait3A_476 = arith.constant 0 : i32
      %dma_wait3A_477 = arith.constant 0 : i32
      %dma_wait3A_478 = tpu.memref_slice %arg6[%dma_wait3A_476, %dma_wait3A_477] : memref<10000x128xf32, #tpu.memory_space<vmem_shared>> -> memref<10000x128xf32, #tpu.memory_space<vmem_shared>>
      tpu.wait_indirect_dma semaphore(%arg17 : memref<!tpu.dma_semaphore, #tpu.memory_space<semaphore_mem>>) src(%arg11 : memref<125x128xf32, #tpu.memory_space<vmem>>) dst(%dma_wait3A_478 : memref<10000x128xf32, #tpu.memory_space<vmem_shared>>)
      %dma_start3A_479 = arith.constant 4 : i32
      %dma_start3A_480 = arith.constant 0 : i32
      %dma_start3A_481 = tpu.memref_slice %arg9[%dma_start3A_479, %dma_start3A_480] : memref<8x125xi32, #tpu.memory_space<vmem>> -> memref<1x125xi32, #tpu.memory_space<vmem>>
      %dma_start3A_482 = tpu.memref_squeeze %dma_start3A_481 : memref<1x125xi32, #tpu.memory_space<vmem>> -> memref<125xi32, #tpu.memory_space<vmem>>
      %dma_start3A_483 = arith.constant 0 : i32
      %dma_start3A_484 = arith.constant 0 : i32
      %dma_start3A_485 = tpu.memref_slice %arg2[%dma_start3A_483, %dma_start3A_484] : memref<10000x128xf32, #tpu.memory_space<hbm>> -> memref<10000x128xf32, #tpu.memory_space<hbm>>
      tpu.enqueue_indirect_dma source(%dma_start3A_485 : memref<10000x128xf32, #tpu.memory_space<hbm>>) target(%arg11 : memref<125x128xf32, #tpu.memory_space<vmem>>) offsets(%dma_start3A_482 : memref<125xi32, #tpu.memory_space<vmem>>) semaphore(%arg13 : memref<!tpu.dma_semaphore, #tpu.memory_space<semaphore_mem>>)
      %dma_start3A_486 = arith.constant 3 : i32
      %dma_start3A_487 = arith.constant 0 : i32
      %dma_start3A_488 = tpu.memref_slice %arg10[%dma_start3A_486, %dma_start3A_487] : memref<8x125xi32, #tpu.memory_space<vmem>> -> memref<1x125xi32, #tpu.memory_space<vmem>>
      %dma_start3A_489 = tpu.memref_squeeze %dma_start3A_488 : memref<1x125xi32, #tpu.memory_space<vmem>> -> memref<125xi32, #tpu.memory_space<vmem>>
      %dma_start3A_490 = arith.constant 0 : i32
      %dma_start3A_491 = arith.constant 0 : i32
      %dma_start3A_492 = tpu.memref_slice %arg6[%dma_start3A_490, %dma_start3A_491] : memref<10000x128xf32, #tpu.memory_space<vmem_shared>> -> memref<10000x128xf32, #tpu.memory_space<vmem_shared>>
      tpu.enqueue_indirect_dma source(%arg12 : memref<125x128xf32, #tpu.memory_space<vmem>>) target(%dma_start3A_492 : memref<10000x128xf32, #tpu.memory_space<vmem_shared>>) offsets(%dma_start3A_489 : memref<125xi32, #tpu.memory_space<vmem>>) semaphore(%arg18 : memref<!tpu.dma_semaphore, #tpu.memory_space<semaphore_mem>>) {add = true}
      %dma_wait3A_493 = arith.constant 4 : i32
      %dma_wait3A_494 = arith.constant 0 : i32
      %dma_wait3A_495 = tpu.memref_slice %arg9[%dma_wait3A_493, %dma_wait3A_494] : memref<8x125xi32, #tpu.memory_space<vmem>> -> memref<1x125xi32, #tpu.memory_space<vmem>>
      %dma_wait3A_496 = tpu.memref_squeeze %dma_wait3A_495 : memref<1x125xi32, #tpu.memory_space<vmem>> -> memref<125xi32, #tpu.memory_space<vmem>>
      %dma_wait3A_497 = arith.constant 0 : i32
      %dma_wait3A_498 = arith.constant 0 : i32
      %dma_wait3A_499 = tpu.memref_slice %arg2[%dma_wait3A_497, %dma_wait3A_498] : memref<10000x128xf32, #tpu.memory_space<hbm>> -> memref<10000x128xf32, #tpu.memory_space<hbm>>
      tpu.wait_indirect_dma semaphore(%arg13 : memref<!tpu.dma_semaphore, #tpu.memory_space<semaphore_mem>>) src(%dma_wait3A_499 : memref<10000x128xf32, #tpu.memory_space<hbm>>) dst(%arg11 : memref<125x128xf32, #tpu.memory_space<vmem>>)
      %dma_wait3A_500 = arith.constant 3 : i32
      %dma_wait3A_501 = arith.constant 0 : i32
      %dma_wait3A_502 = tpu.memref_slice %arg10[%dma_wait3A_500, %dma_wait3A_501] : memref<8x125xi32, #tpu.memory_space<vmem>> -> memref<1x125xi32, #tpu.memory_space<vmem>>
      %dma_wait3A_503 = tpu.memref_squeeze %dma_wait3A_502 : memref<1x125xi32, #tpu.memory_space<vmem>> -> memref<125xi32, #tpu.memory_space<vmem>>
      %dma_wait3A_504 = arith.constant 0 : i32
      %dma_wait3A_505 = arith.constant 0 : i32
      %dma_wait3A_506 = tpu.memref_slice %arg6[%dma_wait3A_504, %dma_wait3A_505] : memref<10000x128xf32, #tpu.memory_space<vmem_shared>> -> memref<10000x128xf32, #tpu.memory_space<vmem_shared>>
      tpu.wait_indirect_dma semaphore(%arg18 : memref<!tpu.dma_semaphore, #tpu.memory_space<semaphore_mem>>) src(%arg12 : memref<125x128xf32, #tpu.memory_space<vmem>>) dst(%dma_wait3A_506 : memref<10000x128xf32, #tpu.memory_space<vmem_shared>>)
      %dma_start3A_507 = arith.constant 5 : i32
      %dma_start3A_508 = arith.constant 0 : i32
      %dma_start3A_509 = tpu.memref_slice %arg9[%dma_start3A_507, %dma_start3A_508] : memref<8x125xi32, #tpu.memory_space<vmem>> -> memref<1x125xi32, #tpu.memory_space<vmem>>
      %dma_start3A_510 = tpu.memref_squeeze %dma_start3A_509 : memref<1x125xi32, #tpu.memory_space<vmem>> -> memref<125xi32, #tpu.memory_space<vmem>>
      %dma_start3A_511 = arith.constant 0 : i32
      %dma_start3A_512 = arith.constant 0 : i32
      %dma_start3A_513 = tpu.memref_slice %arg2[%dma_start3A_511, %dma_start3A_512] : memref<10000x128xf32, #tpu.memory_space<hbm>> -> memref<10000x128xf32, #tpu.memory_space<hbm>>
      tpu.enqueue_indirect_dma source(%dma_start3A_513 : memref<10000x128xf32, #tpu.memory_space<hbm>>) target(%arg12 : memref<125x128xf32, #tpu.memory_space<vmem>>) offsets(%dma_start3A_510 : memref<125xi32, #tpu.memory_space<vmem>>) semaphore(%arg14 : memref<!tpu.dma_semaphore, #tpu.memory_space<semaphore_mem>>)
      %dma_start3A_514 = arith.constant 4 : i32
      %dma_start3A_515 = arith.constant 0 : i32
      %dma_start3A_516 = tpu.memref_slice %arg10[%dma_start3A_514, %dma_start3A_515] : memref<8x125xi32, #tpu.memory_space<vmem>> -> memref<1x125xi32, #tpu.memory_space<vmem>>
      %dma_start3A_517 = tpu.memref_squeeze %dma_start3A_516 : memref<1x125xi32, #tpu.memory_space<vmem>> -> memref<125xi32, #tpu.memory_space<vmem>>
      %dma_start3A_518 = arith.constant 0 : i32
      %dma_start3A_519 = arith.constant 0 : i32
      %dma_start3A_520 = tpu.memref_slice %arg6[%dma_start3A_518, %dma_start3A_519] : memref<10000x128xf32, #tpu.memory_space<vmem_shared>> -> memref<10000x128xf32, #tpu.memory_space<vmem_shared>>
      tpu.enqueue_indirect_dma source(%arg11 : memref<125x128xf32, #tpu.memory_space<vmem>>) target(%dma_start3A_520 : memref<10000x128xf32, #tpu.memory_space<vmem_shared>>) offsets(%dma_start3A_517 : memref<125xi32, #tpu.memory_space<vmem>>) semaphore(%arg17 : memref<!tpu.dma_semaphore, #tpu.memory_space<semaphore_mem>>) {add = true}
      %dma_wait3A_521 = arith.constant 5 : i32
      %dma_wait3A_522 = arith.constant 0 : i32
      %dma_wait3A_523 = tpu.memref_slice %arg9[%dma_wait3A_521, %dma_wait3A_522] : memref<8x125xi32, #tpu.memory_space<vmem>> -> memref<1x125xi32, #tpu.memory_space<vmem>>
      %dma_wait3A_524 = tpu.memref_squeeze %dma_wait3A_523 : memref<1x125xi32, #tpu.memory_space<vmem>> -> memref<125xi32, #tpu.memory_space<vmem>>
      %dma_wait3A_525 = arith.constant 0 : i32
      %dma_wait3A_526 = arith.constant 0 : i32
      %dma_wait3A_527 = tpu.memref_slice %arg2[%dma_wait3A_525, %dma_wait3A_526] : memref<10000x128xf32, #tpu.memory_space<hbm>> -> memref<10000x128xf32, #tpu.memory_space<hbm>>
      tpu.wait_indirect_dma semaphore(%arg14 : memref<!tpu.dma_semaphore, #tpu.memory_space<semaphore_mem>>) src(%dma_wait3A_527 : memref<10000x128xf32, #tpu.memory_space<hbm>>) dst(%arg12 : memref<125x128xf32, #tpu.memory_space<vmem>>)
      %dma_wait3A_528 = arith.constant 4 : i32
      %dma_wait3A_529 = arith.constant 0 : i32
      %dma_wait3A_530 = tpu.memref_slice %arg10[%dma_wait3A_528, %dma_wait3A_529] : memref<8x125xi32, #tpu.memory_space<vmem>> -> memref<1x125xi32, #tpu.memory_space<vmem>>
      %dma_wait3A_531 = tpu.memref_squeeze %dma_wait3A_530 : memref<1x125xi32, #tpu.memory_space<vmem>> -> memref<125xi32, #tpu.memory_space<vmem>>
      %dma_wait3A_532 = arith.constant 0 : i32
      %dma_wait3A_533 = arith.constant 0 : i32
      %dma_wait3A_534 = tpu.memref_slice %arg6[%dma_wait3A_532, %dma_wait3A_533] : memref<10000x128xf32, #tpu.memory_space<vmem_shared>> -> memref<10000x128xf32, #tpu.memory_space<vmem_shared>>
      tpu.wait_indirect_dma semaphore(%arg17 : memref<!tpu.dma_semaphore, #tpu.memory_space<semaphore_mem>>) src(%arg11 : memref<125x128xf32, #tpu.memory_space<vmem>>) dst(%dma_wait3A_534 : memref<10000x128xf32, #tpu.memory_space<vmem_shared>>)
      %dma_start3A_535 = arith.constant 6 : i32
      %dma_start3A_536 = arith.constant 0 : i32
      %dma_start3A_537 = tpu.memref_slice %arg9[%dma_start3A_535, %dma_start3A_536] : memref<8x125xi32, #tpu.memory_space<vmem>> -> memref<1x125xi32, #tpu.memory_space<vmem>>
      %dma_start3A_538 = tpu.memref_squeeze %dma_start3A_537 : memref<1x125xi32, #tpu.memory_space<vmem>> -> memref<125xi32, #tpu.memory_space<vmem>>
      %dma_start3A_539 = arith.constant 0 : i32
      %dma_start3A_540 = arith.constant 0 : i32
      %dma_start3A_541 = tpu.memref_slice %arg2[%dma_start3A_539, %dma_start3A_540] : memref<10000x128xf32, #tpu.memory_space<hbm>> -> memref<10000x128xf32, #tpu.memory_space<hbm>>
      tpu.enqueue_indirect_dma source(%dma_start3A_541 : memref<10000x128xf32, #tpu.memory_space<hbm>>) target(%arg11 : memref<125x128xf32, #tpu.memory_space<vmem>>) offsets(%dma_start3A_538 : memref<125xi32, #tpu.memory_space<vmem>>) semaphore(%arg13 : memref<!tpu.dma_semaphore, #tpu.memory_space<semaphore_mem>>)
      %dma_start3A_542 = arith.constant 5 : i32
      %dma_start3A_543 = arith.constant 0 : i32
      %dma_start3A_544 = tpu.memref_slice %arg10[%dma_start3A_542, %dma_start3A_543] : memref<8x125xi32, #tpu.memory_space<vmem>> -> memref<1x125xi32, #tpu.memory_space<vmem>>
      %dma_start3A_545 = tpu.memref_squeeze %dma_start3A_544 : memref<1x125xi32, #tpu.memory_space<vmem>> -> memref<125xi32, #tpu.memory_space<vmem>>
      %dma_start3A_546 = arith.constant 0 : i32
      %dma_start3A_547 = arith.constant 0 : i32
      %dma_start3A_548 = tpu.memref_slice %arg6[%dma_start3A_546, %dma_start3A_547] : memref<10000x128xf32, #tpu.memory_space<vmem_shared>> -> memref<10000x128xf32, #tpu.memory_space<vmem_shared>>
      tpu.enqueue_indirect_dma source(%arg12 : memref<125x128xf32, #tpu.memory_space<vmem>>) target(%dma_start3A_548 : memref<10000x128xf32, #tpu.memory_space<vmem_shared>>) offsets(%dma_start3A_545 : memref<125xi32, #tpu.memory_space<vmem>>) semaphore(%arg18 : memref<!tpu.dma_semaphore, #tpu.memory_space<semaphore_mem>>) {add = true}
      %dma_wait3A_549 = arith.constant 6 : i32
      %dma_wait3A_550 = arith.constant 0 : i32
      %dma_wait3A_551 = tpu.memref_slice %arg9[%dma_wait3A_549, %dma_wait3A_550] : memref<8x125xi32, #tpu.memory_space<vmem>> -> memref<1x125xi32, #tpu.memory_space<vmem>>
      %dma_wait3A_552 = tpu.memref_squeeze %dma_wait3A_551 : memref<1x125xi32, #tpu.memory_space<vmem>> -> memref<125xi32, #tpu.memory_space<vmem>>
      %dma_wait3A_553 = arith.constant 0 : i32
      %dma_wait3A_554 = arith.constant 0 : i32
      %dma_wait3A_555 = tpu.memref_slice %arg2[%dma_wait3A_553, %dma_wait3A_554] : memref<10000x128xf32, #tpu.memory_space<hbm>> -> memref<10000x128xf32, #tpu.memory_space<hbm>>
      tpu.wait_indirect_dma semaphore(%arg13 : memref<!tpu.dma_semaphore, #tpu.memory_space<semaphore_mem>>) src(%dma_wait3A_555 : memref<10000x128xf32, #tpu.memory_space<hbm>>) dst(%arg11 : memref<125x128xf32, #tpu.memory_space<vmem>>)
      %dma_wait3A_556 = arith.constant 5 : i32
      %dma_wait3A_557 = arith.constant 0 : i32
      %dma_wait3A_558 = tpu.memref_slice %arg10[%dma_wait3A_556, %dma_wait3A_557] : memref<8x125xi32, #tpu.memory_space<vmem>> -> memref<1x125xi32, #tpu.memory_space<vmem>>
      %dma_wait3A_559 = tpu.memref_squeeze %dma_wait3A_558 : memref<1x125xi32, #tpu.memory_space<vmem>> -> memref<125xi32, #tpu.memory_space<vmem>>
      %dma_wait3A_560 = arith.constant 0 : i32
      %dma_wait3A_561 = arith.constant 0 : i32
      %dma_wait3A_562 = tpu.memref_slice %arg6[%dma_wait3A_560, %dma_wait3A_561] : memref<10000x128xf32, #tpu.memory_space<vmem_shared>> -> memref<10000x128xf32, #tpu.memory_space<vmem_shared>>
      tpu.wait_indirect_dma semaphore(%arg18 : memref<!tpu.dma_semaphore, #tpu.memory_space<semaphore_mem>>) src(%arg12 : memref<125x128xf32, #tpu.memory_space<vmem>>) dst(%dma_wait3A_562 : memref<10000x128xf32, #tpu.memory_space<vmem_shared>>)
      %dma_start3A_563 = arith.constant 7 : i32
      %dma_start3A_564 = arith.constant 0 : i32
      %dma_start3A_565 = tpu.memref_slice %arg9[%dma_start3A_563, %dma_start3A_564] : memref<8x125xi32, #tpu.memory_space<vmem>> -> memref<1x125xi32, #tpu.memory_space<vmem>>
      %dma_start3A_566 = tpu.memref_squeeze %dma_start3A_565 : memref<1x125xi32, #tpu.memory_space<vmem>> -> memref<125xi32, #tpu.memory_space<vmem>>
      %dma_start3A_567 = arith.constant 0 : i32
      %dma_start3A_568 = arith.constant 0 : i32
      %dma_start3A_569 = tpu.memref_slice %arg2[%dma_start3A_567, %dma_start3A_568] : memref<10000x128xf32, #tpu.memory_space<hbm>> -> memref<10000x128xf32, #tpu.memory_space<hbm>>
      tpu.enqueue_indirect_dma source(%dma_start3A_569 : memref<10000x128xf32, #tpu.memory_space<hbm>>) target(%arg12 : memref<125x128xf32, #tpu.memory_space<vmem>>) offsets(%dma_start3A_566 : memref<125xi32, #tpu.memory_space<vmem>>) semaphore(%arg14 : memref<!tpu.dma_semaphore, #tpu.memory_space<semaphore_mem>>)
      %dma_start3A_570 = arith.constant 6 : i32
      %dma_start3A_571 = arith.constant 0 : i32
      %dma_start3A_572 = tpu.memref_slice %arg10[%dma_start3A_570, %dma_start3A_571] : memref<8x125xi32, #tpu.memory_space<vmem>> -> memref<1x125xi32, #tpu.memory_space<vmem>>
      %dma_start3A_573 = tpu.memref_squeeze %dma_start3A_572 : memref<1x125xi32, #tpu.memory_space<vmem>> -> memref<125xi32, #tpu.memory_space<vmem>>
      %dma_start3A_574 = arith.constant 0 : i32
      %dma_start3A_575 = arith.constant 0 : i32
      %dma_start3A_576 = tpu.memref_slice %arg6[%dma_start3A_574, %dma_start3A_575] : memref<10000x128xf32, #tpu.memory_space<vmem_shared>> -> memref<10000x128xf32, #tpu.memory_space<vmem_shared>>
      tpu.enqueue_indirect_dma source(%arg11 : memref<125x128xf32, #tpu.memory_space<vmem>>) target(%dma_start3A_576 : memref<10000x128xf32, #tpu.memory_space<vmem_shared>>) offsets(%dma_start3A_573 : memref<125xi32, #tpu.memory_space<vmem>>) semaphore(%arg17 : memref<!tpu.dma_semaphore, #tpu.memory_space<semaphore_mem>>) {add = true}
      %dma_wait3A_577 = arith.constant 7 : i32
      %dma_wait3A_578 = arith.constant 0 : i32
      %dma_wait3A_579 = tpu.memref_slice %arg9[%dma_wait3A_577, %dma_wait3A_578] : memref<8x125xi32, #tpu.memory_space<vmem>> -> memref<1x125xi32, #tpu.memory_space<vmem>>
      %dma_wait3A_580 = tpu.memref_squeeze %dma_wait3A_579 : memref<1x125xi32, #tpu.memory_space<vmem>> -> memref<125xi32, #tpu.memory_space<vmem>>
      %dma_wait3A_581 = arith.constant 0 : i32
      %dma_wait3A_582 = arith.constant 0 : i32
      %dma_wait3A_583 = tpu.memref_slice %arg2[%dma_wait3A_581, %dma_wait3A_582] : memref<10000x128xf32, #tpu.memory_space<hbm>> -> memref<10000x128xf32, #tpu.memory_space<hbm>>
      tpu.wait_indirect_dma semaphore(%arg14 : memref<!tpu.dma_semaphore, #tpu.memory_space<semaphore_mem>>) src(%dma_wait3A_583 : memref<10000x128xf32, #tpu.memory_space<hbm>>) dst(%arg12 : memref<125x128xf32, #tpu.memory_space<vmem>>)
      %dma_wait3A_584 = arith.constant 6 : i32
      %dma_wait3A_585 = arith.constant 0 : i32
      %dma_wait3A_586 = tpu.memref_slice %arg10[%dma_wait3A_584, %dma_wait3A_585] : memref<8x125xi32, #tpu.memory_space<vmem>> -> memref<1x125xi32, #tpu.memory_space<vmem>>
      %dma_wait3A_587 = tpu.memref_squeeze %dma_wait3A_586 : memref<1x125xi32, #tpu.memory_space<vmem>> -> memref<125xi32, #tpu.memory_space<vmem>>
      %dma_wait3A_588 = arith.constant 0 : i32
      %dma_wait3A_589 = arith.constant 0 : i32
      %dma_wait3A_590 = tpu.memref_slice %arg6[%dma_wait3A_588, %dma_wait3A_589] : memref<10000x128xf32, #tpu.memory_space<vmem_shared>> -> memref<10000x128xf32, #tpu.memory_space<vmem_shared>>
      tpu.wait_indirect_dma semaphore(%arg17 : memref<!tpu.dma_semaphore, #tpu.memory_space<semaphore_mem>>) src(%arg11 : memref<125x128xf32, #tpu.memory_space<vmem>>) dst(%dma_wait3A_590 : memref<10000x128xf32, #tpu.memory_space<vmem_shared>>)
      %dma_start3A_591 = arith.constant 7 : i32
      %dma_start3A_592 = arith.constant 0 : i32
      %dma_start3A_593 = tpu.memref_slice %arg10[%dma_start3A_591, %dma_start3A_592] : memref<8x125xi32, #tpu.memory_space<vmem>> -> memref<1x125xi32, #tpu.memory_space<vmem>>
      %dma_start3A_594 = tpu.memref_squeeze %dma_start3A_593 : memref<1x125xi32, #tpu.memory_space<vmem>> -> memref<125xi32, #tpu.memory_space<vmem>>
      %dma_start3A_595 = arith.constant 0 : i32
      %dma_start3A_596 = arith.constant 0 : i32
      %dma_start3A_597 = tpu.memref_slice %arg6[%dma_start3A_595, %dma_start3A_596] : memref<10000x128xf32, #tpu.memory_space<vmem_shared>> -> memref<10000x128xf32, #tpu.memory_space<vmem_shared>>
      tpu.enqueue_indirect_dma source(%arg12 : memref<125x128xf32, #tpu.memory_space<vmem>>) target(%dma_start3A_597 : memref<10000x128xf32, #tpu.memory_space<vmem_shared>>) offsets(%dma_start3A_594 : memref<125xi32, #tpu.memory_space<vmem>>) semaphore(%arg18 : memref<!tpu.dma_semaphore, #tpu.memory_space<semaphore_mem>>) {add = true}
    }
    %scan3A_90 = arith.constant 5 : i32
    %dma_wait3A = arith.constant 7 : i32
    %dma_wait3A_91 = arith.constant 0 : i32
    %dma_wait3A_92 = tpu.memref_slice %arg10[%dma_wait3A, %dma_wait3A_91] : memref<8x125xi32, #tpu.memory_space<vmem>> -> memref<1x125xi32, #tpu.memory_space<vmem>>
    %dma_wait3A_93 = tpu.memref_squeeze %dma_wait3A_92 : memref<1x125xi32, #tpu.memory_space<vmem>> -> memref<125xi32, #tpu.memory_space<vmem>>
    %dma_wait3A_94 = arith.constant 0 : i32
    %dma_wait3A_95 = arith.constant 0 : i32
    %dma_wait3A_96 = tpu.memref_slice %arg6[%dma_wait3A_94, %dma_wait3A_95] : memref<10000x128xf32, #tpu.memory_space<vmem_shared>> -> memref<10000x128xf32, #tpu.memory_space<vmem_shared>>
    tpu.wait_indirect_dma semaphore(%arg18 : memref<!tpu.dma_semaphore, #tpu.memory_space<semaphore_mem>>) src(%arg12 : memref<125x128xf32, #tpu.memory_space<vmem>>) dst(%dma_wait3A_96 : memref<10000x128xf32, #tpu.memory_space<vmem_shared>>)
    %barrier3A_97 = arith.constant 0 : index
    tpu.barrier barrier_id(%barrier3A_97)
    %while3A_98 = arith.constant 0 : i32
    %while3A_99 = arith.subi %select_n3A_52, %select_n3A : i32
    %while3A_100 = arith.addi %select_n3A, %while3A_99 : i32
    %while3A_101 = arith.constant 1 : i32
    %while3A_102 = arith.divsi %while3A_99, %while3A_101 : i32
    %while3A_103 = arith.muli %while3A_102, %while3A_101 : i32
    %while3A_104 = arith.addi %select_n3A, %while3A_103 : i32
    %while3A_105 = arith.constant 1 : i32
    scf.for %while3A_107 = %select_n3A to %while3A_104 step %while3A_105  : i32 {
      %mul3A_108 = arith.constant 80 : i32
      %mul3A_109 = arith.muli %while3A_107, %mul3A_108 : i32
      %mul3A_110 = arith.constant 80 : i32
      %mul3A_111 = arith.muli %while3A_107, %mul3A_110 : i32
      "tpu.region"() ({
        %run_scoped3A = tpu.sem_alloc : memref<!tpu.dma_semaphore, #tpu.memory_space<semaphore_mem>>
        %dma_start3A_112 = arith.constant 0 : i32
        %dma_start3A_113 = tpu.memref_slice %arg5[%arg0, %mul3A_111, %dma_start3A_112] : memref<2x10000x128xf32, #tpu.memory_space<hbm>> -> memref<1x80x128xf32, #tpu.memory_space<hbm>>
        %dma_start3A_114 = tpu.memref_squeeze %dma_start3A_113 : memref<1x80x128xf32, #tpu.memory_space<hbm>> -> memref<80x128xf32, #tpu.memory_space<hbm>>
        %dma_start3A_115 = arith.constant 0 : i32
        %dma_start3A_116 = tpu.memref_slice %arg6[%mul3A_109, %dma_start3A_115] : memref<10000x128xf32, #tpu.memory_space<vmem_shared>> -> memref<80x128xf32, #tpu.memory_space<vmem_shared>>
        tpu.enqueue_dma source(%dma_start3A_116 : memref<80x128xf32, #tpu.memory_space<vmem_shared>>) target(%dma_start3A_114 : memref<80x128xf32, #tpu.memory_space<hbm>>) target_semaphore(%run_scoped3A : memref<!tpu.dma_semaphore, #tpu.memory_space<semaphore_mem>>)
        %dma_wait3A_117 = arith.constant 0 : i32
        %dma_wait3A_118 = tpu.memref_slice %arg5[%arg0, %mul3A_111, %dma_wait3A_117] : memref<2x10000x128xf32, #tpu.memory_space<hbm>> -> memref<1x80x128xf32, #tpu.memory_space<hbm>>
        %dma_wait3A_119 = tpu.memref_squeeze %dma_wait3A_118 : memref<1x80x128xf32, #tpu.memory_space<hbm>> -> memref<80x128xf32, #tpu.memory_space<hbm>>
        %dma_wait3A_120 = arith.constant 0 : i32
        %dma_wait3A_121 = tpu.memref_slice %arg6[%mul3A_109, %dma_wait3A_120] : memref<10000x128xf32, #tpu.memory_space<vmem_shared>> -> memref<80x128xf32, #tpu.memory_space<vmem_shared>>
        tpu.wait_dma2 semaphore(%run_scoped3A : memref<!tpu.dma_semaphore, #tpu.memory_space<semaphore_mem>>) src(%dma_wait3A_121 : memref<80x128xf32, #tpu.memory_space<vmem_shared>>) dst(%dma_wait3A_119 : memref<80x128xf32, #tpu.memory_space<hbm>>)
        tpu.yield
      }) : () -> ()
    }
    %while3A_106 = arith.constant 1 : i32
    scf.for %while3A_107 = %while3A_104 to %while3A_100 step %while3A_106  : i32 {
      %mul3A_108 = arith.constant 80 : i32
      %mul3A_109 = arith.muli %while3A_107, %mul3A_108 : i32
      %mul3A_110 = arith.constant 80 : i32
      %mul3A_111 = arith.muli %while3A_107, %mul3A_110 : i32
      "tpu.region"() ({
        %run_scoped3A = tpu.sem_alloc : memref<!tpu.dma_semaphore, #tpu.memory_space<semaphore_mem>>
        %dma_start3A_112 = arith.constant 0 : i32
        %dma_start3A_113 = tpu.memref_slice %arg5[%arg0, %mul3A_111, %dma_start3A_112] : memref<2x10000x128xf32, #tpu.memory_space<hbm>> -> memref<1x80x128xf32, #tpu.memory_space<hbm>>
        %dma_start3A_114 = tpu.memref_squeeze %dma_start3A_113 : memref<1x80x128xf32, #tpu.memory_space<hbm>> -> memref<80x128xf32, #tpu.memory_space<hbm>>
        %dma_start3A_115 = arith.constant 0 : i32
        %dma_start3A_116 = tpu.memref_slice %arg6[%mul3A_109, %dma_start3A_115] : memref<10000x128xf32, #tpu.memory_space<vmem_shared>> -> memref<80x128xf32, #tpu.memory_space<vmem_shared>>
        tpu.enqueue_dma source(%dma_start3A_116 : memref<80x128xf32, #tpu.memory_space<vmem_shared>>) target(%dma_start3A_114 : memref<80x128xf32, #tpu.memory_space<hbm>>) target_semaphore(%run_scoped3A : memref<!tpu.dma_semaphore, #tpu.memory_space<semaphore_mem>>)
        %dma_wait3A_117 = arith.constant 0 : i32
        %dma_wait3A_118 = tpu.memref_slice %arg5[%arg0, %mul3A_111, %dma_wait3A_117] : memref<2x10000x128xf32, #tpu.memory_space<hbm>> -> memref<1x80x128xf32, #tpu.memory_space<hbm>>
        %dma_wait3A_119 = tpu.memref_squeeze %dma_wait3A_118 : memref<1x80x128xf32, #tpu.memory_space<hbm>> -> memref<80x128xf32, #tpu.memory_space<hbm>>
        %dma_wait3A_120 = arith.constant 0 : i32
        %dma_wait3A_121 = tpu.memref_slice %arg6[%mul3A_109, %dma_wait3A_120] : memref<10000x128xf32, #tpu.memory_space<vmem_shared>> -> memref<80x128xf32, #tpu.memory_space<vmem_shared>>
        tpu.wait_dma2 semaphore(%run_scoped3A : memref<!tpu.dma_semaphore, #tpu.memory_space<semaphore_mem>>) src(%dma_wait3A_121 : memref<80x128xf32, #tpu.memory_space<vmem_shared>>) dst(%dma_wait3A_119 : memref<80x128xf32, #tpu.memory_space<hbm>>)
        tpu.yield
      }) : () -> ()
    }
    return
  }
}

#map = affine_map<(d0, d1) -> (0, 0)>
#map1 = affine_map<(d0, d1) -> (0, 0, 0)>
module attributes {stable_mosaic.version = 14 : i64} {
  func.func @agg_k(%arg0: i32, %arg1: i32, %arg2: memref<10000x128xf32, #tpu.memory_space<hbm>>, %arg3: memref<32x80x125xi32, #tpu.memory_space<hbm>>, %arg4: memref<32x80x125xi32, #tpu.memory_space<hbm>>, %arg5: memref<2x10000x128xf32, #tpu.memory_space<hbm>>, %arg6: memref<10000x128xf32, #tpu.memory_space<vmem_shared>>, %arg7: memref<8x125xi32, #tpu.memory_space<vmem>>, %arg8: memref<8x125xi32, #tpu.memory_space<vmem>>, %arg9: memref<8x125xi32, #tpu.memory_space<vmem>>, %arg10: memref<8x125xi32, #tpu.memory_space<vmem>>, %arg11: memref<125x128xf32, #tpu.memory_space<vmem>>, %arg12: memref<125x128xf32, #tpu.memory_space<vmem>>, %arg13: memref<!tpu.dma_semaphore, #tpu.memory_space<semaphore_mem>>, %arg14: memref<!tpu.dma_semaphore, #tpu.memory_space<semaphore_mem>>, %arg15: memref<!tpu.dma_semaphore, #tpu.memory_space<semaphore_mem>>, %arg16: memref<!tpu.dma_semaphore, #tpu.memory_space<semaphore_mem>>, %arg17: memref<!tpu.dma_semaphore, #tpu.memory_space<semaphore_mem>>, %arg18: memref<!tpu.dma_semaphore, #tpu.memory_space<semaphore_mem>>) attributes {dimension_semantics = [#tpu.dimension_semantics<core_parallel>, #tpu.dimension_semantics<subcore_parallel>], iteration_bounds = array<i64: 2, 16>, scalar_prefetch = 0 : i64, scratch_operands = 13 : i64, tpu.core_type = #tpu.core_type<sc_vector_subcore>, window_params = [{transform_indices = #map}, {transform_indices = #map1}, {transform_indices = #map1}, {transform_indices = #map1}]} {
    %mul3A = arith.constant 2 : i32
    %mul3A_0 = arith.muli %arg1, %mul3A : i32
    %add3A = arith.addi %mul3A_0, %arg0 : i32
    %broadcast_in_dim3A = arith.constant 0.000000e+00 : f32
    %broadcast_in_dim3A_1 = vector.broadcast %broadcast_in_dim3A : f32 to vector<16xf32>
    %scan3A = arith.constant 0 : i32
    %scan3A_2 = arith.constant 0 : i32
    %scan3A_3 = arith.constant 640 : i32
    %scan3A_4 = arith.addi %scan3A_2, %scan3A_3 : i32
    %scan3A_5 = arith.constant 1 : i32
    scf.for %scan3A_107 = %scan3A_2 to %scan3A_4 step %scan3A_5  : i32 {
      %jit3A_108 = arith.constant 8 : i32
      %div3A_109 = arith.divsi %scan3A_107, %jit3A_108 : i32
      %sign3A_110 = arith.constant 0 : i32
      %sign3A_111 = arith.cmpi sgt, %scan3A_107, %sign3A_110 : i32
      %sign3A_112 = arith.extui %sign3A_111 : i1 to i32
      %sign3A_113 = arith.constant 0 : i32
      %sign3A_114 = arith.cmpi slt, %scan3A_107, %sign3A_113 : i32
      %sign3A_115 = arith.extui %sign3A_114 : i1 to i32
      %sign3A_116 = arith.subi %sign3A_112, %sign3A_115 : i32
      %sign3A_117 = arith.constant 0 : i32
      %sign3A_118 = arith.cmpi sgt, %jit3A_108, %sign3A_117 : i32
      %sign3A_119 = arith.extui %sign3A_118 : i1 to i32
      %sign3A_120 = arith.constant 0 : i32
      %sign3A_121 = arith.cmpi slt, %jit3A_108, %sign3A_120 : i32
      %sign3A_122 = arith.extui %sign3A_121 : i1 to i32
      %sign3A_123 = arith.subi %sign3A_119, %sign3A_122 : i32
      %ne3A_124 = arith.cmpi ne, %sign3A_116, %sign3A_123 : i32
      %rem3A_125 = arith.remsi %scan3A_107, %jit3A_108 : i32
      %ne3A_126 = arith.constant 0 : i32
      %ne3A_127 = arith.cmpi ne, %rem3A_125, %ne3A_126 : i32
      %and3A_128 = arith.andi %ne3A_124, %ne3A_127 : i1
      %sub3A_129 = arith.constant 1 : i32
      %sub3A_130 = arith.subi %div3A_109, %sub3A_129 : i32
      %select_n3A_131 = arith.select %and3A_128, %sub3A_130, %div3A_109 : i32
      %jit3A_132 = arith.constant 8 : i32
      %eq3A = arith.constant 0 : i32
      %eq3A_133 = arith.cmpi eq, %jit3A_132, %eq3A : i32
      %jit3A_134 = arith.constant 1 : i32
      %select_n3A_135 = arith.select %eq3A_133, %jit3A_134, %jit3A_132 : i32
      %rem3A_136 = arith.remsi %scan3A_107, %select_n3A_135 : i32
      %ne3A_137 = arith.constant 0 : i32
      %ne3A_138 = arith.cmpi ne, %rem3A_136, %ne3A_137 : i32
      %lt3A = arith.constant 0 : i32
      %lt3A_139 = arith.cmpi slt, %rem3A_136, %lt3A : i32
      %lt3A_140 = arith.constant 0 : i32
      %lt3A_141 = arith.cmpi slt, %select_n3A_135, %lt3A_140 : i32
      %ne3A_142 = arith.xori %lt3A_139, %lt3A_141 : i1
      %and3A_143 = arith.andi %ne3A_142, %ne3A_138 : i1
      %add3A_144 = arith.addi %rem3A_136, %select_n3A_135 : i32
      %select_n3A_145 = arith.select %and3A_143, %add3A_144, %rem3A_136 : i32
      %mul3A_146 = arith.constant 16 : i32
      %mul3A_147 = arith.muli %select_n3A_145, %mul3A_146 : i32
      %swap3A = arith.index_cast %select_n3A_131 : i32 to index
      %swap3A_148 = arith.index_cast %mul3A_147 : i32 to index
      %swap3A_149 = tpu.vector_load %arg11[%swap3A, %swap3A_148] {strides = array<i32>} : memref<125x128xf32, #tpu.memory_space<vmem>>, vector<1x16xf32>,
      %swap3A_150 = vector.shape_cast %swap3A_149 : vector<1x16xf32> to vector<16xf32>
      %swap3A_151 = vector.shape_cast %broadcast_in_dim3A_1 : vector<16xf32> to vector<1x16xf32>
      tpu.vector_store %arg11[%swap3A, %swap3A_148], %swap3A_151 {strides = array<i32>} : memref<125x128xf32, #tpu.memory_space<vmem>>, vector<1x16xf32>,
    }
    %scan3A_6 = arith.constant 640 : i32
    %mul3A_7 = arith.constant 125 : i32
    %mul3A_8 = arith.muli %mul3A_7, %arg1 : i32
    %jit3A = arith.constant 16 : i32
    %div3A = arith.divsi %mul3A_8, %jit3A : i32
    %sign3A = arith.constant 0 : i32
    %sign3A_9 = arith.cmpi sgt, %mul3A_8, %sign3A : i32
    %sign3A_10 = arith.extui %sign3A_9 : i1 to i32
    %sign3A_11 = arith.constant 0 : i32
    %sign3A_12 = arith.cmpi slt, %mul3A_8, %sign3A_11 : i32
    %sign3A_13 = arith.extui %sign3A_12 : i1 to i32
    %sign3A_14 = arith.subi %sign3A_10, %sign3A_13 : i32
    %sign3A_15 = arith.constant 0 : i32
    %sign3A_16 = arith.cmpi sgt, %jit3A, %sign3A_15 : i32
    %sign3A_17 = arith.extui %sign3A_16 : i1 to i32
    %sign3A_18 = arith.constant 0 : i32
    %sign3A_19 = arith.cmpi slt, %jit3A, %sign3A_18 : i32
    %sign3A_20 = arith.extui %sign3A_19 : i1 to i32
    %sign3A_21 = arith.subi %sign3A_17, %sign3A_20 : i32
    %ne3A = arith.cmpi ne, %sign3A_14, %sign3A_21 : i32
    %rem3A = arith.remsi %mul3A_8, %jit3A : i32
    %ne3A_22 = arith.constant 0 : i32
    %ne3A_23 = arith.cmpi ne, %rem3A, %ne3A_22 : i32
    %and3A = arith.andi %ne3A, %ne3A_23 : i1
    %sub3A = arith.constant 1 : i32
    %sub3A_24 = arith.subi %div3A, %sub3A : i32
    %select_n3A = arith.select %and3A, %sub3A_24, %div3A : i32
    %add3A_25 = arith.constant 1 : i32
    %add3A_26 = arith.addi %arg1, %add3A_25 : i32
    %mul3A_27 = arith.constant 125 : i32
    %mul3A_28 = arith.muli %mul3A_27, %add3A_26 : i32
    %jit3A_29 = arith.constant 16 : i32
    %div3A_30 = arith.divsi %mul3A_28, %jit3A_29 : i32
    %sign3A_31 = arith.constant 0 : i32
    %sign3A_32 = arith.cmpi sgt, %mul3A_28, %sign3A_31 : i32
    %sign3A_33 = arith.extui %sign3A_32 : i1 to i32
    %sign3A_34 = arith.constant 0 : i32
    %sign3A_35 = arith.cmpi slt, %mul3A_28, %sign3A_34 : i32
    %sign3A_36 = arith.extui %sign3A_35 : i1 to i32
    %sign3A_37 = arith.subi %sign3A_33, %sign3A_36 : i32
    %sign3A_38 = arith.constant 0 : i32
    %sign3A_39 = arith.cmpi sgt, %jit3A_29, %sign3A_38 : i32
    %sign3A_40 = arith.extui %sign3A_39 : i1 to i32
    %sign3A_41 = arith.constant 0 : i32
    %sign3A_42 = arith.cmpi slt, %jit3A_29, %sign3A_41 : i32
    %sign3A_43 = arith.extui %sign3A_42 : i1 to i32
    %sign3A_44 = arith.subi %sign3A_40, %sign3A_43 : i32
    %ne3A_45 = arith.cmpi ne, %sign3A_37, %sign3A_44 : i32
    %rem3A_46 = arith.remsi %mul3A_28, %jit3A_29 : i32
    %ne3A_47 = arith.constant 0 : i32
    %ne3A_48 = arith.cmpi ne, %rem3A_46, %ne3A_47 : i32
    %and3A_49 = arith.andi %ne3A_45, %ne3A_48 : i1
    %sub3A_50 = arith.constant 1 : i32
    %sub3A_51 = arith.subi %div3A_30, %sub3A_50 : i32
    %select_n3A_52 = arith.select %and3A_49, %sub3A_51, %div3A_30 : i32
    %while3A = arith.constant 0 : i32
    %while3A_53 = arith.subi %select_n3A_52, %select_n3A : i32
    %while3A_54 = arith.addi %select_n3A, %while3A_53 : i32
    %while3A_55 = arith.constant 1 : i32
    %while3A_56 = arith.divsi %while3A_53, %while3A_55 : i32
    %while3A_57 = arith.muli %while3A_56, %while3A_55 : i32
    %while3A_58 = arith.addi %select_n3A, %while3A_57 : i32
    %while3A_59 = arith.constant 1 : i32
    scf.for %while3A_107 = %select_n3A to %while3A_58 step %while3A_59  : i32 {
      %mul3A_108 = arith.constant 80 : i32
      %mul3A_109 = arith.muli %while3A_107, %mul3A_108 : i32
      %dma_start3A_110 = arith.constant 0 : i32
      %dma_start3A_111 = arith.constant 0 : i32
      %dma_start3A_112 = tpu.memref_slice %arg11[%dma_start3A_110, %dma_start3A_111] : memref<125x128xf32, #tpu.memory_space<vmem>> -> memref<80x128xf32, #tpu.memory_space<vmem>>
      %dma_start3A_113 = arith.constant 0 : i32
      %dma_start3A_114 = tpu.memref_slice %arg6[%mul3A_109, %dma_start3A_113] : memref<10000x128xf32, #tpu.memory_space<vmem_shared>> -> memref<80x128xf32, #tpu.memory_space<vmem_shared>>
      %dma_start3A_115 = arith.constant 0 : i32
      %dma_start3A_116 = tpu.memref_slice %arg6[%mul3A_109, %dma_start3A_115] : memref<10000x128xf32, #tpu.memory_space<vmem_shared>> -> memref<80x128xf32, #tpu.memory_space<vmem_shared>>
      %dma_start3A_117 = arith.constant 0 : i32
      %dma_start3A_118 = arith.constant 0 : i32
      %dma_start3A_119 = tpu.memref_slice %arg11[%dma_start3A_117, %dma_start3A_118] : memref<125x128xf32, #tpu.memory_space<vmem>> -> memref<80x128xf32, #tpu.memory_space<vmem>>
      tpu.enqueue_dma source(%dma_start3A_119 : memref<80x128xf32, #tpu.memory_space<vmem>>) target(%dma_start3A_116 : memref<80x128xf32, #tpu.memory_space<vmem_shared>>) target_semaphore(%arg13 : memref<!tpu.dma_semaphore, #tpu.memory_space<semaphore_mem>>)
    }
    %while3A_60 = arith.constant 1 : i32
    scf.for %while3A_107 = %while3A_58 to %while3A_54 step %while3A_60  : i32 {
      %mul3A_108 = arith.constant 80 : i32
      %mul3A_109 = arith.muli %while3A_107, %mul3A_108 : i32
      %dma_start3A_110 = arith.constant 0 : i32
      %dma_start3A_111 = arith.constant 0 : i32
      %dma_start3A_112 = tpu.memref_slice %arg11[%dma_start3A_110, %dma_start3A_111] : memref<125x128xf32, #tpu.memory_space<vmem>> -> memref<80x128xf32, #tpu.memory_space<vmem>>
      %dma_start3A_113 = arith.constant 0 : i32
      %dma_start3A_114 = tpu.memref_slice %arg6[%mul3A_109, %dma_start3A_113] : memref<10000x128xf32, #tpu.memory_space<vmem_shared>> -> memref<80x128xf32, #tpu.memory_space<vmem_shared>>
      %dma_start3A_115 = arith.constant 0 : i32
      %dma_start3A_116 = tpu.memref_slice %arg6[%mul3A_109, %dma_start3A_115] : memref<10000x128xf32, #tpu.memory_space<vmem_shared>> -> memref<80x128xf32, #tpu.memory_space<vmem_shared>>
      %dma_start3A_117 = arith.constant 0 : i32
      %dma_start3A_118 = arith.constant 0 : i32
      %dma_start3A_119 = tpu.memref_slice %arg11[%dma_start3A_117, %dma_start3A_118] : memref<125x128xf32, #tpu.memory_space<vmem>> -> memref<80x128xf32, #tpu.memory_space<vmem>>
      tpu.enqueue_dma source(%dma_start3A_119 : memref<80x128xf32, #tpu.memory_space<vmem>>) target(%dma_start3A_116 : memref<80x128xf32, #tpu.memory_space<vmem_shared>>) target_semaphore(%arg13 : memref<!tpu.dma_semaphore, #tpu.memory_space<semaphore_mem>>)
    }
    %while3A_61 = arith.constant 0 : i32
    %while3A_62 = arith.subi %select_n3A_52, %select_n3A : i32
    %while3A_63 = arith.addi %select_n3A, %while3A_62 : i32
    %while3A_64 = arith.constant 1 : i32
    %while3A_65 = arith.divsi %while3A_62, %while3A_64 : i32
    %while3A_66 = arith.muli %while3A_65, %while3A_64 : i32
    %while3A_67 = arith.addi %select_n3A, %while3A_66 : i32
    %while3A_68 = arith.constant 1 : i32
    scf.for %while3A_107 = %select_n3A to %while3A_67 step %while3A_68  : i32 {
      %mul3A_108 = arith.constant 80 : i32
      %mul3A_109 = arith.muli %while3A_107, %mul3A_108 : i32
      %dma_wait3A_110 = arith.constant 0 : i32
      %dma_wait3A_111 = arith.constant 0 : i32
      %dma_wait3A_112 = tpu.memref_slice %arg11[%dma_wait3A_110, %dma_wait3A_111] : memref<125x128xf32, #tpu.memory_space<vmem>> -> memref<80x128xf32, #tpu.memory_space<vmem>>
      %dma_wait3A_113 = arith.constant 0 : i32
      %dma_wait3A_114 = tpu.memref_slice %arg6[%mul3A_109, %dma_wait3A_113] : memref<10000x128xf32, #tpu.memory_space<vmem_shared>> -> memref<80x128xf32, #tpu.memory_space<vmem_shared>>
      %dma_wait3A_115 = arith.constant 0 : i32
      %dma_wait3A_116 = tpu.memref_slice %arg6[%mul3A_109, %dma_wait3A_115] : memref<10000x128xf32, #tpu.memory_space<vmem_shared>> -> memref<80x128xf32, #tpu.memory_space<vmem_shared>>
      %dma_wait3A_117 = arith.constant 0 : i32
      %dma_wait3A_118 = arith.constant 0 : i32
      %dma_wait3A_119 = tpu.memref_slice %arg11[%dma_wait3A_117, %dma_wait3A_118] : memref<125x128xf32, #tpu.memory_space<vmem>> -> memref<80x128xf32, #tpu.memory_space<vmem>>
      tpu.wait_dma2 semaphore(%arg13 : memref<!tpu.dma_semaphore, #tpu.memory_space<semaphore_mem>>) src(%dma_wait3A_119 : memref<80x128xf32, #tpu.memory_space<vmem>>) dst(%dma_wait3A_116 : memref<80x128xf32, #tpu.memory_space<vmem_shared>>)
    }
    %while3A_69 = arith.constant 1 : i32
    scf.for %while3A_107 = %while3A_67 to %while3A_63 step %while3A_69  : i32 {
      %mul3A_108 = arith.constant 80 : i32
      %mul3A_109 = arith.muli %while3A_107, %mul3A_108 : i32
      %dma_wait3A_110 = arith.constant 0 : i32
      %dma_wait3A_111 = arith.constant 0 : i32
      %dma_wait3A_112 = tpu.memref_slice %arg11[%dma_wait3A_110, %dma_wait3A_111] : memref<125x128xf32, #tpu.memory_space<vmem>> -> memref<80x128xf32, #tpu.memory_space<vmem>>
      %dma_wait3A_113 = arith.constant 0 : i32
      %dma_wait3A_114 = tpu.memref_slice %arg6[%mul3A_109, %dma_wait3A_113] : memref<10000x128xf32, #tpu.memory_space<vmem_shared>> -> memref<80x128xf32, #tpu.memory_space<vmem_shared>>
      %dma_wait3A_115 = arith.constant 0 : i32
      %dma_wait3A_116 = tpu.memref_slice %arg6[%mul3A_109, %dma_wait3A_115] : memref<10000x128xf32, #tpu.memory_space<vmem_shared>> -> memref<80x128xf32, #tpu.memory_space<vmem_shared>>
      %dma_wait3A_117 = arith.constant 0 : i32
      %dma_wait3A_118 = arith.constant 0 : i32
      %dma_wait3A_119 = tpu.memref_slice %arg11[%dma_wait3A_117, %dma_wait3A_118] : memref<125x128xf32, #tpu.memory_space<vmem>> -> memref<80x128xf32, #tpu.memory_space<vmem>>
      tpu.wait_dma2 semaphore(%arg13 : memref<!tpu.dma_semaphore, #tpu.memory_space<semaphore_mem>>) src(%dma_wait3A_119 : memref<80x128xf32, #tpu.memory_space<vmem>>) dst(%dma_wait3A_116 : memref<80x128xf32, #tpu.memory_space<vmem_shared>>)
    }
    %barrier3A = arith.constant 0 : index
    tpu.barrier barrier_id(%barrier3A)
    %dma_start3A = arith.constant 0 : i32
    %dma_start3A_70 = arith.constant 0 : i32
    %dma_start3A_71 = tpu.memref_slice %arg3[%add3A, %dma_start3A, %dma_start3A_70] : memref<32x80x125xi32, #tpu.memory_space<hbm>> -> memref<1x8x125xi32, #tpu.memory_space<hbm>>
    %dma_start3A_72 = tpu.memref_squeeze %dma_start3A_71 : memref<1x8x125xi32, #tpu.memory_space<hbm>> -> memref<8x125xi32, #tpu.memory_space<hbm>>
    %dma_start3A_73 = arith.constant 0 : i32
    %dma_start3A_74 = arith.constant 0 : i32
    %dma_start3A_75 = tpu.memref_slice %arg3[%add3A, %dma_start3A_73, %dma_start3A_74] : memref<32x80x125xi32, #tpu.memory_space<hbm>> -> memref<1x8x125xi32, #tpu.memory_space<hbm>>
    %dma_start3A_76 = tpu.memref_squeeze %dma_start3A_75 : memref<1x8x125xi32, #tpu.memory_space<hbm>> -> memref<8x125xi32, #tpu.memory_space<hbm>>
    tpu.enqueue_dma source(%dma_start3A_76 : memref<8x125xi32, #tpu.memory_space<hbm>>) target(%arg7 : memref<8x125xi32, #tpu.memory_space<vmem>>) target_semaphore(%arg15 : memref<!tpu.dma_semaphore, #tpu.memory_space<semaphore_mem>>)
    %dma_start3A_77 = arith.constant 0 : i32
    %dma_start3A_78 = arith.constant 0 : i32
    %dma_start3A_79 = tpu.memref_slice %arg4[%add3A, %dma_start3A_77, %dma_start3A_78] : memref<32x80x125xi32, #tpu.memory_space<hbm>> -> memref<1x8x125xi32, #tpu.memory_space<hbm>>
    %dma_start3A_80 = tpu.memref_squeeze %dma_start3A_79 : memref<1x8x125xi32, #tpu.memory_space<hbm>> -> memref<8x125xi32, #tpu.memory_space<hbm>>
    %dma_start3A_81 = arith.constant 0 : i32
    %dma_start3A_82 = arith.constant 0 : i32
    %dma_start3A_83 = tpu.memref_slice %arg4[%add3A, %dma_start3A_81, %dma_start3A_82] : memref<32x80x125xi32, #tpu.memory_space<hbm>> -> memref<1x8x125xi32, #tpu.memory_space<hbm>>
    %dma_start3A_84 = tpu.memref_squeeze %dma_start3A_83 : memref<1x8x125xi32, #tpu.memory_space<hbm>> -> memref<8x125xi32, #tpu.memory_space<hbm>>
    tpu.enqueue_dma source(%dma_start3A_84 : memref<8x125xi32, #tpu.memory_space<hbm>>) target(%arg8 : memref<8x125xi32, #tpu.memory_space<vmem>>) target_semaphore(%arg15 : memref<!tpu.dma_semaphore, #tpu.memory_space<semaphore_mem>>)
    %scan3A_85 = arith.constant 0 : i32
    %scan3A_86 = arith.constant 0 : i32
    %scan3A_87 = arith.constant 5 : i32
    %scan3A_88 = arith.addi %scan3A_86, %scan3A_87 : i32
    %scan3A_89 = arith.constant 1 : i32
    scf.for %scan3A_107 = %scan3A_86 to %scan3A_88 step %scan3A_89  : i32 {
      %mul3A_108 = arith.constant 2 : i32
      %mul3A_109 = arith.muli %mul3A_108, %scan3A_107 : i32
      %mul3A_110 = arith.constant 8 : i32
      %mul3A_111 = arith.muli %mul3A_109, %mul3A_110 : i32
      %dma_wait3A_112 = arith.constant 0 : i32
      %dma_wait3A_113 = tpu.memref_slice %arg3[%add3A, %mul3A_111, %dma_wait3A_112] : memref<32x80x125xi32, #tpu.memory_space<hbm>> -> memref<1x8x125xi32, #tpu.memory_space<hbm>>
      %dma_wait3A_114 = tpu.memref_squeeze %dma_wait3A_113 : memref<1x8x125xi32, #tpu.memory_space<hbm>> -> memref<8x125xi32, #tpu.memory_space<hbm>>
      %dma_wait3A_115 = arith.constant 0 : i32
      %dma_wait3A_116 = tpu.memref_slice %arg3[%add3A, %mul3A_111, %dma_wait3A_115] : memref<32x80x125xi32, #tpu.memory_space<hbm>> -> memref<1x8x125xi32, #tpu.memory_space<hbm>>
      %dma_wait3A_117 = tpu.memref_squeeze %dma_wait3A_116 : memref<1x8x125xi32, #tpu.memory_space<hbm>> -> memref<8x125xi32, #tpu.memory_space<hbm>>
      tpu.wait_dma2 semaphore(%arg15 : memref<!tpu.dma_semaphore, #tpu.memory_space<semaphore_mem>>) src(%dma_wait3A_117 : memref<8x125xi32, #tpu.memory_space<hbm>>) dst(%arg7 : memref<8x125xi32, #tpu.memory_space<vmem>>)
      %mul3A_118 = arith.constant 8 : i32
      %mul3A_119 = arith.muli %mul3A_109, %mul3A_118 : i32
      %dma_wait3A_120 = arith.constant 0 : i32
      %dma_wait3A_121 = tpu.memref_slice %arg4[%add3A, %mul3A_119, %dma_wait3A_120] : memref<32x80x125xi32, #tpu.memory_space<hbm>> -> memref<1x8x125xi32, #tpu.memory_space<hbm>>
      %dma_wait3A_122 = tpu.memref_squeeze %dma_wait3A_121 : memref<1x8x125xi32, #tpu.memory_space<hbm>> -> memref<8x125xi32, #tpu.memory_space<hbm>>
      %dma_wait3A_123 = arith.constant 0 : i32
      %dma_wait3A_124 = tpu.memref_slice %arg4[%add3A, %mul3A_119, %dma_wait3A_123] : memref<32x80x125xi32, #tpu.memory_space<hbm>> -> memref<1x8x125xi32, #tpu.memory_space<hbm>>
      %dma_wait3A_125 = tpu.memref_squeeze %dma_wait3A_124 : memref<1x8x125xi32, #tpu.memory_space<hbm>> -> memref<8x125xi32, #tpu.memory_space<hbm>>
      tpu.wait_dma2 semaphore(%arg15 : memref<!tpu.dma_semaphore, #tpu.memory_space<semaphore_mem>>) src(%dma_wait3A_125 : memref<8x125xi32, #tpu.memory_space<hbm>>) dst(%arg8 : memref<8x125xi32, #tpu.memory_space<vmem>>)
      %not3A = arith.constant false
      %not3A_126 = arith.constant true
      %not3A_127 = arith.xori %not3A, %not3A_126 : i1
      %convert_element_type3A = arith.extui %not3A_127 : i1 to i32
      %cond3A = arith.constant 0 : i32
      %cond3A_128 = arith.cmpi ne, %convert_element_type3A, %cond3A : i32
      scf.if %cond3A_128 {
        %add3A_598 = arith.constant 1 : i32
        %add3A_599 = arith.addi %mul3A_109, %add3A_598 : i32
        %mul3A_600 = arith.constant 8 : i32
        %mul3A_601 = arith.muli %add3A_599, %mul3A_600 : i32
        %dma_start3A_602 = arith.constant 0 : i32
        %dma_start3A_603 = tpu.memref_slice %arg3[%add3A, %mul3A_601, %dma_start3A_602] : memref<32x80x125xi32, #tpu.memory_space<hbm>> -> memref<1x8x125xi32, #tpu.memory_space<hbm>>
        %dma_start3A_604 = tpu.memref_squeeze %dma_start3A_603 : memref<1x8x125xi32, #tpu.memory_space<hbm>> -> memref<8x125xi32, #tpu.memory_space<hbm>>
        %dma_start3A_605 = arith.constant 0 : i32
        %dma_start3A_606 = tpu.memref_slice %arg3[%add3A, %mul3A_601, %dma_start3A_605] : memref<32x80x125xi32, #tpu.memory_space<hbm>> -> memref<1x8x125xi32, #tpu.memory_space<hbm>>
        %dma_start3A_607 = tpu.memref_squeeze %dma_start3A_606 : memref<1x8x125xi32, #tpu.memory_space<hbm>> -> memref<8x125xi32, #tpu.memory_space<hbm>>
        tpu.enqueue_dma source(%dma_start3A_607 : memref<8x125xi32, #tpu.memory_space<hbm>>) target(%arg9 : memref<8x125xi32, #tpu.memory_space<vmem>>) target_semaphore(%arg16 : memref<!tpu.dma_semaphore, #tpu.memory_space<semaphore_mem>>)
        %mul3A_608 = arith.constant 8 : i32
        %mul3A_609 = arith.muli %add3A_599, %mul3A_608 : i32
        %dma_start3A_610 = arith.constant 0 : i32
        %dma_start3A_611 = tpu.memref_slice %arg4[%add3A, %mul3A_609, %dma_start3A_610] : memref<32x80x125xi32, #tpu.memory_space<hbm>> -> memref<1x8x125xi32, #tpu.memory_space<hbm>>
        %dma_start3A_612 = tpu.memref_squeeze %dma_start3A_611 : memref<1x8x125xi32, #tpu.memory_space<hbm>> -> memref<8x125xi32, #tpu.memory_space<hbm>>
        %dma_start3A_613 = arith.constant 0 : i32
        %dma_start3A_614 = tpu.memref_slice %arg4[%add3A, %mul3A_609, %dma_start3A_613] : memref<32x80x125xi32, #tpu.memory_space<hbm>> -> memref<1x8x125xi32, #tpu.memory_space<hbm>>
        %dma_start3A_615 = tpu.memref_squeeze %dma_start3A_614 : memref<1x8x125xi32, #tpu.memory_space<hbm>> -> memref<8x125xi32, #tpu.memory_space<hbm>>
        tpu.enqueue_dma source(%dma_start3A_615 : memref<8x125xi32, #tpu.memory_space<hbm>>) target(%arg10 : memref<8x125xi32, #tpu.memory_space<vmem>>) target_semaphore(%arg16 : memref<!tpu.dma_semaphore, #tpu.memory_space<semaphore_mem>>)
      } else {
      }
      %dma_start3A_129 = arith.constant 0 : i32
      %dma_start3A_130 = arith.constant 0 : i32
      %dma_start3A_131 = tpu.memref_slice %arg7[%dma_start3A_129, %dma_start3A_130] : memref<8x125xi32, #tpu.memory_space<vmem>> -> memref<1x125xi32, #tpu.memory_space<vmem>>
      %dma_start3A_132 = tpu.memref_squeeze %dma_start3A_131 : memref<1x125xi32, #tpu.memory_space<vmem>> -> memref<125xi32, #tpu.memory_space<vmem>>
      %dma_start3A_133 = arith.constant 0 : i32
      %dma_start3A_134 = arith.constant 0 : i32
      %dma_start3A_135 = tpu.memref_slice %arg2[%dma_start3A_133, %dma_start3A_134] : memref<10000x128xf32, #tpu.memory_space<hbm>> -> memref<10000x128xf32, #tpu.memory_space<hbm>>
      tpu.enqueue_indirect_dma source(%dma_start3A_135 : memref<10000x128xf32, #tpu.memory_space<hbm>>) target(%arg11 : memref<125x128xf32, #tpu.memory_space<vmem>>) offsets(%dma_start3A_132 : memref<125xi32, #tpu.memory_space<vmem>>) semaphore(%arg13 : memref<!tpu.dma_semaphore, #tpu.memory_space<semaphore_mem>>)
      %dma_wait3A_136 = arith.constant 0 : i32
      %dma_wait3A_137 = arith.constant 0 : i32
      %dma_wait3A_138 = tpu.memref_slice %arg7[%dma_wait3A_136, %dma_wait3A_137] : memref<8x125xi32, #tpu.memory_space<vmem>> -> memref<1x125xi32, #tpu.memory_space<vmem>>
      %dma_wait3A_139 = tpu.memref_squeeze %dma_wait3A_138 : memref<1x125xi32, #tpu.memory_space<vmem>> -> memref<125xi32, #tpu.memory_space<vmem>>
      %dma_wait3A_140 = arith.constant 0 : i32
      %dma_wait3A_141 = arith.constant 0 : i32
      %dma_wait3A_142 = tpu.memref_slice %arg2[%dma_wait3A_140, %dma_wait3A_141] : memref<10000x128xf32, #tpu.memory_space<hbm>> -> memref<10000x128xf32, #tpu.memory_space<hbm>>
      tpu.wait_indirect_dma semaphore(%arg13 : memref<!tpu.dma_semaphore, #tpu.memory_space<semaphore_mem>>) src(%dma_wait3A_142 : memref<10000x128xf32, #tpu.memory_space<hbm>>) dst(%arg11 : memref<125x128xf32, #tpu.memory_space<vmem>>)
      %gt3A = arith.constant 0 : i32
      %gt3A_143 = arith.cmpi sgt, %mul3A_109, %gt3A : i32
      %convert_element_type3A_144 = arith.extui %gt3A_143 : i1 to i32
      %cond3A_145 = arith.constant 0 : i32
      %cond3A_146 = arith.cmpi ne, %convert_element_type3A_144, %cond3A_145 : i32
      scf.if %cond3A_146 {
        %dma_wait3A_598 = arith.constant 0 : i32
        %dma_wait3A_599 = arith.constant 0 : i32
        %dma_wait3A_600 = tpu.memref_slice %arg8[%dma_wait3A_598, %dma_wait3A_599] : memref<8x125xi32, #tpu.memory_space<vmem>> -> memref<1x125xi32, #tpu.memory_space<vmem>>
        %dma_wait3A_601 = tpu.memref_squeeze %dma_wait3A_600 : memref<1x125xi32, #tpu.memory_space<vmem>> -> memref<125xi32, #tpu.memory_space<vmem>>
        %dma_wait3A_602 = arith.constant 0 : i32
        %dma_wait3A_603 = arith.constant 0 : i32
        %dma_wait3A_604 = tpu.memref_slice %arg6[%dma_wait3A_602, %dma_wait3A_603] : memref<10000x128xf32, #tpu.memory_space<vmem_shared>> -> memref<10000x128xf32, #tpu.memory_space<vmem_shared>>
        tpu.wait_indirect_dma semaphore(%arg18 : memref<!tpu.dma_semaphore, #tpu.memory_space<semaphore_mem>>) src(%arg12 : memref<125x128xf32, #tpu.memory_space<vmem>>) dst(%dma_wait3A_604 : memref<10000x128xf32, #tpu.memory_space<vmem_shared>>)
      } else {
      }
      %dma_start3A_147 = arith.constant 1 : i32
      %dma_start3A_148 = arith.constant 0 : i32
      %dma_start3A_149 = tpu.memref_slice %arg7[%dma_start3A_147, %dma_start3A_148] : memref<8x125xi32, #tpu.memory_space<vmem>> -> memref<1x125xi32, #tpu.memory_space<vmem>>
      %dma_start3A_150 = tpu.memref_squeeze %dma_start3A_149 : memref<1x125xi32, #tpu.memory_space<vmem>> -> memref<125xi32, #tpu.memory_space<vmem>>
      %dma_start3A_151 = arith.constant 0 : i32
      %dma_start3A_152 = arith.constant 0 : i32
      %dma_start3A_153 = tpu.memref_slice %arg2[%dma_start3A_151, %dma_start3A_152] : memref<10000x128xf32, #tpu.memory_space<hbm>> -> memref<10000x128xf32, #tpu.memory_space<hbm>>
      tpu.enqueue_indirect_dma source(%dma_start3A_153 : memref<10000x128xf32, #tpu.memory_space<hbm>>) target(%arg12 : memref<125x128xf32, #tpu.memory_space<vmem>>) offsets(%dma_start3A_150 : memref<125xi32, #tpu.memory_space<vmem>>) semaphore(%arg14 : memref<!tpu.dma_semaphore, #tpu.memory_space<semaphore_mem>>)
      %dma_start3A_154 = arith.constant 0 : i32
      %dma_start3A_155 = arith.constant 0 : i32
      %dma_start3A_156 = tpu.memref_slice %arg8[%dma_start3A_154, %dma_start3A_155] : memref<8x125xi32, #tpu.memory_space<vmem>> -> memref<1x125xi32, #tpu.memory_space<vmem>>
      %dma_start3A_157 = tpu.memref_squeeze %dma_start3A_156 : memref<1x125xi32, #tpu.memory_space<vmem>> -> memref<125xi32, #tpu.memory_space<vmem>>
      %dma_start3A_158 = arith.constant 0 : i32
      %dma_start3A_159 = arith.constant 0 : i32
      %dma_start3A_160 = tpu.memref_slice %arg6[%dma_start3A_158, %dma_start3A_159] : memref<10000x128xf32, #tpu.memory_space<vmem_shared>> -> memref<10000x128xf32, #tpu.memory_space<vmem_shared>>
      tpu.enqueue_indirect_dma source(%arg11 : memref<125x128xf32, #tpu.memory_space<vmem>>) target(%dma_start3A_160 : memref<10000x128xf32, #tpu.memory_space<vmem_shared>>) offsets(%dma_start3A_157 : memref<125xi32, #tpu.memory_space<vmem>>) semaphore(%arg17 : memref<!tpu.dma_semaphore, #tpu.memory_space<semaphore_mem>>) {add = true}
      %dma_wait3A_161 = arith.constant 1 : i32
      %dma_wait3A_162 = arith.constant 0 : i32
      %dma_wait3A_163 = tpu.memref_slice %arg7[%dma_wait3A_161, %dma_wait3A_162] : memref<8x125xi32, #tpu.memory_space<vmem>> -> memref<1x125xi32, #tpu.memory_space<vmem>>
      %dma_wait3A_164 = tpu.memref_squeeze %dma_wait3A_163 : memref<1x125xi32, #tpu.memory_space<vmem>> -> memref<125xi32, #tpu.memory_space<vmem>>
      %dma_wait3A_165 = arith.constant 0 : i32
      %dma_wait3A_166 = arith.constant 0 : i32
      %dma_wait3A_167 = tpu.memref_slice %arg2[%dma_wait3A_165, %dma_wait3A_166] : memref<10000x128xf32, #tpu.memory_space<hbm>> -> memref<10000x128xf32, #tpu.memory_space<hbm>>
      tpu.wait_indirect_dma semaphore(%arg14 : memref<!tpu.dma_semaphore, #tpu.memory_space<semaphore_mem>>) src(%dma_wait3A_167 : memref<10000x128xf32, #tpu.memory_space<hbm>>) dst(%arg12 : memref<125x128xf32, #tpu.memory_space<vmem>>)
      %dma_wait3A_168 = arith.constant 0 : i32
      %dma_wait3A_169 = arith.constant 0 : i32
      %dma_wait3A_170 = tpu.memref_slice %arg8[%dma_wait3A_168, %dma_wait3A_169] : memref<8x125xi32, #tpu.memory_space<vmem>> -> memref<1x125xi32, #tpu.memory_space<vmem>>
      %dma_wait3A_171 = tpu.memref_squeeze %dma_wait3A_170 : memref<1x125xi32, #tpu.memory_space<vmem>> -> memref<125xi32, #tpu.memory_space<vmem>>
      %dma_wait3A_172 = arith.constant 0 : i32
      %dma_wait3A_173 = arith.constant 0 : i32
      %dma_wait3A_174 = tpu.memref_slice %arg6[%dma_wait3A_172, %dma_wait3A_173] : memref<10000x128xf32, #tpu.memory_space<vmem_shared>> -> memref<10000x128xf32, #tpu.memory_space<vmem_shared>>
      tpu.wait_indirect_dma semaphore(%arg17 : memref<!tpu.dma_semaphore, #tpu.memory_space<semaphore_mem>>) src(%arg11 : memref<125x128xf32, #tpu.memory_space<vmem>>) dst(%dma_wait3A_174 : memref<10000x128xf32, #tpu.memory_space<vmem_shared>>)
      %dma_start3A_175 = arith.constant 2 : i32
      %dma_start3A_176 = arith.constant 0 : i32
      %dma_start3A_177 = tpu.memref_slice %arg7[%dma_start3A_175, %dma_start3A_176] : memref<8x125xi32, #tpu.memory_space<vmem>> -> memref<1x125xi32, #tpu.memory_space<vmem>>
      %dma_start3A_178 = tpu.memref_squeeze %dma_start3A_177 : memref<1x125xi32, #tpu.memory_space<vmem>> -> memref<125xi32, #tpu.memory_space<vmem>>
      %dma_start3A_179 = arith.constant 0 : i32
      %dma_start3A_180 = arith.constant 0 : i32
      %dma_start3A_181 = tpu.memref_slice %arg2[%dma_start3A_179, %dma_start3A_180] : memref<10000x128xf32, #tpu.memory_space<hbm>> -> memref<10000x128xf32, #tpu.memory_space<hbm>>
      tpu.enqueue_indirect_dma source(%dma_start3A_181 : memref<10000x128xf32, #tpu.memory_space<hbm>>) target(%arg11 : memref<125x128xf32, #tpu.memory_space<vmem>>) offsets(%dma_start3A_178 : memref<125xi32, #tpu.memory_space<vmem>>) semaphore(%arg13 : memref<!tpu.dma_semaphore, #tpu.memory_space<semaphore_mem>>)
      %dma_start3A_182 = arith.constant 1 : i32
      %dma_start3A_183 = arith.constant 0 : i32
      %dma_start3A_184 = tpu.memref_slice %arg8[%dma_start3A_182, %dma_start3A_183] : memref<8x125xi32, #tpu.memory_space<vmem>> -> memref<1x125xi32, #tpu.memory_space<vmem>>
      %dma_start3A_185 = tpu.memref_squeeze %dma_start3A_184 : memref<1x125xi32, #tpu.memory_space<vmem>> -> memref<125xi32, #tpu.memory_space<vmem>>
      %dma_start3A_186 = arith.constant 0 : i32
      %dma_start3A_187 = arith.constant 0 : i32
      %dma_start3A_188 = tpu.memref_slice %arg6[%dma_start3A_186, %dma_start3A_187] : memref<10000x128xf32, #tpu.memory_space<vmem_shared>> -> memref<10000x128xf32, #tpu.memory_space<vmem_shared>>
      tpu.enqueue_indirect_dma source(%arg12 : memref<125x128xf32, #tpu.memory_space<vmem>>) target(%dma_start3A_188 : memref<10000x128xf32, #tpu.memory_space<vmem_shared>>) offsets(%dma_start3A_185 : memref<125xi32, #tpu.memory_space<vmem>>) semaphore(%arg18 : memref<!tpu.dma_semaphore, #tpu.memory_space<semaphore_mem>>) {add = true}
      %dma_wait3A_189 = arith.constant 2 : i32
      %dma_wait3A_190 = arith.constant 0 : i32
      %dma_wait3A_191 = tpu.memref_slice %arg7[%dma_wait3A_189, %dma_wait3A_190] : memref<8x125xi32, #tpu.memory_space<vmem>> -> memref<1x125xi32, #tpu.memory_space<vmem>>
      %dma_wait3A_192 = tpu.memref_squeeze %dma_wait3A_191 : memref<1x125xi32, #tpu.memory_space<vmem>> -> memref<125xi32, #tpu.memory_space<vmem>>
      %dma_wait3A_193 = arith.constant 0 : i32
      %dma_wait3A_194 = arith.constant 0 : i32
      %dma_wait3A_195 = tpu.memref_slice %arg2[%dma_wait3A_193, %dma_wait3A_194] : memref<10000x128xf32, #tpu.memory_space<hbm>> -> memref<10000x128xf32, #tpu.memory_space<hbm>>
      tpu.wait_indirect_dma semaphore(%arg13 : memref<!tpu.dma_semaphore, #tpu.memory_space<semaphore_mem>>) src(%dma_wait3A_195 : memref<10000x128xf32, #tpu.memory_space<hbm>>) dst(%arg11 : memref<125x128xf32, #tpu.memory_space<vmem>>)
      %dma_wait3A_196 = arith.constant 1 : i32
      %dma_wait3A_197 = arith.constant 0 : i32
      %dma_wait3A_198 = tpu.memref_slice %arg8[%dma_wait3A_196, %dma_wait3A_197] : memref<8x125xi32, #tpu.memory_space<vmem>> -> memref<1x125xi32, #tpu.memory_space<vmem>>
      %dma_wait3A_199 = tpu.memref_squeeze %dma_wait3A_198 : memref<1x125xi32, #tpu.memory_space<vmem>> -> memref<125xi32, #tpu.memory_space<vmem>>
      %dma_wait3A_200 = arith.constant 0 : i32
      %dma_wait3A_201 = arith.constant 0 : i32
      %dma_wait3A_202 = tpu.memref_slice %arg6[%dma_wait3A_200, %dma_wait3A_201] : memref<10000x128xf32, #tpu.memory_space<vmem_shared>> -> memref<10000x128xf32, #tpu.memory_space<vmem_shared>>
      tpu.wait_indirect_dma semaphore(%arg18 : memref<!tpu.dma_semaphore, #tpu.memory_space<semaphore_mem>>) src(%arg12 : memref<125x128xf32, #tpu.memory_space<vmem>>) dst(%dma_wait3A_202 : memref<10000x128xf32, #tpu.memory_space<vmem_shared>>)
      %dma_start3A_203 = arith.constant 3 : i32
      %dma_start3A_204 = arith.constant 0 : i32
      %dma_start3A_205 = tpu.memref_slice %arg7[%dma_start3A_203, %dma_start3A_204] : memref<8x125xi32, #tpu.memory_space<vmem>> -> memref<1x125xi32, #tpu.memory_space<vmem>>
      %dma_start3A_206 = tpu.memref_squeeze %dma_start3A_205 : memref<1x125xi32, #tpu.memory_space<vmem>> -> memref<125xi32, #tpu.memory_space<vmem>>
      %dma_start3A_207 = arith.constant 0 : i32
      %dma_start3A_208 = arith.constant 0 : i32
      %dma_start3A_209 = tpu.memref_slice %arg2[%dma_start3A_207, %dma_start3A_208] : memref<10000x128xf32, #tpu.memory_space<hbm>> -> memref<10000x128xf32, #tpu.memory_space<hbm>>
      tpu.enqueue_indirect_dma source(%dma_start3A_209 : memref<10000x128xf32, #tpu.memory_space<hbm>>) target(%arg12 : memref<125x128xf32, #tpu.memory_space<vmem>>) offsets(%dma_start3A_206 : memref<125xi32, #tpu.memory_space<vmem>>) semaphore(%arg14 : memref<!tpu.dma_semaphore, #tpu.memory_space<semaphore_mem>>)
      %dma_start3A_210 = arith.constant 2 : i32
      %dma_start3A_211 = arith.constant 0 : i32
      %dma_start3A_212 = tpu.memref_slice %arg8[%dma_start3A_210, %dma_start3A_211] : memref<8x125xi32, #tpu.memory_space<vmem>> -> memref<1x125xi32, #tpu.memory_space<vmem>>
      %dma_start3A_213 = tpu.memref_squeeze %dma_start3A_212 : memref<1x125xi32, #tpu.memory_space<vmem>> -> memref<125xi32, #tpu.memory_space<vmem>>
      %dma_start3A_214 = arith.constant 0 : i32
      %dma_start3A_215 = arith.constant 0 : i32
      %dma_start3A_216 = tpu.memref_slice %arg6[%dma_start3A_214, %dma_start3A_215] : memref<10000x128xf32, #tpu.memory_space<vmem_shared>> -> memref<10000x128xf32, #tpu.memory_space<vmem_shared>>
      tpu.enqueue_indirect_dma source(%arg11 : memref<125x128xf32, #tpu.memory_space<vmem>>) target(%dma_start3A_216 : memref<10000x128xf32, #tpu.memory_space<vmem_shared>>) offsets(%dma_start3A_213 : memref<125xi32, #tpu.memory_space<vmem>>) semaphore(%arg17 : memref<!tpu.dma_semaphore, #tpu.memory_space<semaphore_mem>>) {add = true}
      %dma_wait3A_217 = arith.constant 3 : i32
      %dma_wait3A_218 = arith.constant 0 : i32
      %dma_wait3A_219 = tpu.memref_slice %arg7[%dma_wait3A_217, %dma_wait3A_218] : memref<8x125xi32, #tpu.memory_space<vmem>> -> memref<1x125xi32, #tpu.memory_space<vmem>>
      %dma_wait3A_220 = tpu.memref_squeeze %dma_wait3A_219 : memref<1x125xi32, #tpu.memory_space<vmem>> -> memref<125xi32, #tpu.memory_space<vmem>>
      %dma_wait3A_221 = arith.constant 0 : i32
      %dma_wait3A_222 = arith.constant 0 : i32
      %dma_wait3A_223 = tpu.memref_slice %arg2[%dma_wait3A_221, %dma_wait3A_222] : memref<10000x128xf32, #tpu.memory_space<hbm>> -> memref<10000x128xf32, #tpu.memory_space<hbm>>
      tpu.wait_indirect_dma semaphore(%arg14 : memref<!tpu.dma_semaphore, #tpu.memory_space<semaphore_mem>>) src(%dma_wait3A_223 : memref<10000x128xf32, #tpu.memory_space<hbm>>) dst(%arg12 : memref<125x128xf32, #tpu.memory_space<vmem>>)
      %dma_wait3A_224 = arith.constant 2 : i32
      %dma_wait3A_225 = arith.constant 0 : i32
      %dma_wait3A_226 = tpu.memref_slice %arg8[%dma_wait3A_224, %dma_wait3A_225] : memref<8x125xi32, #tpu.memory_space<vmem>> -> memref<1x125xi32, #tpu.memory_space<vmem>>
      %dma_wait3A_227 = tpu.memref_squeeze %dma_wait3A_226 : memref<1x125xi32, #tpu.memory_space<vmem>> -> memref<125xi32, #tpu.memory_space<vmem>>
      %dma_wait3A_228 = arith.constant 0 : i32
      %dma_wait3A_229 = arith.constant 0 : i32
      %dma_wait3A_230 = tpu.memref_slice %arg6[%dma_wait3A_228, %dma_wait3A_229] : memref<10000x128xf32, #tpu.memory_space<vmem_shared>> -> memref<10000x128xf32, #tpu.memory_space<vmem_shared>>
      tpu.wait_indirect_dma semaphore(%arg17 : memref<!tpu.dma_semaphore, #tpu.memory_space<semaphore_mem>>) src(%arg11 : memref<125x128xf32, #tpu.memory_space<vmem>>) dst(%dma_wait3A_230 : memref<10000x128xf32, #tpu.memory_space<vmem_shared>>)
      %dma_start3A_231 = arith.constant 4 : i32
      %dma_start3A_232 = arith.constant 0 : i32
      %dma_start3A_233 = tpu.memref_slice %arg7[%dma_start3A_231, %dma_start3A_232] : memref<8x125xi32, #tpu.memory_space<vmem>> -> memref<1x125xi32, #tpu.memory_space<vmem>>
      %dma_start3A_234 = tpu.memref_squeeze %dma_start3A_233 : memref<1x125xi32, #tpu.memory_space<vmem>> -> memref<125xi32, #tpu.memory_space<vmem>>
      %dma_start3A_235 = arith.constant 0 : i32
      %dma_start3A_236 = arith.constant 0 : i32
      %dma_start3A_237 = tpu.memref_slice %arg2[%dma_start3A_235, %dma_start3A_236] : memref<10000x128xf32, #tpu.memory_space<hbm>> -> memref<10000x128xf32, #tpu.memory_space<hbm>>
      tpu.enqueue_indirect_dma source(%dma_start3A_237 : memref<10000x128xf32, #tpu.memory_space<hbm>>) target(%arg11 : memref<125x128xf32, #tpu.memory_space<vmem>>) offsets(%dma_start3A_234 : memref<125xi32, #tpu.memory_space<vmem>>) semaphore(%arg13 : memref<!tpu.dma_semaphore, #tpu.memory_space<semaphore_mem>>)
      %dma_start3A_238 = arith.constant 3 : i32
      %dma_start3A_239 = arith.constant 0 : i32
      %dma_start3A_240 = tpu.memref_slice %arg8[%dma_start3A_238, %dma_start3A_239] : memref<8x125xi32, #tpu.memory_space<vmem>> -> memref<1x125xi32, #tpu.memory_space<vmem>>
      %dma_start3A_241 = tpu.memref_squeeze %dma_start3A_240 : memref<1x125xi32, #tpu.memory_space<vmem>> -> memref<125xi32, #tpu.memory_space<vmem>>
      %dma_start3A_242 = arith.constant 0 : i32
      %dma_start3A_243 = arith.constant 0 : i32
      %dma_start3A_244 = tpu.memref_slice %arg6[%dma_start3A_242, %dma_start3A_243] : memref<10000x128xf32, #tpu.memory_space<vmem_shared>> -> memref<10000x128xf32, #tpu.memory_space<vmem_shared>>
      tpu.enqueue_indirect_dma source(%arg12 : memref<125x128xf32, #tpu.memory_space<vmem>>) target(%dma_start3A_244 : memref<10000x128xf32, #tpu.memory_space<vmem_shared>>) offsets(%dma_start3A_241 : memref<125xi32, #tpu.memory_space<vmem>>) semaphore(%arg18 : memref<!tpu.dma_semaphore, #tpu.memory_space<semaphore_mem>>) {add = true}
      %dma_wait3A_245 = arith.constant 4 : i32
      %dma_wait3A_246 = arith.constant 0 : i32
      %dma_wait3A_247 = tpu.memref_slice %arg7[%dma_wait3A_245, %dma_wait3A_246] : memref<8x125xi32, #tpu.memory_space<vmem>> -> memref<1x125xi32, #tpu.memory_space<vmem>>
      %dma_wait3A_248 = tpu.memref_squeeze %dma_wait3A_247 : memref<1x125xi32, #tpu.memory_space<vmem>> -> memref<125xi32, #tpu.memory_space<vmem>>
      %dma_wait3A_249 = arith.constant 0 : i32
      %dma_wait3A_250 = arith.constant 0 : i32
      %dma_wait3A_251 = tpu.memref_slice %arg2[%dma_wait3A_249, %dma_wait3A_250] : memref<10000x128xf32, #tpu.memory_space<hbm>> -> memref<10000x128xf32, #tpu.memory_space<hbm>>
      tpu.wait_indirect_dma semaphore(%arg13 : memref<!tpu.dma_semaphore, #tpu.memory_space<semaphore_mem>>) src(%dma_wait3A_251 : memref<10000x128xf32, #tpu.memory_space<hbm>>) dst(%arg11 : memref<125x128xf32, #tpu.memory_space<vmem>>)
      %dma_wait3A_252 = arith.constant 3 : i32
      %dma_wait3A_253 = arith.constant 0 : i32
      %dma_wait3A_254 = tpu.memref_slice %arg8[%dma_wait3A_252, %dma_wait3A_253] : memref<8x125xi32, #tpu.memory_space<vmem>> -> memref<1x125xi32, #tpu.memory_space<vmem>>
      %dma_wait3A_255 = tpu.memref_squeeze %dma_wait3A_254 : memref<1x125xi32, #tpu.memory_space<vmem>> -> memref<125xi32, #tpu.memory_space<vmem>>
      %dma_wait3A_256 = arith.constant 0 : i32
      %dma_wait3A_257 = arith.constant 0 : i32
      %dma_wait3A_258 = tpu.memref_slice %arg6[%dma_wait3A_256, %dma_wait3A_257] : memref<10000x128xf32, #tpu.memory_space<vmem_shared>> -> memref<10000x128xf32, #tpu.memory_space<vmem_shared>>
      tpu.wait_indirect_dma semaphore(%arg18 : memref<!tpu.dma_semaphore, #tpu.memory_space<semaphore_mem>>) src(%arg12 : memref<125x128xf32, #tpu.memory_space<vmem>>) dst(%dma_wait3A_258 : memref<10000x128xf32, #tpu.memory_space<vmem_shared>>)
      %dma_start3A_259 = arith.constant 5 : i32
      %dma_start3A_260 = arith.constant 0 : i32
      %dma_start3A_261 = tpu.memref_slice %arg7[%dma_start3A_259, %dma_start3A_260] : memref<8x125xi32, #tpu.memory_space<vmem>> -> memref<1x125xi32, #tpu.memory_space<vmem>>
      %dma_start3A_262 = tpu.memref_squeeze %dma_start3A_261 : memref<1x125xi32, #tpu.memory_space<vmem>> -> memref<125xi32, #tpu.memory_space<vmem>>
      %dma_start3A_263 = arith.constant 0 : i32
      %dma_start3A_264 = arith.constant 0 : i32
      %dma_start3A_265 = tpu.memref_slice %arg2[%dma_start3A_263, %dma_start3A_264] : memref<10000x128xf32, #tpu.memory_space<hbm>> -> memref<10000x128xf32, #tpu.memory_space<hbm>>
      tpu.enqueue_indirect_dma source(%dma_start3A_265 : memref<10000x128xf32, #tpu.memory_space<hbm>>) target(%arg12 : memref<125x128xf32, #tpu.memory_space<vmem>>) offsets(%dma_start3A_262 : memref<125xi32, #tpu.memory_space<vmem>>) semaphore(%arg14 : memref<!tpu.dma_semaphore, #tpu.memory_space<semaphore_mem>>)
      %dma_start3A_266 = arith.constant 4 : i32
      %dma_start3A_267 = arith.constant 0 : i32
      %dma_start3A_268 = tpu.memref_slice %arg8[%dma_start3A_266, %dma_start3A_267] : memref<8x125xi32, #tpu.memory_space<vmem>> -> memref<1x125xi32, #tpu.memory_space<vmem>>
      %dma_start3A_269 = tpu.memref_squeeze %dma_start3A_268 : memref<1x125xi32, #tpu.memory_space<vmem>> -> memref<125xi32, #tpu.memory_space<vmem>>
      %dma_start3A_270 = arith.constant 0 : i32
      %dma_start3A_271 = arith.constant 0 : i32
      %dma_start3A_272 = tpu.memref_slice %arg6[%dma_start3A_270, %dma_start3A_271] : memref<10000x128xf32, #tpu.memory_space<vmem_shared>> -> memref<10000x128xf32, #tpu.memory_space<vmem_shared>>
      tpu.enqueue_indirect_dma source(%arg11 : memref<125x128xf32, #tpu.memory_space<vmem>>) target(%dma_start3A_272 : memref<10000x128xf32, #tpu.memory_space<vmem_shared>>) offsets(%dma_start3A_269 : memref<125xi32, #tpu.memory_space<vmem>>) semaphore(%arg17 : memref<!tpu.dma_semaphore, #tpu.memory_space<semaphore_mem>>) {add = true}
      %dma_wait3A_273 = arith.constant 5 : i32
      %dma_wait3A_274 = arith.constant 0 : i32
      %dma_wait3A_275 = tpu.memref_slice %arg7[%dma_wait3A_273, %dma_wait3A_274] : memref<8x125xi32, #tpu.memory_space<vmem>> -> memref<1x125xi32, #tpu.memory_space<vmem>>
      %dma_wait3A_276 = tpu.memref_squeeze %dma_wait3A_275 : memref<1x125xi32, #tpu.memory_space<vmem>> -> memref<125xi32, #tpu.memory_space<vmem>>
      %dma_wait3A_277 = arith.constant 0 : i32
      %dma_wait3A_278 = arith.constant 0 : i32
      %dma_wait3A_279 = tpu.memref_slice %arg2[%dma_wait3A_277, %dma_wait3A_278] : memref<10000x128xf32, #tpu.memory_space<hbm>> -> memref<10000x128xf32, #tpu.memory_space<hbm>>
      tpu.wait_indirect_dma semaphore(%arg14 : memref<!tpu.dma_semaphore, #tpu.memory_space<semaphore_mem>>) src(%dma_wait3A_279 : memref<10000x128xf32, #tpu.memory_space<hbm>>) dst(%arg12 : memref<125x128xf32, #tpu.memory_space<vmem>>)
      %dma_wait3A_280 = arith.constant 4 : i32
      %dma_wait3A_281 = arith.constant 0 : i32
      %dma_wait3A_282 = tpu.memref_slice %arg8[%dma_wait3A_280, %dma_wait3A_281] : memref<8x125xi32, #tpu.memory_space<vmem>> -> memref<1x125xi32, #tpu.memory_space<vmem>>
      %dma_wait3A_283 = tpu.memref_squeeze %dma_wait3A_282 : memref<1x125xi32, #tpu.memory_space<vmem>> -> memref<125xi32, #tpu.memory_space<vmem>>
      %dma_wait3A_284 = arith.constant 0 : i32
      %dma_wait3A_285 = arith.constant 0 : i32
      %dma_wait3A_286 = tpu.memref_slice %arg6[%dma_wait3A_284, %dma_wait3A_285] : memref<10000x128xf32, #tpu.memory_space<vmem_shared>> -> memref<10000x128xf32, #tpu.memory_space<vmem_shared>>
      tpu.wait_indirect_dma semaphore(%arg17 : memref<!tpu.dma_semaphore, #tpu.memory_space<semaphore_mem>>) src(%arg11 : memref<125x128xf32, #tpu.memory_space<vmem>>) dst(%dma_wait3A_286 : memref<10000x128xf32, #tpu.memory_space<vmem_shared>>)
      %dma_start3A_287 = arith.constant 6 : i32
      %dma_start3A_288 = arith.constant 0 : i32
      %dma_start3A_289 = tpu.memref_slice %arg7[%dma_start3A_287, %dma_start3A_288] : memref<8x125xi32, #tpu.memory_space<vmem>> -> memref<1x125xi32, #tpu.memory_space<vmem>>
      %dma_start3A_290 = tpu.memref_squeeze %dma_start3A_289 : memref<1x125xi32, #tpu.memory_space<vmem>> -> memref<125xi32, #tpu.memory_space<vmem>>
      %dma_start3A_291 = arith.constant 0 : i32
      %dma_start3A_292 = arith.constant 0 : i32
      %dma_start3A_293 = tpu.memref_slice %arg2[%dma_start3A_291, %dma_start3A_292] : memref<10000x128xf32, #tpu.memory_space<hbm>> -> memref<10000x128xf32, #tpu.memory_space<hbm>>
      tpu.enqueue_indirect_dma source(%dma_start3A_293 : memref<10000x128xf32, #tpu.memory_space<hbm>>) target(%arg11 : memref<125x128xf32, #tpu.memory_space<vmem>>) offsets(%dma_start3A_290 : memref<125xi32, #tpu.memory_space<vmem>>) semaphore(%arg13 : memref<!tpu.dma_semaphore, #tpu.memory_space<semaphore_mem>>)
      %dma_start3A_294 = arith.constant 5 : i32
      %dma_start3A_295 = arith.constant 0 : i32
      %dma_start3A_296 = tpu.memref_slice %arg8[%dma_start3A_294, %dma_start3A_295] : memref<8x125xi32, #tpu.memory_space<vmem>> -> memref<1x125xi32, #tpu.memory_space<vmem>>
      %dma_start3A_297 = tpu.memref_squeeze %dma_start3A_296 : memref<1x125xi32, #tpu.memory_space<vmem>> -> memref<125xi32, #tpu.memory_space<vmem>>
      %dma_start3A_298 = arith.constant 0 : i32
      %dma_start3A_299 = arith.constant 0 : i32
      %dma_start3A_300 = tpu.memref_slice %arg6[%dma_start3A_298, %dma_start3A_299] : memref<10000x128xf32, #tpu.memory_space<vmem_shared>> -> memref<10000x128xf32, #tpu.memory_space<vmem_shared>>
      tpu.enqueue_indirect_dma source(%arg12 : memref<125x128xf32, #tpu.memory_space<vmem>>) target(%dma_start3A_300 : memref<10000x128xf32, #tpu.memory_space<vmem_shared>>) offsets(%dma_start3A_297 : memref<125xi32, #tpu.memory_space<vmem>>) semaphore(%arg18 : memref<!tpu.dma_semaphore, #tpu.memory_space<semaphore_mem>>) {add = true}
      %dma_wait3A_301 = arith.constant 6 : i32
      %dma_wait3A_302 = arith.constant 0 : i32
      %dma_wait3A_303 = tpu.memref_slice %arg7[%dma_wait3A_301, %dma_wait3A_302] : memref<8x125xi32, #tpu.memory_space<vmem>> -> memref<1x125xi32, #tpu.memory_space<vmem>>
      %dma_wait3A_304 = tpu.memref_squeeze %dma_wait3A_303 : memref<1x125xi32, #tpu.memory_space<vmem>> -> memref<125xi32, #tpu.memory_space<vmem>>
      %dma_wait3A_305 = arith.constant 0 : i32
      %dma_wait3A_306 = arith.constant 0 : i32
      %dma_wait3A_307 = tpu.memref_slice %arg2[%dma_wait3A_305, %dma_wait3A_306] : memref<10000x128xf32, #tpu.memory_space<hbm>> -> memref<10000x128xf32, #tpu.memory_space<hbm>>
      tpu.wait_indirect_dma semaphore(%arg13 : memref<!tpu.dma_semaphore, #tpu.memory_space<semaphore_mem>>) src(%dma_wait3A_307 : memref<10000x128xf32, #tpu.memory_space<hbm>>) dst(%arg11 : memref<125x128xf32, #tpu.memory_space<vmem>>)
      %dma_wait3A_308 = arith.constant 5 : i32
      %dma_wait3A_309 = arith.constant 0 : i32
      %dma_wait3A_310 = tpu.memref_slice %arg8[%dma_wait3A_308, %dma_wait3A_309] : memref<8x125xi32, #tpu.memory_space<vmem>> -> memref<1x125xi32, #tpu.memory_space<vmem>>
      %dma_wait3A_311 = tpu.memref_squeeze %dma_wait3A_310 : memref<1x125xi32, #tpu.memory_space<vmem>> -> memref<125xi32, #tpu.memory_space<vmem>>
      %dma_wait3A_312 = arith.constant 0 : i32
      %dma_wait3A_313 = arith.constant 0 : i32
      %dma_wait3A_314 = tpu.memref_slice %arg6[%dma_wait3A_312, %dma_wait3A_313] : memref<10000x128xf32, #tpu.memory_space<vmem_shared>> -> memref<10000x128xf32, #tpu.memory_space<vmem_shared>>
      tpu.wait_indirect_dma semaphore(%arg18 : memref<!tpu.dma_semaphore, #tpu.memory_space<semaphore_mem>>) src(%arg12 : memref<125x128xf32, #tpu.memory_space<vmem>>) dst(%dma_wait3A_314 : memref<10000x128xf32, #tpu.memory_space<vmem_shared>>)
      %dma_start3A_315 = arith.constant 7 : i32
      %dma_start3A_316 = arith.constant 0 : i32
      %dma_start3A_317 = tpu.memref_slice %arg7[%dma_start3A_315, %dma_start3A_316] : memref<8x125xi32, #tpu.memory_space<vmem>> -> memref<1x125xi32, #tpu.memory_space<vmem>>
      %dma_start3A_318 = tpu.memref_squeeze %dma_start3A_317 : memref<1x125xi32, #tpu.memory_space<vmem>> -> memref<125xi32, #tpu.memory_space<vmem>>
      %dma_start3A_319 = arith.constant 0 : i32
      %dma_start3A_320 = arith.constant 0 : i32
      %dma_start3A_321 = tpu.memref_slice %arg2[%dma_start3A_319, %dma_start3A_320] : memref<10000x128xf32, #tpu.memory_space<hbm>> -> memref<10000x128xf32, #tpu.memory_space<hbm>>
      tpu.enqueue_indirect_dma source(%dma_start3A_321 : memref<10000x128xf32, #tpu.memory_space<hbm>>) target(%arg12 : memref<125x128xf32, #tpu.memory_space<vmem>>) offsets(%dma_start3A_318 : memref<125xi32, #tpu.memory_space<vmem>>) semaphore(%arg14 : memref<!tpu.dma_semaphore, #tpu.memory_space<semaphore_mem>>)
      %dma_start3A_322 = arith.constant 6 : i32
      %dma_start3A_323 = arith.constant 0 : i32
      %dma_start3A_324 = tpu.memref_slice %arg8[%dma_start3A_322, %dma_start3A_323] : memref<8x125xi32, #tpu.memory_space<vmem>> -> memref<1x125xi32, #tpu.memory_space<vmem>>
      %dma_start3A_325 = tpu.memref_squeeze %dma_start3A_324 : memref<1x125xi32, #tpu.memory_space<vmem>> -> memref<125xi32, #tpu.memory_space<vmem>>
      %dma_start3A_326 = arith.constant 0 : i32
      %dma_start3A_327 = arith.constant 0 : i32
      %dma_start3A_328 = tpu.memref_slice %arg6[%dma_start3A_326, %dma_start3A_327] : memref<10000x128xf32, #tpu.memory_space<vmem_shared>> -> memref<10000x128xf32, #tpu.memory_space<vmem_shared>>
      tpu.enqueue_indirect_dma source(%arg11 : memref<125x128xf32, #tpu.memory_space<vmem>>) target(%dma_start3A_328 : memref<10000x128xf32, #tpu.memory_space<vmem_shared>>) offsets(%dma_start3A_325 : memref<125xi32, #tpu.memory_space<vmem>>) semaphore(%arg17 : memref<!tpu.dma_semaphore, #tpu.memory_space<semaphore_mem>>) {add = true}
      %dma_wait3A_329 = arith.constant 7 : i32
      %dma_wait3A_330 = arith.constant 0 : i32
      %dma_wait3A_331 = tpu.memref_slice %arg7[%dma_wait3A_329, %dma_wait3A_330] : memref<8x125xi32, #tpu.memory_space<vmem>> -> memref<1x125xi32, #tpu.memory_space<vmem>>
      %dma_wait3A_332 = tpu.memref_squeeze %dma_wait3A_331 : memref<1x125xi32, #tpu.memory_space<vmem>> -> memref<125xi32, #tpu.memory_space<vmem>>
      %dma_wait3A_333 = arith.constant 0 : i32
      %dma_wait3A_334 = arith.constant 0 : i32
      %dma_wait3A_335 = tpu.memref_slice %arg2[%dma_wait3A_333, %dma_wait3A_334] : memref<10000x128xf32, #tpu.memory_space<hbm>> -> memref<10000x128xf32, #tpu.memory_space<hbm>>
      tpu.wait_indirect_dma semaphore(%arg14 : memref<!tpu.dma_semaphore, #tpu.memory_space<semaphore_mem>>) src(%dma_wait3A_335 : memref<10000x128xf32, #tpu.memory_space<hbm>>) dst(%arg12 : memref<125x128xf32, #tpu.memory_space<vmem>>)
      %dma_wait3A_336 = arith.constant 6 : i32
      %dma_wait3A_337 = arith.constant 0 : i32
      %dma_wait3A_338 = tpu.memref_slice %arg8[%dma_wait3A_336, %dma_wait3A_337] : memref<8x125xi32, #tpu.memory_space<vmem>> -> memref<1x125xi32, #tpu.memory_space<vmem>>
      %dma_wait3A_339 = tpu.memref_squeeze %dma_wait3A_338 : memref<1x125xi32, #tpu.memory_space<vmem>> -> memref<125xi32, #tpu.memory_space<vmem>>
      %dma_wait3A_340 = arith.constant 0 : i32
      %dma_wait3A_341 = arith.constant 0 : i32
      %dma_wait3A_342 = tpu.memref_slice %arg6[%dma_wait3A_340, %dma_wait3A_341] : memref<10000x128xf32, #tpu.memory_space<vmem_shared>> -> memref<10000x128xf32, #tpu.memory_space<vmem_shared>>
      tpu.wait_indirect_dma semaphore(%arg17 : memref<!tpu.dma_semaphore, #tpu.memory_space<semaphore_mem>>) src(%arg11 : memref<125x128xf32, #tpu.memory_space<vmem>>) dst(%dma_wait3A_342 : memref<10000x128xf32, #tpu.memory_space<vmem_shared>>)
      %dma_start3A_343 = arith.constant 7 : i32
      %dma_start3A_344 = arith.constant 0 : i32
      %dma_start3A_345 = tpu.memref_slice %arg8[%dma_start3A_343, %dma_start3A_344] : memref<8x125xi32, #tpu.memory_space<vmem>> -> memref<1x125xi32, #tpu.memory_space<vmem>>
      %dma_start3A_346 = tpu.memref_squeeze %dma_start3A_345 : memref<1x125xi32, #tpu.memory_space<vmem>> -> memref<125xi32, #tpu.memory_space<vmem>>
      %dma_start3A_347 = arith.constant 0 : i32
      %dma_start3A_348 = arith.constant 0 : i32
      %dma_start3A_349 = tpu.memref_slice %arg6[%dma_start3A_347, %dma_start3A_348] : memref<10000x128xf32, #tpu.memory_space<vmem_shared>> -> memref<10000x128xf32, #tpu.memory_space<vmem_shared>>
      tpu.enqueue_indirect_dma source(%arg12 : memref<125x128xf32, #tpu.memory_space<vmem>>) target(%dma_start3A_349 : memref<10000x128xf32, #tpu.memory_space<vmem_shared>>) offsets(%dma_start3A_346 : memref<125xi32, #tpu.memory_space<vmem>>) semaphore(%arg18 : memref<!tpu.dma_semaphore, #tpu.memory_space<semaphore_mem>>) {add = true}
      %add3A_350 = arith.constant 1 : i32
      %add3A_351 = arith.addi %mul3A_109, %add3A_350 : i32
      %add3A_352 = arith.constant 1 : i32
      %add3A_353 = arith.addi %mul3A_109, %add3A_352 : i32
      %eq3A = arith.constant 9 : i32
      %eq3A_354 = arith.cmpi eq, %add3A_353, %eq3A : i32
      %mul3A_355 = arith.constant 8 : i32
      %mul3A_356 = arith.muli %add3A_351, %mul3A_355 : i32
      %dma_wait3A_357 = arith.constant 0 : i32
      %dma_wait3A_358 = tpu.memref_slice %arg3[%add3A, %mul3A_356, %dma_wait3A_357] : memref<32x80x125xi32, #tpu.memory_space<hbm>> -> memref<1x8x125xi32, #tpu.memory_space<hbm>>
      %dma_wait3A_359 = tpu.memref_squeeze %dma_wait3A_358 : memref<1x8x125xi32, #tpu.memory_space<hbm>> -> memref<8x125xi32, #tpu.memory_space<hbm>>
      %dma_wait3A_360 = arith.constant 0 : i32
      %dma_wait3A_361 = tpu.memref_slice %arg3[%add3A, %mul3A_356, %dma_wait3A_360] : memref<32x80x125xi32, #tpu.memory_space<hbm>> -> memref<1x8x125xi32, #tpu.memory_space<hbm>>
      %dma_wait3A_362 = tpu.memref_squeeze %dma_wait3A_361 : memref<1x8x125xi32, #tpu.memory_space<hbm>> -> memref<8x125xi32, #tpu.memory_space<hbm>>
      tpu.wait_dma2 semaphore(%arg16 : memref<!tpu.dma_semaphore, #tpu.memory_space<semaphore_mem>>) src(%dma_wait3A_362 : memref<8x125xi32, #tpu.memory_space<hbm>>) dst(%arg9 : memref<8x125xi32, #tpu.memory_space<vmem>>)
      %mul3A_363 = arith.constant 8 : i32
      %mul3A_364 = arith.muli %add3A_351, %mul3A_363 : i32
      %dma_wait3A_365 = arith.constant 0 : i32
      %dma_wait3A_366 = tpu.memref_slice %arg4[%add3A, %mul3A_364, %dma_wait3A_365] : memref<32x80x125xi32, #tpu.memory_space<hbm>> -> memref<1x8x125xi32, #tpu.memory_space<hbm>>
      %dma_wait3A_367 = tpu.memref_squeeze %dma_wait3A_366 : memref<1x8x125xi32, #tpu.memory_space<hbm>> -> memref<8x125xi32, #tpu.memory_space<hbm>>
      %dma_wait3A_368 = arith.constant 0 : i32
      %dma_wait3A_369 = tpu.memref_slice %arg4[%add3A, %mul3A_364, %dma_wait3A_368] : memref<32x80x125xi32, #tpu.memory_space<hbm>> -> memref<1x8x125xi32, #tpu.memory_space<hbm>>
      %dma_wait3A_370 = tpu.memref_squeeze %dma_wait3A_369 : memref<1x8x125xi32, #tpu.memory_space<hbm>> -> memref<8x125xi32, #tpu.memory_space<hbm>>
      tpu.wait_dma2 semaphore(%arg16 : memref<!tpu.dma_semaphore, #tpu.memory_space<semaphore_mem>>) src(%dma_wait3A_370 : memref<8x125xi32, #tpu.memory_space<hbm>>) dst(%arg10 : memref<8x125xi32, #tpu.memory_space<vmem>>)
      %not3A_371 = arith.constant true
      %not3A_372 = arith.xori %eq3A_354, %not3A_371 : i1
      %convert_element_type3A_373 = arith.extui %not3A_372 : i1 to i32
      %cond3A_374 = arith.constant 0 : i32
      %cond3A_375 = arith.cmpi ne, %convert_element_type3A_373, %cond3A_374 : i32
      scf.if %cond3A_375 {
        %add3A_598 = arith.constant 1 : i32
        %add3A_599 = arith.addi %add3A_351, %add3A_598 : i32
        %mul3A_600 = arith.constant 8 : i32
        %mul3A_601 = arith.muli %add3A_599, %mul3A_600 : i32
        %dma_start3A_602 = arith.constant 0 : i32
        %dma_start3A_603 = tpu.memref_slice %arg3[%add3A, %mul3A_601, %dma_start3A_602] : memref<32x80x125xi32, #tpu.memory_space<hbm>> -> memref<1x8x125xi32, #tpu.memory_space<hbm>>
        %dma_start3A_604 = tpu.memref_squeeze %dma_start3A_603 : memref<1x8x125xi32, #tpu.memory_space<hbm>> -> memref<8x125xi32, #tpu.memory_space<hbm>>
        %dma_start3A_605 = arith.constant 0 : i32
        %dma_start3A_606 = tpu.memref_slice %arg3[%add3A, %mul3A_601, %dma_start3A_605] : memref<32x80x125xi32, #tpu.memory_space<hbm>> -> memref<1x8x125xi32, #tpu.memory_space<hbm>>
        %dma_start3A_607 = tpu.memref_squeeze %dma_start3A_606 : memref<1x8x125xi32, #tpu.memory_space<hbm>> -> memref<8x125xi32, #tpu.memory_space<hbm>>
        tpu.enqueue_dma source(%dma_start3A_607 : memref<8x125xi32, #tpu.memory_space<hbm>>) target(%arg7 : memref<8x125xi32, #tpu.memory_space<vmem>>) target_semaphore(%arg15 : memref<!tpu.dma_semaphore, #tpu.memory_space<semaphore_mem>>)
        %mul3A_608 = arith.constant 8 : i32
        %mul3A_609 = arith.muli %add3A_599, %mul3A_608 : i32
        %dma_start3A_610 = arith.constant 0 : i32
        %dma_start3A_611 = tpu.memref_slice %arg4[%add3A, %mul3A_609, %dma_start3A_610] : memref<32x80x125xi32, #tpu.memory_space<hbm>> -> memref<1x8x125xi32, #tpu.memory_space<hbm>>
        %dma_start3A_612 = tpu.memref_squeeze %dma_start3A_611 : memref<1x8x125xi32, #tpu.memory_space<hbm>> -> memref<8x125xi32, #tpu.memory_space<hbm>>
        %dma_start3A_613 = arith.constant 0 : i32
        %dma_start3A_614 = tpu.memref_slice %arg4[%add3A, %mul3A_609, %dma_start3A_613] : memref<32x80x125xi32, #tpu.memory_space<hbm>> -> memref<1x8x125xi32, #tpu.memory_space<hbm>>
        %dma_start3A_615 = tpu.memref_squeeze %dma_start3A_614 : memref<1x8x125xi32, #tpu.memory_space<hbm>> -> memref<8x125xi32, #tpu.memory_space<hbm>>
        tpu.enqueue_dma source(%dma_start3A_615 : memref<8x125xi32, #tpu.memory_space<hbm>>) target(%arg8 : memref<8x125xi32, #tpu.memory_space<vmem>>) target_semaphore(%arg15 : memref<!tpu.dma_semaphore, #tpu.memory_space<semaphore_mem>>)
      } else {
      }
      %dma_start3A_376 = arith.constant 0 : i32
      %dma_start3A_377 = arith.constant 0 : i32
      %dma_start3A_378 = tpu.memref_slice %arg9[%dma_start3A_376, %dma_start3A_377] : memref<8x125xi32, #tpu.memory_space<vmem>> -> memref<1x125xi32, #tpu.memory_space<vmem>>
      %dma_start3A_379 = tpu.memref_squeeze %dma_start3A_378 : memref<1x125xi32, #tpu.memory_space<vmem>> -> memref<125xi32, #tpu.memory_space<vmem>>
      %dma_start3A_380 = arith.constant 0 : i32
      %dma_start3A_381 = arith.constant 0 : i32
      %dma_start3A_382 = tpu.memref_slice %arg2[%dma_start3A_380, %dma_start3A_381] : memref<10000x128xf32, #tpu.memory_space<hbm>> -> memref<10000x128xf32, #tpu.memory_space<hbm>>
      tpu.enqueue_indirect_dma source(%dma_start3A_382 : memref<10000x128xf32, #tpu.memory_space<hbm>>) target(%arg11 : memref<125x128xf32, #tpu.memory_space<vmem>>) offsets(%dma_start3A_379 : memref<125xi32, #tpu.memory_space<vmem>>) semaphore(%arg13 : memref<!tpu.dma_semaphore, #tpu.memory_space<semaphore_mem>>)
      %dma_wait3A_383 = arith.constant 0 : i32
      %dma_wait3A_384 = arith.constant 0 : i32
      %dma_wait3A_385 = tpu.memref_slice %arg9[%dma_wait3A_383, %dma_wait3A_384] : memref<8x125xi32, #tpu.memory_space<vmem>> -> memref<1x125xi32, #tpu.memory_space<vmem>>
      %dma_wait3A_386 = tpu.memref_squeeze %dma_wait3A_385 : memref<1x125xi32, #tpu.memory_space<vmem>> -> memref<125xi32, #tpu.memory_space<vmem>>
      %dma_wait3A_387 = arith.constant 0 : i32
      %dma_wait3A_388 = arith.constant 0 : i32
      %dma_wait3A_389 = tpu.memref_slice %arg2[%dma_wait3A_387, %dma_wait3A_388] : memref<10000x128xf32, #tpu.memory_space<hbm>> -> memref<10000x128xf32, #tpu.memory_space<hbm>>
      tpu.wait_indirect_dma semaphore(%arg13 : memref<!tpu.dma_semaphore, #tpu.memory_space<semaphore_mem>>) src(%dma_wait3A_389 : memref<10000x128xf32, #tpu.memory_space<hbm>>) dst(%arg11 : memref<125x128xf32, #tpu.memory_space<vmem>>)
      %gt3A_390 = arith.constant 0 : i32
      %gt3A_391 = arith.cmpi sgt, %add3A_351, %gt3A_390 : i32
      %convert_element_type3A_392 = arith.extui %gt3A_391 : i1 to i32
      %cond3A_393 = arith.constant 0 : i32
      %cond3A_394 = arith.cmpi ne, %convert_element_type3A_392, %cond3A_393 : i32
      scf.if %cond3A_394 {
        %dma_wait3A_598 = arith.constant 0 : i32
        %dma_wait3A_599 = arith.constant 0 : i32
        %dma_wait3A_600 = tpu.memref_slice %arg10[%dma_wait3A_598, %dma_wait3A_599] : memref<8x125xi32, #tpu.memory_space<vmem>> -> memref<1x125xi32, #tpu.memory_space<vmem>>
        %dma_wait3A_601 = tpu.memref_squeeze %dma_wait3A_600 : memref<1x125xi32, #tpu.memory_space<vmem>> -> memref<125xi32, #tpu.memory_space<vmem>>
        %dma_wait3A_602 = arith.constant 0 : i32
        %dma_wait3A_603 = arith.constant 0 : i32
        %dma_wait3A_604 = tpu.memref_slice %arg6[%dma_wait3A_602, %dma_wait3A_603] : memref<10000x128xf32, #tpu.memory_space<vmem_shared>> -> memref<10000x128xf32, #tpu.memory_space<vmem_shared>>
        tpu.wait_indirect_dma semaphore(%arg18 : memref<!tpu.dma_semaphore, #tpu.memory_space<semaphore_mem>>) src(%arg12 : memref<125x128xf32, #tpu.memory_space<vmem>>) dst(%dma_wait3A_604 : memref<10000x128xf32, #tpu.memory_space<vmem_shared>>)
      } else {
      }
      %dma_start3A_395 = arith.constant 1 : i32
      %dma_start3A_396 = arith.constant 0 : i32
      %dma_start3A_397 = tpu.memref_slice %arg9[%dma_start3A_395, %dma_start3A_396] : memref<8x125xi32, #tpu.memory_space<vmem>> -> memref<1x125xi32, #tpu.memory_space<vmem>>
      %dma_start3A_398 = tpu.memref_squeeze %dma_start3A_397 : memref<1x125xi32, #tpu.memory_space<vmem>> -> memref<125xi32, #tpu.memory_space<vmem>>
      %dma_start3A_399 = arith.constant 0 : i32
      %dma_start3A_400 = arith.constant 0 : i32
      %dma_start3A_401 = tpu.memref_slice %arg2[%dma_start3A_399, %dma_start3A_400] : memref<10000x128xf32, #tpu.memory_space<hbm>> -> memref<10000x128xf32, #tpu.memory_space<hbm>>
      tpu.enqueue_indirect_dma source(%dma_start3A_401 : memref<10000x128xf32, #tpu.memory_space<hbm>>) target(%arg12 : memref<125x128xf32, #tpu.memory_space<vmem>>) offsets(%dma_start3A_398 : memref<125xi32, #tpu.memory_space<vmem>>) semaphore(%arg14 : memref<!tpu.dma_semaphore, #tpu.memory_space<semaphore_mem>>)
      %dma_start3A_402 = arith.constant 0 : i32
      %dma_start3A_403 = arith.constant 0 : i32
      %dma_start3A_404 = tpu.memref_slice %arg10[%dma_start3A_402, %dma_start3A_403] : memref<8x125xi32, #tpu.memory_space<vmem>> -> memref<1x125xi32, #tpu.memory_space<vmem>>
      %dma_start3A_405 = tpu.memref_squeeze %dma_start3A_404 : memref<1x125xi32, #tpu.memory_space<vmem>> -> memref<125xi32, #tpu.memory_space<vmem>>
      %dma_start3A_406 = arith.constant 0 : i32
      %dma_start3A_407 = arith.constant 0 : i32
      %dma_start3A_408 = tpu.memref_slice %arg6[%dma_start3A_406, %dma_start3A_407] : memref<10000x128xf32, #tpu.memory_space<vmem_shared>> -> memref<10000x128xf32, #tpu.memory_space<vmem_shared>>
      tpu.enqueue_indirect_dma source(%arg11 : memref<125x128xf32, #tpu.memory_space<vmem>>) target(%dma_start3A_408 : memref<10000x128xf32, #tpu.memory_space<vmem_shared>>) offsets(%dma_start3A_405 : memref<125xi32, #tpu.memory_space<vmem>>) semaphore(%arg17 : memref<!tpu.dma_semaphore, #tpu.memory_space<semaphore_mem>>) {add = true}
      %dma_wait3A_409 = arith.constant 1 : i32
      %dma_wait3A_410 = arith.constant 0 : i32
      %dma_wait3A_411 = tpu.memref_slice %arg9[%dma_wait3A_409, %dma_wait3A_410] : memref<8x125xi32, #tpu.memory_space<vmem>> -> memref<1x125xi32, #tpu.memory_space<vmem>>
      %dma_wait3A_412 = tpu.memref_squeeze %dma_wait3A_411 : memref<1x125xi32, #tpu.memory_space<vmem>> -> memref<125xi32, #tpu.memory_space<vmem>>
      %dma_wait3A_413 = arith.constant 0 : i32
      %dma_wait3A_414 = arith.constant 0 : i32
      %dma_wait3A_415 = tpu.memref_slice %arg2[%dma_wait3A_413, %dma_wait3A_414] : memref<10000x128xf32, #tpu.memory_space<hbm>> -> memref<10000x128xf32, #tpu.memory_space<hbm>>
      tpu.wait_indirect_dma semaphore(%arg14 : memref<!tpu.dma_semaphore, #tpu.memory_space<semaphore_mem>>) src(%dma_wait3A_415 : memref<10000x128xf32, #tpu.memory_space<hbm>>) dst(%arg12 : memref<125x128xf32, #tpu.memory_space<vmem>>)
      %dma_wait3A_416 = arith.constant 0 : i32
      %dma_wait3A_417 = arith.constant 0 : i32
      %dma_wait3A_418 = tpu.memref_slice %arg10[%dma_wait3A_416, %dma_wait3A_417] : memref<8x125xi32, #tpu.memory_space<vmem>> -> memref<1x125xi32, #tpu.memory_space<vmem>>
      %dma_wait3A_419 = tpu.memref_squeeze %dma_wait3A_418 : memref<1x125xi32, #tpu.memory_space<vmem>> -> memref<125xi32, #tpu.memory_space<vmem>>
      %dma_wait3A_420 = arith.constant 0 : i32
      %dma_wait3A_421 = arith.constant 0 : i32
      %dma_wait3A_422 = tpu.memref_slice %arg6[%dma_wait3A_420, %dma_wait3A_421] : memref<10000x128xf32, #tpu.memory_space<vmem_shared>> -> memref<10000x128xf32, #tpu.memory_space<vmem_shared>>
      tpu.wait_indirect_dma semaphore(%arg17 : memref<!tpu.dma_semaphore, #tpu.memory_space<semaphore_mem>>) src(%arg11 : memref<125x128xf32, #tpu.memory_space<vmem>>) dst(%dma_wait3A_422 : memref<10000x128xf32, #tpu.memory_space<vmem_shared>>)
      %dma_start3A_423 = arith.constant 2 : i32
      %dma_start3A_424 = arith.constant 0 : i32
      %dma_start3A_425 = tpu.memref_slice %arg9[%dma_start3A_423, %dma_start3A_424] : memref<8x125xi32, #tpu.memory_space<vmem>> -> memref<1x125xi32, #tpu.memory_space<vmem>>
      %dma_start3A_426 = tpu.memref_squeeze %dma_start3A_425 : memref<1x125xi32, #tpu.memory_space<vmem>> -> memref<125xi32, #tpu.memory_space<vmem>>
      %dma_start3A_427 = arith.constant 0 : i32
      %dma_start3A_428 = arith.constant 0 : i32
      %dma_start3A_429 = tpu.memref_slice %arg2[%dma_start3A_427, %dma_start3A_428] : memref<10000x128xf32, #tpu.memory_space<hbm>> -> memref<10000x128xf32, #tpu.memory_space<hbm>>
      tpu.enqueue_indirect_dma source(%dma_start3A_429 : memref<10000x128xf32, #tpu.memory_space<hbm>>) target(%arg11 : memref<125x128xf32, #tpu.memory_space<vmem>>) offsets(%dma_start3A_426 : memref<125xi32, #tpu.memory_space<vmem>>) semaphore(%arg13 : memref<!tpu.dma_semaphore, #tpu.memory_space<semaphore_mem>>)
      %dma_start3A_430 = arith.constant 1 : i32
      %dma_start3A_431 = arith.constant 0 : i32
      %dma_start3A_432 = tpu.memref_slice %arg10[%dma_start3A_430, %dma_start3A_431] : memref<8x125xi32, #tpu.memory_space<vmem>> -> memref<1x125xi32, #tpu.memory_space<vmem>>
      %dma_start3A_433 = tpu.memref_squeeze %dma_start3A_432 : memref<1x125xi32, #tpu.memory_space<vmem>> -> memref<125xi32, #tpu.memory_space<vmem>>
      %dma_start3A_434 = arith.constant 0 : i32
      %dma_start3A_435 = arith.constant 0 : i32
      %dma_start3A_436 = tpu.memref_slice %arg6[%dma_start3A_434, %dma_start3A_435] : memref<10000x128xf32, #tpu.memory_space<vmem_shared>> -> memref<10000x128xf32, #tpu.memory_space<vmem_shared>>
      tpu.enqueue_indirect_dma source(%arg12 : memref<125x128xf32, #tpu.memory_space<vmem>>) target(%dma_start3A_436 : memref<10000x128xf32, #tpu.memory_space<vmem_shared>>) offsets(%dma_start3A_433 : memref<125xi32, #tpu.memory_space<vmem>>) semaphore(%arg18 : memref<!tpu.dma_semaphore, #tpu.memory_space<semaphore_mem>>) {add = true}
      %dma_wait3A_437 = arith.constant 2 : i32
      %dma_wait3A_438 = arith.constant 0 : i32
      %dma_wait3A_439 = tpu.memref_slice %arg9[%dma_wait3A_437, %dma_wait3A_438] : memref<8x125xi32, #tpu.memory_space<vmem>> -> memref<1x125xi32, #tpu.memory_space<vmem>>
      %dma_wait3A_440 = tpu.memref_squeeze %dma_wait3A_439 : memref<1x125xi32, #tpu.memory_space<vmem>> -> memref<125xi32, #tpu.memory_space<vmem>>
      %dma_wait3A_441 = arith.constant 0 : i32
      %dma_wait3A_442 = arith.constant 0 : i32
      %dma_wait3A_443 = tpu.memref_slice %arg2[%dma_wait3A_441, %dma_wait3A_442] : memref<10000x128xf32, #tpu.memory_space<hbm>> -> memref<10000x128xf32, #tpu.memory_space<hbm>>
      tpu.wait_indirect_dma semaphore(%arg13 : memref<!tpu.dma_semaphore, #tpu.memory_space<semaphore_mem>>) src(%dma_wait3A_443 : memref<10000x128xf32, #tpu.memory_space<hbm>>) dst(%arg11 : memref<125x128xf32, #tpu.memory_space<vmem>>)
      %dma_wait3A_444 = arith.constant 1 : i32
      %dma_wait3A_445 = arith.constant 0 : i32
      %dma_wait3A_446 = tpu.memref_slice %arg10[%dma_wait3A_444, %dma_wait3A_445] : memref<8x125xi32, #tpu.memory_space<vmem>> -> memref<1x125xi32, #tpu.memory_space<vmem>>
      %dma_wait3A_447 = tpu.memref_squeeze %dma_wait3A_446 : memref<1x125xi32, #tpu.memory_space<vmem>> -> memref<125xi32, #tpu.memory_space<vmem>>
      %dma_wait3A_448 = arith.constant 0 : i32
      %dma_wait3A_449 = arith.constant 0 : i32
      %dma_wait3A_450 = tpu.memref_slice %arg6[%dma_wait3A_448, %dma_wait3A_449] : memref<10000x128xf32, #tpu.memory_space<vmem_shared>> -> memref<10000x128xf32, #tpu.memory_space<vmem_shared>>
      tpu.wait_indirect_dma semaphore(%arg18 : memref<!tpu.dma_semaphore, #tpu.memory_space<semaphore_mem>>) src(%arg12 : memref<125x128xf32, #tpu.memory_space<vmem>>) dst(%dma_wait3A_450 : memref<10000x128xf32, #tpu.memory_space<vmem_shared>>)
      %dma_start3A_451 = arith.constant 3 : i32
      %dma_start3A_452 = arith.constant 0 : i32
      %dma_start3A_453 = tpu.memref_slice %arg9[%dma_start3A_451, %dma_start3A_452] : memref<8x125xi32, #tpu.memory_space<vmem>> -> memref<1x125xi32, #tpu.memory_space<vmem>>
      %dma_start3A_454 = tpu.memref_squeeze %dma_start3A_453 : memref<1x125xi32, #tpu.memory_space<vmem>> -> memref<125xi32, #tpu.memory_space<vmem>>
      %dma_start3A_455 = arith.constant 0 : i32
      %dma_start3A_456 = arith.constant 0 : i32
      %dma_start3A_457 = tpu.memref_slice %arg2[%dma_start3A_455, %dma_start3A_456] : memref<10000x128xf32, #tpu.memory_space<hbm>> -> memref<10000x128xf32, #tpu.memory_space<hbm>>
      tpu.enqueue_indirect_dma source(%dma_start3A_457 : memref<10000x128xf32, #tpu.memory_space<hbm>>) target(%arg12 : memref<125x128xf32, #tpu.memory_space<vmem>>) offsets(%dma_start3A_454 : memref<125xi32, #tpu.memory_space<vmem>>) semaphore(%arg14 : memref<!tpu.dma_semaphore, #tpu.memory_space<semaphore_mem>>)
      %dma_start3A_458 = arith.constant 2 : i32
      %dma_start3A_459 = arith.constant 0 : i32
      %dma_start3A_460 = tpu.memref_slice %arg10[%dma_start3A_458, %dma_start3A_459] : memref<8x125xi32, #tpu.memory_space<vmem>> -> memref<1x125xi32, #tpu.memory_space<vmem>>
      %dma_start3A_461 = tpu.memref_squeeze %dma_start3A_460 : memref<1x125xi32, #tpu.memory_space<vmem>> -> memref<125xi32, #tpu.memory_space<vmem>>
      %dma_start3A_462 = arith.constant 0 : i32
      %dma_start3A_463 = arith.constant 0 : i32
      %dma_start3A_464 = tpu.memref_slice %arg6[%dma_start3A_462, %dma_start3A_463] : memref<10000x128xf32, #tpu.memory_space<vmem_shared>> -> memref<10000x128xf32, #tpu.memory_space<vmem_shared>>
      tpu.enqueue_indirect_dma source(%arg11 : memref<125x128xf32, #tpu.memory_space<vmem>>) target(%dma_start3A_464 : memref<10000x128xf32, #tpu.memory_space<vmem_shared>>) offsets(%dma_start3A_461 : memref<125xi32, #tpu.memory_space<vmem>>) semaphore(%arg17 : memref<!tpu.dma_semaphore, #tpu.memory_space<semaphore_mem>>) {add = true}
      %dma_wait3A_465 = arith.constant 3 : i32
      %dma_wait3A_466 = arith.constant 0 : i32
      %dma_wait3A_467 = tpu.memref_slice %arg9[%dma_wait3A_465, %dma_wait3A_466] : memref<8x125xi32, #tpu.memory_space<vmem>> -> memref<1x125xi32, #tpu.memory_space<vmem>>
      %dma_wait3A_468 = tpu.memref_squeeze %dma_wait3A_467 : memref<1x125xi32, #tpu.memory_space<vmem>> -> memref<125xi32, #tpu.memory_space<vmem>>
      %dma_wait3A_469 = arith.constant 0 : i32
      %dma_wait3A_470 = arith.constant 0 : i32
      %dma_wait3A_471 = tpu.memref_slice %arg2[%dma_wait3A_469, %dma_wait3A_470] : memref<10000x128xf32, #tpu.memory_space<hbm>> -> memref<10000x128xf32, #tpu.memory_space<hbm>>
      tpu.wait_indirect_dma semaphore(%arg14 : memref<!tpu.dma_semaphore, #tpu.memory_space<semaphore_mem>>) src(%dma_wait3A_471 : memref<10000x128xf32, #tpu.memory_space<hbm>>) dst(%arg12 : memref<125x128xf32, #tpu.memory_space<vmem>>)
      %dma_wait3A_472 = arith.constant 2 : i32
      %dma_wait3A_473 = arith.constant 0 : i32
      %dma_wait3A_474 = tpu.memref_slice %arg10[%dma_wait3A_472, %dma_wait3A_473] : memref<8x125xi32, #tpu.memory_space<vmem>> -> memref<1x125xi32, #tpu.memory_space<vmem>>
      %dma_wait3A_475 = tpu.memref_squeeze %dma_wait3A_474 : memref<1x125xi32, #tpu.memory_space<vmem>> -> memref<125xi32, #tpu.memory_space<vmem>>
      %dma_wait3A_476 = arith.constant 0 : i32
      %dma_wait3A_477 = arith.constant 0 : i32
      %dma_wait3A_478 = tpu.memref_slice %arg6[%dma_wait3A_476, %dma_wait3A_477] : memref<10000x128xf32, #tpu.memory_space<vmem_shared>> -> memref<10000x128xf32, #tpu.memory_space<vmem_shared>>
      tpu.wait_indirect_dma semaphore(%arg17 : memref<!tpu.dma_semaphore, #tpu.memory_space<semaphore_mem>>) src(%arg11 : memref<125x128xf32, #tpu.memory_space<vmem>>) dst(%dma_wait3A_478 : memref<10000x128xf32, #tpu.memory_space<vmem_shared>>)
      %dma_start3A_479 = arith.constant 4 : i32
      %dma_start3A_480 = arith.constant 0 : i32
      %dma_start3A_481 = tpu.memref_slice %arg9[%dma_start3A_479, %dma_start3A_480] : memref<8x125xi32, #tpu.memory_space<vmem>> -> memref<1x125xi32, #tpu.memory_space<vmem>>
      %dma_start3A_482 = tpu.memref_squeeze %dma_start3A_481 : memref<1x125xi32, #tpu.memory_space<vmem>> -> memref<125xi32, #tpu.memory_space<vmem>>
      %dma_start3A_483 = arith.constant 0 : i32
      %dma_start3A_484 = arith.constant 0 : i32
      %dma_start3A_485 = tpu.memref_slice %arg2[%dma_start3A_483, %dma_start3A_484] : memref<10000x128xf32, #tpu.memory_space<hbm>> -> memref<10000x128xf32, #tpu.memory_space<hbm>>
      tpu.enqueue_indirect_dma source(%dma_start3A_485 : memref<10000x128xf32, #tpu.memory_space<hbm>>) target(%arg11 : memref<125x128xf32, #tpu.memory_space<vmem>>) offsets(%dma_start3A_482 : memref<125xi32, #tpu.memory_space<vmem>>) semaphore(%arg13 : memref<!tpu.dma_semaphore, #tpu.memory_space<semaphore_mem>>)
      %dma_start3A_486 = arith.constant 3 : i32
      %dma_start3A_487 = arith.constant 0 : i32
      %dma_start3A_488 = tpu.memref_slice %arg10[%dma_start3A_486, %dma_start3A_487] : memref<8x125xi32, #tpu.memory_space<vmem>> -> memref<1x125xi32, #tpu.memory_space<vmem>>
      %dma_start3A_489 = tpu.memref_squeeze %dma_start3A_488 : memref<1x125xi32, #tpu.memory_space<vmem>> -> memref<125xi32, #tpu.memory_space<vmem>>
      %dma_start3A_490 = arith.constant 0 : i32
      %dma_start3A_491 = arith.constant 0 : i32
      %dma_start3A_492 = tpu.memref_slice %arg6[%dma_start3A_490, %dma_start3A_491] : memref<10000x128xf32, #tpu.memory_space<vmem_shared>> -> memref<10000x128xf32, #tpu.memory_space<vmem_shared>>
      tpu.enqueue_indirect_dma source(%arg12 : memref<125x128xf32, #tpu.memory_space<vmem>>) target(%dma_start3A_492 : memref<10000x128xf32, #tpu.memory_space<vmem_shared>>) offsets(%dma_start3A_489 : memref<125xi32, #tpu.memory_space<vmem>>) semaphore(%arg18 : memref<!tpu.dma_semaphore, #tpu.memory_space<semaphore_mem>>) {add = true}
      %dma_wait3A_493 = arith.constant 4 : i32
      %dma_wait3A_494 = arith.constant 0 : i32
      %dma_wait3A_495 = tpu.memref_slice %arg9[%dma_wait3A_493, %dma_wait3A_494] : memref<8x125xi32, #tpu.memory_space<vmem>> -> memref<1x125xi32, #tpu.memory_space<vmem>>
      %dma_wait3A_496 = tpu.memref_squeeze %dma_wait3A_495 : memref<1x125xi32, #tpu.memory_space<vmem>> -> memref<125xi32, #tpu.memory_space<vmem>>
      %dma_wait3A_497 = arith.constant 0 : i32
      %dma_wait3A_498 = arith.constant 0 : i32
      %dma_wait3A_499 = tpu.memref_slice %arg2[%dma_wait3A_497, %dma_wait3A_498] : memref<10000x128xf32, #tpu.memory_space<hbm>> -> memref<10000x128xf32, #tpu.memory_space<hbm>>
      tpu.wait_indirect_dma semaphore(%arg13 : memref<!tpu.dma_semaphore, #tpu.memory_space<semaphore_mem>>) src(%dma_wait3A_499 : memref<10000x128xf32, #tpu.memory_space<hbm>>) dst(%arg11 : memref<125x128xf32, #tpu.memory_space<vmem>>)
      %dma_wait3A_500 = arith.constant 3 : i32
      %dma_wait3A_501 = arith.constant 0 : i32
      %dma_wait3A_502 = tpu.memref_slice %arg10[%dma_wait3A_500, %dma_wait3A_501] : memref<8x125xi32, #tpu.memory_space<vmem>> -> memref<1x125xi32, #tpu.memory_space<vmem>>
      %dma_wait3A_503 = tpu.memref_squeeze %dma_wait3A_502 : memref<1x125xi32, #tpu.memory_space<vmem>> -> memref<125xi32, #tpu.memory_space<vmem>>
      %dma_wait3A_504 = arith.constant 0 : i32
      %dma_wait3A_505 = arith.constant 0 : i32
      %dma_wait3A_506 = tpu.memref_slice %arg6[%dma_wait3A_504, %dma_wait3A_505] : memref<10000x128xf32, #tpu.memory_space<vmem_shared>> -> memref<10000x128xf32, #tpu.memory_space<vmem_shared>>
      tpu.wait_indirect_dma semaphore(%arg18 : memref<!tpu.dma_semaphore, #tpu.memory_space<semaphore_mem>>) src(%arg12 : memref<125x128xf32, #tpu.memory_space<vmem>>) dst(%dma_wait3A_506 : memref<10000x128xf32, #tpu.memory_space<vmem_shared>>)
      %dma_start3A_507 = arith.constant 5 : i32
      %dma_start3A_508 = arith.constant 0 : i32
      %dma_start3A_509 = tpu.memref_slice %arg9[%dma_start3A_507, %dma_start3A_508] : memref<8x125xi32, #tpu.memory_space<vmem>> -> memref<1x125xi32, #tpu.memory_space<vmem>>
      %dma_start3A_510 = tpu.memref_squeeze %dma_start3A_509 : memref<1x125xi32, #tpu.memory_space<vmem>> -> memref<125xi32, #tpu.memory_space<vmem>>
      %dma_start3A_511 = arith.constant 0 : i32
      %dma_start3A_512 = arith.constant 0 : i32
      %dma_start3A_513 = tpu.memref_slice %arg2[%dma_start3A_511, %dma_start3A_512] : memref<10000x128xf32, #tpu.memory_space<hbm>> -> memref<10000x128xf32, #tpu.memory_space<hbm>>
      tpu.enqueue_indirect_dma source(%dma_start3A_513 : memref<10000x128xf32, #tpu.memory_space<hbm>>) target(%arg12 : memref<125x128xf32, #tpu.memory_space<vmem>>) offsets(%dma_start3A_510 : memref<125xi32, #tpu.memory_space<vmem>>) semaphore(%arg14 : memref<!tpu.dma_semaphore, #tpu.memory_space<semaphore_mem>>)
      %dma_start3A_514 = arith.constant 4 : i32
      %dma_start3A_515 = arith.constant 0 : i32
      %dma_start3A_516 = tpu.memref_slice %arg10[%dma_start3A_514, %dma_start3A_515] : memref<8x125xi32, #tpu.memory_space<vmem>> -> memref<1x125xi32, #tpu.memory_space<vmem>>
      %dma_start3A_517 = tpu.memref_squeeze %dma_start3A_516 : memref<1x125xi32, #tpu.memory_space<vmem>> -> memref<125xi32, #tpu.memory_space<vmem>>
      %dma_start3A_518 = arith.constant 0 : i32
      %dma_start3A_519 = arith.constant 0 : i32
      %dma_start3A_520 = tpu.memref_slice %arg6[%dma_start3A_518, %dma_start3A_519] : memref<10000x128xf32, #tpu.memory_space<vmem_shared>> -> memref<10000x128xf32, #tpu.memory_space<vmem_shared>>
      tpu.enqueue_indirect_dma source(%arg11 : memref<125x128xf32, #tpu.memory_space<vmem>>) target(%dma_start3A_520 : memref<10000x128xf32, #tpu.memory_space<vmem_shared>>) offsets(%dma_start3A_517 : memref<125xi32, #tpu.memory_space<vmem>>) semaphore(%arg17 : memref<!tpu.dma_semaphore, #tpu.memory_space<semaphore_mem>>) {add = true}
      %dma_wait3A_521 = arith.constant 5 : i32
      %dma_wait3A_522 = arith.constant 0 : i32
      %dma_wait3A_523 = tpu.memref_slice %arg9[%dma_wait3A_521, %dma_wait3A_522] : memref<8x125xi32, #tpu.memory_space<vmem>> -> memref<1x125xi32, #tpu.memory_space<vmem>>
      %dma_wait3A_524 = tpu.memref_squeeze %dma_wait3A_523 : memref<1x125xi32, #tpu.memory_space<vmem>> -> memref<125xi32, #tpu.memory_space<vmem>>
      %dma_wait3A_525 = arith.constant 0 : i32
      %dma_wait3A_526 = arith.constant 0 : i32
      %dma_wait3A_527 = tpu.memref_slice %arg2[%dma_wait3A_525, %dma_wait3A_526] : memref<10000x128xf32, #tpu.memory_space<hbm>> -> memref<10000x128xf32, #tpu.memory_space<hbm>>
      tpu.wait_indirect_dma semaphore(%arg14 : memref<!tpu.dma_semaphore, #tpu.memory_space<semaphore_mem>>) src(%dma_wait3A_527 : memref<10000x128xf32, #tpu.memory_space<hbm>>) dst(%arg12 : memref<125x128xf32, #tpu.memory_space<vmem>>)
      %dma_wait3A_528 = arith.constant 4 : i32
      %dma_wait3A_529 = arith.constant 0 : i32
      %dma_wait3A_530 = tpu.memref_slice %arg10[%dma_wait3A_528, %dma_wait3A_529] : memref<8x125xi32, #tpu.memory_space<vmem>> -> memref<1x125xi32, #tpu.memory_space<vmem>>
      %dma_wait3A_531 = tpu.memref_squeeze %dma_wait3A_530 : memref<1x125xi32, #tpu.memory_space<vmem>> -> memref<125xi32, #tpu.memory_space<vmem>>
      %dma_wait3A_532 = arith.constant 0 : i32
      %dma_wait3A_533 = arith.constant 0 : i32
      %dma_wait3A_534 = tpu.memref_slice %arg6[%dma_wait3A_532, %dma_wait3A_533] : memref<10000x128xf32, #tpu.memory_space<vmem_shared>> -> memref<10000x128xf32, #tpu.memory_space<vmem_shared>>
      tpu.wait_indirect_dma semaphore(%arg17 : memref<!tpu.dma_semaphore, #tpu.memory_space<semaphore_mem>>) src(%arg11 : memref<125x128xf32, #tpu.memory_space<vmem>>) dst(%dma_wait3A_534 : memref<10000x128xf32, #tpu.memory_space<vmem_shared>>)
      %dma_start3A_535 = arith.constant 6 : i32
      %dma_start3A_536 = arith.constant 0 : i32
      %dma_start3A_537 = tpu.memref_slice %arg9[%dma_start3A_535, %dma_start3A_536] : memref<8x125xi32, #tpu.memory_space<vmem>> -> memref<1x125xi32, #tpu.memory_space<vmem>>
      %dma_start3A_538 = tpu.memref_squeeze %dma_start3A_537 : memref<1x125xi32, #tpu.memory_space<vmem>> -> memref<125xi32, #tpu.memory_space<vmem>>
      %dma_start3A_539 = arith.constant 0 : i32
      %dma_start3A_540 = arith.constant 0 : i32
      %dma_start3A_541 = tpu.memref_slice %arg2[%dma_start3A_539, %dma_start3A_540] : memref<10000x128xf32, #tpu.memory_space<hbm>> -> memref<10000x128xf32, #tpu.memory_space<hbm>>
      tpu.enqueue_indirect_dma source(%dma_start3A_541 : memref<10000x128xf32, #tpu.memory_space<hbm>>) target(%arg11 : memref<125x128xf32, #tpu.memory_space<vmem>>) offsets(%dma_start3A_538 : memref<125xi32, #tpu.memory_space<vmem>>) semaphore(%arg13 : memref<!tpu.dma_semaphore, #tpu.memory_space<semaphore_mem>>)
      %dma_start3A_542 = arith.constant 5 : i32
      %dma_start3A_543 = arith.constant 0 : i32
      %dma_start3A_544 = tpu.memref_slice %arg10[%dma_start3A_542, %dma_start3A_543] : memref<8x125xi32, #tpu.memory_space<vmem>> -> memref<1x125xi32, #tpu.memory_space<vmem>>
      %dma_start3A_545 = tpu.memref_squeeze %dma_start3A_544 : memref<1x125xi32, #tpu.memory_space<vmem>> -> memref<125xi32, #tpu.memory_space<vmem>>
      %dma_start3A_546 = arith.constant 0 : i32
      %dma_start3A_547 = arith.constant 0 : i32
      %dma_start3A_548 = tpu.memref_slice %arg6[%dma_start3A_546, %dma_start3A_547] : memref<10000x128xf32, #tpu.memory_space<vmem_shared>> -> memref<10000x128xf32, #tpu.memory_space<vmem_shared>>
      tpu.enqueue_indirect_dma source(%arg12 : memref<125x128xf32, #tpu.memory_space<vmem>>) target(%dma_start3A_548 : memref<10000x128xf32, #tpu.memory_space<vmem_shared>>) offsets(%dma_start3A_545 : memref<125xi32, #tpu.memory_space<vmem>>) semaphore(%arg18 : memref<!tpu.dma_semaphore, #tpu.memory_space<semaphore_mem>>) {add = true}
      %dma_wait3A_549 = arith.constant 6 : i32
      %dma_wait3A_550 = arith.constant 0 : i32
      %dma_wait3A_551 = tpu.memref_slice %arg9[%dma_wait3A_549, %dma_wait3A_550] : memref<8x125xi32, #tpu.memory_space<vmem>> -> memref<1x125xi32, #tpu.memory_space<vmem>>
      %dma_wait3A_552 = tpu.memref_squeeze %dma_wait3A_551 : memref<1x125xi32, #tpu.memory_space<vmem>> -> memref<125xi32, #tpu.memory_space<vmem>>
      %dma_wait3A_553 = arith.constant 0 : i32
      %dma_wait3A_554 = arith.constant 0 : i32
      %dma_wait3A_555 = tpu.memref_slice %arg2[%dma_wait3A_553, %dma_wait3A_554] : memref<10000x128xf32, #tpu.memory_space<hbm>> -> memref<10000x128xf32, #tpu.memory_space<hbm>>
      tpu.wait_indirect_dma semaphore(%arg13 : memref<!tpu.dma_semaphore, #tpu.memory_space<semaphore_mem>>) src(%dma_wait3A_555 : memref<10000x128xf32, #tpu.memory_space<hbm>>) dst(%arg11 : memref<125x128xf32, #tpu.memory_space<vmem>>)
      %dma_wait3A_556 = arith.constant 5 : i32
      %dma_wait3A_557 = arith.constant 0 : i32
      %dma_wait3A_558 = tpu.memref_slice %arg10[%dma_wait3A_556, %dma_wait3A_557] : memref<8x125xi32, #tpu.memory_space<vmem>> -> memref<1x125xi32, #tpu.memory_space<vmem>>
      %dma_wait3A_559 = tpu.memref_squeeze %dma_wait3A_558 : memref<1x125xi32, #tpu.memory_space<vmem>> -> memref<125xi32, #tpu.memory_space<vmem>>
      %dma_wait3A_560 = arith.constant 0 : i32
      %dma_wait3A_561 = arith.constant 0 : i32
      %dma_wait3A_562 = tpu.memref_slice %arg6[%dma_wait3A_560, %dma_wait3A_561] : memref<10000x128xf32, #tpu.memory_space<vmem_shared>> -> memref<10000x128xf32, #tpu.memory_space<vmem_shared>>
      tpu.wait_indirect_dma semaphore(%arg18 : memref<!tpu.dma_semaphore, #tpu.memory_space<semaphore_mem>>) src(%arg12 : memref<125x128xf32, #tpu.memory_space<vmem>>) dst(%dma_wait3A_562 : memref<10000x128xf32, #tpu.memory_space<vmem_shared>>)
      %dma_start3A_563 = arith.constant 7 : i32
      %dma_start3A_564 = arith.constant 0 : i32
      %dma_start3A_565 = tpu.memref_slice %arg9[%dma_start3A_563, %dma_start3A_564] : memref<8x125xi32, #tpu.memory_space<vmem>> -> memref<1x125xi32, #tpu.memory_space<vmem>>
      %dma_start3A_566 = tpu.memref_squeeze %dma_start3A_565 : memref<1x125xi32, #tpu.memory_space<vmem>> -> memref<125xi32, #tpu.memory_space<vmem>>
      %dma_start3A_567 = arith.constant 0 : i32
      %dma_start3A_568 = arith.constant 0 : i32
      %dma_start3A_569 = tpu.memref_slice %arg2[%dma_start3A_567, %dma_start3A_568] : memref<10000x128xf32, #tpu.memory_space<hbm>> -> memref<10000x128xf32, #tpu.memory_space<hbm>>
      tpu.enqueue_indirect_dma source(%dma_start3A_569 : memref<10000x128xf32, #tpu.memory_space<hbm>>) target(%arg12 : memref<125x128xf32, #tpu.memory_space<vmem>>) offsets(%dma_start3A_566 : memref<125xi32, #tpu.memory_space<vmem>>) semaphore(%arg14 : memref<!tpu.dma_semaphore, #tpu.memory_space<semaphore_mem>>)
      %dma_start3A_570 = arith.constant 6 : i32
      %dma_start3A_571 = arith.constant 0 : i32
      %dma_start3A_572 = tpu.memref_slice %arg10[%dma_start3A_570, %dma_start3A_571] : memref<8x125xi32, #tpu.memory_space<vmem>> -> memref<1x125xi32, #tpu.memory_space<vmem>>
      %dma_start3A_573 = tpu.memref_squeeze %dma_start3A_572 : memref<1x125xi32, #tpu.memory_space<vmem>> -> memref<125xi32, #tpu.memory_space<vmem>>
      %dma_start3A_574 = arith.constant 0 : i32
      %dma_start3A_575 = arith.constant 0 : i32
      %dma_start3A_576 = tpu.memref_slice %arg6[%dma_start3A_574, %dma_start3A_575] : memref<10000x128xf32, #tpu.memory_space<vmem_shared>> -> memref<10000x128xf32, #tpu.memory_space<vmem_shared>>
      tpu.enqueue_indirect_dma source(%arg11 : memref<125x128xf32, #tpu.memory_space<vmem>>) target(%dma_start3A_576 : memref<10000x128xf32, #tpu.memory_space<vmem_shared>>) offsets(%dma_start3A_573 : memref<125xi32, #tpu.memory_space<vmem>>) semaphore(%arg17 : memref<!tpu.dma_semaphore, #tpu.memory_space<semaphore_mem>>) {add = true}
      %dma_wait3A_577 = arith.constant 7 : i32
      %dma_wait3A_578 = arith.constant 0 : i32
      %dma_wait3A_579 = tpu.memref_slice %arg9[%dma_wait3A_577, %dma_wait3A_578] : memref<8x125xi32, #tpu.memory_space<vmem>> -> memref<1x125xi32, #tpu.memory_space<vmem>>
      %dma_wait3A_580 = tpu.memref_squeeze %dma_wait3A_579 : memref<1x125xi32, #tpu.memory_space<vmem>> -> memref<125xi32, #tpu.memory_space<vmem>>
      %dma_wait3A_581 = arith.constant 0 : i32
      %dma_wait3A_582 = arith.constant 0 : i32
      %dma_wait3A_583 = tpu.memref_slice %arg2[%dma_wait3A_581, %dma_wait3A_582] : memref<10000x128xf32, #tpu.memory_space<hbm>> -> memref<10000x128xf32, #tpu.memory_space<hbm>>
      tpu.wait_indirect_dma semaphore(%arg14 : memref<!tpu.dma_semaphore, #tpu.memory_space<semaphore_mem>>) src(%dma_wait3A_583 : memref<10000x128xf32, #tpu.memory_space<hbm>>) dst(%arg12 : memref<125x128xf32, #tpu.memory_space<vmem>>)
      %dma_wait3A_584 = arith.constant 6 : i32
      %dma_wait3A_585 = arith.constant 0 : i32
      %dma_wait3A_586 = tpu.memref_slice %arg10[%dma_wait3A_584, %dma_wait3A_585] : memref<8x125xi32, #tpu.memory_space<vmem>> -> memref<1x125xi32, #tpu.memory_space<vmem>>
      %dma_wait3A_587 = tpu.memref_squeeze %dma_wait3A_586 : memref<1x125xi32, #tpu.memory_space<vmem>> -> memref<125xi32, #tpu.memory_space<vmem>>
      %dma_wait3A_588 = arith.constant 0 : i32
      %dma_wait3A_589 = arith.constant 0 : i32
      %dma_wait3A_590 = tpu.memref_slice %arg6[%dma_wait3A_588, %dma_wait3A_589] : memref<10000x128xf32, #tpu.memory_space<vmem_shared>> -> memref<10000x128xf32, #tpu.memory_space<vmem_shared>>
      tpu.wait_indirect_dma semaphore(%arg17 : memref<!tpu.dma_semaphore, #tpu.memory_space<semaphore_mem>>) src(%arg11 : memref<125x128xf32, #tpu.memory_space<vmem>>) dst(%dma_wait3A_590 : memref<10000x128xf32, #tpu.memory_space<vmem_shared>>)
      %dma_start3A_591 = arith.constant 7 : i32
      %dma_start3A_592 = arith.constant 0 : i32
      %dma_start3A_593 = tpu.memref_slice %arg10[%dma_start3A_591, %dma_start3A_592] : memref<8x125xi32, #tpu.memory_space<vmem>> -> memref<1x125xi32, #tpu.memory_space<vmem>>
      %dma_start3A_594 = tpu.memref_squeeze %dma_start3A_593 : memref<1x125xi32, #tpu.memory_space<vmem>> -> memref<125xi32, #tpu.memory_space<vmem>>
      %dma_start3A_595 = arith.constant 0 : i32
      %dma_start3A_596 = arith.constant 0 : i32
      %dma_start3A_597 = tpu.memref_slice %arg6[%dma_start3A_595, %dma_start3A_596] : memref<10000x128xf32, #tpu.memory_space<vmem_shared>> -> memref<10000x128xf32, #tpu.memory_space<vmem_shared>>
      tpu.enqueue_indirect_dma source(%arg12 : memref<125x128xf32, #tpu.memory_space<vmem>>) target(%dma_start3A_597 : memref<10000x128xf32, #tpu.memory_space<vmem_shared>>) offsets(%dma_start3A_594 : memref<125xi32, #tpu.memory_space<vmem>>) semaphore(%arg18 : memref<!tpu.dma_semaphore, #tpu.memory_space<semaphore_mem>>) {add = true}
    }
    %scan3A_90 = arith.constant 5 : i32
    %dma_wait3A = arith.constant 7 : i32
    %dma_wait3A_91 = arith.constant 0 : i32
    %dma_wait3A_92 = tpu.memref_slice %arg10[%dma_wait3A, %dma_wait3A_91] : memref<8x125xi32, #tpu.memory_space<vmem>> -> memref<1x125xi32, #tpu.memory_space<vmem>>
    %dma_wait3A_93 = tpu.memref_squeeze %dma_wait3A_92 : memref<1x125xi32, #tpu.memory_space<vmem>> -> memref<125xi32, #tpu.memory_space<vmem>>
    %dma_wait3A_94 = arith.constant 0 : i32
    %dma_wait3A_95 = arith.constant 0 : i32
    %dma_wait3A_96 = tpu.memref_slice %arg6[%dma_wait3A_94, %dma_wait3A_95] : memref<10000x128xf32, #tpu.memory_space<vmem_shared>> -> memref<10000x128xf32, #tpu.memory_space<vmem_shared>>
    tpu.wait_indirect_dma semaphore(%arg18 : memref<!tpu.dma_semaphore, #tpu.memory_space<semaphore_mem>>) src(%arg12 : memref<125x128xf32, #tpu.memory_space<vmem>>) dst(%dma_wait3A_96 : memref<10000x128xf32, #tpu.memory_space<vmem_shared>>)
    %barrier3A_97 = arith.constant 0 : index
    tpu.barrier barrier_id(%barrier3A_97)
    %while3A_98 = arith.constant 0 : i32
    %while3A_99 = arith.subi %select_n3A_52, %select_n3A : i32
    %while3A_100 = arith.addi %select_n3A, %while3A_99 : i32
    %while3A_101 = arith.constant 1 : i32
    %while3A_102 = arith.divsi %while3A_99, %while3A_101 : i32
    %while3A_103 = arith.muli %while3A_102, %while3A_101 : i32
    %while3A_104 = arith.addi %select_n3A, %while3A_103 : i32
    %while3A_105 = arith.constant 1 : i32
    scf.for %while3A_107 = %select_n3A to %while3A_104 step %while3A_105  : i32 {
      %mul3A_108 = arith.constant 80 : i32
      %mul3A_109 = arith.muli %while3A_107, %mul3A_108 : i32
      %mul3A_110 = arith.constant 80 : i32
      %mul3A_111 = arith.muli %while3A_107, %mul3A_110 : i32
      "tpu.region"() ({
        %run_scoped3A = tpu.sem_alloc : memref<!tpu.dma_semaphore, #tpu.memory_space<semaphore_mem>>
        %dma_start3A_112 = arith.constant 0 : i32
        %dma_start3A_113 = tpu.memref_slice %arg5[%arg0, %mul3A_111, %dma_start3A_112] : memref<2x10000x128xf32, #tpu.memory_space<hbm>> -> memref<1x80x128xf32, #tpu.memory_space<hbm>>
        %dma_start3A_114 = tpu.memref_squeeze %dma_start3A_113 : memref<1x80x128xf32, #tpu.memory_space<hbm>> -> memref<80x128xf32, #tpu.memory_space<hbm>>
        %dma_start3A_115 = arith.constant 0 : i32
        %dma_start3A_116 = tpu.memref_slice %arg6[%mul3A_109, %dma_start3A_115] : memref<10000x128xf32, #tpu.memory_space<vmem_shared>> -> memref<80x128xf32, #tpu.memory_space<vmem_shared>>
        tpu.enqueue_dma source(%dma_start3A_116 : memref<80x128xf32, #tpu.memory_space<vmem_shared>>) target(%dma_start3A_114 : memref<80x128xf32, #tpu.memory_space<hbm>>) target_semaphore(%run_scoped3A : memref<!tpu.dma_semaphore, #tpu.memory_space<semaphore_mem>>)
        %dma_wait3A_117 = arith.constant 0 : i32
        %dma_wait3A_118 = tpu.memref_slice %arg5[%arg0, %mul3A_111, %dma_wait3A_117] : memref<2x10000x128xf32, #tpu.memory_space<hbm>> -> memref<1x80x128xf32, #tpu.memory_space<hbm>>
        %dma_wait3A_119 = tpu.memref_squeeze %dma_wait3A_118 : memref<1x80x128xf32, #tpu.memory_space<hbm>> -> memref<80x128xf32, #tpu.memory_space<hbm>>
        %dma_wait3A_120 = arith.constant 0 : i32
        %dma_wait3A_121 = tpu.memref_slice %arg6[%mul3A_109, %dma_wait3A_120] : memref<10000x128xf32, #tpu.memory_space<vmem_shared>> -> memref<80x128xf32, #tpu.memory_space<vmem_shared>>
        tpu.wait_dma2 semaphore(%run_scoped3A : memref<!tpu.dma_semaphore, #tpu.memory_space<semaphore_mem>>) src(%dma_wait3A_121 : memref<80x128xf32, #tpu.memory_space<vmem_shared>>) dst(%dma_wait3A_119 : memref<80x128xf32, #tpu.memory_space<hbm>>)
        tpu.yield
      }) : () -> ()
    }
    %while3A_106 = arith.constant 1 : i32
    scf.for %while3A_107 = %while3A_104 to %while3A_100 step %while3A_106  : i32 {
      %mul3A_108 = arith.constant 80 : i32
      %mul3A_109 = arith.muli %while3A_107, %mul3A_108 : i32
      %mul3A_110 = arith.constant 80 : i32
      %mul3A_111 = arith.muli %while3A_107, %mul3A_110 : i32
      "tpu.region"() ({
        %run_scoped3A = tpu.sem_alloc : memref<!tpu.dma_semaphore, #tpu.memory_space<semaphore_mem>>
        %dma_start3A_112 = arith.constant 0 : i32
        %dma_start3A_113 = tpu.memref_slice %arg5[%arg0, %mul3A_111, %dma_start3A_112] : memref<2x10000x128xf32, #tpu.memory_space<hbm>> -> memref<1x80x128xf32, #tpu.memory_space<hbm>>
        %dma_start3A_114 = tpu.memref_squeeze %dma_start3A_113 : memref<1x80x128xf32, #tpu.memory_space<hbm>> -> memref<80x128xf32, #tpu.memory_space<hbm>>
        %dma_start3A_115 = arith.constant 0 : i32
        %dma_start3A_116 = tpu.memref_slice %arg6[%mul3A_109, %dma_start3A_115] : memref<10000x128xf32, #tpu.memory_space<vmem_shared>> -> memref<80x128xf32, #tpu.memory_space<vmem_shared>>
        tpu.enqueue_dma source(%dma_start3A_116 : memref<80x128xf32, #tpu.memory_space<vmem_shared>>) target(%dma_start3A_114 : memref<80x128xf32, #tpu.memory_space<hbm>>) target_semaphore(%run_scoped3A : memref<!tpu.dma_semaphore, #tpu.memory_space<semaphore_mem>>)
        %dma_wait3A_117 = arith.constant 0 : i32
        %dma_wait3A_118 = tpu.memref_slice %arg5[%arg0, %mul3A_111, %dma_wait3A_117] : memref<2x10000x128xf32, #tpu.memory_space<hbm>> -> memref<1x80x128xf32, #tpu.memory_space<hbm>>
        %dma_wait3A_119 = tpu.memref_squeeze %dma_wait3A_118 : memref<1x80x128xf32, #tpu.memory_space<hbm>> -> memref<80x128xf32, #tpu.memory_space<hbm>>
        %dma_wait3A_120 = arith.constant 0 : i32
        %dma_wait3A_121 = tpu.memref_slice %arg6[%mul3A_109, %dma_wait3A_120] : memref<10000x128xf32, #tpu.memory_space<vmem_shared>> -> memref<80x128xf32, #tpu.memory_space<vmem_shared>>
        tpu.wait_dma2 semaphore(%run_scoped3A : memref<!tpu.dma_semaphore, #tpu.memory_space<semaphore_mem>>) src(%dma_wait3A_121 : memref<80x128xf32, #tpu.memory_space<vmem_shared>>) dst(%dma_wait3A_119 : memref<80x128xf32, #tpu.memory_space<hbm>>)
        tpu.yield
      }) : () -> ()
    }
    return
  }
}

#map = affine_map<(d0, d1) -> (0, 0, 0)>
#map1 = affine_map<(d0, d1) -> (0)>
module attributes {stable_mosaic.version = 14 : i64} {
  func.func @deg_k(%arg0: i32, %arg1: i32, %arg2: memref<32x80x125xi32, #tpu.memory_space<hbm>>, %arg3: memref<32x80x125xi32, #tpu.memory_space<hbm>>, %arg4: memref<40000xf32, #tpu.memory_space<hbm>>, %arg5: memref<10000xf32, #tpu.memory_space<vmem_shared>>, %arg6: memref<10000xf32, #tpu.memory_space<vmem_shared>>, %arg7: memref<80x125xi32, #tpu.memory_space<vmem>>, %arg8: memref<80x125xi32, #tpu.memory_space<vmem>>, %arg9: memref<128xf32, #tpu.memory_space<vmem>>, %arg10: memref<80xf32, #tpu.memory_space<vmem>>, %arg11: memref<!tpu.dma_semaphore, #tpu.memory_space<semaphore_mem>>, %arg12: memref<!tpu.dma_semaphore, #tpu.memory_space<semaphore_mem>>) attributes {dimension_semantics = [#tpu.dimension_semantics<core_parallel>, #tpu.dimension_semantics<subcore_parallel>], iteration_bounds = array<i64: 2, 16>, scalar_prefetch = 0 : i64, scratch_operands = 8 : i64, tpu.core_type = #tpu.core_type<sc_vector_subcore>, window_params = [{transform_indices = #map}, {transform_indices = #map}, {transform_indices = #map1}]} {
    %mul3A = arith.constant 2 : i32
    %mul3A_0 = arith.muli %arg1, %mul3A : i32
    %add3A = arith.addi %mul3A_0, %arg0 : i32
    %dma_start3A = arith.constant 0 : i32
    %dma_start3A_1 = arith.constant 0 : i32
    %dma_start3A_2 = tpu.memref_slice %arg2[%add3A, %dma_start3A, %dma_start3A_1] : memref<32x80x125xi32, #tpu.memory_space<hbm>> -> memref<1x80x125xi32, #tpu.memory_space<hbm>>
    %dma_start3A_3 = tpu.memref_squeeze %dma_start3A_2 : memref<1x80x125xi32, #tpu.memory_space<hbm>> -> memref<80x125xi32, #tpu.memory_space<hbm>>
    %dma_start3A_4 = arith.constant 0 : i32
    %dma_start3A_5 = arith.constant 0 : i32
    %dma_start3A_6 = tpu.memref_slice %arg2[%add3A, %dma_start3A_4, %dma_start3A_5] : memref<32x80x125xi32, #tpu.memory_space<hbm>> -> memref<1x80x125xi32, #tpu.memory_space<hbm>>
    %dma_start3A_7 = tpu.memref_squeeze %dma_start3A_6 : memref<1x80x125xi32, #tpu.memory_space<hbm>> -> memref<80x125xi32, #tpu.memory_space<hbm>>
    tpu.enqueue_dma source(%dma_start3A_7 : memref<80x125xi32, #tpu.memory_space<hbm>>) target(%arg7 : memref<80x125xi32, #tpu.memory_space<vmem>>) target_semaphore(%arg11 : memref<!tpu.dma_semaphore, #tpu.memory_space<semaphore_mem>>)
    %dma_start3A_8 = arith.constant 0 : i32
    %dma_start3A_9 = arith.constant 0 : i32
    %dma_start3A_10 = tpu.memref_slice %arg3[%add3A, %dma_start3A_8, %dma_start3A_9] : memref<32x80x125xi32, #tpu.memory_space<hbm>> -> memref<1x80x125xi32, #tpu.memory_space<hbm>>
    %dma_start3A_11 = tpu.memref_squeeze %dma_start3A_10 : memref<1x80x125xi32, #tpu.memory_space<hbm>> -> memref<80x125xi32, #tpu.memory_space<hbm>>
    %dma_start3A_12 = arith.constant 0 : i32
    %dma_start3A_13 = arith.constant 0 : i32
    %dma_start3A_14 = tpu.memref_slice %arg3[%add3A, %dma_start3A_12, %dma_start3A_13] : memref<32x80x125xi32, #tpu.memory_space<hbm>> -> memref<1x80x125xi32, #tpu.memory_space<hbm>>
    %dma_start3A_15 = tpu.memref_squeeze %dma_start3A_14 : memref<1x80x125xi32, #tpu.memory_space<hbm>> -> memref<80x125xi32, #tpu.memory_space<hbm>>
    tpu.enqueue_dma source(%dma_start3A_15 : memref<80x125xi32, #tpu.memory_space<hbm>>) target(%arg8 : memref<80x125xi32, #tpu.memory_space<vmem>>) target_semaphore(%arg11 : memref<!tpu.dma_semaphore, #tpu.memory_space<semaphore_mem>>)
    %broadcast_in_dim3A = arith.constant 1.000000e+00 : f32
    %broadcast_in_dim3A_16 = vector.broadcast %broadcast_in_dim3A : f32 to vector<16xf32>
    %broadcast_in_dim3A_17 = arith.constant 0.000000e+00 : f32
    %broadcast_in_dim3A_18 = vector.broadcast %broadcast_in_dim3A_17 : f32 to vector<16xf32>
    %scan3A = arith.constant 0 : i32
    %scan3A_19 = arith.constant 0 : i32
    %scan3A_20 = arith.constant 8 : i32
    %scan3A_21 = arith.addi %scan3A_19, %scan3A_20 : i32
    %scan3A_22 = arith.constant 1 : i32
    scf.for %scan3A_380 = %scan3A_19 to %scan3A_21 step %scan3A_22  : i32 {
      %mul3A_381 = arith.constant 16 : i32
      %mul3A_382 = arith.muli %scan3A_380, %mul3A_381 : i32
      %swap3A = arith.index_cast %mul3A_382 : i32 to index
      %swap3A_383 = tpu.vector_load %arg9[%swap3A] {strides = array<i32>} : memref<128xf32, #tpu.memory_space<vmem>>, vector<16xf32>,
      %swap3A_384 = vector.shape_cast %swap3A_383 : vector<16xf32> to vector<16xf32>
      %swap3A_385 = vector.shape_cast %broadcast_in_dim3A_16 : vector<16xf32> to vector<16xf32>
      tpu.vector_store %arg9[%swap3A], %swap3A_385 {strides = array<i32>} : memref<128xf32, #tpu.memory_space<vmem>>, vector<16xf32>,
    }
    %scan3A_23 = arith.constant 8 : i32
    %scan3A_24 = arith.constant 0 : i32
    %scan3A_25 = arith.constant 0 : i32
    %scan3A_26 = arith.constant 5 : i32
    %scan3A_27 = arith.addi %scan3A_25, %scan3A_26 : i32
    %scan3A_28 = arith.constant 1 : i32
    scf.for %scan3A_380 = %scan3A_25 to %scan3A_27 step %scan3A_28  : i32 {
      %mul3A_381 = arith.constant 16 : i32
      %mul3A_382 = arith.muli %scan3A_380, %mul3A_381 : i32
      %swap3A = arith.index_cast %mul3A_382 : i32 to index
      %swap3A_383 = tpu.vector_load %arg10[%swap3A] {strides = array<i32>} : memref<80xf32, #tpu.memory_space<vmem>>, vector<16xf32>,
      %swap3A_384 = vector.shape_cast %swap3A_383 : vector<16xf32> to vector<16xf32>
      %swap3A_385 = vector.shape_cast %broadcast_in_dim3A_18 : vector<16xf32> to vector<16xf32>
      tpu.vector_store %arg10[%swap3A], %swap3A_385 {strides = array<i32>} : memref<80xf32, #tpu.memory_space<vmem>>, vector<16xf32>,
    }
    %scan3A_29 = arith.constant 5 : i32
    %mul3A_30 = arith.constant 125 : i32
    %mul3A_31 = arith.muli %mul3A_30, %arg1 : i32
    %jit3A = arith.constant 16 : i32
    %div3A = arith.divsi %mul3A_31, %jit3A : i32
    %sign3A = arith.constant 0 : i32
    %sign3A_32 = arith.cmpi sgt, %mul3A_31, %sign3A : i32
    %sign3A_33 = arith.extui %sign3A_32 : i1 to i32
    %sign3A_34 = arith.constant 0 : i32
    %sign3A_35 = arith.cmpi slt, %mul3A_31, %sign3A_34 : i32
    %sign3A_36 = arith.extui %sign3A_35 : i1 to i32
    %sign3A_37 = arith.subi %sign3A_33, %sign3A_36 : i32
    %sign3A_38 = arith.constant 0 : i32
    %sign3A_39 = arith.cmpi sgt, %jit3A, %sign3A_38 : i32
    %sign3A_40 = arith.extui %sign3A_39 : i1 to i32
    %sign3A_41 = arith.constant 0 : i32
    %sign3A_42 = arith.cmpi slt, %jit3A, %sign3A_41 : i32
    %sign3A_43 = arith.extui %sign3A_42 : i1 to i32
    %sign3A_44 = arith.subi %sign3A_40, %sign3A_43 : i32
    %ne3A = arith.cmpi ne, %sign3A_37, %sign3A_44 : i32
    %rem3A = arith.remsi %mul3A_31, %jit3A : i32
    %ne3A_45 = arith.constant 0 : i32
    %ne3A_46 = arith.cmpi ne, %rem3A, %ne3A_45 : i32
    %and3A = arith.andi %ne3A, %ne3A_46 : i1
    %sub3A = arith.constant 1 : i32
    %sub3A_47 = arith.subi %div3A, %sub3A : i32
    %select_n3A = arith.select %and3A, %sub3A_47, %div3A : i32
    %add3A_48 = arith.constant 1 : i32
    %add3A_49 = arith.addi %arg1, %add3A_48 : i32
    %mul3A_50 = arith.constant 125 : i32
    %mul3A_51 = arith.muli %mul3A_50, %add3A_49 : i32
    %jit3A_52 = arith.constant 16 : i32
    %div3A_53 = arith.divsi %mul3A_51, %jit3A_52 : i32
    %sign3A_54 = arith.constant 0 : i32
    %sign3A_55 = arith.cmpi sgt, %mul3A_51, %sign3A_54 : i32
    %sign3A_56 = arith.extui %sign3A_55 : i1 to i32
    %sign3A_57 = arith.constant 0 : i32
    %sign3A_58 = arith.cmpi slt, %mul3A_51, %sign3A_57 : i32
    %sign3A_59 = arith.extui %sign3A_58 : i1 to i32
    %sign3A_60 = arith.subi %sign3A_56, %sign3A_59 : i32
    %sign3A_61 = arith.constant 0 : i32
    %sign3A_62 = arith.cmpi sgt, %jit3A_52, %sign3A_61 : i32
    %sign3A_63 = arith.extui %sign3A_62 : i1 to i32
    %sign3A_64 = arith.constant 0 : i32
    %sign3A_65 = arith.cmpi slt, %jit3A_52, %sign3A_64 : i32
    %sign3A_66 = arith.extui %sign3A_65 : i1 to i32
    %sign3A_67 = arith.subi %sign3A_63, %sign3A_66 : i32
    %ne3A_68 = arith.cmpi ne, %sign3A_60, %sign3A_67 : i32
    %rem3A_69 = arith.remsi %mul3A_51, %jit3A_52 : i32
    %ne3A_70 = arith.constant 0 : i32
    %ne3A_71 = arith.cmpi ne, %rem3A_69, %ne3A_70 : i32
    %and3A_72 = arith.andi %ne3A_68, %ne3A_71 : i1
    %sub3A_73 = arith.constant 1 : i32
    %sub3A_74 = arith.subi %div3A_53, %sub3A_73 : i32
    %select_n3A_75 = arith.select %and3A_72, %sub3A_74, %div3A_53 : i32
    %while3A = arith.constant 0 : i32
    %while3A_76 = arith.subi %select_n3A_75, %select_n3A : i32
    %while3A_77 = arith.addi %select_n3A, %while3A_76 : i32
    %while3A_78 = arith.constant 1 : i32
    %while3A_79 = arith.divsi %while3A_76, %while3A_78 : i32
    %while3A_80 = arith.muli %while3A_79, %while3A_78 : i32
    %while3A_81 = arith.addi %select_n3A, %while3A_80 : i32
    %while3A_82 = arith.constant 1 : i32
    scf.for %while3A_380 = %select_n3A to %while3A_81 step %while3A_82  : i32 {
      %mul3A_381 = arith.constant 80 : i32
      %mul3A_382 = arith.muli %while3A_380, %mul3A_381 : i32
      %dma_start3A_383 = tpu.memref_slice %arg5[%mul3A_382] : memref<10000xf32, #tpu.memory_space<vmem_shared>> -> memref<80xf32, #tpu.memory_space<vmem_shared>>
      %dma_start3A_384 = tpu.memref_slice %arg5[%mul3A_382] : memref<10000xf32, #tpu.memory_space<vmem_shared>> -> memref<80xf32, #tpu.memory_space<vmem_shared>>
      tpu.enqueue_dma source(%arg10 : memref<80xf32, #tpu.memory_space<vmem>>) target(%dma_start3A_384 : memref<80xf32, #tpu.memory_space<vmem_shared>>) target_semaphore(%arg12 : memref<!tpu.dma_semaphore, #tpu.memory_space<semaphore_mem>>)
      %mul3A_385 = arith.constant 80 : i32
      %mul3A_386 = arith.muli %while3A_380, %mul3A_385 : i32
      %dma_start3A_387 = tpu.memref_slice %arg6[%mul3A_386] : memref<10000xf32, #tpu.memory_space<vmem_shared>> -> memref<80xf32, #tpu.memory_space<vmem_shared>>
      %dma_start3A_388 = tpu.memref_slice %arg6[%mul3A_386] : memref<10000xf32, #tpu.memory_space<vmem_shared>> -> memref<80xf32, #tpu.memory_space<vmem_shared>>
      tpu.enqueue_dma source(%arg10 : memref<80xf32, #tpu.memory_space<vmem>>) target(%dma_start3A_388 : memref<80xf32, #tpu.memory_space<vmem_shared>>) target_semaphore(%arg12 : memref<!tpu.dma_semaphore, #tpu.memory_space<semaphore_mem>>)
    }
    %while3A_83 = arith.constant 1 : i32
    scf.for %while3A_380 = %while3A_81 to %while3A_77 step %while3A_83  : i32 {
      %mul3A_381 = arith.constant 80 : i32
      %mul3A_382 = arith.muli %while3A_380, %mul3A_381 : i32
      %dma_start3A_383 = tpu.memref_slice %arg5[%mul3A_382] : memref<10000xf32, #tpu.memory_space<vmem_shared>> -> memref<80xf32, #tpu.memory_space<vmem_shared>>
      %dma_start3A_384 = tpu.memref_slice %arg5[%mul3A_382] : memref<10000xf32, #tpu.memory_space<vmem_shared>> -> memref<80xf32, #tpu.memory_space<vmem_shared>>
      tpu.enqueue_dma source(%arg10 : memref<80xf32, #tpu.memory_space<vmem>>) target(%dma_start3A_384 : memref<80xf32, #tpu.memory_space<vmem_shared>>) target_semaphore(%arg12 : memref<!tpu.dma_semaphore, #tpu.memory_space<semaphore_mem>>)
      %mul3A_385 = arith.constant 80 : i32
      %mul3A_386 = arith.muli %while3A_380, %mul3A_385 : i32
      %dma_start3A_387 = tpu.memref_slice %arg6[%mul3A_386] : memref<10000xf32, #tpu.memory_space<vmem_shared>> -> memref<80xf32, #tpu.memory_space<vmem_shared>>
      %dma_start3A_388 = tpu.memref_slice %arg6[%mul3A_386] : memref<10000xf32, #tpu.memory_space<vmem_shared>> -> memref<80xf32, #tpu.memory_space<vmem_shared>>
      tpu.enqueue_dma source(%arg10 : memref<80xf32, #tpu.memory_space<vmem>>) target(%dma_start3A_388 : memref<80xf32, #tpu.memory_space<vmem_shared>>) target_semaphore(%arg12 : memref<!tpu.dma_semaphore, #tpu.memory_space<semaphore_mem>>)
    }
    %dma_wait3A = arith.constant 0 : i32
    %dma_wait3A_84 = arith.constant 0 : i32
    %dma_wait3A_85 = tpu.memref_slice %arg2[%add3A, %dma_wait3A, %dma_wait3A_84] : memref<32x80x125xi32, #tpu.memory_space<hbm>> -> memref<1x80x125xi32, #tpu.memory_space<hbm>>
    %dma_wait3A_86 = tpu.memref_squeeze %dma_wait3A_85 : memref<1x80x125xi32, #tpu.memory_space<hbm>> -> memref<80x125xi32, #tpu.memory_space<hbm>>
    %dma_wait3A_87 = arith.constant 0 : i32
    %dma_wait3A_88 = arith.constant 0 : i32
    %dma_wait3A_89 = tpu.memref_slice %arg2[%add3A, %dma_wait3A_87, %dma_wait3A_88] : memref<32x80x125xi32, #tpu.memory_space<hbm>> -> memref<1x80x125xi32, #tpu.memory_space<hbm>>
    %dma_wait3A_90 = tpu.memref_squeeze %dma_wait3A_89 : memref<1x80x125xi32, #tpu.memory_space<hbm>> -> memref<80x125xi32, #tpu.memory_space<hbm>>
    tpu.wait_dma2 semaphore(%arg11 : memref<!tpu.dma_semaphore, #tpu.memory_space<semaphore_mem>>) src(%dma_wait3A_90 : memref<80x125xi32, #tpu.memory_space<hbm>>) dst(%arg7 : memref<80x125xi32, #tpu.memory_space<vmem>>)
    %dma_wait3A_91 = arith.constant 0 : i32
    %dma_wait3A_92 = arith.constant 0 : i32
    %dma_wait3A_93 = tpu.memref_slice %arg3[%add3A, %dma_wait3A_91, %dma_wait3A_92] : memref<32x80x125xi32, #tpu.memory_space<hbm>> -> memref<1x80x125xi32, #tpu.memory_space<hbm>>
    %dma_wait3A_94 = tpu.memref_squeeze %dma_wait3A_93 : memref<1x80x125xi32, #tpu.memory_space<hbm>> -> memref<80x125xi32, #tpu.memory_space<hbm>>
    %dma_wait3A_95 = arith.constant 0 : i32
    %dma_wait3A_96 = arith.constant 0 : i32
    %dma_wait3A_97 = tpu.memref_slice %arg3[%add3A, %dma_wait3A_95, %dma_wait3A_96] : memref<32x80x125xi32, #tpu.memory_space<hbm>> -> memref<1x80x125xi32, #tpu.memory_space<hbm>>
    %dma_wait3A_98 = tpu.memref_squeeze %dma_wait3A_97 : memref<1x80x125xi32, #tpu.memory_space<hbm>> -> memref<80x125xi32, #tpu.memory_space<hbm>>
    tpu.wait_dma2 semaphore(%arg11 : memref<!tpu.dma_semaphore, #tpu.memory_space<semaphore_mem>>) src(%dma_wait3A_98 : memref<80x125xi32, #tpu.memory_space<hbm>>) dst(%arg8 : memref<80x125xi32, #tpu.memory_space<vmem>>)
    %while3A_99 = arith.constant 0 : i32
    %while3A_100 = arith.subi %select_n3A_75, %select_n3A : i32
    %while3A_101 = arith.addi %select_n3A, %while3A_100 : i32
    %while3A_102 = arith.constant 1 : i32
    %while3A_103 = arith.divsi %while3A_100, %while3A_102 : i32
    %while3A_104 = arith.muli %while3A_103, %while3A_102 : i32
    %while3A_105 = arith.addi %select_n3A, %while3A_104 : i32
    %while3A_106 = arith.constant 1 : i32
    scf.for %while3A_380 = %select_n3A to %while3A_105 step %while3A_106  : i32 {
      %mul3A_381 = arith.constant 80 : i32
      %mul3A_382 = arith.muli %while3A_380, %mul3A_381 : i32
      %dma_wait3A_383 = tpu.memref_slice %arg5[%mul3A_382] : memref<10000xf32, #tpu.memory_space<vmem_shared>> -> memref<80xf32, #tpu.memory_space<vmem_shared>>
      %dma_wait3A_384 = tpu.memref_slice %arg5[%mul3A_382] : memref<10000xf32, #tpu.memory_space<vmem_shared>> -> memref<80xf32, #tpu.memory_space<vmem_shared>>
      tpu.wait_dma2 semaphore(%arg12 : memref<!tpu.dma_semaphore, #tpu.memory_space<semaphore_mem>>) src(%arg10 : memref<80xf32, #tpu.memory_space<vmem>>) dst(%dma_wait3A_384 : memref<80xf32, #tpu.memory_space<vmem_shared>>)
      %mul3A_385 = arith.constant 80 : i32
      %mul3A_386 = arith.muli %while3A_380, %mul3A_385 : i32
      %dma_wait3A_387 = tpu.memref_slice %arg6[%mul3A_386] : memref<10000xf32, #tpu.memory_space<vmem_shared>> -> memref<80xf32, #tpu.memory_space<vmem_shared>>
      %dma_wait3A_388 = tpu.memref_slice %arg6[%mul3A_386] : memref<10000xf32, #tpu.memory_space<vmem_shared>> -> memref<80xf32, #tpu.memory_space<vmem_shared>>
      tpu.wait_dma2 semaphore(%arg12 : memref<!tpu.dma_semaphore, #tpu.memory_space<semaphore_mem>>) src(%arg10 : memref<80xf32, #tpu.memory_space<vmem>>) dst(%dma_wait3A_388 : memref<80xf32, #tpu.memory_space<vmem_shared>>)
    }
    %while3A_107 = arith.constant 1 : i32
    scf.for %while3A_380 = %while3A_105 to %while3A_101 step %while3A_107  : i32 {
      %mul3A_381 = arith.constant 80 : i32
      %mul3A_382 = arith.muli %while3A_380, %mul3A_381 : i32
      %dma_wait3A_383 = tpu.memref_slice %arg5[%mul3A_382] : memref<10000xf32, #tpu.memory_space<vmem_shared>> -> memref<80xf32, #tpu.memory_space<vmem_shared>>
      %dma_wait3A_384 = tpu.memref_slice %arg5[%mul3A_382] : memref<10000xf32, #tpu.memory_space<vmem_shared>> -> memref<80xf32, #tpu.memory_space<vmem_shared>>
      tpu.wait_dma2 semaphore(%arg12 : memref<!tpu.dma_semaphore, #tpu.memory_space<semaphore_mem>>) src(%arg10 : memref<80xf32, #tpu.memory_space<vmem>>) dst(%dma_wait3A_384 : memref<80xf32, #tpu.memory_space<vmem_shared>>)
      %mul3A_385 = arith.constant 80 : i32
      %mul3A_386 = arith.muli %while3A_380, %mul3A_385 : i32
      %dma_wait3A_387 = tpu.memref_slice %arg6[%mul3A_386] : memref<10000xf32, #tpu.memory_space<vmem_shared>> -> memref<80xf32, #tpu.memory_space<vmem_shared>>
      %dma_wait3A_388 = tpu.memref_slice %arg6[%mul3A_386] : memref<10000xf32, #tpu.memory_space<vmem_shared>> -> memref<80xf32, #tpu.memory_space<vmem_shared>>
      tpu.wait_dma2 semaphore(%arg12 : memref<!tpu.dma_semaphore, #tpu.memory_space<semaphore_mem>>) src(%arg10 : memref<80xf32, #tpu.memory_space<vmem>>) dst(%dma_wait3A_388 : memref<80xf32, #tpu.memory_space<vmem_shared>>)
    }
    %barrier3A = arith.constant 0 : index
    tpu.barrier barrier_id(%barrier3A)
    %dma_start3A_108 = arith.constant 0 : i32
    %dma_start3A_109 = arith.constant 0 : i32
    %dma_start3A_110 = tpu.memref_slice %arg9[%dma_start3A_109] : memref<128xf32, #tpu.memory_space<vmem>> -> memref<125xf32, #tpu.memory_space<vmem>>
    %dma_start3A_111 = arith.constant 0 : i32
    %dma_start3A_112 = tpu.memref_slice %arg7[%dma_start3A_108, %dma_start3A_111] : memref<80x125xi32, #tpu.memory_space<vmem>> -> memref<1x125xi32, #tpu.memory_space<vmem>>
    %dma_start3A_113 = tpu.memref_squeeze %dma_start3A_112 : memref<1x125xi32, #tpu.memory_space<vmem>> -> memref<125xi32, #tpu.memory_space<vmem>>
    %dma_start3A_114 = arith.constant 0 : i32
    %dma_start3A_115 = tpu.memref_slice %arg5[%dma_start3A_114] : memref<10000xf32, #tpu.memory_space<vmem_shared>> -> memref<10000xf32, #tpu.memory_space<vmem_shared>>
    tpu.enqueue_indirect_dma source(%dma_start3A_110 : memref<125xf32, #tpu.memory_space<vmem>>) target(%dma_start3A_115 : memref<10000xf32, #tpu.memory_space<vmem_shared>>) offsets(%dma_start3A_113 : memref<125xi32, #tpu.memory_space<vmem>>) semaphore(%arg11 : memref<!tpu.dma_semaphore, #tpu.memory_space<semaphore_mem>>) {add = true}
    %dma_start3A_116 = arith.constant 0 : i32
    %dma_start3A_117 = arith.constant 0 : i32
    %dma_start3A_118 = tpu.memref_slice %arg9[%dma_start3A_117] : memref<128xf32, #tpu.memory_space<vmem>> -> memref<125xf32, #tpu.memory_space<vmem>>
    %dma_start3A_119 = arith.constant 0 : i32
    %dma_start3A_120 = tpu.memref_slice %arg8[%dma_start3A_116, %dma_start3A_119] : memref<80x125xi32, #tpu.memory_space<vmem>> -> memref<1x125xi32, #tpu.memory_space<vmem>>
    %dma_start3A_121 = tpu.memref_squeeze %dma_start3A_120 : memref<1x125xi32, #tpu.memory_space<vmem>> -> memref<125xi32, #tpu.memory_space<vmem>>
    %dma_start3A_122 = arith.constant 0 : i32
    %dma_start3A_123 = tpu.memref_slice %arg6[%dma_start3A_122] : memref<10000xf32, #tpu.memory_space<vmem_shared>> -> memref<10000xf32, #tpu.memory_space<vmem_shared>>
    tpu.enqueue_indirect_dma source(%dma_start3A_118 : memref<125xf32, #tpu.memory_space<vmem>>) target(%dma_start3A_123 : memref<10000xf32, #tpu.memory_space<vmem_shared>>) offsets(%dma_start3A_121 : memref<125xi32, #tpu.memory_space<vmem>>) semaphore(%arg12 : memref<!tpu.dma_semaphore, #tpu.memory_space<semaphore_mem>>) {add = true}
    %dma_start3A_124 = arith.constant 1 : i32
    %dma_start3A_125 = arith.constant 0 : i32
    %dma_start3A_126 = tpu.memref_slice %arg9[%dma_start3A_125] : memref<128xf32, #tpu.memory_space<vmem>> -> memref<125xf32, #tpu.memory_space<vmem>>
    %dma_start3A_127 = arith.constant 0 : i32
    %dma_start3A_128 = tpu.memref_slice %arg7[%dma_start3A_124, %dma_start3A_127] : memref<80x125xi32, #tpu.memory_space<vmem>> -> memref<1x125xi32, #tpu.memory_space<vmem>>
    %dma_start3A_129 = tpu.memref_squeeze %dma_start3A_128 : memref<1x125xi32, #tpu.memory_space<vmem>> -> memref<125xi32, #tpu.memory_space<vmem>>
    %dma_start3A_130 = arith.constant 0 : i32
    %dma_start3A_131 = tpu.memref_slice %arg5[%dma_start3A_130] : memref<10000xf32, #tpu.memory_space<vmem_shared>> -> memref<10000xf32, #tpu.memory_space<vmem_shared>>
    tpu.enqueue_indirect_dma source(%dma_start3A_126 : memref<125xf32, #tpu.memory_space<vmem>>) target(%dma_start3A_131 : memref<10000xf32, #tpu.memory_space<vmem_shared>>) offsets(%dma_start3A_129 : memref<125xi32, #tpu.memory_space<vmem>>) semaphore(%arg11 : memref<!tpu.dma_semaphore, #tpu.memory_space<semaphore_mem>>) {add = true}
    %dma_start3A_132 = arith.constant 1 : i32
    %dma_start3A_133 = arith.constant 0 : i32
    %dma_start3A_134 = tpu.memref_slice %arg9[%dma_start3A_133] : memref<128xf32, #tpu.memory_space<vmem>> -> memref<125xf32, #tpu.memory_space<vmem>>
    %dma_start3A_135 = arith.constant 0 : i32
    %dma_start3A_136 = tpu.memref_slice %arg8[%dma_start3A_132, %dma_start3A_135] : memref<80x125xi32, #tpu.memory_space<vmem>> -> memref<1x125xi32, #tpu.memory_space<vmem>>
    %dma_start3A_137 = tpu.memref_squeeze %dma_start3A_136 : memref<1x125xi32, #tpu.memory_space<vmem>> -> memref<125xi32, #tpu.memory_space<vmem>>
    %dma_start3A_138 = arith.constant 0 : i32
    %dma_start3A_139 = tpu.memref_slice %arg6[%dma_start3A_138] : memref<10000xf32, #tpu.memory_space<vmem_shared>> -> memref<10000xf32, #tpu.memory_space<vmem_shared>>
    tpu.enqueue_indirect_dma source(%dma_start3A_134 : memref<125xf32, #tpu.memory_space<vmem>>) target(%dma_start3A_139 : memref<10000xf32, #tpu.memory_space<vmem_shared>>) offsets(%dma_start3A_137 : memref<125xi32, #tpu.memory_space<vmem>>) semaphore(%arg12 : memref<!tpu.dma_semaphore, #tpu.memory_space<semaphore_mem>>) {add = true}
    %dma_start3A_140 = arith.constant 2 : i32
    %dma_start3A_141 = arith.constant 0 : i32
    %dma_start3A_142 = tpu.memref_slice %arg9[%dma_start3A_141] : memref<128xf32, #tpu.memory_space<vmem>> -> memref<125xf32, #tpu.memory_space<vmem>>
    %dma_start3A_143 = arith.constant 0 : i32
    %dma_start3A_144 = tpu.memref_slice %arg7[%dma_start3A_140, %dma_start3A_143] : memref<80x125xi32, #tpu.memory_space<vmem>> -> memref<1x125xi32, #tpu.memory_space<vmem>>
    %dma_start3A_145 = tpu.memref_squeeze %dma_start3A_144 : memref<1x125xi32, #tpu.memory_space<vmem>> -> memref<125xi32, #tpu.memory_space<vmem>>
    %dma_start3A_146 = arith.constant 0 : i32
    %dma_start3A_147 = tpu.memref_slice %arg5[%dma_start3A_146] : memref<10000xf32, #tpu.memory_space<vmem_shared>> -> memref<10000xf32, #tpu.memory_space<vmem_shared>>
    tpu.enqueue_indirect_dma source(%dma_start3A_142 : memref<125xf32, #tpu.memory_space<vmem>>) target(%dma_start3A_147 : memref<10000xf32, #tpu.memory_space<vmem_shared>>) offsets(%dma_start3A_145 : memref<125xi32, #tpu.memory_space<vmem>>) semaphore(%arg11 : memref<!tpu.dma_semaphore, #tpu.memory_space<semaphore_mem>>) {add = true}
    %dma_start3A_148 = arith.constant 2 : i32
    %dma_start3A_149 = arith.constant 0 : i32
    %dma_start3A_150 = tpu.memref_slice %arg9[%dma_start3A_149] : memref<128xf32, #tpu.memory_space<vmem>> -> memref<125xf32, #tpu.memory_space<vmem>>
    %dma_start3A_151 = arith.constant 0 : i32
    %dma_start3A_152 = tpu.memref_slice %arg8[%dma_start3A_148, %dma_start3A_151] : memref<80x125xi32, #tpu.memory_space<vmem>> -> memref<1x125xi32, #tpu.memory_space<vmem>>
    %dma_start3A_153 = tpu.memref_squeeze %dma_start3A_152 : memref<1x125xi32, #tpu.memory_space<vmem>> -> memref<125xi32, #tpu.memory_space<vmem>>
    %dma_start3A_154 = arith.constant 0 : i32
    %dma_start3A_155 = tpu.memref_slice %arg6[%dma_start3A_154] : memref<10000xf32, #tpu.memory_space<vmem_shared>> -> memref<10000xf32, #tpu.memory_space<vmem_shared>>
    tpu.enqueue_indirect_dma source(%dma_start3A_150 : memref<125xf32, #tpu.memory_space<vmem>>) target(%dma_start3A_155 : memref<10000xf32, #tpu.memory_space<vmem_shared>>) offsets(%dma_start3A_153 : memref<125xi32, #tpu.memory_space<vmem>>) semaphore(%arg12 : memref<!tpu.dma_semaphore, #tpu.memory_space<semaphore_mem>>) {add = true}
    %dma_start3A_156 = arith.constant 3 : i32
    %dma_start3A_157 = arith.constant 0 : i32
    %dma_start3A_158 = tpu.memref_slice %arg9[%dma_start3A_157] : memref<128xf32, #tpu.memory_space<vmem>> -> memref<125xf32, #tpu.memory_space<vmem>>
    %dma_start3A_159 = arith.constant 0 : i32
    %dma_start3A_160 = tpu.memref_slice %arg7[%dma_start3A_156, %dma_start3A_159] : memref<80x125xi32, #tpu.memory_space<vmem>> -> memref<1x125xi32, #tpu.memory_space<vmem>>
    %dma_start3A_161 = tpu.memref_squeeze %dma_start3A_160 : memref<1x125xi32, #tpu.memory_space<vmem>> -> memref<125xi32, #tpu.memory_space<vmem>>
    %dma_start3A_162 = arith.constant 0 : i32
    %dma_start3A_163 = tpu.memref_slice %arg5[%dma_start3A_162] : memref<10000xf32, #tpu.memory_space<vmem_shared>> -> memref<10000xf32, #tpu.memory_space<vmem_shared>>
    tpu.enqueue_indirect_dma source(%dma_start3A_158 : memref<125xf32, #tpu.memory_space<vmem>>) target(%dma_start3A_163 : memref<10000xf32, #tpu.memory_space<vmem_shared>>) offsets(%dma_start3A_161 : memref<125xi32, #tpu.memory_space<vmem>>) semaphore(%arg11 : memref<!tpu.dma_semaphore, #tpu.memory_space<semaphore_mem>>) {add = true}
    %dma_start3A_164 = arith.constant 3 : i32
    %dma_start3A_165 = arith.constant 0 : i32
    %dma_start3A_166 = tpu.memref_slice %arg9[%dma_start3A_165] : memref<128xf32, #tpu.memory_space<vmem>> -> memref<125xf32, #tpu.memory_space<vmem>>
    %dma_start3A_167 = arith.constant 0 : i32
    %dma_start3A_168 = tpu.memref_slice %arg8[%dma_start3A_164, %dma_start3A_167] : memref<80x125xi32, #tpu.memory_space<vmem>> -> memref<1x125xi32, #tpu.memory_space<vmem>>
    %dma_start3A_169 = tpu.memref_squeeze %dma_start3A_168 : memref<1x125xi32, #tpu.memory_space<vmem>> -> memref<125xi32, #tpu.memory_space<vmem>>
    %dma_start3A_170 = arith.constant 0 : i32
    %dma_start3A_171 = tpu.memref_slice %arg6[%dma_start3A_170] : memref<10000xf32, #tpu.memory_space<vmem_shared>> -> memref<10000xf32, #tpu.memory_space<vmem_shared>>
    tpu.enqueue_indirect_dma source(%dma_start3A_166 : memref<125xf32, #tpu.memory_space<vmem>>) target(%dma_start3A_171 : memref<10000xf32, #tpu.memory_space<vmem_shared>>) offsets(%dma_start3A_169 : memref<125xi32, #tpu.memory_space<vmem>>) semaphore(%arg12 : memref<!tpu.dma_semaphore, #tpu.memory_space<semaphore_mem>>) {add = true}
    %dma_start3A_172 = arith.constant 4 : i32
    %dma_start3A_173 = arith.constant 0 : i32
    %dma_start3A_174 = tpu.memref_slice %arg9[%dma_start3A_173] : memref<128xf32, #tpu.memory_space<vmem>> -> memref<125xf32, #tpu.memory_space<vmem>>
    %dma_start3A_175 = arith.constant 0 : i32
    %dma_start3A_176 = tpu.memref_slice %arg7[%dma_start3A_172, %dma_start3A_175] : memref<80x125xi32, #tpu.memory_space<vmem>> -> memref<1x125xi32, #tpu.memory_space<vmem>>
    %dma_start3A_177 = tpu.memref_squeeze %dma_start3A_176 : memref<1x125xi32, #tpu.memory_space<vmem>> -> memref<125xi32, #tpu.memory_space<vmem>>
    %dma_start3A_178 = arith.constant 0 : i32
    %dma_start3A_179 = tpu.memref_slice %arg5[%dma_start3A_178] : memref<10000xf32, #tpu.memory_space<vmem_shared>> -> memref<10000xf32, #tpu.memory_space<vmem_shared>>
    tpu.enqueue_indirect_dma source(%dma_start3A_174 : memref<125xf32, #tpu.memory_space<vmem>>) target(%dma_start3A_179 : memref<10000xf32, #tpu.memory_space<vmem_shared>>) offsets(%dma_start3A_177 : memref<125xi32, #tpu.memory_space<vmem>>) semaphore(%arg11 : memref<!tpu.dma_semaphore, #tpu.memory_space<semaphore_mem>>) {add = true}
    %dma_start3A_180 = arith.constant 4 : i32
    %dma_start3A_181 = arith.constant 0 : i32
    %dma_start3A_182 = tpu.memref_slice %arg9[%dma_start3A_181] : memref<128xf32, #tpu.memory_space<vmem>> -> memref<125xf32, #tpu.memory_space<vmem>>
    %dma_start3A_183 = arith.constant 0 : i32
    %dma_start3A_184 = tpu.memref_slice %arg8[%dma_start3A_180, %dma_start3A_183] : memref<80x125xi32, #tpu.memory_space<vmem>> -> memref<1x125xi32, #tpu.memory_space<vmem>>
    %dma_start3A_185 = tpu.memref_squeeze %dma_start3A_184 : memref<1x125xi32, #tpu.memory_space<vmem>> -> memref<125xi32, #tpu.memory_space<vmem>>
    %dma_start3A_186 = arith.constant 0 : i32
    %dma_start3A_187 = tpu.memref_slice %arg6[%dma_start3A_186] : memref<10000xf32, #tpu.memory_space<vmem_shared>> -> memref<10000xf32, #tpu.memory_space<vmem_shared>>
    tpu.enqueue_indirect_dma source(%dma_start3A_182 : memref<125xf32, #tpu.memory_space<vmem>>) target(%dma_start3A_187 : memref<10000xf32, #tpu.memory_space<vmem_shared>>) offsets(%dma_start3A_185 : memref<125xi32, #tpu.memory_space<vmem>>) semaphore(%arg12 : memref<!tpu.dma_semaphore, #tpu.memory_space<semaphore_mem>>) {add = true}
    %dma_start3A_188 = arith.constant 5 : i32
    %dma_start3A_189 = arith.constant 0 : i32
    %dma_start3A_190 = tpu.memref_slice %arg9[%dma_start3A_189] : memref<128xf32, #tpu.memory_space<vmem>> -> memref<125xf32, #tpu.memory_space<vmem>>
    %dma_start3A_191 = arith.constant 0 : i32
    %dma_start3A_192 = tpu.memref_slice %arg7[%dma_start3A_188, %dma_start3A_191] : memref<80x125xi32, #tpu.memory_space<vmem>> -> memref<1x125xi32, #tpu.memory_space<vmem>>
    %dma_start3A_193 = tpu.memref_squeeze %dma_start3A_192 : memref<1x125xi32, #tpu.memory_space<vmem>> -> memref<125xi32, #tpu.memory_space<vmem>>
    %dma_start3A_194 = arith.constant 0 : i32
    %dma_start3A_195 = tpu.memref_slice %arg5[%dma_start3A_194] : memref<10000xf32, #tpu.memory_space<vmem_shared>> -> memref<10000xf32, #tpu.memory_space<vmem_shared>>
    tpu.enqueue_indirect_dma source(%dma_start3A_190 : memref<125xf32, #tpu.memory_space<vmem>>) target(%dma_start3A_195 : memref<10000xf32, #tpu.memory_space<vmem_shared>>) offsets(%dma_start3A_193 : memref<125xi32, #tpu.memory_space<vmem>>) semaphore(%arg11 : memref<!tpu.dma_semaphore, #tpu.memory_space<semaphore_mem>>) {add = true}
    %dma_start3A_196 = arith.constant 5 : i32
    %dma_start3A_197 = arith.constant 0 : i32
    %dma_start3A_198 = tpu.memref_slice %arg9[%dma_start3A_197] : memref<128xf32, #tpu.memory_space<vmem>> -> memref<125xf32, #tpu.memory_space<vmem>>
    %dma_start3A_199 = arith.constant 0 : i32
    %dma_start3A_200 = tpu.memref_slice %arg8[%dma_start3A_196, %dma_start3A_199] : memref<80x125xi32, #tpu.memory_space<vmem>> -> memref<1x125xi32, #tpu.memory_space<vmem>>
    %dma_start3A_201 = tpu.memref_squeeze %dma_start3A_200 : memref<1x125xi32, #tpu.memory_space<vmem>> -> memref<125xi32, #tpu.memory_space<vmem>>
    %dma_start3A_202 = arith.constant 0 : i32
    %dma_start3A_203 = tpu.memref_slice %arg6[%dma_start3A_202] : memref<10000xf32, #tpu.memory_space<vmem_shared>> -> memref<10000xf32, #tpu.memory_space<vmem_shared>>
    tpu.enqueue_indirect_dma source(%dma_start3A_198 : memref<125xf32, #tpu.memory_space<vmem>>) target(%dma_start3A_203 : memref<10000xf32, #tpu.memory_space<vmem_shared>>) offsets(%dma_start3A_201 : memref<125xi32, #tpu.memory_space<vmem>>) semaphore(%arg12 : memref<!tpu.dma_semaphore, #tpu.memory_space<semaphore_mem>>) {add = true}
    %dma_start3A_204 = arith.constant 6 : i32
    %dma_start3A_205 = arith.constant 0 : i32
    %dma_start3A_206 = tpu.memref_slice %arg9[%dma_start3A_205] : memref<128xf32, #tpu.memory_space<vmem>> -> memref<125xf32, #tpu.memory_space<vmem>>
    %dma_start3A_207 = arith.constant 0 : i32
    %dma_start3A_208 = tpu.memref_slice %arg7[%dma_start3A_204, %dma_start3A_207] : memref<80x125xi32, #tpu.memory_space<vmem>> -> memref<1x125xi32, #tpu.memory_space<vmem>>
    %dma_start3A_209 = tpu.memref_squeeze %dma_start3A_208 : memref<1x125xi32, #tpu.memory_space<vmem>> -> memref<125xi32, #tpu.memory_space<vmem>>
    %dma_start3A_210 = arith.constant 0 : i32
    %dma_start3A_211 = tpu.memref_slice %arg5[%dma_start3A_210] : memref<10000xf32, #tpu.memory_space<vmem_shared>> -> memref<10000xf32, #tpu.memory_space<vmem_shared>>
    tpu.enqueue_indirect_dma source(%dma_start3A_206 : memref<125xf32, #tpu.memory_space<vmem>>) target(%dma_start3A_211 : memref<10000xf32, #tpu.memory_space<vmem_shared>>) offsets(%dma_start3A_209 : memref<125xi32, #tpu.memory_space<vmem>>) semaphore(%arg11 : memref<!tpu.dma_semaphore, #tpu.memory_space<semaphore_mem>>) {add = true}
    %dma_start3A_212 = arith.constant 6 : i32
    %dma_start3A_213 = arith.constant 0 : i32
    %dma_start3A_214 = tpu.memref_slice %arg9[%dma_start3A_213] : memref<128xf32, #tpu.memory_space<vmem>> -> memref<125xf32, #tpu.memory_space<vmem>>
    %dma_start3A_215 = arith.constant 0 : i32
    %dma_start3A_216 = tpu.memref_slice %arg8[%dma_start3A_212, %dma_start3A_215] : memref<80x125xi32, #tpu.memory_space<vmem>> -> memref<1x125xi32, #tpu.memory_space<vmem>>
    %dma_start3A_217 = tpu.memref_squeeze %dma_start3A_216 : memref<1x125xi32, #tpu.memory_space<vmem>> -> memref<125xi32, #tpu.memory_space<vmem>>
    %dma_start3A_218 = arith.constant 0 : i32
    %dma_start3A_219 = tpu.memref_slice %arg6[%dma_start3A_218] : memref<10000xf32, #tpu.memory_space<vmem_shared>> -> memref<10000xf32, #tpu.memory_space<vmem_shared>>
    tpu.enqueue_indirect_dma source(%dma_start3A_214 : memref<125xf32, #tpu.memory_space<vmem>>) target(%dma_start3A_219 : memref<10000xf32, #tpu.memory_space<vmem_shared>>) offsets(%dma_start3A_217 : memref<125xi32, #tpu.memory_space<vmem>>) semaphore(%arg12 : memref<!tpu.dma_semaphore, #tpu.memory_space<semaphore_mem>>) {add = true}
    %dma_start3A_220 = arith.constant 7 : i32
    %dma_start3A_221 = arith.constant 0 : i32
    %dma_start3A_222 = tpu.memref_slice %arg9[%dma_start3A_221] : memref<128xf32, #tpu.memory_space<vmem>> -> memref<125xf32, #tpu.memory_space<vmem>>
    %dma_start3A_223 = arith.constant 0 : i32
    %dma_start3A_224 = tpu.memref_slice %arg7[%dma_start3A_220, %dma_start3A_223] : memref<80x125xi32, #tpu.memory_space<vmem>> -> memref<1x125xi32, #tpu.memory_space<vmem>>
    %dma_start3A_225 = tpu.memref_squeeze %dma_start3A_224 : memref<1x125xi32, #tpu.memory_space<vmem>> -> memref<125xi32, #tpu.memory_space<vmem>>
    %dma_start3A_226 = arith.constant 0 : i32
    %dma_start3A_227 = tpu.memref_slice %arg5[%dma_start3A_226] : memref<10000xf32, #tpu.memory_space<vmem_shared>> -> memref<10000xf32, #tpu.memory_space<vmem_shared>>
    tpu.enqueue_indirect_dma source(%dma_start3A_222 : memref<125xf32, #tpu.memory_space<vmem>>) target(%dma_start3A_227 : memref<10000xf32, #tpu.memory_space<vmem_shared>>) offsets(%dma_start3A_225 : memref<125xi32, #tpu.memory_space<vmem>>) semaphore(%arg11 : memref<!tpu.dma_semaphore, #tpu.memory_space<semaphore_mem>>) {add = true}
    %dma_start3A_228 = arith.constant 7 : i32
    %dma_start3A_229 = arith.constant 0 : i32
    %dma_start3A_230 = tpu.memref_slice %arg9[%dma_start3A_229] : memref<128xf32, #tpu.memory_space<vmem>> -> memref<125xf32, #tpu.memory_space<vmem>>
    %dma_start3A_231 = arith.constant 0 : i32
    %dma_start3A_232 = tpu.memref_slice %arg8[%dma_start3A_228, %dma_start3A_231] : memref<80x125xi32, #tpu.memory_space<vmem>> -> memref<1x125xi32, #tpu.memory_space<vmem>>
    %dma_start3A_233 = tpu.memref_squeeze %dma_start3A_232 : memref<1x125xi32, #tpu.memory_space<vmem>> -> memref<125xi32, #tpu.memory_space<vmem>>
    %dma_start3A_234 = arith.constant 0 : i32
    %dma_start3A_235 = tpu.memref_slice %arg6[%dma_start3A_234] : memref<10000xf32, #tpu.memory_space<vmem_shared>> -> memref<10000xf32, #tpu.memory_space<vmem_shared>>
    tpu.enqueue_indirect_dma source(%dma_start3A_230 : memref<125xf32, #tpu.memory_space<vmem>>) target(%dma_start3A_235 : memref<10000xf32, #tpu.memory_space<vmem_shared>>) offsets(%dma_start3A_233 : memref<125xi32, #tpu.memory_space<vmem>>) semaphore(%arg12 : memref<!tpu.dma_semaphore, #tpu.memory_space<semaphore_mem>>) {add = true}
    %scan3A_236 = arith.constant 0 : i32
    %scan3A_237 = arith.constant 1 : i32
    %scan3A_238 = arith.constant 9 : i32
    %scan3A_239 = arith.addi %scan3A_237, %scan3A_238 : i32
    %scan3A_240 = arith.constant 1 : i32
    scf.for %scan3A_380 = %scan3A_237 to %scan3A_239 step %scan3A_240  : i32 {
      %mul3A_381 = arith.constant 8 : i32
      %mul3A_382 = arith.muli %scan3A_380, %mul3A_381 : i32
      %add3A_383 = arith.constant 0 : i32
      %add3A_384 = arith.addi %mul3A_382, %add3A_383 : i32
      %dma_start3A_385 = arith.constant 0 : i32
      %dma_start3A_386 = tpu.memref_slice %arg9[%dma_start3A_385] : memref<128xf32, #tpu.memory_space<vmem>> -> memref<125xf32, #tpu.memory_space<vmem>>
      %dma_start3A_387 = arith.constant 0 : i32
      %dma_start3A_388 = tpu.memref_slice %arg7[%add3A_384, %dma_start3A_387] : memref<80x125xi32, #tpu.memory_space<vmem>> -> memref<1x125xi32, #tpu.memory_space<vmem>>
      %dma_start3A_389 = tpu.memref_squeeze %dma_start3A_388 : memref<1x125xi32, #tpu.memory_space<vmem>> -> memref<125xi32, #tpu.memory_space<vmem>>
      %dma_start3A_390 = arith.constant 0 : i32
      %dma_start3A_391 = tpu.memref_slice %arg5[%dma_start3A_390] : memref<10000xf32, #tpu.memory_space<vmem_shared>> -> memref<10000xf32, #tpu.memory_space<vmem_shared>>
      tpu.enqueue_indirect_dma source(%dma_start3A_386 : memref<125xf32, #tpu.memory_space<vmem>>) target(%dma_start3A_391 : memref<10000xf32, #tpu.memory_space<vmem_shared>>) offsets(%dma_start3A_389 : memref<125xi32, #tpu.memory_space<vmem>>) semaphore(%arg11 : memref<!tpu.dma_semaphore, #tpu.memory_space<semaphore_mem>>) {add = true}
      %dma_start3A_392 = arith.constant 0 : i32
      %dma_start3A_393 = tpu.memref_slice %arg9[%dma_start3A_392] : memref<128xf32, #tpu.memory_space<vmem>> -> memref<125xf32, #tpu.memory_space<vmem>>
      %dma_start3A_394 = arith.constant 0 : i32
      %dma_start3A_395 = tpu.memref_slice %arg8[%add3A_384, %dma_start3A_394] : memref<80x125xi32, #tpu.memory_space<vmem>> -> memref<1x125xi32, #tpu.memory_space<vmem>>
      %dma_start3A_396 = tpu.memref_squeeze %dma_start3A_395 : memref<1x125xi32, #tpu.memory_space<vmem>> -> memref<125xi32, #tpu.memory_space<vmem>>
      %dma_start3A_397 = arith.constant 0 : i32
      %dma_start3A_398 = tpu.memref_slice %arg6[%dma_start3A_397] : memref<10000xf32, #tpu.memory_space<vmem_shared>> -> memref<10000xf32, #tpu.memory_space<vmem_shared>>
      tpu.enqueue_indirect_dma source(%dma_start3A_393 : memref<125xf32, #tpu.memory_space<vmem>>) target(%dma_start3A_398 : memref<10000xf32, #tpu.memory_space<vmem_shared>>) offsets(%dma_start3A_396 : memref<125xi32, #tpu.memory_space<vmem>>) semaphore(%arg12 : memref<!tpu.dma_semaphore, #tpu.memory_space<semaphore_mem>>) {add = true}
      %mul3A_399 = arith.constant 8 : i32
      %mul3A_400 = arith.muli %scan3A_380, %mul3A_399 : i32
      %add3A_401 = arith.constant 1 : i32
      %add3A_402 = arith.addi %mul3A_400, %add3A_401 : i32
      %dma_start3A_403 = arith.constant 0 : i32
      %dma_start3A_404 = tpu.memref_slice %arg9[%dma_start3A_403] : memref<128xf32, #tpu.memory_space<vmem>> -> memref<125xf32, #tpu.memory_space<vmem>>
      %dma_start3A_405 = arith.constant 0 : i32
      %dma_start3A_406 = tpu.memref_slice %arg7[%add3A_402, %dma_start3A_405] : memref<80x125xi32, #tpu.memory_space<vmem>> -> memref<1x125xi32, #tpu.memory_space<vmem>>
      %dma_start3A_407 = tpu.memref_squeeze %dma_start3A_406 : memref<1x125xi32, #tpu.memory_space<vmem>> -> memref<125xi32, #tpu.memory_space<vmem>>
      %dma_start3A_408 = arith.constant 0 : i32
      %dma_start3A_409 = tpu.memref_slice %arg5[%dma_start3A_408] : memref<10000xf32, #tpu.memory_space<vmem_shared>> -> memref<10000xf32, #tpu.memory_space<vmem_shared>>
      tpu.enqueue_indirect_dma source(%dma_start3A_404 : memref<125xf32, #tpu.memory_space<vmem>>) target(%dma_start3A_409 : memref<10000xf32, #tpu.memory_space<vmem_shared>>) offsets(%dma_start3A_407 : memref<125xi32, #tpu.memory_space<vmem>>) semaphore(%arg11 : memref<!tpu.dma_semaphore, #tpu.memory_space<semaphore_mem>>) {add = true}
      %dma_start3A_410 = arith.constant 0 : i32
      %dma_start3A_411 = tpu.memref_slice %arg9[%dma_start3A_410] : memref<128xf32, #tpu.memory_space<vmem>> -> memref<125xf32, #tpu.memory_space<vmem>>
      %dma_start3A_412 = arith.constant 0 : i32
      %dma_start3A_413 = tpu.memref_slice %arg8[%add3A_402, %dma_start3A_412] : memref<80x125xi32, #tpu.memory_space<vmem>> -> memref<1x125xi32, #tpu.memory_space<vmem>>
      %dma_start3A_414 = tpu.memref_squeeze %dma_start3A_413 : memref<1x125xi32, #tpu.memory_space<vmem>> -> memref<125xi32, #tpu.memory_space<vmem>>
      %dma_start3A_415 = arith.constant 0 : i32
      %dma_start3A_416 = tpu.memref_slice %arg6[%dma_start3A_415] : memref<10000xf32, #tpu.memory_space<vmem_shared>> -> memref<10000xf32, #tpu.memory_space<vmem_shared>>
      tpu.enqueue_indirect_dma source(%dma_start3A_411 : memref<125xf32, #tpu.memory_space<vmem>>) target(%dma_start3A_416 : memref<10000xf32, #tpu.memory_space<vmem_shared>>) offsets(%dma_start3A_414 : memref<125xi32, #tpu.memory_space<vmem>>) semaphore(%arg12 : memref<!tpu.dma_semaphore, #tpu.memory_space<semaphore_mem>>) {add = true}
      %mul3A_417 = arith.constant 8 : i32
      %mul3A_418 = arith.muli %scan3A_380, %mul3A_417 : i32
      %add3A_419 = arith.constant 2 : i32
      %add3A_420 = arith.addi %mul3A_418, %add3A_419 : i32
      %dma_start3A_421 = arith.constant 0 : i32
      %dma_start3A_422 = tpu.memref_slice %arg9[%dma_start3A_421] : memref<128xf32, #tpu.memory_space<vmem>> -> memref<125xf32, #tpu.memory_space<vmem>>
      %dma_start3A_423 = arith.constant 0 : i32
      %dma_start3A_424 = tpu.memref_slice %arg7[%add3A_420, %dma_start3A_423] : memref<80x125xi32, #tpu.memory_space<vmem>> -> memref<1x125xi32, #tpu.memory_space<vmem>>
      %dma_start3A_425 = tpu.memref_squeeze %dma_start3A_424 : memref<1x125xi32, #tpu.memory_space<vmem>> -> memref<125xi32, #tpu.memory_space<vmem>>
      %dma_start3A_426 = arith.constant 0 : i32
      %dma_start3A_427 = tpu.memref_slice %arg5[%dma_start3A_426] : memref<10000xf32, #tpu.memory_space<vmem_shared>> -> memref<10000xf32, #tpu.memory_space<vmem_shared>>
      tpu.enqueue_indirect_dma source(%dma_start3A_422 : memref<125xf32, #tpu.memory_space<vmem>>) target(%dma_start3A_427 : memref<10000xf32, #tpu.memory_space<vmem_shared>>) offsets(%dma_start3A_425 : memref<125xi32, #tpu.memory_space<vmem>>) semaphore(%arg11 : memref<!tpu.dma_semaphore, #tpu.memory_space<semaphore_mem>>) {add = true}
      %dma_start3A_428 = arith.constant 0 : i32
      %dma_start3A_429 = tpu.memref_slice %arg9[%dma_start3A_428] : memref<128xf32, #tpu.memory_space<vmem>> -> memref<125xf32, #tpu.memory_space<vmem>>
      %dma_start3A_430 = arith.constant 0 : i32
      %dma_start3A_431 = tpu.memref_slice %arg8[%add3A_420, %dma_start3A_430] : memref<80x125xi32, #tpu.memory_space<vmem>> -> memref<1x125xi32, #tpu.memory_space<vmem>>
      %dma_start3A_432 = tpu.memref_squeeze %dma_start3A_431 : memref<1x125xi32, #tpu.memory_space<vmem>> -> memref<125xi32, #tpu.memory_space<vmem>>
      %dma_start3A_433 = arith.constant 0 : i32
      %dma_start3A_434 = tpu.memref_slice %arg6[%dma_start3A_433] : memref<10000xf32, #tpu.memory_space<vmem_shared>> -> memref<10000xf32, #tpu.memory_space<vmem_shared>>
      tpu.enqueue_indirect_dma source(%dma_start3A_429 : memref<125xf32, #tpu.memory_space<vmem>>) target(%dma_start3A_434 : memref<10000xf32, #tpu.memory_space<vmem_shared>>) offsets(%dma_start3A_432 : memref<125xi32, #tpu.memory_space<vmem>>) semaphore(%arg12 : memref<!tpu.dma_semaphore, #tpu.memory_space<semaphore_mem>>) {add = true}
      %mul3A_435 = arith.constant 8 : i32
      %mul3A_436 = arith.muli %scan3A_380, %mul3A_435 : i32
      %add3A_437 = arith.constant 3 : i32
      %add3A_438 = arith.addi %mul3A_436, %add3A_437 : i32
      %dma_start3A_439 = arith.constant 0 : i32
      %dma_start3A_440 = tpu.memref_slice %arg9[%dma_start3A_439] : memref<128xf32, #tpu.memory_space<vmem>> -> memref<125xf32, #tpu.memory_space<vmem>>
      %dma_start3A_441 = arith.constant 0 : i32
      %dma_start3A_442 = tpu.memref_slice %arg7[%add3A_438, %dma_start3A_441] : memref<80x125xi32, #tpu.memory_space<vmem>> -> memref<1x125xi32, #tpu.memory_space<vmem>>
      %dma_start3A_443 = tpu.memref_squeeze %dma_start3A_442 : memref<1x125xi32, #tpu.memory_space<vmem>> -> memref<125xi32, #tpu.memory_space<vmem>>
      %dma_start3A_444 = arith.constant 0 : i32
      %dma_start3A_445 = tpu.memref_slice %arg5[%dma_start3A_444] : memref<10000xf32, #tpu.memory_space<vmem_shared>> -> memref<10000xf32, #tpu.memory_space<vmem_shared>>
      tpu.enqueue_indirect_dma source(%dma_start3A_440 : memref<125xf32, #tpu.memory_space<vmem>>) target(%dma_start3A_445 : memref<10000xf32, #tpu.memory_space<vmem_shared>>) offsets(%dma_start3A_443 : memref<125xi32, #tpu.memory_space<vmem>>) semaphore(%arg11 : memref<!tpu.dma_semaphore, #tpu.memory_space<semaphore_mem>>) {add = true}
      %dma_start3A_446 = arith.constant 0 : i32
      %dma_start3A_447 = tpu.memref_slice %arg9[%dma_start3A_446] : memref<128xf32, #tpu.memory_space<vmem>> -> memref<125xf32, #tpu.memory_space<vmem>>
      %dma_start3A_448 = arith.constant 0 : i32
      %dma_start3A_449 = tpu.memref_slice %arg8[%add3A_438, %dma_start3A_448] : memref<80x125xi32, #tpu.memory_space<vmem>> -> memref<1x125xi32, #tpu.memory_space<vmem>>
      %dma_start3A_450 = tpu.memref_squeeze %dma_start3A_449 : memref<1x125xi32, #tpu.memory_space<vmem>> -> memref<125xi32, #tpu.memory_space<vmem>>
      %dma_start3A_451 = arith.constant 0 : i32
      %dma_start3A_452 = tpu.memref_slice %arg6[%dma_start3A_451] : memref<10000xf32, #tpu.memory_space<vmem_shared>> -> memref<10000xf32, #tpu.memory_space<vmem_shared>>
      tpu.enqueue_indirect_dma source(%dma_start3A_447 : memref<125xf32, #tpu.memory_space<vmem>>) target(%dma_start3A_452 : memref<10000xf32, #tpu.memory_space<vmem_shared>>) offsets(%dma_start3A_450 : memref<125xi32, #tpu.memory_space<vmem>>) semaphore(%arg12 : memref<!tpu.dma_semaphore, #tpu.memory_space<semaphore_mem>>) {add = true}
      %mul3A_453 = arith.constant 8 : i32
      %mul3A_454 = arith.muli %scan3A_380, %mul3A_453 : i32
      %add3A_455 = arith.constant 4 : i32
      %add3A_456 = arith.addi %mul3A_454, %add3A_455 : i32
      %dma_start3A_457 = arith.constant 0 : i32
      %dma_start3A_458 = tpu.memref_slice %arg9[%dma_start3A_457] : memref<128xf32, #tpu.memory_space<vmem>> -> memref<125xf32, #tpu.memory_space<vmem>>
      %dma_start3A_459 = arith.constant 0 : i32
      %dma_start3A_460 = tpu.memref_slice %arg7[%add3A_456, %dma_start3A_459] : memref<80x125xi32, #tpu.memory_space<vmem>> -> memref<1x125xi32, #tpu.memory_space<vmem>>
      %dma_start3A_461 = tpu.memref_squeeze %dma_start3A_460 : memref<1x125xi32, #tpu.memory_space<vmem>> -> memref<125xi32, #tpu.memory_space<vmem>>
      %dma_start3A_462 = arith.constant 0 : i32
      %dma_start3A_463 = tpu.memref_slice %arg5[%dma_start3A_462] : memref<10000xf32, #tpu.memory_space<vmem_shared>> -> memref<10000xf32, #tpu.memory_space<vmem_shared>>
      tpu.enqueue_indirect_dma source(%dma_start3A_458 : memref<125xf32, #tpu.memory_space<vmem>>) target(%dma_start3A_463 : memref<10000xf32, #tpu.memory_space<vmem_shared>>) offsets(%dma_start3A_461 : memref<125xi32, #tpu.memory_space<vmem>>) semaphore(%arg11 : memref<!tpu.dma_semaphore, #tpu.memory_space<semaphore_mem>>) {add = true}
      %dma_start3A_464 = arith.constant 0 : i32
      %dma_start3A_465 = tpu.memref_slice %arg9[%dma_start3A_464] : memref<128xf32, #tpu.memory_space<vmem>> -> memref<125xf32, #tpu.memory_space<vmem>>
      %dma_start3A_466 = arith.constant 0 : i32
      %dma_start3A_467 = tpu.memref_slice %arg8[%add3A_456, %dma_start3A_466] : memref<80x125xi32, #tpu.memory_space<vmem>> -> memref<1x125xi32, #tpu.memory_space<vmem>>
      %dma_start3A_468 = tpu.memref_squeeze %dma_start3A_467 : memref<1x125xi32, #tpu.memory_space<vmem>> -> memref<125xi32, #tpu.memory_space<vmem>>
      %dma_start3A_469 = arith.constant 0 : i32
      %dma_start3A_470 = tpu.memref_slice %arg6[%dma_start3A_469] : memref<10000xf32, #tpu.memory_space<vmem_shared>> -> memref<10000xf32, #tpu.memory_space<vmem_shared>>
      tpu.enqueue_indirect_dma source(%dma_start3A_465 : memref<125xf32, #tpu.memory_space<vmem>>) target(%dma_start3A_470 : memref<10000xf32, #tpu.memory_space<vmem_shared>>) offsets(%dma_start3A_468 : memref<125xi32, #tpu.memory_space<vmem>>) semaphore(%arg12 : memref<!tpu.dma_semaphore, #tpu.memory_space<semaphore_mem>>) {add = true}
      %mul3A_471 = arith.constant 8 : i32
      %mul3A_472 = arith.muli %scan3A_380, %mul3A_471 : i32
      %add3A_473 = arith.constant 5 : i32
      %add3A_474 = arith.addi %mul3A_472, %add3A_473 : i32
      %dma_start3A_475 = arith.constant 0 : i32
      %dma_start3A_476 = tpu.memref_slice %arg9[%dma_start3A_475] : memref<128xf32, #tpu.memory_space<vmem>> -> memref<125xf32, #tpu.memory_space<vmem>>
      %dma_start3A_477 = arith.constant 0 : i32
      %dma_start3A_478 = tpu.memref_slice %arg7[%add3A_474, %dma_start3A_477] : memref<80x125xi32, #tpu.memory_space<vmem>> -> memref<1x125xi32, #tpu.memory_space<vmem>>
      %dma_start3A_479 = tpu.memref_squeeze %dma_start3A_478 : memref<1x125xi32, #tpu.memory_space<vmem>> -> memref<125xi32, #tpu.memory_space<vmem>>
      %dma_start3A_480 = arith.constant 0 : i32
      %dma_start3A_481 = tpu.memref_slice %arg5[%dma_start3A_480] : memref<10000xf32, #tpu.memory_space<vmem_shared>> -> memref<10000xf32, #tpu.memory_space<vmem_shared>>
      tpu.enqueue_indirect_dma source(%dma_start3A_476 : memref<125xf32, #tpu.memory_space<vmem>>) target(%dma_start3A_481 : memref<10000xf32, #tpu.memory_space<vmem_shared>>) offsets(%dma_start3A_479 : memref<125xi32, #tpu.memory_space<vmem>>) semaphore(%arg11 : memref<!tpu.dma_semaphore, #tpu.memory_space<semaphore_mem>>) {add = true}
      %dma_start3A_482 = arith.constant 0 : i32
      %dma_start3A_483 = tpu.memref_slice %arg9[%dma_start3A_482] : memref<128xf32, #tpu.memory_space<vmem>> -> memref<125xf32, #tpu.memory_space<vmem>>
      %dma_start3A_484 = arith.constant 0 : i32
      %dma_start3A_485 = tpu.memref_slice %arg8[%add3A_474, %dma_start3A_484] : memref<80x125xi32, #tpu.memory_space<vmem>> -> memref<1x125xi32, #tpu.memory_space<vmem>>
      %dma_start3A_486 = tpu.memref_squeeze %dma_start3A_485 : memref<1x125xi32, #tpu.memory_space<vmem>> -> memref<125xi32, #tpu.memory_space<vmem>>
      %dma_start3A_487 = arith.constant 0 : i32
      %dma_start3A_488 = tpu.memref_slice %arg6[%dma_start3A_487] : memref<10000xf32, #tpu.memory_space<vmem_shared>> -> memref<10000xf32, #tpu.memory_space<vmem_shared>>
      tpu.enqueue_indirect_dma source(%dma_start3A_483 : memref<125xf32, #tpu.memory_space<vmem>>) target(%dma_start3A_488 : memref<10000xf32, #tpu.memory_space<vmem_shared>>) offsets(%dma_start3A_486 : memref<125xi32, #tpu.memory_space<vmem>>) semaphore(%arg12 : memref<!tpu.dma_semaphore, #tpu.memory_space<semaphore_mem>>) {add = true}
      %mul3A_489 = arith.constant 8 : i32
      %mul3A_490 = arith.muli %scan3A_380, %mul3A_489 : i32
      %add3A_491 = arith.constant 6 : i32
      %add3A_492 = arith.addi %mul3A_490, %add3A_491 : i32
      %dma_start3A_493 = arith.constant 0 : i32
      %dma_start3A_494 = tpu.memref_slice %arg9[%dma_start3A_493] : memref<128xf32, #tpu.memory_space<vmem>> -> memref<125xf32, #tpu.memory_space<vmem>>
      %dma_start3A_495 = arith.constant 0 : i32
      %dma_start3A_496 = tpu.memref_slice %arg7[%add3A_492, %dma_start3A_495] : memref<80x125xi32, #tpu.memory_space<vmem>> -> memref<1x125xi32, #tpu.memory_space<vmem>>
      %dma_start3A_497 = tpu.memref_squeeze %dma_start3A_496 : memref<1x125xi32, #tpu.memory_space<vmem>> -> memref<125xi32, #tpu.memory_space<vmem>>
      %dma_start3A_498 = arith.constant 0 : i32
      %dma_start3A_499 = tpu.memref_slice %arg5[%dma_start3A_498] : memref<10000xf32, #tpu.memory_space<vmem_shared>> -> memref<10000xf32, #tpu.memory_space<vmem_shared>>
      tpu.enqueue_indirect_dma source(%dma_start3A_494 : memref<125xf32, #tpu.memory_space<vmem>>) target(%dma_start3A_499 : memref<10000xf32, #tpu.memory_space<vmem_shared>>) offsets(%dma_start3A_497 : memref<125xi32, #tpu.memory_space<vmem>>) semaphore(%arg11 : memref<!tpu.dma_semaphore, #tpu.memory_space<semaphore_mem>>) {add = true}
      %dma_start3A_500 = arith.constant 0 : i32
      %dma_start3A_501 = tpu.memref_slice %arg9[%dma_start3A_500] : memref<128xf32, #tpu.memory_space<vmem>> -> memref<125xf32, #tpu.memory_space<vmem>>
      %dma_start3A_502 = arith.constant 0 : i32
      %dma_start3A_503 = tpu.memref_slice %arg8[%add3A_492, %dma_start3A_502] : memref<80x125xi32, #tpu.memory_space<vmem>> -> memref<1x125xi32, #tpu.memory_space<vmem>>
      %dma_start3A_504 = tpu.memref_squeeze %dma_start3A_503 : memref<1x125xi32, #tpu.memory_space<vmem>> -> memref<125xi32, #tpu.memory_space<vmem>>
      %dma_start3A_505 = arith.constant 0 : i32
      %dma_start3A_506 = tpu.memref_slice %arg6[%dma_start3A_505] : memref<10000xf32, #tpu.memory_space<vmem_shared>> -> memref<10000xf32, #tpu.memory_space<vmem_shared>>
      tpu.enqueue_indirect_dma source(%dma_start3A_501 : memref<125xf32, #tpu.memory_space<vmem>>) target(%dma_start3A_506 : memref<10000xf32, #tpu.memory_space<vmem_shared>>) offsets(%dma_start3A_504 : memref<125xi32, #tpu.memory_space<vmem>>) semaphore(%arg12 : memref<!tpu.dma_semaphore, #tpu.memory_space<semaphore_mem>>) {add = true}
      %mul3A_507 = arith.constant 8 : i32
      %mul3A_508 = arith.muli %scan3A_380, %mul3A_507 : i32
      %add3A_509 = arith.constant 7 : i32
      %add3A_510 = arith.addi %mul3A_508, %add3A_509 : i32
      %dma_start3A_511 = arith.constant 0 : i32
      %dma_start3A_512 = tpu.memref_slice %arg9[%dma_start3A_511] : memref<128xf32, #tpu.memory_space<vmem>> -> memref<125xf32, #tpu.memory_space<vmem>>
      %dma_start3A_513 = arith.constant 0 : i32
      %dma_start3A_514 = tpu.memref_slice %arg7[%add3A_510, %dma_start3A_513] : memref<80x125xi32, #tpu.memory_space<vmem>> -> memref<1x125xi32, #tpu.memory_space<vmem>>
      %dma_start3A_515 = tpu.memref_squeeze %dma_start3A_514 : memref<1x125xi32, #tpu.memory_space<vmem>> -> memref<125xi32, #tpu.memory_space<vmem>>
      %dma_start3A_516 = arith.constant 0 : i32
      %dma_start3A_517 = tpu.memref_slice %arg5[%dma_start3A_516] : memref<10000xf32, #tpu.memory_space<vmem_shared>> -> memref<10000xf32, #tpu.memory_space<vmem_shared>>
      tpu.enqueue_indirect_dma source(%dma_start3A_512 : memref<125xf32, #tpu.memory_space<vmem>>) target(%dma_start3A_517 : memref<10000xf32, #tpu.memory_space<vmem_shared>>) offsets(%dma_start3A_515 : memref<125xi32, #tpu.memory_space<vmem>>) semaphore(%arg11 : memref<!tpu.dma_semaphore, #tpu.memory_space<semaphore_mem>>) {add = true}
      %dma_start3A_518 = arith.constant 0 : i32
      %dma_start3A_519 = tpu.memref_slice %arg9[%dma_start3A_518] : memref<128xf32, #tpu.memory_space<vmem>> -> memref<125xf32, #tpu.memory_space<vmem>>
      %dma_start3A_520 = arith.constant 0 : i32
      %dma_start3A_521 = tpu.memref_slice %arg8[%add3A_510, %dma_start3A_520] : memref<80x125xi32, #tpu.memory_space<vmem>> -> memref<1x125xi32, #tpu.memory_space<vmem>>
      %dma_start3A_522 = tpu.memref_squeeze %dma_start3A_521 : memref<1x125xi32, #tpu.memory_space<vmem>> -> memref<125xi32, #tpu.memory_space<vmem>>
      %dma_start3A_523 = arith.constant 0 : i32
      %dma_start3A_524 = tpu.memref_slice %arg6[%dma_start3A_523] : memref<10000xf32, #tpu.memory_space<vmem_shared>> -> memref<10000xf32, #tpu.memory_space<vmem_shared>>
      tpu.enqueue_indirect_dma source(%dma_start3A_519 : memref<125xf32, #tpu.memory_space<vmem>>) target(%dma_start3A_524 : memref<10000xf32, #tpu.memory_space<vmem_shared>>) offsets(%dma_start3A_522 : memref<125xi32, #tpu.memory_space<vmem>>) semaphore(%arg12 : memref<!tpu.dma_semaphore, #tpu.memory_space<semaphore_mem>>) {add = true}
      %sub3A_525 = arith.constant 1 : i32
      %sub3A_526 = arith.subi %scan3A_380, %sub3A_525 : i32
      %mul3A_527 = arith.constant 8 : i32
      %mul3A_528 = arith.muli %sub3A_526, %mul3A_527 : i32
      %add3A_529 = arith.constant 0 : i32
      %add3A_530 = arith.addi %mul3A_528, %add3A_529 : i32
      %dma_wait3A_531 = arith.constant 0 : i32
      %dma_wait3A_532 = tpu.memref_slice %arg9[%dma_wait3A_531] : memref<128xf32, #tpu.memory_space<vmem>> -> memref<125xf32, #tpu.memory_space<vmem>>
      %dma_wait3A_533 = arith.constant 0 : i32
      %dma_wait3A_534 = tpu.memref_slice %arg7[%add3A_530, %dma_wait3A_533] : memref<80x125xi32, #tpu.memory_space<vmem>> -> memref<1x125xi32, #tpu.memory_space<vmem>>
      %dma_wait3A_535 = tpu.memref_squeeze %dma_wait3A_534 : memref<1x125xi32, #tpu.memory_space<vmem>> -> memref<125xi32, #tpu.memory_space<vmem>>
      %dma_wait3A_536 = arith.constant 0 : i32
      %dma_wait3A_537 = tpu.memref_slice %arg5[%dma_wait3A_536] : memref<10000xf32, #tpu.memory_space<vmem_shared>> -> memref<10000xf32, #tpu.memory_space<vmem_shared>>
      tpu.wait_indirect_dma semaphore(%arg11 : memref<!tpu.dma_semaphore, #tpu.memory_space<semaphore_mem>>) src(%dma_wait3A_532 : memref<125xf32, #tpu.memory_space<vmem>>) dst(%dma_wait3A_537 : memref<10000xf32, #tpu.memory_space<vmem_shared>>)
      %dma_wait3A_538 = arith.constant 0 : i32
      %dma_wait3A_539 = tpu.memref_slice %arg9[%dma_wait3A_538] : memref<128xf32, #tpu.memory_space<vmem>> -> memref<125xf32, #tpu.memory_space<vmem>>
      %dma_wait3A_540 = arith.constant 0 : i32
      %dma_wait3A_541 = tpu.memref_slice %arg8[%add3A_530, %dma_wait3A_540] : memref<80x125xi32, #tpu.memory_space<vmem>> -> memref<1x125xi32, #tpu.memory_space<vmem>>
      %dma_wait3A_542 = tpu.memref_squeeze %dma_wait3A_541 : memref<1x125xi32, #tpu.memory_space<vmem>> -> memref<125xi32, #tpu.memory_space<vmem>>
      %dma_wait3A_543 = arith.constant 0 : i32
      %dma_wait3A_544 = tpu.memref_slice %arg6[%dma_wait3A_543] : memref<10000xf32, #tpu.memory_space<vmem_shared>> -> memref<10000xf32, #tpu.memory_space<vmem_shared>>
      tpu.wait_indirect_dma semaphore(%arg12 : memref<!tpu.dma_semaphore, #tpu.memory_space<semaphore_mem>>) src(%dma_wait3A_539 : memref<125xf32, #tpu.memory_space<vmem>>) dst(%dma_wait3A_544 : memref<10000xf32, #tpu.memory_space<vmem_shared>>)
      %mul3A_545 = arith.constant 8 : i32
      %mul3A_546 = arith.muli %sub3A_526, %mul3A_545 : i32
      %add3A_547 = arith.constant 1 : i32
      %add3A_548 = arith.addi %mul3A_546, %add3A_547 : i32
      %dma_wait3A_549 = arith.constant 0 : i32
      %dma_wait3A_550 = tpu.memref_slice %arg9[%dma_wait3A_549] : memref<128xf32, #tpu.memory_space<vmem>> -> memref<125xf32, #tpu.memory_space<vmem>>
      %dma_wait3A_551 = arith.constant 0 : i32
      %dma_wait3A_552 = tpu.memref_slice %arg7[%add3A_548, %dma_wait3A_551] : memref<80x125xi32, #tpu.memory_space<vmem>> -> memref<1x125xi32, #tpu.memory_space<vmem>>
      %dma_wait3A_553 = tpu.memref_squeeze %dma_wait3A_552 : memref<1x125xi32, #tpu.memory_space<vmem>> -> memref<125xi32, #tpu.memory_space<vmem>>
      %dma_wait3A_554 = arith.constant 0 : i32
      %dma_wait3A_555 = tpu.memref_slice %arg5[%dma_wait3A_554] : memref<10000xf32, #tpu.memory_space<vmem_shared>> -> memref<10000xf32, #tpu.memory_space<vmem_shared>>
      tpu.wait_indirect_dma semaphore(%arg11 : memref<!tpu.dma_semaphore, #tpu.memory_space<semaphore_mem>>) src(%dma_wait3A_550 : memref<125xf32, #tpu.memory_space<vmem>>) dst(%dma_wait3A_555 : memref<10000xf32, #tpu.memory_space<vmem_shared>>)
      %dma_wait3A_556 = arith.constant 0 : i32
      %dma_wait3A_557 = tpu.memref_slice %arg9[%dma_wait3A_556] : memref<128xf32, #tpu.memory_space<vmem>> -> memref<125xf32, #tpu.memory_space<vmem>>
      %dma_wait3A_558 = arith.constant 0 : i32
      %dma_wait3A_559 = tpu.memref_slice %arg8[%add3A_548, %dma_wait3A_558] : memref<80x125xi32, #tpu.memory_space<vmem>> -> memref<1x125xi32, #tpu.memory_space<vmem>>
      %dma_wait3A_560 = tpu.memref_squeeze %dma_wait3A_559 : memref<1x125xi32, #tpu.memory_space<vmem>> -> memref<125xi32, #tpu.memory_space<vmem>>
      %dma_wait3A_561 = arith.constant 0 : i32
      %dma_wait3A_562 = tpu.memref_slice %arg6[%dma_wait3A_561] : memref<10000xf32, #tpu.memory_space<vmem_shared>> -> memref<10000xf32, #tpu.memory_space<vmem_shared>>
      tpu.wait_indirect_dma semaphore(%arg12 : memref<!tpu.dma_semaphore, #tpu.memory_space<semaphore_mem>>) src(%dma_wait3A_557 : memref<125xf32, #tpu.memory_space<vmem>>) dst(%dma_wait3A_562 : memref<10000xf32, #tpu.memory_space<vmem_shared>>)
      %mul3A_563 = arith.constant 8 : i32
      %mul3A_564 = arith.muli %sub3A_526, %mul3A_563 : i32
      %add3A_565 = arith.constant 2 : i32
      %add3A_566 = arith.addi %mul3A_564, %add3A_565 : i32
      %dma_wait3A_567 = arith.constant 0 : i32
      %dma_wait3A_568 = tpu.memref_slice %arg9[%dma_wait3A_567] : memref<128xf32, #tpu.memory_space<vmem>> -> memref<125xf32, #tpu.memory_space<vmem>>
      %dma_wait3A_569 = arith.constant 0 : i32
      %dma_wait3A_570 = tpu.memref_slice %arg7[%add3A_566, %dma_wait3A_569] : memref<80x125xi32, #tpu.memory_space<vmem>> -> memref<1x125xi32, #tpu.memory_space<vmem>>
      %dma_wait3A_571 = tpu.memref_squeeze %dma_wait3A_570 : memref<1x125xi32, #tpu.memory_space<vmem>> -> memref<125xi32, #tpu.memory_space<vmem>>
      %dma_wait3A_572 = arith.constant 0 : i32
      %dma_wait3A_573 = tpu.memref_slice %arg5[%dma_wait3A_572] : memref<10000xf32, #tpu.memory_space<vmem_shared>> -> memref<10000xf32, #tpu.memory_space<vmem_shared>>
      tpu.wait_indirect_dma semaphore(%arg11 : memref<!tpu.dma_semaphore, #tpu.memory_space<semaphore_mem>>) src(%dma_wait3A_568 : memref<125xf32, #tpu.memory_space<vmem>>) dst(%dma_wait3A_573 : memref<10000xf32, #tpu.memory_space<vmem_shared>>)
      %dma_wait3A_574 = arith.constant 0 : i32
      %dma_wait3A_575 = tpu.memref_slice %arg9[%dma_wait3A_574] : memref<128xf32, #tpu.memory_space<vmem>> -> memref<125xf32, #tpu.memory_space<vmem>>
      %dma_wait3A_576 = arith.constant 0 : i32
      %dma_wait3A_577 = tpu.memref_slice %arg8[%add3A_566, %dma_wait3A_576] : memref<80x125xi32, #tpu.memory_space<vmem>> -> memref<1x125xi32, #tpu.memory_space<vmem>>
      %dma_wait3A_578 = tpu.memref_squeeze %dma_wait3A_577 : memref<1x125xi32, #tpu.memory_space<vmem>> -> memref<125xi32, #tpu.memory_space<vmem>>
      %dma_wait3A_579 = arith.constant 0 : i32
      %dma_wait3A_580 = tpu.memref_slice %arg6[%dma_wait3A_579] : memref<10000xf32, #tpu.memory_space<vmem_shared>> -> memref<10000xf32, #tpu.memory_space<vmem_shared>>
      tpu.wait_indirect_dma semaphore(%arg12 : memref<!tpu.dma_semaphore, #tpu.memory_space<semaphore_mem>>) src(%dma_wait3A_575 : memref<125xf32, #tpu.memory_space<vmem>>) dst(%dma_wait3A_580 : memref<10000xf32, #tpu.memory_space<vmem_shared>>)
      %mul3A_581 = arith.constant 8 : i32
      %mul3A_582 = arith.muli %sub3A_526, %mul3A_581 : i32
      %add3A_583 = arith.constant 3 : i32
      %add3A_584 = arith.addi %mul3A_582, %add3A_583 : i32
      %dma_wait3A_585 = arith.constant 0 : i32
      %dma_wait3A_586 = tpu.memref_slice %arg9[%dma_wait3A_585] : memref<128xf32, #tpu.memory_space<vmem>> -> memref<125xf32, #tpu.memory_space<vmem>>
      %dma_wait3A_587 = arith.constant 0 : i32
      %dma_wait3A_588 = tpu.memref_slice %arg7[%add3A_584, %dma_wait3A_587] : memref<80x125xi32, #tpu.memory_space<vmem>> -> memref<1x125xi32, #tpu.memory_space<vmem>>
      %dma_wait3A_589 = tpu.memref_squeeze %dma_wait3A_588 : memref<1x125xi32, #tpu.memory_space<vmem>> -> memref<125xi32, #tpu.memory_space<vmem>>
      %dma_wait3A_590 = arith.constant 0 : i32
      %dma_wait3A_591 = tpu.memref_slice %arg5[%dma_wait3A_590] : memref<10000xf32, #tpu.memory_space<vmem_shared>> -> memref<10000xf32, #tpu.memory_space<vmem_shared>>
      tpu.wait_indirect_dma semaphore(%arg11 : memref<!tpu.dma_semaphore, #tpu.memory_space<semaphore_mem>>) src(%dma_wait3A_586 : memref<125xf32, #tpu.memory_space<vmem>>) dst(%dma_wait3A_591 : memref<10000xf32, #tpu.memory_space<vmem_shared>>)
      %dma_wait3A_592 = arith.constant 0 : i32
      %dma_wait3A_593 = tpu.memref_slice %arg9[%dma_wait3A_592] : memref<128xf32, #tpu.memory_space<vmem>> -> memref<125xf32, #tpu.memory_space<vmem>>
      %dma_wait3A_594 = arith.constant 0 : i32
      %dma_wait3A_595 = tpu.memref_slice %arg8[%add3A_584, %dma_wait3A_594] : memref<80x125xi32, #tpu.memory_space<vmem>> -> memref<1x125xi32, #tpu.memory_space<vmem>>
      %dma_wait3A_596 = tpu.memref_squeeze %dma_wait3A_595 : memref<1x125xi32, #tpu.memory_space<vmem>> -> memref<125xi32, #tpu.memory_space<vmem>>
      %dma_wait3A_597 = arith.constant 0 : i32
      %dma_wait3A_598 = tpu.memref_slice %arg6[%dma_wait3A_597] : memref<10000xf32, #tpu.memory_space<vmem_shared>> -> memref<10000xf32, #tpu.memory_space<vmem_shared>>
      tpu.wait_indirect_dma semaphore(%arg12 : memref<!tpu.dma_semaphore, #tpu.memory_space<semaphore_mem>>) src(%dma_wait3A_593 : memref<125xf32, #tpu.memory_space<vmem>>) dst(%dma_wait3A_598 : memref<10000xf32, #tpu.memory_space<vmem_shared>>)
      %mul3A_599 = arith.constant 8 : i32
      %mul3A_600 = arith.muli %sub3A_526, %mul3A_599 : i32
      %add3A_601 = arith.constant 4 : i32
      %add3A_602 = arith.addi %mul3A_600, %add3A_601 : i32
      %dma_wait3A_603 = arith.constant 0 : i32
      %dma_wait3A_604 = tpu.memref_slice %arg9[%dma_wait3A_603] : memref<128xf32, #tpu.memory_space<vmem>> -> memref<125xf32, #tpu.memory_space<vmem>>
      %dma_wait3A_605 = arith.constant 0 : i32
      %dma_wait3A_606 = tpu.memref_slice %arg7[%add3A_602, %dma_wait3A_605] : memref<80x125xi32, #tpu.memory_space<vmem>> -> memref<1x125xi32, #tpu.memory_space<vmem>>
      %dma_wait3A_607 = tpu.memref_squeeze %dma_wait3A_606 : memref<1x125xi32, #tpu.memory_space<vmem>> -> memref<125xi32, #tpu.memory_space<vmem>>
      %dma_wait3A_608 = arith.constant 0 : i32
      %dma_wait3A_609 = tpu.memref_slice %arg5[%dma_wait3A_608] : memref<10000xf32, #tpu.memory_space<vmem_shared>> -> memref<10000xf32, #tpu.memory_space<vmem_shared>>
      tpu.wait_indirect_dma semaphore(%arg11 : memref<!tpu.dma_semaphore, #tpu.memory_space<semaphore_mem>>) src(%dma_wait3A_604 : memref<125xf32, #tpu.memory_space<vmem>>) dst(%dma_wait3A_609 : memref<10000xf32, #tpu.memory_space<vmem_shared>>)
      %dma_wait3A_610 = arith.constant 0 : i32
      %dma_wait3A_611 = tpu.memref_slice %arg9[%dma_wait3A_610] : memref<128xf32, #tpu.memory_space<vmem>> -> memref<125xf32, #tpu.memory_space<vmem>>
      %dma_wait3A_612 = arith.constant 0 : i32
      %dma_wait3A_613 = tpu.memref_slice %arg8[%add3A_602, %dma_wait3A_612] : memref<80x125xi32, #tpu.memory_space<vmem>> -> memref<1x125xi32, #tpu.memory_space<vmem>>
      %dma_wait3A_614 = tpu.memref_squeeze %dma_wait3A_613 : memref<1x125xi32, #tpu.memory_space<vmem>> -> memref<125xi32, #tpu.memory_space<vmem>>
      %dma_wait3A_615 = arith.constant 0 : i32
      %dma_wait3A_616 = tpu.memref_slice %arg6[%dma_wait3A_615] : memref<10000xf32, #tpu.memory_space<vmem_shared>> -> memref<10000xf32, #tpu.memory_space<vmem_shared>>
      tpu.wait_indirect_dma semaphore(%arg12 : memref<!tpu.dma_semaphore, #tpu.memory_space<semaphore_mem>>) src(%dma_wait3A_611 : memref<125xf32, #tpu.memory_space<vmem>>) dst(%dma_wait3A_616 : memref<10000xf32, #tpu.memory_space<vmem_shared>>)
      %mul3A_617 = arith.constant 8 : i32
      %mul3A_618 = arith.muli %sub3A_526, %mul3A_617 : i32
      %add3A_619 = arith.constant 5 : i32
      %add3A_620 = arith.addi %mul3A_618, %add3A_619 : i32
      %dma_wait3A_621 = arith.constant 0 : i32
      %dma_wait3A_622 = tpu.memref_slice %arg9[%dma_wait3A_621] : memref<128xf32, #tpu.memory_space<vmem>> -> memref<125xf32, #tpu.memory_space<vmem>>
      %dma_wait3A_623 = arith.constant 0 : i32
      %dma_wait3A_624 = tpu.memref_slice %arg7[%add3A_620, %dma_wait3A_623] : memref<80x125xi32, #tpu.memory_space<vmem>> -> memref<1x125xi32, #tpu.memory_space<vmem>>
      %dma_wait3A_625 = tpu.memref_squeeze %dma_wait3A_624 : memref<1x125xi32, #tpu.memory_space<vmem>> -> memref<125xi32, #tpu.memory_space<vmem>>
      %dma_wait3A_626 = arith.constant 0 : i32
      %dma_wait3A_627 = tpu.memref_slice %arg5[%dma_wait3A_626] : memref<10000xf32, #tpu.memory_space<vmem_shared>> -> memref<10000xf32, #tpu.memory_space<vmem_shared>>
      tpu.wait_indirect_dma semaphore(%arg11 : memref<!tpu.dma_semaphore, #tpu.memory_space<semaphore_mem>>) src(%dma_wait3A_622 : memref<125xf32, #tpu.memory_space<vmem>>) dst(%dma_wait3A_627 : memref<10000xf32, #tpu.memory_space<vmem_shared>>)
      %dma_wait3A_628 = arith.constant 0 : i32
      %dma_wait3A_629 = tpu.memref_slice %arg9[%dma_wait3A_628] : memref<128xf32, #tpu.memory_space<vmem>> -> memref<125xf32, #tpu.memory_space<vmem>>
      %dma_wait3A_630 = arith.constant 0 : i32
      %dma_wait3A_631 = tpu.memref_slice %arg8[%add3A_620, %dma_wait3A_630] : memref<80x125xi32, #tpu.memory_space<vmem>> -> memref<1x125xi32, #tpu.memory_space<vmem>>
      %dma_wait3A_632 = tpu.memref_squeeze %dma_wait3A_631 : memref<1x125xi32, #tpu.memory_space<vmem>> -> memref<125xi32, #tpu.memory_space<vmem>>
      %dma_wait3A_633 = arith.constant 0 : i32
      %dma_wait3A_634 = tpu.memref_slice %arg6[%dma_wait3A_633] : memref<10000xf32, #tpu.memory_space<vmem_shared>> -> memref<10000xf32, #tpu.memory_space<vmem_shared>>
      tpu.wait_indirect_dma semaphore(%arg12 : memref<!tpu.dma_semaphore, #tpu.memory_space<semaphore_mem>>) src(%dma_wait3A_629 : memref<125xf32, #tpu.memory_space<vmem>>) dst(%dma_wait3A_634 : memref<10000xf32, #tpu.memory_space<vmem_shared>>)
      %mul3A_635 = arith.constant 8 : i32
      %mul3A_636 = arith.muli %sub3A_526, %mul3A_635 : i32
      %add3A_637 = arith.constant 6 : i32
      %add3A_638 = arith.addi %mul3A_636, %add3A_637 : i32
      %dma_wait3A_639 = arith.constant 0 : i32
      %dma_wait3A_640 = tpu.memref_slice %arg9[%dma_wait3A_639] : memref<128xf32, #tpu.memory_space<vmem>> -> memref<125xf32, #tpu.memory_space<vmem>>
      %dma_wait3A_641 = arith.constant 0 : i32
      %dma_wait3A_642 = tpu.memref_slice %arg7[%add3A_638, %dma_wait3A_641] : memref<80x125xi32, #tpu.memory_space<vmem>> -> memref<1x125xi32, #tpu.memory_space<vmem>>
      %dma_wait3A_643 = tpu.memref_squeeze %dma_wait3A_642 : memref<1x125xi32, #tpu.memory_space<vmem>> -> memref<125xi32, #tpu.memory_space<vmem>>
      %dma_wait3A_644 = arith.constant 0 : i32
      %dma_wait3A_645 = tpu.memref_slice %arg5[%dma_wait3A_644] : memref<10000xf32, #tpu.memory_space<vmem_shared>> -> memref<10000xf32, #tpu.memory_space<vmem_shared>>
      tpu.wait_indirect_dma semaphore(%arg11 : memref<!tpu.dma_semaphore, #tpu.memory_space<semaphore_mem>>) src(%dma_wait3A_640 : memref<125xf32, #tpu.memory_space<vmem>>) dst(%dma_wait3A_645 : memref<10000xf32, #tpu.memory_space<vmem_shared>>)
      %dma_wait3A_646 = arith.constant 0 : i32
      %dma_wait3A_647 = tpu.memref_slice %arg9[%dma_wait3A_646] : memref<128xf32, #tpu.memory_space<vmem>> -> memref<125xf32, #tpu.memory_space<vmem>>
      %dma_wait3A_648 = arith.constant 0 : i32
      %dma_wait3A_649 = tpu.memref_slice %arg8[%add3A_638, %dma_wait3A_648] : memref<80x125xi32, #tpu.memory_space<vmem>> -> memref<1x125xi32, #tpu.memory_space<vmem>>
      %dma_wait3A_650 = tpu.memref_squeeze %dma_wait3A_649 : memref<1x125xi32, #tpu.memory_space<vmem>> -> memref<125xi32, #tpu.memory_space<vmem>>
      %dma_wait3A_651 = arith.constant 0 : i32
      %dma_wait3A_652 = tpu.memref_slice %arg6[%dma_wait3A_651] : memref<10000xf32, #tpu.memory_space<vmem_shared>> -> memref<10000xf32, #tpu.memory_space<vmem_shared>>
      tpu.wait_indirect_dma semaphore(%arg12 : memref<!tpu.dma_semaphore, #tpu.memory_space<semaphore_mem>>) src(%dma_wait3A_647 : memref<125xf32, #tpu.memory_space<vmem>>) dst(%dma_wait3A_652 : memref<10000xf32, #tpu.memory_space<vmem_shared>>)
      %mul3A_653 = arith.constant 8 : i32
      %mul3A_654 = arith.muli %sub3A_526, %mul3A_653 : i32
      %add3A_655 = arith.constant 7 : i32
      %add3A_656 = arith.addi %mul3A_654, %add3A_655 : i32
      %dma_wait3A_657 = arith.constant 0 : i32
      %dma_wait3A_658 = tpu.memref_slice %arg9[%dma_wait3A_657] : memref<128xf32, #tpu.memory_space<vmem>> -> memref<125xf32, #tpu.memory_space<vmem>>
      %dma_wait3A_659 = arith.constant 0 : i32
      %dma_wait3A_660 = tpu.memref_slice %arg7[%add3A_656, %dma_wait3A_659] : memref<80x125xi32, #tpu.memory_space<vmem>> -> memref<1x125xi32, #tpu.memory_space<vmem>>
      %dma_wait3A_661 = tpu.memref_squeeze %dma_wait3A_660 : memref<1x125xi32, #tpu.memory_space<vmem>> -> memref<125xi32, #tpu.memory_space<vmem>>
      %dma_wait3A_662 = arith.constant 0 : i32
      %dma_wait3A_663 = tpu.memref_slice %arg5[%dma_wait3A_662] : memref<10000xf32, #tpu.memory_space<vmem_shared>> -> memref<10000xf32, #tpu.memory_space<vmem_shared>>
      tpu.wait_indirect_dma semaphore(%arg11 : memref<!tpu.dma_semaphore, #tpu.memory_space<semaphore_mem>>) src(%dma_wait3A_658 : memref<125xf32, #tpu.memory_space<vmem>>) dst(%dma_wait3A_663 : memref<10000xf32, #tpu.memory_space<vmem_shared>>)
      %dma_wait3A_664 = arith.constant 0 : i32
      %dma_wait3A_665 = tpu.memref_slice %arg9[%dma_wait3A_664] : memref<128xf32, #tpu.memory_space<vmem>> -> memref<125xf32, #tpu.memory_space<vmem>>
      %dma_wait3A_666 = arith.constant 0 : i32
      %dma_wait3A_667 = tpu.memref_slice %arg8[%add3A_656, %dma_wait3A_666] : memref<80x125xi32, #tpu.memory_space<vmem>> -> memref<1x125xi32, #tpu.memory_space<vmem>>
      %dma_wait3A_668 = tpu.memref_squeeze %dma_wait3A_667 : memref<1x125xi32, #tpu.memory_space<vmem>> -> memref<125xi32, #tpu.memory_space<vmem>>
      %dma_wait3A_669 = arith.constant 0 : i32
      %dma_wait3A_670 = tpu.memref_slice %arg6[%dma_wait3A_669] : memref<10000xf32, #tpu.memory_space<vmem_shared>> -> memref<10000xf32, #tpu.memory_space<vmem_shared>>
      tpu.wait_indirect_dma semaphore(%arg12 : memref<!tpu.dma_semaphore, #tpu.memory_space<semaphore_mem>>) src(%dma_wait3A_665 : memref<125xf32, #tpu.memory_space<vmem>>) dst(%dma_wait3A_670 : memref<10000xf32, #tpu.memory_space<vmem_shared>>)
    }
    %scan3A_241 = arith.constant 9 : i32
    %dma_wait3A_242 = arith.constant 72 : i32
    %dma_wait3A_243 = arith.constant 0 : i32
    %dma_wait3A_244 = tpu.memref_slice %arg9[%dma_wait3A_243] : memref<128xf32, #tpu.memory_space<vmem>> -> memref<125xf32, #tpu.memory_space<vmem>>
    %dma_wait3A_245 = arith.constant 0 : i32
    %dma_wait3A_246 = tpu.memref_slice %arg7[%dma_wait3A_242, %dma_wait3A_245] : memref<80x125xi32, #tpu.memory_space<vmem>> -> memref<1x125xi32, #tpu.memory_space<vmem>>
    %dma_wait3A_247 = tpu.memref_squeeze %dma_wait3A_246 : memref<1x125xi32, #tpu.memory_space<vmem>> -> memref<125xi32, #tpu.memory_space<vmem>>
    %dma_wait3A_248 = arith.constant 0 : i32
    %dma_wait3A_249 = tpu.memref_slice %arg5[%dma_wait3A_248] : memref<10000xf32, #tpu.memory_space<vmem_shared>> -> memref<10000xf32, #tpu.memory_space<vmem_shared>>
    tpu.wait_indirect_dma semaphore(%arg11 : memref<!tpu.dma_semaphore, #tpu.memory_space<semaphore_mem>>) src(%dma_wait3A_244 : memref<125xf32, #tpu.memory_space<vmem>>) dst(%dma_wait3A_249 : memref<10000xf32, #tpu.memory_space<vmem_shared>>)
    %dma_wait3A_250 = arith.constant 72 : i32
    %dma_wait3A_251 = arith.constant 0 : i32
    %dma_wait3A_252 = tpu.memref_slice %arg9[%dma_wait3A_251] : memref<128xf32, #tpu.memory_space<vmem>> -> memref<125xf32, #tpu.memory_space<vmem>>
    %dma_wait3A_253 = arith.constant 0 : i32
    %dma_wait3A_254 = tpu.memref_slice %arg8[%dma_wait3A_250, %dma_wait3A_253] : memref<80x125xi32, #tpu.memory_space<vmem>> -> memref<1x125xi32, #tpu.memory_space<vmem>>
    %dma_wait3A_255 = tpu.memref_squeeze %dma_wait3A_254 : memref<1x125xi32, #tpu.memory_space<vmem>> -> memref<125xi32, #tpu.memory_space<vmem>>
    %dma_wait3A_256 = arith.constant 0 : i32
    %dma_wait3A_257 = tpu.memref_slice %arg6[%dma_wait3A_256] : memref<10000xf32, #tpu.memory_space<vmem_shared>> -> memref<10000xf32, #tpu.memory_space<vmem_shared>>
    tpu.wait_indirect_dma semaphore(%arg12 : memref<!tpu.dma_semaphore, #tpu.memory_space<semaphore_mem>>) src(%dma_wait3A_252 : memref<125xf32, #tpu.memory_space<vmem>>) dst(%dma_wait3A_257 : memref<10000xf32, #tpu.memory_space<vmem_shared>>)
    %dma_wait3A_258 = arith.constant 73 : i32
    %dma_wait3A_259 = arith.constant 0 : i32
    %dma_wait3A_260 = tpu.memref_slice %arg9[%dma_wait3A_259] : memref<128xf32, #tpu.memory_space<vmem>> -> memref<125xf32, #tpu.memory_space<vmem>>
    %dma_wait3A_261 = arith.constant 0 : i32
    %dma_wait3A_262 = tpu.memref_slice %arg7[%dma_wait3A_258, %dma_wait3A_261] : memref<80x125xi32, #tpu.memory_space<vmem>> -> memref<1x125xi32, #tpu.memory_space<vmem>>
    %dma_wait3A_263 = tpu.memref_squeeze %dma_wait3A_262 : memref<1x125xi32, #tpu.memory_space<vmem>> -> memref<125xi32, #tpu.memory_space<vmem>>
    %dma_wait3A_264 = arith.constant 0 : i32
    %dma_wait3A_265 = tpu.memref_slice %arg5[%dma_wait3A_264] : memref<10000xf32, #tpu.memory_space<vmem_shared>> -> memref<10000xf32, #tpu.memory_space<vmem_shared>>
    tpu.wait_indirect_dma semaphore(%arg11 : memref<!tpu.dma_semaphore, #tpu.memory_space<semaphore_mem>>) src(%dma_wait3A_260 : memref<125xf32, #tpu.memory_space<vmem>>) dst(%dma_wait3A_265 : memref<10000xf32, #tpu.memory_space<vmem_shared>>)
    %dma_wait3A_266 = arith.constant 73 : i32
    %dma_wait3A_267 = arith.constant 0 : i32
    %dma_wait3A_268 = tpu.memref_slice %arg9[%dma_wait3A_267] : memref<128xf32, #tpu.memory_space<vmem>> -> memref<125xf32, #tpu.memory_space<vmem>>
    %dma_wait3A_269 = arith.constant 0 : i32
    %dma_wait3A_270 = tpu.memref_slice %arg8[%dma_wait3A_266, %dma_wait3A_269] : memref<80x125xi32, #tpu.memory_space<vmem>> -> memref<1x125xi32, #tpu.memory_space<vmem>>
    %dma_wait3A_271 = tpu.memref_squeeze %dma_wait3A_270 : memref<1x125xi32, #tpu.memory_space<vmem>> -> memref<125xi32, #tpu.memory_space<vmem>>
    %dma_wait3A_272 = arith.constant 0 : i32
    %dma_wait3A_273 = tpu.memref_slice %arg6[%dma_wait3A_272] : memref<10000xf32, #tpu.memory_space<vmem_shared>> -> memref<10000xf32, #tpu.memory_space<vmem_shared>>
    tpu.wait_indirect_dma semaphore(%arg12 : memref<!tpu.dma_semaphore, #tpu.memory_space<semaphore_mem>>) src(%dma_wait3A_268 : memref<125xf32, #tpu.memory_space<vmem>>) dst(%dma_wait3A_273 : memref<10000xf32, #tpu.memory_space<vmem_shared>>)
    %dma_wait3A_274 = arith.constant 74 : i32
    %dma_wait3A_275 = arith.constant 0 : i32
    %dma_wait3A_276 = tpu.memref_slice %arg9[%dma_wait3A_275] : memref<128xf32, #tpu.memory_space<vmem>> -> memref<125xf32, #tpu.memory_space<vmem>>
    %dma_wait3A_277 = arith.constant 0 : i32
    %dma_wait3A_278 = tpu.memref_slice %arg7[%dma_wait3A_274, %dma_wait3A_277] : memref<80x125xi32, #tpu.memory_space<vmem>> -> memref<1x125xi32, #tpu.memory_space<vmem>>
    %dma_wait3A_279 = tpu.memref_squeeze %dma_wait3A_278 : memref<1x125xi32, #tpu.memory_space<vmem>> -> memref<125xi32, #tpu.memory_space<vmem>>
    %dma_wait3A_280 = arith.constant 0 : i32
    %dma_wait3A_281 = tpu.memref_slice %arg5[%dma_wait3A_280] : memref<10000xf32, #tpu.memory_space<vmem_shared>> -> memref<10000xf32, #tpu.memory_space<vmem_shared>>
    tpu.wait_indirect_dma semaphore(%arg11 : memref<!tpu.dma_semaphore, #tpu.memory_space<semaphore_mem>>) src(%dma_wait3A_276 : memref<125xf32, #tpu.memory_space<vmem>>) dst(%dma_wait3A_281 : memref<10000xf32, #tpu.memory_space<vmem_shared>>)
    %dma_wait3A_282 = arith.constant 74 : i32
    %dma_wait3A_283 = arith.constant 0 : i32
    %dma_wait3A_284 = tpu.memref_slice %arg9[%dma_wait3A_283] : memref<128xf32, #tpu.memory_space<vmem>> -> memref<125xf32, #tpu.memory_space<vmem>>
    %dma_wait3A_285 = arith.constant 0 : i32
    %dma_wait3A_286 = tpu.memref_slice %arg8[%dma_wait3A_282, %dma_wait3A_285] : memref<80x125xi32, #tpu.memory_space<vmem>> -> memref<1x125xi32, #tpu.memory_space<vmem>>
    %dma_wait3A_287 = tpu.memref_squeeze %dma_wait3A_286 : memref<1x125xi32, #tpu.memory_space<vmem>> -> memref<125xi32, #tpu.memory_space<vmem>>
    %dma_wait3A_288 = arith.constant 0 : i32
    %dma_wait3A_289 = tpu.memref_slice %arg6[%dma_wait3A_288] : memref<10000xf32, #tpu.memory_space<vmem_shared>> -> memref<10000xf32, #tpu.memory_space<vmem_shared>>
    tpu.wait_indirect_dma semaphore(%arg12 : memref<!tpu.dma_semaphore, #tpu.memory_space<semaphore_mem>>) src(%dma_wait3A_284 : memref<125xf32, #tpu.memory_space<vmem>>) dst(%dma_wait3A_289 : memref<10000xf32, #tpu.memory_space<vmem_shared>>)
    %dma_wait3A_290 = arith.constant 75 : i32
    %dma_wait3A_291 = arith.constant 0 : i32
    %dma_wait3A_292 = tpu.memref_slice %arg9[%dma_wait3A_291] : memref<128xf32, #tpu.memory_space<vmem>> -> memref<125xf32, #tpu.memory_space<vmem>>
    %dma_wait3A_293 = arith.constant 0 : i32
    %dma_wait3A_294 = tpu.memref_slice %arg7[%dma_wait3A_290, %dma_wait3A_293] : memref<80x125xi32, #tpu.memory_space<vmem>> -> memref<1x125xi32, #tpu.memory_space<vmem>>
    %dma_wait3A_295 = tpu.memref_squeeze %dma_wait3A_294 : memref<1x125xi32, #tpu.memory_space<vmem>> -> memref<125xi32, #tpu.memory_space<vmem>>
    %dma_wait3A_296 = arith.constant 0 : i32
    %dma_wait3A_297 = tpu.memref_slice %arg5[%dma_wait3A_296] : memref<10000xf32, #tpu.memory_space<vmem_shared>> -> memref<10000xf32, #tpu.memory_space<vmem_shared>>
    tpu.wait_indirect_dma semaphore(%arg11 : memref<!tpu.dma_semaphore, #tpu.memory_space<semaphore_mem>>) src(%dma_wait3A_292 : memref<125xf32, #tpu.memory_space<vmem>>) dst(%dma_wait3A_297 : memref<10000xf32, #tpu.memory_space<vmem_shared>>)
    %dma_wait3A_298 = arith.constant 75 : i32
    %dma_wait3A_299 = arith.constant 0 : i32
    %dma_wait3A_300 = tpu.memref_slice %arg9[%dma_wait3A_299] : memref<128xf32, #tpu.memory_space<vmem>> -> memref<125xf32, #tpu.memory_space<vmem>>
    %dma_wait3A_301 = arith.constant 0 : i32
    %dma_wait3A_302 = tpu.memref_slice %arg8[%dma_wait3A_298, %dma_wait3A_301] : memref<80x125xi32, #tpu.memory_space<vmem>> -> memref<1x125xi32, #tpu.memory_space<vmem>>
    %dma_wait3A_303 = tpu.memref_squeeze %dma_wait3A_302 : memref<1x125xi32, #tpu.memory_space<vmem>> -> memref<125xi32, #tpu.memory_space<vmem>>
    %dma_wait3A_304 = arith.constant 0 : i32
    %dma_wait3A_305 = tpu.memref_slice %arg6[%dma_wait3A_304] : memref<10000xf32, #tpu.memory_space<vmem_shared>> -> memref<10000xf32, #tpu.memory_space<vmem_shared>>
    tpu.wait_indirect_dma semaphore(%arg12 : memref<!tpu.dma_semaphore, #tpu.memory_space<semaphore_mem>>) src(%dma_wait3A_300 : memref<125xf32, #tpu.memory_space<vmem>>) dst(%dma_wait3A_305 : memref<10000xf32, #tpu.memory_space<vmem_shared>>)
    %dma_wait3A_306 = arith.constant 76 : i32
    %dma_wait3A_307 = arith.constant 0 : i32
    %dma_wait3A_308 = tpu.memref_slice %arg9[%dma_wait3A_307] : memref<128xf32, #tpu.memory_space<vmem>> -> memref<125xf32, #tpu.memory_space<vmem>>
    %dma_wait3A_309 = arith.constant 0 : i32
    %dma_wait3A_310 = tpu.memref_slice %arg7[%dma_wait3A_306, %dma_wait3A_309] : memref<80x125xi32, #tpu.memory_space<vmem>> -> memref<1x125xi32, #tpu.memory_space<vmem>>
    %dma_wait3A_311 = tpu.memref_squeeze %dma_wait3A_310 : memref<1x125xi32, #tpu.memory_space<vmem>> -> memref<125xi32, #tpu.memory_space<vmem>>
    %dma_wait3A_312 = arith.constant 0 : i32
    %dma_wait3A_313 = tpu.memref_slice %arg5[%dma_wait3A_312] : memref<10000xf32, #tpu.memory_space<vmem_shared>> -> memref<10000xf32, #tpu.memory_space<vmem_shared>>
    tpu.wait_indirect_dma semaphore(%arg11 : memref<!tpu.dma_semaphore, #tpu.memory_space<semaphore_mem>>) src(%dma_wait3A_308 : memref<125xf32, #tpu.memory_space<vmem>>) dst(%dma_wait3A_313 : memref<10000xf32, #tpu.memory_space<vmem_shared>>)
    %dma_wait3A_314 = arith.constant 76 : i32
    %dma_wait3A_315 = arith.constant 0 : i32
    %dma_wait3A_316 = tpu.memref_slice %arg9[%dma_wait3A_315] : memref<128xf32, #tpu.memory_space<vmem>> -> memref<125xf32, #tpu.memory_space<vmem>>
    %dma_wait3A_317 = arith.constant 0 : i32
    %dma_wait3A_318 = tpu.memref_slice %arg8[%dma_wait3A_314, %dma_wait3A_317] : memref<80x125xi32, #tpu.memory_space<vmem>> -> memref<1x125xi32, #tpu.memory_space<vmem>>
    %dma_wait3A_319 = tpu.memref_squeeze %dma_wait3A_318 : memref<1x125xi32, #tpu.memory_space<vmem>> -> memref<125xi32, #tpu.memory_space<vmem>>
    %dma_wait3A_320 = arith.constant 0 : i32
    %dma_wait3A_321 = tpu.memref_slice %arg6[%dma_wait3A_320] : memref<10000xf32, #tpu.memory_space<vmem_shared>> -> memref<10000xf32, #tpu.memory_space<vmem_shared>>
    tpu.wait_indirect_dma semaphore(%arg12 : memref<!tpu.dma_semaphore, #tpu.memory_space<semaphore_mem>>) src(%dma_wait3A_316 : memref<125xf32, #tpu.memory_space<vmem>>) dst(%dma_wait3A_321 : memref<10000xf32, #tpu.memory_space<vmem_shared>>)
    %dma_wait3A_322 = arith.constant 77 : i32
    %dma_wait3A_323 = arith.constant 0 : i32
    %dma_wait3A_324 = tpu.memref_slice %arg9[%dma_wait3A_323] : memref<128xf32, #tpu.memory_space<vmem>> -> memref<125xf32, #tpu.memory_space<vmem>>
    %dma_wait3A_325 = arith.constant 0 : i32
    %dma_wait3A_326 = tpu.memref_slice %arg7[%dma_wait3A_322, %dma_wait3A_325] : memref<80x125xi32, #tpu.memory_space<vmem>> -> memref<1x125xi32, #tpu.memory_space<vmem>>
    %dma_wait3A_327 = tpu.memref_squeeze %dma_wait3A_326 : memref<1x125xi32, #tpu.memory_space<vmem>> -> memref<125xi32, #tpu.memory_space<vmem>>
    %dma_wait3A_328 = arith.constant 0 : i32
    %dma_wait3A_329 = tpu.memref_slice %arg5[%dma_wait3A_328] : memref<10000xf32, #tpu.memory_space<vmem_shared>> -> memref<10000xf32, #tpu.memory_space<vmem_shared>>
    tpu.wait_indirect_dma semaphore(%arg11 : memref<!tpu.dma_semaphore, #tpu.memory_space<semaphore_mem>>) src(%dma_wait3A_324 : memref<125xf32, #tpu.memory_space<vmem>>) dst(%dma_wait3A_329 : memref<10000xf32, #tpu.memory_space<vmem_shared>>)
    %dma_wait3A_330 = arith.constant 77 : i32
    %dma_wait3A_331 = arith.constant 0 : i32
    %dma_wait3A_332 = tpu.memref_slice %arg9[%dma_wait3A_331] : memref<128xf32, #tpu.memory_space<vmem>> -> memref<125xf32, #tpu.memory_space<vmem>>
    %dma_wait3A_333 = arith.constant 0 : i32
    %dma_wait3A_334 = tpu.memref_slice %arg8[%dma_wait3A_330, %dma_wait3A_333] : memref<80x125xi32, #tpu.memory_space<vmem>> -> memref<1x125xi32, #tpu.memory_space<vmem>>
    %dma_wait3A_335 = tpu.memref_squeeze %dma_wait3A_334 : memref<1x125xi32, #tpu.memory_space<vmem>> -> memref<125xi32, #tpu.memory_space<vmem>>
    %dma_wait3A_336 = arith.constant 0 : i32
    %dma_wait3A_337 = tpu.memref_slice %arg6[%dma_wait3A_336] : memref<10000xf32, #tpu.memory_space<vmem_shared>> -> memref<10000xf32, #tpu.memory_space<vmem_shared>>
    tpu.wait_indirect_dma semaphore(%arg12 : memref<!tpu.dma_semaphore, #tpu.memory_space<semaphore_mem>>) src(%dma_wait3A_332 : memref<125xf32, #tpu.memory_space<vmem>>) dst(%dma_wait3A_337 : memref<10000xf32, #tpu.memory_space<vmem_shared>>)
    %dma_wait3A_338 = arith.constant 78 : i32
    %dma_wait3A_339 = arith.constant 0 : i32
    %dma_wait3A_340 = tpu.memref_slice %arg9[%dma_wait3A_339] : memref<128xf32, #tpu.memory_space<vmem>> -> memref<125xf32, #tpu.memory_space<vmem>>
    %dma_wait3A_341 = arith.constant 0 : i32
    %dma_wait3A_342 = tpu.memref_slice %arg7[%dma_wait3A_338, %dma_wait3A_341] : memref<80x125xi32, #tpu.memory_space<vmem>> -> memref<1x125xi32, #tpu.memory_space<vmem>>
    %dma_wait3A_343 = tpu.memref_squeeze %dma_wait3A_342 : memref<1x125xi32, #tpu.memory_space<vmem>> -> memref<125xi32, #tpu.memory_space<vmem>>
    %dma_wait3A_344 = arith.constant 0 : i32
    %dma_wait3A_345 = tpu.memref_slice %arg5[%dma_wait3A_344] : memref<10000xf32, #tpu.memory_space<vmem_shared>> -> memref<10000xf32, #tpu.memory_space<vmem_shared>>
    tpu.wait_indirect_dma semaphore(%arg11 : memref<!tpu.dma_semaphore, #tpu.memory_space<semaphore_mem>>) src(%dma_wait3A_340 : memref<125xf32, #tpu.memory_space<vmem>>) dst(%dma_wait3A_345 : memref<10000xf32, #tpu.memory_space<vmem_shared>>)
    %dma_wait3A_346 = arith.constant 78 : i32
    %dma_wait3A_347 = arith.constant 0 : i32
    %dma_wait3A_348 = tpu.memref_slice %arg9[%dma_wait3A_347] : memref<128xf32, #tpu.memory_space<vmem>> -> memref<125xf32, #tpu.memory_space<vmem>>
    %dma_wait3A_349 = arith.constant 0 : i32
    %dma_wait3A_350 = tpu.memref_slice %arg8[%dma_wait3A_346, %dma_wait3A_349] : memref<80x125xi32, #tpu.memory_space<vmem>> -> memref<1x125xi32, #tpu.memory_space<vmem>>
    %dma_wait3A_351 = tpu.memref_squeeze %dma_wait3A_350 : memref<1x125xi32, #tpu.memory_space<vmem>> -> memref<125xi32, #tpu.memory_space<vmem>>
    %dma_wait3A_352 = arith.constant 0 : i32
    %dma_wait3A_353 = tpu.memref_slice %arg6[%dma_wait3A_352] : memref<10000xf32, #tpu.memory_space<vmem_shared>> -> memref<10000xf32, #tpu.memory_space<vmem_shared>>
    tpu.wait_indirect_dma semaphore(%arg12 : memref<!tpu.dma_semaphore, #tpu.memory_space<semaphore_mem>>) src(%dma_wait3A_348 : memref<125xf32, #tpu.memory_space<vmem>>) dst(%dma_wait3A_353 : memref<10000xf32, #tpu.memory_space<vmem_shared>>)
    %dma_wait3A_354 = arith.constant 79 : i32
    %dma_wait3A_355 = arith.constant 0 : i32
    %dma_wait3A_356 = tpu.memref_slice %arg9[%dma_wait3A_355] : memref<128xf32, #tpu.memory_space<vmem>> -> memref<125xf32, #tpu.memory_space<vmem>>
    %dma_wait3A_357 = arith.constant 0 : i32
    %dma_wait3A_358 = tpu.memref_slice %arg7[%dma_wait3A_354, %dma_wait3A_357] : memref<80x125xi32, #tpu.memory_space<vmem>> -> memref<1x125xi32, #tpu.memory_space<vmem>>
    %dma_wait3A_359 = tpu.memref_squeeze %dma_wait3A_358 : memref<1x125xi32, #tpu.memory_space<vmem>> -> memref<125xi32, #tpu.memory_space<vmem>>
    %dma_wait3A_360 = arith.constant 0 : i32
    %dma_wait3A_361 = tpu.memref_slice %arg5[%dma_wait3A_360] : memref<10000xf32, #tpu.memory_space<vmem_shared>> -> memref<10000xf32, #tpu.memory_space<vmem_shared>>
    tpu.wait_indirect_dma semaphore(%arg11 : memref<!tpu.dma_semaphore, #tpu.memory_space<semaphore_mem>>) src(%dma_wait3A_356 : memref<125xf32, #tpu.memory_space<vmem>>) dst(%dma_wait3A_361 : memref<10000xf32, #tpu.memory_space<vmem_shared>>)
    %dma_wait3A_362 = arith.constant 79 : i32
    %dma_wait3A_363 = arith.constant 0 : i32
    %dma_wait3A_364 = tpu.memref_slice %arg9[%dma_wait3A_363] : memref<128xf32, #tpu.memory_space<vmem>> -> memref<125xf32, #tpu.memory_space<vmem>>
    %dma_wait3A_365 = arith.constant 0 : i32
    %dma_wait3A_366 = tpu.memref_slice %arg8[%dma_wait3A_362, %dma_wait3A_365] : memref<80x125xi32, #tpu.memory_space<vmem>> -> memref<1x125xi32, #tpu.memory_space<vmem>>
    %dma_wait3A_367 = tpu.memref_squeeze %dma_wait3A_366 : memref<1x125xi32, #tpu.memory_space<vmem>> -> memref<125xi32, #tpu.memory_space<vmem>>
    %dma_wait3A_368 = arith.constant 0 : i32
    %dma_wait3A_369 = tpu.memref_slice %arg6[%dma_wait3A_368] : memref<10000xf32, #tpu.memory_space<vmem_shared>> -> memref<10000xf32, #tpu.memory_space<vmem_shared>>
    tpu.wait_indirect_dma semaphore(%arg12 : memref<!tpu.dma_semaphore, #tpu.memory_space<semaphore_mem>>) src(%dma_wait3A_364 : memref<125xf32, #tpu.memory_space<vmem>>) dst(%dma_wait3A_369 : memref<10000xf32, #tpu.memory_space<vmem_shared>>)
    %barrier3A_370 = arith.constant 0 : index
    tpu.barrier barrier_id(%barrier3A_370)
    %while3A_371 = arith.constant 0 : i32
    %while3A_372 = arith.subi %select_n3A_75, %select_n3A : i32
    %while3A_373 = arith.addi %select_n3A, %while3A_372 : i32
    %while3A_374 = arith.constant 1 : i32
    %while3A_375 = arith.divsi %while3A_372, %while3A_374 : i32
    %while3A_376 = arith.muli %while3A_375, %while3A_374 : i32
    %while3A_377 = arith.addi %select_n3A, %while3A_376 : i32
    %while3A_378 = arith.constant 1 : i32
    scf.for %while3A_380 = %select_n3A to %while3A_377 step %while3A_378  : i32 {
      %mul3A_381 = arith.constant 2 : i32
      %mul3A_382 = arith.muli %arg0, %mul3A_381 : i32
      %mul3A_383 = arith.constant 10000 : i32
      %mul3A_384 = arith.muli %mul3A_382, %mul3A_383 : i32
      %mul3A_385 = arith.constant 80 : i32
      %mul3A_386 = arith.muli %while3A_380, %mul3A_385 : i32
      %add3A_387 = arith.addi %mul3A_384, %mul3A_386 : i32
      %mul3A_388 = arith.constant 80 : i32
      %mul3A_389 = arith.muli %while3A_380, %mul3A_388 : i32
      "tpu.region"() ({
        %run_scoped3A = tpu.sem_alloc : memref<!tpu.dma_semaphore, #tpu.memory_space<semaphore_mem>>
        %dma_start3A_394 = tpu.memref_slice %arg5[%mul3A_389] : memref<10000xf32, #tpu.memory_space<vmem_shared>> -> memref<80xf32, #tpu.memory_space<vmem_shared>>
        %dma_start3A_395 = tpu.memref_slice %arg5[%mul3A_389] : memref<10000xf32, #tpu.memory_space<vmem_shared>> -> memref<80xf32, #tpu.memory_space<vmem_shared>>
        tpu.enqueue_dma source(%dma_start3A_395 : memref<80xf32, #tpu.memory_space<vmem_shared>>) target(%arg10 : memref<80xf32, #tpu.memory_space<vmem>>) target_semaphore(%run_scoped3A : memref<!tpu.dma_semaphore, #tpu.memory_space<semaphore_mem>>)
        %dma_wait3A_396 = tpu.memref_slice %arg5[%mul3A_389] : memref<10000xf32, #tpu.memory_space<vmem_shared>> -> memref<80xf32, #tpu.memory_space<vmem_shared>>
        %dma_wait3A_397 = tpu.memref_slice %arg5[%mul3A_389] : memref<10000xf32, #tpu.memory_space<vmem_shared>> -> memref<80xf32, #tpu.memory_space<vmem_shared>>
        tpu.wait_dma2 semaphore(%run_scoped3A : memref<!tpu.dma_semaphore, #tpu.memory_space<semaphore_mem>>) src(%dma_wait3A_397 : memref<80xf32, #tpu.memory_space<vmem_shared>>) dst(%arg10 : memref<80xf32, #tpu.memory_space<vmem>>)
        tpu.yield
      }) : () -> ()
      "tpu.region"() ({
        %run_scoped3A = tpu.sem_alloc : memref<!tpu.dma_semaphore, #tpu.memory_space<semaphore_mem>>
        %dma_start3A_394 = tpu.memref_slice %arg4[%add3A_387] : memref<40000xf32, #tpu.memory_space<hbm>> -> memref<80xf32, #tpu.memory_space<hbm>>
        %dma_start3A_395 = tpu.memref_slice %arg4[%add3A_387] : memref<40000xf32, #tpu.memory_space<hbm>> -> memref<80xf32, #tpu.memory_space<hbm>>
        tpu.enqueue_dma source(%arg10 : memref<80xf32, #tpu.memory_space<vmem>>) target(%dma_start3A_395 : memref<80xf32, #tpu.memory_space<hbm>>) target_semaphore(%run_scoped3A : memref<!tpu.dma_semaphore, #tpu.memory_space<semaphore_mem>>)
        %dma_wait3A_396 = tpu.memref_slice %arg4[%add3A_387] : memref<40000xf32, #tpu.memory_space<hbm>> -> memref<80xf32, #tpu.memory_space<hbm>>
        %dma_wait3A_397 = tpu.memref_slice %arg4[%add3A_387] : memref<40000xf32, #tpu.memory_space<hbm>> -> memref<80xf32, #tpu.memory_space<hbm>>
        tpu.wait_dma2 semaphore(%run_scoped3A : memref<!tpu.dma_semaphore, #tpu.memory_space<semaphore_mem>>) src(%arg10 : memref<80xf32, #tpu.memory_space<vmem>>) dst(%dma_wait3A_397 : memref<80xf32, #tpu.memory_space<hbm>>)
        tpu.yield
      }) : () -> ()
      %mul3A_390 = arith.constant 80 : i32
      %mul3A_391 = arith.muli %while3A_380, %mul3A_390 : i32
      "tpu.region"() ({
        %run_scoped3A = tpu.sem_alloc : memref<!tpu.dma_semaphore, #tpu.memory_space<semaphore_mem>>
        %dma_start3A_394 = tpu.memref_slice %arg6[%mul3A_391] : memref<10000xf32, #tpu.memory_space<vmem_shared>> -> memref<80xf32, #tpu.memory_space<vmem_shared>>
        %dma_start3A_395 = tpu.memref_slice %arg6[%mul3A_391] : memref<10000xf32, #tpu.memory_space<vmem_shared>> -> memref<80xf32, #tpu.memory_space<vmem_shared>>
        tpu.enqueue_dma source(%dma_start3A_395 : memref<80xf32, #tpu.memory_space<vmem_shared>>) target(%arg10 : memref<80xf32, #tpu.memory_space<vmem>>) target_semaphore(%run_scoped3A : memref<!tpu.dma_semaphore, #tpu.memory_space<semaphore_mem>>)
        %dma_wait3A_396 = tpu.memref_slice %arg6[%mul3A_391] : memref<10000xf32, #tpu.memory_space<vmem_shared>> -> memref<80xf32, #tpu.memory_space<vmem_shared>>
        %dma_wait3A_397 = tpu.memref_slice %arg6[%mul3A_391] : memref<10000xf32, #tpu.memory_space<vmem_shared>> -> memref<80xf32, #tpu.memory_space<vmem_shared>>
        tpu.wait_dma2 semaphore(%run_scoped3A : memref<!tpu.dma_semaphore, #tpu.memory_space<semaphore_mem>>) src(%dma_wait3A_397 : memref<80xf32, #tpu.memory_space<vmem_shared>>) dst(%arg10 : memref<80xf32, #tpu.memory_space<vmem>>)
        tpu.yield
      }) : () -> ()
      %add3A_392 = arith.constant 10000 : i32
      %add3A_393 = arith.addi %add3A_387, %add3A_392 : i32
      "tpu.region"() ({
        %run_scoped3A = tpu.sem_alloc : memref<!tpu.dma_semaphore, #tpu.memory_space<semaphore_mem>>
        %dma_start3A_394 = tpu.memref_slice %arg4[%add3A_393] : memref<40000xf32, #tpu.memory_space<hbm>> -> memref<80xf32, #tpu.memory_space<hbm>>
        %dma_start3A_395 = tpu.memref_slice %arg4[%add3A_393] : memref<40000xf32, #tpu.memory_space<hbm>> -> memref<80xf32, #tpu.memory_space<hbm>>
        tpu.enqueue_dma source(%arg10 : memref<80xf32, #tpu.memory_space<vmem>>) target(%dma_start3A_395 : memref<80xf32, #tpu.memory_space<hbm>>) target_semaphore(%run_scoped3A : memref<!tpu.dma_semaphore, #tpu.memory_space<semaphore_mem>>)
        %dma_wait3A_396 = tpu.memref_slice %arg4[%add3A_393] : memref<40000xf32, #tpu.memory_space<hbm>> -> memref<80xf32, #tpu.memory_space<hbm>>
        %dma_wait3A_397 = tpu.memref_slice %arg4[%add3A_393] : memref<40000xf32, #tpu.memory_space<hbm>> -> memref<80xf32, #tpu.memory_space<hbm>>
        tpu.wait_dma2 semaphore(%run_scoped3A : memref<!tpu.dma_semaphore, #tpu.memory_space<semaphore_mem>>) src(%arg10 : memref<80xf32, #tpu.memory_space<vmem>>) dst(%dma_wait3A_397 : memref<80xf32, #tpu.memory_space<hbm>>)
        tpu.yield
      }) : () -> ()
    }
    %while3A_379 = arith.constant 1 : i32
    scf.for %while3A_380 = %while3A_377 to %while3A_373 step %while3A_379  : i32 {
      %mul3A_381 = arith.constant 2 : i32
      %mul3A_382 = arith.muli %arg0, %mul3A_381 : i32
      %mul3A_383 = arith.constant 10000 : i32
      %mul3A_384 = arith.muli %mul3A_382, %mul3A_383 : i32
      %mul3A_385 = arith.constant 80 : i32
      %mul3A_386 = arith.muli %while3A_380, %mul3A_385 : i32
      %add3A_387 = arith.addi %mul3A_384, %mul3A_386 : i32
      %mul3A_388 = arith.constant 80 : i32
      %mul3A_389 = arith.muli %while3A_380, %mul3A_388 : i32
      "tpu.region"() ({
        %run_scoped3A = tpu.sem_alloc : memref<!tpu.dma_semaphore, #tpu.memory_space<semaphore_mem>>
        %dma_start3A_394 = tpu.memref_slice %arg5[%mul3A_389] : memref<10000xf32, #tpu.memory_space<vmem_shared>> -> memref<80xf32, #tpu.memory_space<vmem_shared>>
        %dma_start3A_395 = tpu.memref_slice %arg5[%mul3A_389] : memref<10000xf32, #tpu.memory_space<vmem_shared>> -> memref<80xf32, #tpu.memory_space<vmem_shared>>
        tpu.enqueue_dma source(%dma_start3A_395 : memref<80xf32, #tpu.memory_space<vmem_shared>>) target(%arg10 : memref<80xf32, #tpu.memory_space<vmem>>) target_semaphore(%run_scoped3A : memref<!tpu.dma_semaphore, #tpu.memory_space<semaphore_mem>>)
        %dma_wait3A_396 = tpu.memref_slice %arg5[%mul3A_389] : memref<10000xf32, #tpu.memory_space<vmem_shared>> -> memref<80xf32, #tpu.memory_space<vmem_shared>>
        %dma_wait3A_397 = tpu.memref_slice %arg5[%mul3A_389] : memref<10000xf32, #tpu.memory_space<vmem_shared>> -> memref<80xf32, #tpu.memory_space<vmem_shared>>
        tpu.wait_dma2 semaphore(%run_scoped3A : memref<!tpu.dma_semaphore, #tpu.memory_space<semaphore_mem>>) src(%dma_wait3A_397 : memref<80xf32, #tpu.memory_space<vmem_shared>>) dst(%arg10 : memref<80xf32, #tpu.memory_space<vmem>>)
        tpu.yield
      }) : () -> ()
      "tpu.region"() ({
        %run_scoped3A = tpu.sem_alloc : memref<!tpu.dma_semaphore, #tpu.memory_space<semaphore_mem>>
        %dma_start3A_394 = tpu.memref_slice %arg4[%add3A_387] : memref<40000xf32, #tpu.memory_space<hbm>> -> memref<80xf32, #tpu.memory_space<hbm>>
        %dma_start3A_395 = tpu.memref_slice %arg4[%add3A_387] : memref<40000xf32, #tpu.memory_space<hbm>> -> memref<80xf32, #tpu.memory_space<hbm>>
        tpu.enqueue_dma source(%arg10 : memref<80xf32, #tpu.memory_space<vmem>>) target(%dma_start3A_395 : memref<80xf32, #tpu.memory_space<hbm>>) target_semaphore(%run_scoped3A : memref<!tpu.dma_semaphore, #tpu.memory_space<semaphore_mem>>)
        %dma_wait3A_396 = tpu.memref_slice %arg4[%add3A_387] : memref<40000xf32, #tpu.memory_space<hbm>> -> memref<80xf32, #tpu.memory_space<hbm>>
        %dma_wait3A_397 = tpu.memref_slice %arg4[%add3A_387] : memref<40000xf32, #tpu.memory_space<hbm>> -> memref<80xf32, #tpu.memory_space<hbm>>
        tpu.wait_dma2 semaphore(%run_scoped3A : memref<!tpu.dma_semaphore, #tpu.memory_space<semaphore_mem>>) src(%arg10 : memref<80xf32, #tpu.memory_space<vmem>>) dst(%dma_wait3A_397 : memref<80xf32, #tpu.memory_space<hbm>>)
        tpu.yield
      }) : () -> ()
      %mul3A_390 = arith.constant 80 : i32
      %mul3A_391 = arith.muli %while3A_380, %mul3A_390 : i32
      "tpu.region"() ({
        %run_scoped3A = tpu.sem_alloc : memref<!tpu.dma_semaphore, #tpu.memory_space<semaphore_mem>>
        %dma_start3A_394 = tpu.memref_slice %arg6[%mul3A_391] : memref<10000xf32, #tpu.memory_space<vmem_shared>> -> memref<80xf32, #tpu.memory_space<vmem_shared>>
        %dma_start3A_395 = tpu.memref_slice %arg6[%mul3A_391] : memref<10000xf32, #tpu.memory_space<vmem_shared>> -> memref<80xf32, #tpu.memory_space<vmem_shared>>
        tpu.enqueue_dma source(%dma_start3A_395 : memref<80xf32, #tpu.memory_space<vmem_shared>>) target(%arg10 : memref<80xf32, #tpu.memory_space<vmem>>) target_semaphore(%run_scoped3A : memref<!tpu.dma_semaphore, #tpu.memory_space<semaphore_mem>>)
        %dma_wait3A_396 = tpu.memref_slice %arg6[%mul3A_391] : memref<10000xf32, #tpu.memory_space<vmem_shared>> -> memref<80xf32, #tpu.memory_space<vmem_shared>>
        %dma_wait3A_397 = tpu.memref_slice %arg6[%mul3A_391] : memref<10000xf32, #tpu.memory_space<vmem_shared>> -> memref<80xf32, #tpu.memory_space<vmem_shared>>
        tpu.wait_dma2 semaphore(%run_scoped3A : memref<!tpu.dma_semaphore, #tpu.memory_space<semaphore_mem>>) src(%dma_wait3A_397 : memref<80xf32, #tpu.memory_space<vmem_shared>>) dst(%arg10 : memref<80xf32, #tpu.memory_space<vmem>>)
        tpu.yield
      }) : () -> ()
      %add3A_392 = arith.constant 10000 : i32
      %add3A_393 = arith.addi %add3A_387, %add3A_392 : i32
      "tpu.region"() ({
        %run_scoped3A = tpu.sem_alloc : memref<!tpu.dma_semaphore, #tpu.memory_space<semaphore_mem>>
        %dma_start3A_394 = tpu.memref_slice %arg4[%add3A_393] : memref<40000xf32, #tpu.memory_space<hbm>> -> memref<80xf32, #tpu.memory_space<hbm>>
        %dma_start3A_395 = tpu.memref_slice %arg4[%add3A_393] : memref<40000xf32, #tpu.memory_space<hbm>> -> memref<80xf32, #tpu.memory_space<hbm>>
        tpu.enqueue_dma source(%arg10 : memref<80xf32, #tpu.memory_space<vmem>>) target(%dma_start3A_395 : memref<80xf32, #tpu.memory_space<hbm>>) target_semaphore(%run_scoped3A : memref<!tpu.dma_semaphore, #tpu.memory_space<semaphore_mem>>)
        %dma_wait3A_396 = tpu.memref_slice %arg4[%add3A_393] : memref<40000xf32, #tpu.memory_space<hbm>> -> memref<80xf32, #tpu.memory_space<hbm>>
        %dma_wait3A_397 = tpu.memref_slice %arg4[%add3A_393] : memref<40000xf32, #tpu.memory_space<hbm>> -> memref<80xf32, #tpu.memory_space<hbm>>
        tpu.wait_dma2 semaphore(%run_scoped3A : memref<!tpu.dma_semaphore, #tpu.memory_space<semaphore_mem>>) src(%arg10 : memref<80xf32, #tpu.memory_space<vmem>>) dst(%dma_wait3A_397 : memref<80xf32, #tpu.memory_space<hbm>>)
        tpu.yield
      }) : () -> ()
    }
    return
  }
}

module attributes {stable_mosaic.version = 14 : i64} {
  func.func @k(%arg0: i32, %arg1: memref<2000x128xf32, #tpu.memory_space<vmem>>, %arg2: memref<128x128xf32, #tpu.memory_space<vmem>>, %arg3: memref<1x128xf32, #tpu.memory_space<vmem>>, %arg4: memref<128x128xf32, #tpu.memory_space<vmem>>, %arg5: memref<1x128xf32, #tpu.memory_space<vmem>>, %arg6: memref<2000x1xf32, #tpu.memory_space<vmem>>, %arg7: memref<2000x1xf32, #tpu.memory_space<vmem>>, %arg8: memref<2000x128xf32, #tpu.memory_space<vmem>>) attributes {dimension_semantics = [#tpu.dimension_semantics<arbitrary>], iteration_bounds = array<i64: 5>, scalar_prefetch = 0 : i64, scratch_operands = 0 : i64, tpu.core_type = #tpu.core_type<tc>, window_params = [{transform_indices = @transform_0, window_bounds = array<i64: 2000, 128>}, {pipeline_mode = #tpu.pipeline_mode<synchronous>, transform_indices = @transform_1, window_bounds = array<i64: 128, 128>}, {pipeline_mode = #tpu.pipeline_mode<synchronous>, transform_indices = @transform_2, window_bounds = array<i64: 1, 128>}, {pipeline_mode = #tpu.pipeline_mode<synchronous>, transform_indices = @transform_3, window_bounds = array<i64: 128, 128>}, {pipeline_mode = #tpu.pipeline_mode<synchronous>, transform_indices = @transform_4, window_bounds = array<i64: 1, 128>}, {transform_indices = @transform_5, window_bounds = array<i64: 2000, 1>}, {transform_indices = @transform_6, window_bounds = array<i64: 2000, 1>}, {transform_indices = @transform_7, window_bounds = array<i64: 2000, 128>}]} {
    %get3A = arith.constant 0 : index
    %get3A_0 = arith.constant 0 : index
    %get3A_1 = vector.load %arg1[%get3A, %get3A_0] : memref<2000x128xf32, #tpu.memory_space<vmem>>, vector<2000x128xf32>
    %get3A_2 = arith.constant 0 : index
    %get3A_3 = arith.constant 0 : index
    %get3A_4 = vector.load %arg2[%get3A_2, %get3A_3] : memref<128x128xf32, #tpu.memory_space<vmem>>, vector<128x128xf32>
    %dot_general3A = arith.constant dense<0.000000e+00> : vector<2000x128xf32>
    %dot_general3A_5 = tpu.matmul %get3A_1, %get3A_4, %dot_general3A {dimension_numbers = #tpu.dot_dimension_numbers<[1], [0], [0], [1], [0, 0, 1, 1], [], []>, transpose_lhs_hint = false} : vector<2000x128xf32>, vector<128x128xf32>, vector<2000x128xf32> -> vector<2000x128xf32>
    %get3A_6 = arith.constant 0 : index
    %get3A_7 = arith.constant 0 : index
    %get3A_8 = vector.load %arg3[%get3A_6, %get3A_7] : memref<1x128xf32, #tpu.memory_space<vmem>>, vector<1x128xf32>
    %add3A = vector.broadcast %get3A_8 : vector<1x128xf32> to vector<2000x128xf32>
    %add3A_9 = arith.addf %dot_general3A_5, %add3A : vector<2000x128xf32>
    %ge3A = arith.constant 0.000000e+00 : f32
    %ge3A_10 = vector.broadcast %ge3A : f32 to vector<2000x128xf32>
    %ge3A_11 = arith.cmpf oge, %add3A_9, %ge3A_10 : vector<2000x128xf32>
    %mul3A = arith.constant 0.00999999977 : f32
    %mul3A_12 = vector.broadcast %mul3A : f32 to vector<2000x128xf32>
    %mul3A_13 = arith.mulf %mul3A_12, %add3A_9 : vector<2000x128xf32>
    %select_n3A = arith.select %ge3A_11, %add3A_9, %mul3A_13 : vector<2000x128xi1>, vector<2000x128xf32>
    %get3A_14 = arith.constant 0 : index
    %get3A_15 = arith.constant 0 : index
    %get3A_16 = vector.load %arg4[%get3A_14, %get3A_15] : memref<128x128xf32, #tpu.memory_space<vmem>>, vector<128x128xf32>
    %dot_general3A_17 = arith.constant dense<0.000000e+00> : vector<2000x128xf32>
    %dot_general3A_18 = tpu.matmul %select_n3A, %get3A_16, %dot_general3A_17 {dimension_numbers = #tpu.dot_dimension_numbers<[1], [0], [0], [1], [0, 0, 1, 1], [], []>, transpose_lhs_hint = false} : vector<2000x128xf32>, vector<128x128xf32>, vector<2000x128xf32> -> vector<2000x128xf32>
    %get3A_19 = arith.constant 0 : index
    %get3A_20 = arith.constant 0 : index
    %get3A_21 = vector.load %arg5[%get3A_19, %get3A_20] : memref<1x128xf32, #tpu.memory_space<vmem>>, vector<1x128xf32>
    %add3A_22 = vector.broadcast %get3A_21 : vector<1x128xf32> to vector<2000x128xf32>
    %add3A_23 = arith.addf %dot_general3A_18, %add3A_22 : vector<2000x128xf32>
    %get3A_24 = arith.constant 0 : index
    %get3A_25 = arith.constant 0 : index
    %get3A_26 = vector.load %arg6[%get3A_24, %get3A_25] : memref<2000x1xf32, #tpu.memory_space<vmem>>, vector<2000x1xf32>
    %get3A_27 = arith.constant 0 : index
    %get3A_28 = arith.constant 0 : index
    %get3A_29 = vector.load %arg7[%get3A_27, %get3A_28] : memref<2000x1xf32, #tpu.memory_space<vmem>>, vector<2000x1xf32>
    %add3A_30 = arith.addf %get3A_26, %get3A_29 : vector<2000x1xf32>
    %max3A = arith.constant 1.000000e+00 : f32
    %max3A_31 = vector.broadcast %max3A : f32 to vector<2000x1xf32>
    %max3A_32 = arith.maximumf %add3A_30, %max3A_31 : vector<2000x1xf32>
    %rsqrt3A = math.rsqrt %max3A_32 : vector<2000x1xf32>
    %mul3A_33 = vector.broadcast %rsqrt3A : vector<2000x1xf32> to vector<2000x128xf32>
    %mul3A_34 = arith.mulf %add3A_23, %mul3A_33 : vector<2000x128xf32>
    %swap3A = arith.constant 0 : index
    %swap3A_35 = arith.constant 0 : index
    %swap3A_36 = vector.load %arg8[%swap3A, %swap3A_35] : memref<2000x128xf32, #tpu.memory_space<vmem>>, vector<2000x128xf32>
    tpu.vector_store %arg8[%swap3A, %swap3A_35], %mul3A_34 {strides = array<i32>} : memref<2000x128xf32, #tpu.memory_space<vmem>>, vector<2000x128xf32>,
    return
  }
  func.func @transform_0(%arg0: i32) -> (i32, i32) {
    %c0_i32 = arith.constant 0 : i32
    %c0_i32_0 = arith.constant 0 : i32
    return %arg0, %c0_i32 : i32, i32
  }
  func.func @transform_1(%arg0: i32) -> (i32, i32) {
    %c0_i32 = arith.constant 0 : i32
    %c0_i32_0 = arith.constant 0 : i32
    %c0_i32_1 = arith.constant 0 : i32
    return %c0_i32, %c0_i32_0 : i32, i32
  }
  func.func @transform_2(%arg0: i32) -> (i32, i32) {
    %c0_i32 = arith.constant 0 : i32
    %c0_i32_0 = arith.constant 0 : i32
    %c0_i32_1 = arith.constant 0 : i32
    return %c0_i32, %c0_i32_0 : i32, i32
  }
  func.func @transform_3(%arg0: i32) -> (i32, i32) {
    %c0_i32 = arith.constant 0 : i32
    %c0_i32_0 = arith.constant 0 : i32
    %c0_i32_1 = arith.constant 0 : i32
    return %c0_i32, %c0_i32_0 : i32, i32
  }
  func.func @transform_4(%arg0: i32) -> (i32, i32) {
    %c0_i32 = arith.constant 0 : i32
    %c0_i32_0 = arith.constant 0 : i32
    %c0_i32_1 = arith.constant 0 : i32
    return %c0_i32, %c0_i32_0 : i32, i32
  }
  func.func @transform_5(%arg0: i32) -> (i32, i32) {
    %c0_i32 = arith.constant 0 : i32
    %c0_i32_0 = arith.constant 0 : i32
    return %arg0, %c0_i32 : i32, i32
  }
  func.func @transform_6(%arg0: i32) -> (i32, i32) {
    %c0_i32 = arith.constant 0 : i32
    %c0_i32_0 = arith.constant 0 : i32
    return %arg0, %c0_i32 : i32, i32
  }
  func.func @transform_7(%arg0: i32) -> (i32, i32) {
    %c0_i32 = arith.constant 0 : i32
    %c0_i32_0 = arith.constant 0 : i32
    return %arg0, %c0_i32 : i32, i32
  }
}

module attributes {stable_mosaic.version = 14 : i64} {
  func.func @k(%arg0: i32, %arg1: memref<2000x128xf32, #tpu.memory_space<vmem>>, %arg2: memref<2000x128xf32, #tpu.memory_space<vmem>>, %arg3: memref<2000x1xf32, #tpu.memory_space<vmem>>, %arg4: memref<2000x1xf32, #tpu.memory_space<vmem>>, %arg5: memref<128x128xf32, #tpu.memory_space<vmem>>, %arg6: memref<1x128xf32, #tpu.memory_space<vmem>>, %arg7: memref<2000x1xf32, #tpu.memory_space<vmem>>, %arg8: memref<2000x1xf32, #tpu.memory_space<vmem>>, %arg9: memref<2000x128xf32, #tpu.memory_space<vmem>>) attributes {dimension_semantics = [#tpu.dimension_semantics<arbitrary>], iteration_bounds = array<i64: 5>, scalar_prefetch = 0 : i64, scratch_operands = 0 : i64, tpu.core_type = #tpu.core_type<tc>, window_params = [{transform_indices = @transform_0, window_bounds = array<i64: 2000, 128>}, {transform_indices = @transform_1, window_bounds = array<i64: 2000, 128>}, {transform_indices = @transform_2, window_bounds = array<i64: 2000, 1>}, {transform_indices = @transform_3, window_bounds = array<i64: 2000, 1>}, {pipeline_mode = #tpu.pipeline_mode<synchronous>, transform_indices = @transform_4, window_bounds = array<i64: 128, 128>}, {pipeline_mode = #tpu.pipeline_mode<synchronous>, transform_indices = @transform_5, window_bounds = array<i64: 1, 128>}, {transform_indices = @transform_6, window_bounds = array<i64: 2000, 1>}, {transform_indices = @transform_7, window_bounds = array<i64: 2000, 1>}, {transform_indices = @transform_8, window_bounds = array<i64: 2000, 128>}]} {
    %get3A = arith.constant 0 : index
    %get3A_0 = arith.constant 0 : index
    %get3A_1 = vector.load %arg1[%get3A, %get3A_0] : memref<2000x128xf32, #tpu.memory_space<vmem>>, vector<2000x128xf32>
    %get3A_2 = arith.constant 0 : index
    %get3A_3 = arith.constant 0 : index
    %get3A_4 = vector.load %arg2[%get3A_2, %get3A_3] : memref<2000x128xf32, #tpu.memory_space<vmem>>, vector<2000x128xf32>
    %add3A = arith.addf %get3A_1, %get3A_4 : vector<2000x128xf32>
    %get3A_5 = arith.constant 0 : index
    %get3A_6 = arith.constant 0 : index
    %get3A_7 = vector.load %arg3[%get3A_5, %get3A_6] : memref<2000x1xf32, #tpu.memory_space<vmem>>, vector<2000x1xf32>
    %get3A_8 = arith.constant 0 : index
    %get3A_9 = arith.constant 0 : index
    %get3A_10 = vector.load %arg4[%get3A_8, %get3A_9] : memref<2000x1xf32, #tpu.memory_space<vmem>>, vector<2000x1xf32>
    %add3A_11 = arith.addf %get3A_7, %get3A_10 : vector<2000x1xf32>
    %max3A = arith.constant 1.000000e+00 : f32
    %max3A_12 = vector.broadcast %max3A : f32 to vector<2000x1xf32>
    %max3A_13 = arith.maximumf %add3A_11, %max3A_12 : vector<2000x1xf32>
    %rsqrt3A = math.rsqrt %max3A_13 : vector<2000x1xf32>
    %mul3A = vector.broadcast %rsqrt3A : vector<2000x1xf32> to vector<2000x128xf32>
    %mul3A_14 = arith.mulf %add3A, %mul3A : vector<2000x128xf32>
    %ge3A = arith.constant 0.000000e+00 : f32
    %ge3A_15 = vector.broadcast %ge3A : f32 to vector<2000x128xf32>
    %ge3A_16 = arith.cmpf oge, %mul3A_14, %ge3A_15 : vector<2000x128xf32>
    %mul3A_17 = arith.constant 0.00999999977 : f32
    %mul3A_18 = vector.broadcast %mul3A_17 : f32 to vector<2000x128xf32>
    %mul3A_19 = arith.mulf %mul3A_18, %mul3A_14 : vector<2000x128xf32>
    %select_n3A = arith.select %ge3A_16, %mul3A_14, %mul3A_19 : vector<2000x128xi1>, vector<2000x128xf32>
    %get3A_20 = arith.constant 0 : index
    %get3A_21 = arith.constant 0 : index
    %get3A_22 = vector.load %arg5[%get3A_20, %get3A_21] : memref<128x128xf32, #tpu.memory_space<vmem>>, vector<128x128xf32>
    %dot_general3A = arith.constant dense<0.000000e+00> : vector<2000x128xf32>
    %dot_general3A_23 = tpu.matmul %select_n3A, %get3A_22, %dot_general3A {dimension_numbers = #tpu.dot_dimension_numbers<[1], [0], [0], [1], [0, 0, 1, 1], [], []>, transpose_lhs_hint = false} : vector<2000x128xf32>, vector<128x128xf32>, vector<2000x128xf32> -> vector<2000x128xf32>
    %get3A_24 = arith.constant 0 : index
    %get3A_25 = arith.constant 0 : index
    %get3A_26 = vector.load %arg6[%get3A_24, %get3A_25] : memref<1x128xf32, #tpu.memory_space<vmem>>, vector<1x128xf32>
    %add3A_27 = vector.broadcast %get3A_26 : vector<1x128xf32> to vector<2000x128xf32>
    %add3A_28 = arith.addf %dot_general3A_23, %add3A_27 : vector<2000x128xf32>
    %get3A_29 = arith.constant 0 : index
    %get3A_30 = arith.constant 0 : index
    %get3A_31 = vector.load %arg7[%get3A_29, %get3A_30] : memref<2000x1xf32, #tpu.memory_space<vmem>>, vector<2000x1xf32>
    %get3A_32 = arith.constant 0 : index
    %get3A_33 = arith.constant 0 : index
    %get3A_34 = vector.load %arg8[%get3A_32, %get3A_33] : memref<2000x1xf32, #tpu.memory_space<vmem>>, vector<2000x1xf32>
    %add3A_35 = arith.addf %get3A_31, %get3A_34 : vector<2000x1xf32>
    %max3A_36 = arith.constant 1.000000e+00 : f32
    %max3A_37 = vector.broadcast %max3A_36 : f32 to vector<2000x1xf32>
    %max3A_38 = arith.maximumf %add3A_35, %max3A_37 : vector<2000x1xf32>
    %rsqrt3A_39 = math.rsqrt %max3A_38 : vector<2000x1xf32>
    %mul3A_40 = vector.broadcast %rsqrt3A_39 : vector<2000x1xf32> to vector<2000x128xf32>
    %mul3A_41 = arith.mulf %add3A_28, %mul3A_40 : vector<2000x128xf32>
    %swap3A = arith.constant 0 : index
    %swap3A_42 = arith.constant 0 : index
    %swap3A_43 = vector.load %arg9[%swap3A, %swap3A_42] : memref<2000x128xf32, #tpu.memory_space<vmem>>, vector<2000x128xf32>
    tpu.vector_store %arg9[%swap3A, %swap3A_42], %mul3A_41 {strides = array<i32>} : memref<2000x128xf32, #tpu.memory_space<vmem>>, vector<2000x128xf32>,
    return
  }
  func.func @transform_0(%arg0: i32) -> (i32, i32) {
    %c0_i32 = arith.constant 0 : i32
    %c0_i32_0 = arith.constant 0 : i32
    return %arg0, %c0_i32 : i32, i32
  }
  func.func @transform_1(%arg0: i32) -> (i32, i32) {
    %c0_i32 = arith.constant 0 : i32
    %c0_i32_0 = arith.constant 0 : i32
    return %arg0, %c0_i32 : i32, i32
  }
  func.func @transform_2(%arg0: i32) -> (i32, i32) {
    %c0_i32 = arith.constant 0 : i32
    %c0_i32_0 = arith.constant 0 : i32
    return %arg0, %c0_i32 : i32, i32
  }
  func.func @transform_3(%arg0: i32) -> (i32, i32) {
    %c0_i32 = arith.constant 0 : i32
    %c0_i32_0 = arith.constant 0 : i32
    return %arg0, %c0_i32 : i32, i32
  }
  func.func @transform_4(%arg0: i32) -> (i32, i32) {
    %c0_i32 = arith.constant 0 : i32
    %c0_i32_0 = arith.constant 0 : i32
    %c0_i32_1 = arith.constant 0 : i32
    return %c0_i32, %c0_i32_0 : i32, i32
  }
  func.func @transform_5(%arg0: i32) -> (i32, i32) {
    %c0_i32 = arith.constant 0 : i32
    %c0_i32_0 = arith.constant 0 : i32
    %c0_i32_1 = arith.constant 0 : i32
    return %c0_i32, %c0_i32_0 : i32, i32
  }
  func.func @transform_6(%arg0: i32) -> (i32, i32) {
    %c0_i32 = arith.constant 0 : i32
    %c0_i32_0 = arith.constant 0 : i32
    return %arg0, %c0_i32 : i32, i32
  }
  func.func @transform_7(%arg0: i32) -> (i32, i32) {
    %c0_i32 = arith.constant 0 : i32
    %c0_i32_0 = arith.constant 0 : i32
    return %arg0, %c0_i32 : i32, i32
  }
  func.func @transform_8(%arg0: i32) -> (i32, i32) {
    %c0_i32 = arith.constant 0 : i32
    %c0_i32_0 = arith.constant 0 : i32
    return %arg0, %c0_i32 : i32, i32
  }
}

module attributes {stable_mosaic.version = 14 : i64} {
  func.func @k(%arg0: i32, %arg1: memref<2000x128xf32, #tpu.memory_space<vmem>>, %arg2: memref<2000x128xf32, #tpu.memory_space<vmem>>, %arg3: memref<2000x1xf32, #tpu.memory_space<vmem>>, %arg4: memref<2000x1xf32, #tpu.memory_space<vmem>>, %arg5: memref<2000x128xf32, #tpu.memory_space<vmem>>) attributes {dimension_semantics = [#tpu.dimension_semantics<arbitrary>], iteration_bounds = array<i64: 5>, scalar_prefetch = 0 : i64, scratch_operands = 0 : i64, tpu.core_type = #tpu.core_type<tc>, window_params = [{transform_indices = @transform_0, window_bounds = array<i64: 2000, 128>}, {transform_indices = @transform_1, window_bounds = array<i64: 2000, 128>}, {transform_indices = @transform_2, window_bounds = array<i64: 2000, 1>}, {transform_indices = @transform_3, window_bounds = array<i64: 2000, 1>}, {transform_indices = @transform_4, window_bounds = array<i64: 2000, 128>}]} {
    %get3A = arith.constant 0 : index
    %get3A_0 = arith.constant 0 : index
    %get3A_1 = vector.load %arg1[%get3A, %get3A_0] : memref<2000x128xf32, #tpu.memory_space<vmem>>, vector<2000x128xf32>
    %get3A_2 = arith.constant 0 : index
    %get3A_3 = arith.constant 0 : index
    %get3A_4 = vector.load %arg2[%get3A_2, %get3A_3] : memref<2000x128xf32, #tpu.memory_space<vmem>>, vector<2000x128xf32>
    %add3A = arith.addf %get3A_1, %get3A_4 : vector<2000x128xf32>
    %get3A_5 = arith.constant 0 : index
    %get3A_6 = arith.constant 0 : index
    %get3A_7 = vector.load %arg3[%get3A_5, %get3A_6] : memref<2000x1xf32, #tpu.memory_space<vmem>>, vector<2000x1xf32>
    %get3A_8 = arith.constant 0 : index
    %get3A_9 = arith.constant 0 : index
    %get3A_10 = vector.load %arg4[%get3A_8, %get3A_9] : memref<2000x1xf32, #tpu.memory_space<vmem>>, vector<2000x1xf32>
    %add3A_11 = arith.addf %get3A_7, %get3A_10 : vector<2000x1xf32>
    %max3A = arith.constant 1.000000e+00 : f32
    %max3A_12 = vector.broadcast %max3A : f32 to vector<2000x1xf32>
    %max3A_13 = arith.maximumf %add3A_11, %max3A_12 : vector<2000x1xf32>
    %rsqrt3A = math.rsqrt %max3A_13 : vector<2000x1xf32>
    %mul3A = vector.broadcast %rsqrt3A : vector<2000x1xf32> to vector<2000x128xf32>
    %mul3A_14 = arith.mulf %add3A, %mul3A : vector<2000x128xf32>
    %reduce_max3A = arith.constant dense<0xFF800000> : vector<2000xf32>
    %reduce_max3A_15 = vector.multi_reduction <maximumf>, %mul3A_14, %reduce_max3A [1] : vector<2000x128xf32> to vector<2000xf32>
    %broadcast_in_dim3A = vector.shape_cast %reduce_max3A_15 : vector<2000xf32> to vector<2000x1xf32>
    %sub3A = vector.broadcast %broadcast_in_dim3A : vector<2000x1xf32> to vector<2000x128xf32>
    %sub3A_16 = arith.subf %mul3A_14, %sub3A : vector<2000x128xf32>
    %exp3A = math.exp %sub3A_16 : vector<2000x128xf32>
    %reduce_sum3A = arith.constant dense<0.000000e+00> : vector<2000xf32>
    %reduce_sum3A_17 = vector.multi_reduction <add>, %exp3A, %reduce_sum3A [1] : vector<2000x128xf32> to vector<2000xf32>
    %broadcast_in_dim3A_18 = vector.shape_cast %reduce_sum3A_17 : vector<2000xf32> to vector<2000x1xf32>
    %div3A = vector.broadcast %broadcast_in_dim3A_18 : vector<2000x1xf32> to vector<2000x128xf32>
    %div3A_19 = arith.divf %exp3A, %div3A : vector<2000x128xf32>
    %swap3A = arith.constant 0 : index
    %swap3A_20 = arith.constant 0 : index
    %swap3A_21 = vector.load %arg5[%swap3A, %swap3A_20] : memref<2000x128xf32, #tpu.memory_space<vmem>>, vector<2000x128xf32>
    tpu.vector_store %arg5[%swap3A, %swap3A_20], %div3A_19 {strides = array<i32>} : memref<2000x128xf32, #tpu.memory_space<vmem>>, vector<2000x128xf32>,
    return
  }
  func.func @transform_0(%arg0: i32) -> (i32, i32) {
    %c0_i32 = arith.constant 0 : i32
    %c0_i32_0 = arith.constant 0 : i32
    return %arg0, %c0_i32 : i32, i32
  }
  func.func @transform_1(%arg0: i32) -> (i32, i32) {
    %c0_i32 = arith.constant 0 : i32
    %c0_i32_0 = arith.constant 0 : i32
    return %arg0, %c0_i32 : i32, i32
  }
  func.func @transform_2(%arg0: i32) -> (i32, i32) {
    %c0_i32 = arith.constant 0 : i32
    %c0_i32_0 = arith.constant 0 : i32
    return %arg0, %c0_i32 : i32, i32
  }
  func.func @transform_3(%arg0: i32) -> (i32, i32) {
    %c0_i32 = arith.constant 0 : i32
    %c0_i32_0 = arith.constant 0 : i32
    return %arg0, %c0_i32 : i32, i32
  }
  func.func @transform_4(%arg0: i32) -> (i32, i32) {
    %c0_i32 = arith.constant 0 : i32
    %c0_i32_0 = arith.constant 0 : i32
    return %arg0, %c0_i32 : i32, i32
  }
}

</mosaic_0001>

<sc_bundles>
// kernel: kernel.11.cloned.1.call-start
scs
__scs_entry_jumppad:
0x0: {  	(pc) =	sbr.rel $0x88, $3  }
0x1: {  	(tag) =	ssettag $0x0;
	lr =	simm.s32 $0x1  }
0x2: {  	[smem:$0x3F99] =	sst lr;
	_ =	strace $0xD0000000  }
0x3: {  	_ = 	snop  }
0x4: {  	_ = 	snop  }
0x5: {  	_ = 	snop  }
0x6: {  	_ = 	snop  }
0x7: {  	_ = 	snop  }
__scs_overlays_trampoline_lowered:
0x8: {  	[smem:$0x3FA8] =	sst s0  }
0x9: {  	[smem:$0x3FA9] =	sst s1  }
0xa: {  	[smem:$0x3FAA] =	sst s2  }
0xb: {  	[smem:$0x3FAB] =	sst s3  }
0xc: {  	[smem:$0x3FAC] =	sst s4  }
0xd: {  	[smem:$0x3FAD] =	sst s5  }
0xe: {  	[smem:$0x3FAE] =	sst s6  }
0xf: {  	[smem:$0x3FAF] =	sst s7  }
0x10: {  	[smem:$0x3FB0] =	sst s8  }
0x11: {  	[smem:$0x3FB1] =	sst s9;
	s0 =	simm.s32 @!p0 $0x0  }
0x12: {  	s1 =	sld [smem:$0x3F97];
	s0 =	simm.s32 @p0 $0x1  }
0x13: {  	[smem:$0x3FB2] =	sst s0;
	s0 =	simm.s32 @!p1 $0x0  }
0x14: {  	s2 =	sld [smem:$0x3F96];
	s0 =	simm.s32 @p1 $0x1  }
0x15: {  	[smem:$0x3FB3] =	sst s0;
	s0 =	simm.s32 @!p2 $0x0  }
0x16: {  	s3 =	sld [smem:$0x3FDB];
	s0 =	simm.s32 @p2 $0x1  }
0x17: {  	s4 =	simm.s32 $0x1BF5;
	[smem:$0x3FB5] =	sst s0  }
0x18: {  	s0 =	sld [smem:$0x3F98];
	_ =	swait.ge [sflag:s4], $0x0  }
0x19: {  	s7 =	sld [smem:$0x3F99]  }
0x1a: {  	s8 =	sadd.s32 $0xFFFFE003, lr  }
0x1b: {  	s9 =	sadd.s32 $0xFFFFFEF7, lr;
	s5 =	simm.s32 $0xFFFFFFFF;
	p2 =	slt.u32 s8, $0xFFFFF086  }
0x1c: {  	p1 =	slt.u32 s9, $0xF7A;
	s5 =	simm.s32 @!p2 $0x0  }
0x1d: {  	s5 =	simm.s32 @p1 $0x1;
	p0 =	seq.s32 s7, s2  }
0x1e: {  	s7 =	smul.u32 @!p0 $0xF7A, s2;
	p2 =	seq.s32 @!p0 s5, $0x0  }
0x1f: {  	s9 =	smul.u32 $0xF7A, s1;
	s8 =	simm.s32 @!p0 $0x1BF5;
	p2 =	por !p2, p0  }
0x20: {  	[sflag:s8] =	ssyncset.s32 @!p0 $0xFFFFF086;
	s6 =	sadd.s32 @!p0 s3, s7;
	s7 =	simm.s32 @!p0 $0x108  }
0x21: {  	s3 =	sadd.s32 s3, s9;
	s6 =	sadd.s32 @!p0 $0x88, s6;
	s7 =	simm.s32 @p2 $0x1082  }
0x22: {  	[simem:s7], [sflag:s8] =	dma.local @!p0 [hbm:s6], $0xF7A  }
0x23: {  	s9 =	sor.u32 $0xD0000000, s2;
	s6 =	simm.s32 $0x108;
	_ =	swait.ge @!p0 [sflag:s8], $0x0  }
0x24: {  	s3 =	sadd.s32 $0x88, s3;
	s6 =	simm.s32 @!p1 $0x1082;
	[sflag:s4] =	ssyncset.s32 $0xFFFFF086  }
0x25: {  	[simem:s6], [sflag:s4] =	dma.local [hbm:s3], $0xF7A  }
0x26: {  	[smem:$0x3F99] =	sst s1;
	(tag) =	ssettag s2;
	_ =	strace s9  }
0x27: {  	s1 =	sld [smem:$0x3FA9]  }
0x28: {  	s2 =	sld [smem:$0x3FAA]  }
0x29: {  	s4 =	sld [smem:$0x3FAC]  }
0x2a: {  	p0 =	seq.s32 s5, $0x0;
	s5 =	sld [smem:$0x3FAD]  }
0x2b: {  	s6 =	sld [smem:$0x3FAE]  }
0x2c: {  	s7 =	sld [smem:$0x3FAF]  }
0x2d: {  	s3 =	simm.s32 $0x108;
	s8 =	sld [smem:$0x3FB0]  }
0x2e: {  	s3 =	simm.s32 @!p0 $0x1082;
	s9 =	sld [smem:$0x3FB1]  }
0x2f: {  	lr =	sadd.s32 s0, s3;
	s0 =	sld [smem:$0x3FA8]  }
0x30: {  	s3 =	sld [smem:$0x3FAB]  }
0x31: {  	[smem:$0x3FB4] =	sst s10  }
0x32: {  	s10 =	sld [smem:$0x3FB2];
	_ =	sdelay $0x3  }
0x33: {  	p0 =	seq.s32 s10, $0x1;
	s10 =	sld [smem:$0x3FB4];
	_ =	sdelay $0x3  }
0x34: {  	[smem:$0x3FB4] =	sst s10  }
0x35: {  	s10 =	sld [smem:$0x3FB3];
	_ =	sdelay $0x3  }
0x36: {  	p1 =	seq.s32 s10, $0x1;
	s10 =	sld [smem:$0x3FB4];
	_ =	sdelay $0x3  }
0x37: {  	[smem:$0x3FB4] =	sst s10  }
0x38: {  	s10 =	sld [smem:$0x3FB5]  }
0x39: {  	_ = 	snop;
	(pc) =	sbr.ind lr, $3  }
0x3a: {  	_ = 	snop  }
0x3b: {  	_ = 	snop  }
0x3c: {  	p2 =	seq.s32 s10, $0x1;
	s10 =	sld [smem:$0x3FB4]  }
0x3d: {  	_ =	shalt  }
0x3e: {  	_ =	shalt  }
0x3f: {  	_ =	shalt  }
0x40: {  	_ =	shalt  }
0x41: {  	_ =	shalt  }
0x42: {  	_ =	shalt  }
0x43: {  	_ =	shalt  }
0x44: {  	_ =	shalt  }
0x45: {  	_ =	shalt  }
0x46: {  	_ =	shalt  }
0x47: {  	_ =	shalt  }
0x48: {  	_ =	shalt  }
0x49: {  	_ =	shalt  }
0x4a: {  	_ =	shalt  }
0x4b: {  	_ =	shalt  }
0x4c: {  	_ =	shalt  }
0x4d: {  	_ =	shalt  }
0x4e: {  	_ =	shalt  }
0x4f: {  	_ =	shalt  }
0x50: {  	_ =	shalt  }
0x51: {  	_ =	shalt  }
0x52: {  	_ =	shalt  }
0x53: {  	_ =	shalt  }
0x54: {  	_ =	shalt  }
0x55: {  	_ =	shalt  }
0x56: {  	_ =	shalt  }
0x57: {  	_ =	shalt  }
0x58: {  	_ =	shalt  }
0x59: {  	_ =	shalt  }
0x5a: {  	_ =	shalt  }
0x5b: {  	_ =	shalt  }
0x5c: {  	_ =	shalt  }
0x5d: {  	_ =	shalt  }
0x5e: {  	_ =	shalt  }
0x5f: {  	_ =	shalt  }
0x60: {  	_ =	shalt  }
0x61: {  	_ =	shalt  }
0x62: {  	_ =	shalt  }
0x63: {  	_ =	shalt  }
0x64: {  	_ =	shalt  }
0x65: {  	_ =	shalt  }
0x66: {  	_ =	shalt  }
0x67: {  	_ =	shalt  }
0x68: {  	_ =	shalt  }
0x69: {  	_ =	shalt  }
0x6a: {  	_ =	shalt  }
0x6b: {  	_ =	shalt  }
0x6c: {  	_ =	shalt  }
0x6d: {  	_ =	shalt  }
0x6e: {  	_ =	shalt  }
0x6f: {  	_ =	shalt  }
0x70: {  	_ =	shalt  }
0x71: {  	_ =	shalt  }
0x72: {  	_ =	shalt  }
0x73: {  	_ =	shalt  }
0x74: {  	_ =	shalt  }
0x75: {  	_ =	shalt  }
0x76: {  	_ =	shalt  }
0x77: {  	_ =	shalt  }
0x78: {  	_ =	shalt  }
0x79: {  	_ =	shalt  }
0x7a: {  	_ =	shalt  }
0x7b: {  	_ =	shalt  }
0x7c: {  	_ =	shalt  }
0x7d: {  	_ =	shalt  }
0x7e: {  	_ =	shalt  }
0x7f: {  	_ =	shalt  }
0x80: {  	_ =	shalt  }
0x81: {  	_ =	shalt  }
0x82: {  	_ =	shalt  }
0x83: {  	_ =	shalt  }
0x84: {  	_ =	shalt  }
0x85: {  	_ =	shalt  }
0x86: {  	_ =	shalt  }
0x87: {  	_ =	shalt  }
.Lfunc_end0:
.L_simem_size_0:
called_computation.1_lowered:
.L_overlay_start_0:
0x88: {  	s2 =	sld [smem:$0x3FD9]  }
0x89: {  	s3 =	sld [smem:$0x3FFE];
	_ =	sdelay $0x1  }
0x8a: {  	s1 =	srdreg.scid  }
0x8b: {  	s0 =	sand.u32 $0x1, s1  }
0x8c: {  	s17 =	sshll.u32 s0, $0xA;
	s2 =	sadd.s32 s3, s2  }
0x8d: {  	s2 =	sadd.s32 s2, s17  }
0x8e: {  	[smem:$0x3FC0] =	sst s2  }
0x8f: {  	_ = 	snop  }
0x90: {  	s2 =	sld [smem:$0x3FD0];
	(tm) =	ssettm $0x1  }
0x91: {  	s18 =	sld [smem:$0x3FFB];
	_ =	sdelay $0x3  }
0x92: {  	_ =	strace s18  }
0x93: {  	s3 =	sld [smem:$0x3FFC];
	_ =	sdelay $0x3  }
0x94: {  	_ =	strace s3  }
0x95: {  	s3 =	sld [smem:$0x3FFD];
	_ =	sdelay $0x3  }
0x96: {  	_ =	strace s3  }
0x97: {  	_ =	strace $0x8FFFFFFF  }
0x98: {  	s19 =	sld [smem:$0x3FDB];
	_ =	sdelay $0x1  }
0x99: {  	s4 =	simm.s32 $_scs_section_size  }
0x9a: {  	s5 =	simm.s32 $_size__tile_overlayer_lowered;
	s6 =	simm.s32 $_tile_overlayer_lowered  }
0x9b: {  	s22 =	simm.s32 $0x1BFF;
	s21 =	sshll.u32 s6, $0x1;
	s3 =	sadd.s32 s4, s19  }
0x9c: {  	s7 =	simm.s32 $0x0;
	s20 =	sshll.u32 s5, $0x1;
	s5 =	sadd.s32 s21, s3  }
0x9d: {  	[timem:s7], [sflag:s22] =	dma.local [hbm:s5], s20  }
0x9e: {  	_ =	swait.ge [sflag:s22], s20  }
0x9f: {  	s4 =	ssub.s32 $0x0, s20;
	[sflag:s22] =	ssyncset.done $0x0  }
0xa0: {  	[sflag:s22] =	ssyncadd.s32 s4;
	_ =	sdelay $0x1  }
0xa1: {  	s23 =	simm.s32 $0x1B8B  }
0xa2: {  	_ =	swait.ge [sflag:s23], $0x1  }
0xa3: {  	[sflag:s23] =	ssyncset.done $0x0  }
0xa4: {  	s25 =	simm.s32 $0x1B8E;
	s24 =	sld [smem:$0x3FFE];
	[sflag:s23] =	ssyncadd.s32 $0xFFFFFFFF  }
0xa5: {  	s26 =	simm.s32 $execute0_lowered;
	[smem:$0x3FD2] =	sst s25  }
0xa6: {  	s5 =	sshll.u32 s26, $0x1;
	_ =	strace $0x80000049;
	[dreg:$0x1] =	wrdreg $0xFFFFFFFF  }
0xa7: {  	s28 =	simm.s32 $_size_execute0_lowered;
	s3 =	sadd.s32 s3, s5;
	[dreg:$0x0] =	wrdreg $0x0  }
0xa8: {  	s5 =	sshll.u32 s28, $0x1;
	[dreg:$0x2] =	wrdreg s3  }
0xa9: {  	[dreg:$0x3] =	wrdreg s5  }
0xaa: {  	[dreg:$0x4] =	wrdreg $0xC0  }
0xab: {  	_ =	task [dreg:s7], $0x5FFFF  }
0xac: {  	[dreg:$0x1] =	wrdreg $0xFFFFFFFF  }
0xad: {  	[dreg:$0x0] =	wrdreg $0x60  }
0xae: {  	[dreg:$0x2] =	wrdreg s2  }
0xaf: {  	[dreg:$0x3] =	wrdreg s24  }
0xb0: {  	[dreg:$0x4] =	wrdreg $0x0  }
0xb1: {  	[dreg:$0x5] =	wrdreg $0x9  }
0xb2: {  	_ =	task.clear_ibuf [dreg:s7], $0x6FFFF;
	_ =	strace $0x90000049  }
0xb3: {  	s29 =	simm.s32 $0x9;
	_ =	strace $0x8000004B  }
0xb4: {  	_ =	swait.ge [sflag:s29], $0x1  }
0xb5: {  	[sflag:s29] =	ssyncadd.s32 $0xFFFFFFFF  }
0xb6: {  	_ =	strace $0x9000004B  }
0xb7: {  	_ =	sfence  }
0xb8: {  	s30 =	sld [smem:$0x0];
	_ =	sdelay $0x2  }
0xb9: {  	s31 =	sshll.u32 s1, $0xD;
	s1 =	sshrl.u32 s1, $0x2  }
0xba: {  	s3 =	sand.u32 $0x4000, s31;
	s1 =	sadd.s32 s1, s30  }
0xbb: {  	s0 =	sor.u32 s3, s0;
	s1 =	sshll.u32 s1, $0x11  }
0xbc: {  	s0 =	sor.u32 s1, s0  }
0xbd: {  	s0 =	sadd.s32 $0x8F2B, s0  }
0xbe: {  	[sflag:s0] =	ssyncadd.remote.s32 $0x1  }
0xbf: {  	_ =	sfence.sel $0xFFFF  }
0xc0: {  	[dreg:$0x0] =	wrdreg $0xFFFFFFFF;
	(pc) =	sbr.abs _section_cstart, $3  }
0xc1: {  	[dreg:$0x1] =	wrdreg $0xFFFFFFFF  }
0xc2: {  	_ =	task.clear_ibuf [dreg:s7], $0x2FFFF;
	_ =	strace $0x9FFFFFFF  }
0xc3: {  	(tm) =	ssettm $0x7FFFFFFF  }
tec
execute0_lowered:
.L_overlay_start_1:
0x0: {  	(tag) =	ssettag $0x1  }
0x1: {  	s1 =	rddreg [dreg:$0x0]  }
0x2: {  	s0 =	rddreg [dreg:$0x1]  }
0x3: {  	s3 =	rddreg [dreg:$0x2];
	s12 =	stileid.u32;
	s4 =	simm.s32 $0x0  }
0x4: {  	s24 =	simm.s32 $0x13900;
	s25 =	simm.s32 $0x13980;
	[smem:$0x7FF] =	sst s4  }
0x5: {  	s26 =	simm.s32 $0x13D00;
	_ =	strace $0x8000004A;
	[dreg:$0x6] =	wrdreg s24  }
0x6: {  	s6 =	smul.u32 $0x5000, s12;
	s21 =	sshll.u32 s12, $0x1;
	[dreg:$0x7] =	wrdreg s25  }
0x7: {  	s22 =	smul.u32 $0x7D, s12;
	s12 =	simm.s32 $0x13A00;
	[dreg:$0x8] =	wrdreg s26  }
0x8: {  	s2 =	srdreg.scid;
	s13 =	simm.s32 $0x13D80;
	[dreg:$0x9] =	wrdreg s12  }
0x9: {  	s17 =	simm.s32 $0x13A80;
	s18 =	simm.s32 $0x13E00;
	[dreg:$0xa] =	wrdreg s13  }
0xa: {  	s19 =	simm.s32 $0x13B00;
	s28 =	simm.s32 $0x4;
	[dreg:$0xb] =	wrdreg s17  }
0xb: {  	s29 =	simm.s32 $0x14780;
	s30 =	simm.s32 $0x14800;
	[dreg:$0xc] =	wrdreg s18  }
0xc: {  	s31 =	simm.s32 $0x7;
	[dreg:$0xd] =	wrdreg s19;
	s24 =	simm.s32 $0x13C00  }
0xd: {  	s2 =	sand.u32 $0x1, s2;
	s25 =	simm.s32 $0x13F80;
	[dreg:$0x11] =	wrdreg s24  }
0xe: {  	s5 =	sadd.s32 $0x2E00, s0;
	s13 =	simm.s32 $0x14100;
	[dreg:$0x12] =	wrdreg s25  }
0xf: {  	s7 =	smul.u32 $0x2800, s2;
	s17 =	simm.s32 $0x14500;
	[dreg:$0x14] =	wrdreg s13  }
0x10: {  	s8 =	ssub.s32 $0x2, s2;
	s18 =	simm.s32 $0x14200;
	[dreg:$0x16] =	wrdreg s17  }
0x11: {  	s19 =	simm.s32 $0x14580;
	s10 =	sshrl.u32 s8, $0x1;
	[dreg:$0x17] =	wrdreg s18  }
0x12: {  	s14 =	sshrl.u32 s22, $0x4;
	s17 =	simm.s32 $0x13880;
	[dreg:$0x18] =	wrdreg s19  }
0x13: {  	s18 =	simm.s32 $0x13C80;
	s19 =	simm.s32 $0x3;
	s24 =	simm.s32 $0x14380  }
0x14: {  	s9 =	sadd.s32 s7, s6;
	s6 =	sadd.s32 $0xCE00, s0;
	s7 =	sadd.s32 $0x65200, s0  }
0x15: {  	s0 =	ssub.s32 s8, s10;
	s10 =	sor.u32 s2, s21;
	s2 =	smul.u32 $0x138800, s2  }
0x16: {  	s25 =	simm.s32 $0x14700;
	s21 =	smul.u32 $0xA000, s14;
	[dreg:$0x1d] =	wrdreg s24  }
0x17: {  	s26 =	smul.u32 $0x2800, s14;
	[dreg:$0x1e] =	wrdreg s25;
	s24 =	simm.s32 $0x2  }
0x18: {  	s25 =	simm.s32 $0x5;
	s11 =	sor.u32 $0x400, s9;
	s0 =	smax.u32 s0, $0x1  }
0x19: {  	s9 =	sadd.s32 $0x800, s9;
	s20 =	sshrl.u32 s11, $0x3;
	[smem:$0x7FB] =	sst s0  }
0x1a: {  	s11 =	sadd.s32 $0x7D, s22;
	s22 =	simm.s32 $0x13B80;
	[smem:$0x7FC] =	sst s9  }
0x1b: {  	s10 =	smul.u32 $0x2800, s10;
	s2 =	sadd.s32 s26, s2;
	[dreg:$0xf] =	wrdreg s22  }
0x1c: {  	s26 =	simm.s32 $0x14400;
	s0 =	simm.s32 $0x0;
	[smem:$0x7FD] =	sst s2  }
0x1d: {  	s23 =	sadd.s32 s20, s6;
	s8 =	sadd.s32 s20, s5;
	[dreg:$0x1f] =	wrdreg s26  }
0x1e: {  	s15 =	sshrl.u32 s11, $0x4;
	s10 =	sshrl.u32 s10, $0x3;
	[dreg:$0x4] =	wrdreg s23  }
0x1f: {  	s20 =	simm.s32 $0x13E80;
	s22 =	simm.s32 $0x14300;
	[dreg:$0x5] =	wrdreg s8  }
0x20: {  	s26 =	simm.s32 $0x6;
	s16 =	sadd.s32 s5, s10;
	[dreg:$0xe] =	wrdreg s20  }
0x21: {  	s10 =	sadd.s32 s6, s10;
	s11 =	ssub.s32 s15, s14;
	[dreg:$0x1b] =	wrdreg s22  }
0x22: {  	s23 =	simm.s32 $0x13F00;
	s8 =	sshrl.u32 s21, $0x2;
	[smem:$0x7F9] =	sst s16  }
0x23: {  	p0 =	sle.u32 s15, s14;
	s15 =	simm.s32 $0x14880;
	[smem:$0x7FA] =	sst s10  }
0x24: {  	s20 =	simm.s32 $0x14280;
	s21 =	simm.s32 $0x14600;
	[dreg:$0x10] =	wrdreg s23  }
.Ltmp0:
0x25: {  	s22 =	simm.s32 $0x7D;
	[dreg:$0x19] =	wrdreg s20;
	(pc) =	sbr.rel .LBB2_1-.Ltmp0, $4  }
0x26: {  	s12 =	sadd.s32 s8, s3;
	s10 =	simm.s32 $0x14000;
	[dreg:$0x1a] =	wrdreg s21  }
0x27: {  	s16 =	simm.s32 $0x14180;
	s20 =	simm.s32 $0x14080;
	[dreg:$0x13] =	wrdreg s10  }
0x28: {  	s23 =	simm.s32 $0x14680;
	s21 =	simm.s32 $0x14480;
	[dreg:$0x15] =	wrdreg s16  }
0x29: {  	v0 =	vimm.f32 $0.0e+00;
	s16 =	simm.s32 $0x1;
	[dreg:$0x1c] =	wrdreg s23;
	s23 =	simm.s32 $0x18880  }
.LBB2_14:
0x2a: {  	_ =	swait.ge [sflag:s31], $0x500  }
0x2b: {  	[sflag:s31] =	ssyncset.done $0x0  }
0x2c: {  	[sflag:s31] =	ssyncadd.s32 $0xFFFFFB00  }
.LBB2_15:
0x2d: {  	s2 =	sld [smem:$0x7FB];
	_ =	sdelay $0x1  }
0x2e: {  	s0 =	sadd.s32 $0x1, s0  }
0x2f: {  	p1 =	sne.s32 s0, s2  }
.Ltmp1:
0x30: {  	_ = 	snop;
	(pc) =	sbr.rel @!p1 .LBB2_16-.Ltmp1, $1  }
0x31: {  	_ =	sdelay $0x3  }
.LBB2_1:
0x32: {  	s2 =	sand.u32 $0xFE00, s4  }
0x33: {  	s8 =	sand.u32 $0x70, s4;
	s9 =	sshrl.u32 s2, $0x2  }
0x34: {  	s2 =	simm.s32 $0x40;
	s9 =	sor.u32 s8, s9;
	s8 =	simm.s32 $0x0  }
.LBB2_2:
0x35: {  	p1 =	sne.s32 s2, $0x9FC0  }
0x36: {  	[tilespmem:s9+$0x14880] =	vst v0;
	s8 =	sadd.s32 $0x10, s8;
	s9 =	smov.u32 s2;
	s2 =	sadd.s32 $0x40, s2  }
.Ltmp2:
0x37: {  	(pc) =	sbr.rel @p1 .LBB2_2-.Ltmp2, $4  }
0x38: {  	_ = 	snop  }
0x39: {  	s9 =	sand.u32 $0xFE00, s9  }
0x3a: {  	s14 =	sand.u32 $0x70, s8;
	s9 =	sshrl.u32 s9, $0x2  }
0x3b: {  	s9 =	sor.u32 s14, s9  }
.Ltmp3:
0x3c: {  	(pc) =	sbr.rel @p0 .LBB2_9-.Ltmp3, $2  }
0x3d: {  	_ =	sdelay $0x2  }
0x3e: {  	[tilespmem:s9+$0x14880] =	vst v0  }
0x3f: {  	p1 =	sne.s32 s11, $0x1  }
.Ltmp4:
0x40: {  	_ = 	snop;
	(pc) =	sbr.rel @!p1 .LBB2_6-.Ltmp4, $3  }
0x41: {  	_ =	sdelay $0x1  }
0x42: {  	[spmem:s12] =	stream.linear.scatter [tilespmem:s15], [sflag:$0x1], $0x2800, $0x38;
	[tilespmem:$0x1C880] =	vst v63  }
0x43: {  	s2 =	sadd.s32 $0xFFFFFFFF, s11;
	s8 =	smov.u32 s12  }
.LBB2_5:
0x44: {  	p1 =	sne.s32 s2, $0x1  }
.Ltmp5:
0x45: {  	_ = 	snop;
	(pc) =	sbr.rel @p1 .LBB2_5-.Ltmp5, $3  }
0x46: {  	_ = 	snop  }
0x47: {  	s2 =	sadd.s32 $0xFFFFFFFF, s2;
	s8 =	sadd.s32 $0x2800, s8;
	_ =	sdelay $0x1  }
0x48: {  	[spmem:s8] =	stream.linear.scatter [tilespmem:s15], [sflag:$0x1], $0x2800, $0x38;
	[tilespmem:$0x1C880] =	vst v63  }
.LBB2_6:
0x49: {  	p1 =	sne.s32 s11, $0x1  }
.Ltmp6:
0x4a: {  	_ = 	snop;
	(pc) =	sbr.rel @!p1 .LBB2_8-.Ltmp6, $3  }
0x4b: {  	_ =	sdelay $0x1  }
0x4c: {  	_ =	swait.ge [sflag:s16], $0x2800  }
0x4d: {  	s2 =	sadd.s32 $0xFFFFFFFF, s11;
	[sflag:s16] =	ssyncset.done $0x0  }
.LBB2_7:
0x4e: {  	p1 =	sne.s32 s2, $0x1;
	s2 =	sadd.s32 $0xFFFFFFFF, s2;
	[sflag:s16] =	ssyncadd.s32 $0xFFFFD800  }
.Ltmp7:
0x4f: {  	(pc) =	sbr.rel @p1 .LBB2_7-.Ltmp7, $3  }
0x50: {  	_ =	sdelay $0x1  }
0x51: {  	_ =	swait.ge [sflag:s16], $0x2800  }
0x52: {  	[sflag:s16] =	ssyncset.done $0x0  }
.LBB2_8:
0x53: {  	[sflag:s16] =	ssyncadd.s32 $0xFFFFD800  }
.LBB2_9:
0x54: {  	[bflag:$0x0] =	sbarrier.arrive $0xFFFF  }
0x55: {  	s8 =	sld [smem:$0x7F9];
	_ =	sdelay $0x1  }
0x56: {  	s2 =	simm.s32 $0x0;
	s10 =	sld [smem:$0x7FA]  }
0x57: {  	[tilespmem:s17], [sflag:$0x3] =	stream.linear.gather [hbm4b:s8+s2], $0x400, $0x38;
	[tilespmem:$0x1C880] =	vst v63  }
0x58: {  	_ = 	snop  }
0x59: {  	[tilespmem:s18], [sflag:$0x3] =	stream.linear.gather [hbm4b:s10+s2], $0x400, $0x38;
	[tilespmem:$0x1C880] =	vst v63  }
0x5a: {  	_ =	swait.ge [sflag:s19], $0x400  }
0x5b: {  	[sflag:s19] =	ssyncset.done $0x0  }
0x5c: {  	[sflag:s19] =	ssyncadd.s32 $0xFFFFFC00  }
0x5d: {  	_ =	swait.ge [sflag:s19], $0x400  }
0x5e: {  	s13 =	rddreg [dreg:$0x5];
	[sflag:s19] =	ssyncset.done $0x0  }
0x5f: {  	s14 =	rddreg [dreg:$0x4];
	[sflag:s19] =	ssyncadd.s32 $0xFFFFFC00;
	s2 =	sadd.s32 $0x0, s13  }
0x60: {  	[tilespmem:s20], [sflag:$0x4] =	stream.linear.gather [hbm4b:s2+s4], $0x400, $0x38;
	[tilespmem:$0x1C880] =	vst v63  }
0x61: {  	s9 =	sadd.s32 $0x0, s14  }
0x62: {  	[tilespmem:s21], [sflag:$0x4] =	stream.linear.gather [hbm4b:s9+s4], $0x400, $0x38;
	[tilespmem:$0x1C880] =	vst v63  }
0x63: {  	_ = 	snop  }
0x64: {  	[tilespmem:s15], [sflag:$0x1] =	stream.indirect.gather [hbm4b:s1+s22], $0x80, s17, s22, $0xb8;
	[tilespmem:$0x1C880] =	vst v63  }
0x65: {  	_ =	swait.ge [sflag:s16], $0x3E80  }
0x66: {  	p1 =	por $0x1, $0x1;
	[sflag:s16] =	ssyncset.done $0x0  }
0x67: {  	s2 =	simm.s32 @!p1 $0x6;
	[sflag:s16] =	ssyncadd.s32 $0xFFFFC180  }
0x68: {  	_ =	swait.ge @!p1 [sflag:s2], $0x3E80  }
0x69: {  	[sflag:s2] =	ssyncset.done @!p1 $0x0  }
0x6a: {  	s10 =	rddreg [dreg:$0x6];
	[sflag:s2] =	ssyncadd.s32 @!p1 $0xFFFFC180  }
0x6b: {  	[tilespmem:s23], [sflag:$0x2] =	stream.indirect.gather [hbm4b:s1+s22], $0x80, s10, s22, $0xb8;
	[tilespmem:$0x1C880] =	vst v63  }
0x6c: {  	_ = 	snop  }
0x6d: {  	[spmem:s3] =	stream.indirect.scatter.add.f32 [tilespmem:s15], [sflag:$0x5], $0x80, s18, s22, $0xb8;
	[tilespmem:$0x1C880] =	vst v63  }
0x6e: {  	_ =	swait.ge [sflag:s24], $0x3E80  }
0x6f: {  	[sflag:s24] =	ssyncset.done $0x0  }
0x70: {  	[sflag:s24] =	ssyncadd.s32 $0xFFFFC180  }
0x71: {  	_ =	swait.ge [sflag:s25], $0x3E80  }
0x72: {  	[sflag:s25] =	ssyncset.done $0x0  }
0x73: {  	s13 =	rddreg [dreg:$0x7];
	[sflag:s25] =	ssyncadd.s32 $0xFFFFC180  }
0x74: {  	[tilespmem:s15], [sflag:$0x1] =	stream.indirect.gather [hbm4b:s1+s22], $0x80, s13, s22, $0xb8;
	[tilespmem:$0x1C880] =	vst v63  }
0x75: {  	s14 =	rddreg [dreg:$0x8]  }
0x76: {  	[spmem:s3] =	stream.indirect.scatter.add.f32 [tilespmem:s23], [sflag:$0x6], $0x80, s14, s22, $0xb8;
	[tilespmem:$0x1C880] =	vst v63  }
0x77: {  	_ =	swait.ge [sflag:s16], $0x3E80  }
0x78: {  	[sflag:s16] =	ssyncset.done $0x0  }
0x79: {  	[sflag:s16] =	ssyncadd.s32 $0xFFFFC180  }
0x7a: {  	_ =	swait.ge [sflag:s26], $0x3E80  }
0x7b: {  	[sflag:s26] =	ssyncset.done $0x0  }
0x7c: {  	s9 =	rddreg [dreg:$0x9];
	[sflag:s26] =	ssyncadd.s32 $0xFFFFC180  }
0x7d: {  	[tilespmem:s23], [sflag:$0x2] =	stream.indirect.gather [hbm4b:s1+s22], $0x80, s9, s22, $0xb8;
	[tilespmem:$0x1C880] =	vst v63  }
0x7e: {  	s10 =	rddreg [dreg:$0xa]  }
0x7f: {  	[spmem:s3] =	stream.indirect.scatter.add.f32 [tilespmem:s15], [sflag:$0x5], $0x80, s10, s22, $0xb8;
	[tilespmem:$0x1C880] =	vst v63  }
0x80: {  	_ =	swait.ge [sflag:s24], $0x3E80  }
0x81: {  	[sflag:s24] =	ssyncset.done $0x0  }
0x82: {  	[sflag:s24] =	ssyncadd.s32 $0xFFFFC180  }
0x83: {  	_ =	swait.ge [sflag:s25], $0x3E80  }
0x84: {  	[sflag:s25] =	ssyncset.done $0x0  }
0x85: {  	s13 =	rddreg [dreg:$0xb];
	[sflag:s25] =	ssyncadd.s32 $0xFFFFC180  }
0x86: {  	[tilespmem:s15], [sflag:$0x1] =	stream.indirect.gather [hbm4b:s1+s22], $0x80, s13, s22, $0xb8;
	[tilespmem:$0x1C880] =	vst v63  }
0x87: {  	s14 =	rddreg [dreg:$0xc]  }
0x88: {  	[spmem:s3] =	stream.indirect.scatter.add.f32 [tilespmem:s23], [sflag:$0x6], $0x80, s14, s22, $0xb8;
	[tilespmem:$0x1C880] =	vst v63  }
0x89: {  	_ =	swait.ge [sflag:s16], $0x3E80  }
0x8a: {  	[sflag:s16] =	ssyncset.done $0x0  }
0x8b: {  	[sflag:s16] =	ssyncadd.s32 $0xFFFFC180  }
0x8c: {  	_ =	swait.ge [sflag:s26], $0x3E80  }
0x8d: {  	[sflag:s26] =	ssyncset.done $0x0  }
0x8e: {  	s9 =	rddreg [dreg:$0xd];
	[sflag:s26] =	ssyncadd.s32 $0xFFFFC180  }
0x8f: {  	[tilespmem:s23], [sflag:$0x2] =	stream.indirect.gather [hbm4b:s1+s22], $0x80, s9, s22, $0xb8;
	[tilespmem:$0x1C880] =	vst v63  }
0x90: {  	s10 =	rddreg [dreg:$0xe]  }
0x91: {  	[spmem:s3] =	stream.indirect.scatter.add.f32 [tilespmem:s15], [sflag:$0x5], $0x80, s10, s22, $0xb8;
	[tilespmem:$0x1C880] =	vst v63  }
0x92: {  	_ =	swait.ge [sflag:s24], $0x3E80  }
0x93: {  	[sflag:s24] =	ssyncset.done $0x0  }
0x94: {  	[sflag:s24] =	ssyncadd.s32 $0xFFFFC180  }
0x95: {  	_ =	swait.ge [sflag:s25], $0x3E80  }
0x96: {  	[sflag:s25] =	ssyncset.done $0x0  }
0x97: {  	s13 =	rddreg [dreg:$0xf];
	[sflag:s25] =	ssyncadd.s32 $0xFFFFC180  }
0x98: {  	[tilespmem:s15], [sflag:$0x1] =	stream.indirect.gather [hbm4b:s1+s22], $0x80, s13, s22, $0xb8;
	[tilespmem:$0x1C880] =	vst v63  }
0x99: {  	s14 =	rddreg [dreg:$0x10]  }
0x9a: {  	[spmem:s3] =	stream.indirect.scatter.add.f32 [tilespmem:s23], [sflag:$0x6], $0x80, s14, s22, $0xb8;
	[tilespmem:$0x1C880] =	vst v63  }
0x9b: {  	_ =	swait.ge [sflag:s16], $0x3E80  }
0x9c: {  	[sflag:s16] =	ssyncset.done $0x0  }
0x9d: {  	[sflag:s16] =	ssyncadd.s32 $0xFFFFC180  }
0x9e: {  	_ =	swait.ge [sflag:s26], $0x3E80  }
0x9f: {  	[sflag:s26] =	ssyncset.done $0x0  }
0xa0: {  	s9 =	rddreg [dreg:$0x11];
	[sflag:s26] =	ssyncadd.s32 $0xFFFFC180  }
0xa1: {  	[tilespmem:s23], [sflag:$0x2] =	stream.indirect.gather [hbm4b:s1+s22], $0x80, s9, s22, $0xb8;
	[tilespmem:$0x1C880] =	vst v63  }
0xa2: {  	s10 =	rddreg [dreg:$0x12]  }
0xa3: {  	[spmem:s3] =	stream.indirect.scatter.add.f32 [tilespmem:s15], [sflag:$0x5], $0x80, s10, s22, $0xb8;
	[tilespmem:$0x1C880] =	vst v63  }
0xa4: {  	_ =	swait.ge [sflag:s24], $0x3E80  }
0xa5: {  	[sflag:s24] =	ssyncset.done $0x0  }
0xa6: {  	[sflag:s24] =	ssyncadd.s32 $0xFFFFC180  }
0xa7: {  	_ =	swait.ge [sflag:s25], $0x3E80  }
0xa8: {  	[sflag:s25] =	ssyncset.done $0x0  }
0xa9: {  	s13 =	rddreg [dreg:$0x13];
	[sflag:s25] =	ssyncadd.s32 $0xFFFFC180  }
0xaa: {  	[spmem:s3] =	stream.indirect.scatter.add.f32 [tilespmem:s23], [sflag:$0x6], $0x80, s13, s22, $0xb8;
	[tilespmem:$0x1C880] =	vst v63  }
0xab: {  	_ =	swait.ge [sflag:s28], $0x400  }
0xac: {  	[sflag:s28] =	ssyncset.done $0x0  }
0xad: {  	[sflag:s28] =	ssyncadd.s32 $0xFFFFFC00  }
0xae: {  	_ =	swait.ge [sflag:s28], $0x400  }
0xaf: {  	s10 =	sld [smem:$0x7FC];
	_ =	sdelay $0x1  }
0xb0: {  	p1 =	por $0x0, $0x0  }
0xb1: {  	s8 =	simm.s32 @!p1 $0x13880;
	[sflag:s28] =	ssyncset.done $0x0;
	s2 =	sshrl.u32 @!p1 s10, $0x3  }
0xb2: {  	s14 =	simm.s32 @!p1 $0x0;
	[sflag:s28] =	ssyncadd.s32 $0xFFFFFC00;
	s9 =	sadd.s32 @!p1 s5, s2  }
0xb3: {  	[tilespmem:s8], [sflag:$0x3] =	stream.linear.gather @!p1 [hbm4b:s9+s14], $0x400, $0x38;
	[tilespmem:$0x1C880] =	vst v63  }
0xb4: {  	s2 =	sadd.s32 @!p1 s6, s2;
	s8 =	simm.s32 @!p1 $0x13C80  }
0xb5: {  	[tilespmem:s8], [sflag:$0x3] =	stream.linear.gather @!p1 [hbm4b:s2+s14], $0x400, $0x38;
	[tilespmem:$0x1C880] =	vst v63  }
0xb6: {  	_ = 	snop  }
0xb7: {  	[tilespmem:s15], [sflag:$0x1] =	stream.indirect.gather [hbm4b:s1+s22], $0x80, s20, s22, $0xb8;
	[tilespmem:$0x1C880] =	vst v63  }
0xb8: {  	_ =	swait.ge [sflag:s16], $0x3E80  }
0xb9: {  	[sflag:s16] =	ssyncset.done $0x0  }
0xba: {  	[sflag:s16] =	ssyncadd.s32 $0xFFFFC180  }
0xbb: {  	_ =	swait.ge [sflag:s26], $0x3E80  }
0xbc: {  	[sflag:s26] =	ssyncset.done $0x0  }
0xbd: {  	s14 =	rddreg [dreg:$0x14];
	[sflag:s26] =	ssyncadd.s32 $0xFFFFC180  }
0xbe: {  	[tilespmem:s23], [sflag:$0x2] =	stream.indirect.gather [hbm4b:s1+s22], $0x80, s14, s22, $0xb8;
	[tilespmem:$0x1C880] =	vst v63  }
0xbf: {  	_ = 	snop  }
0xc0: {  	[spmem:s3] =	stream.indirect.scatter.add.f32 [tilespmem:s15], [sflag:$0x5], $0x80, s21, s22, $0xb8;
	[tilespmem:$0x1C880] =	vst v63  }
0xc1: {  	_ =	swait.ge [sflag:s24], $0x3E80  }
0xc2: {  	[sflag:s24] =	ssyncset.done $0x0  }
0xc3: {  	[sflag:s24] =	ssyncadd.s32 $0xFFFFC180  }
0xc4: {  	_ =	swait.ge [sflag:s25], $0x3E80  }
0xc5: {  	[sflag:s25] =	ssyncset.done $0x0  }
0xc6: {  	s8 =	rddreg [dreg:$0x15];
	[sflag:s25] =	ssyncadd.s32 $0xFFFFC180  }
0xc7: {  	[tilespmem:s15], [sflag:$0x1] =	stream.indirect.gather [hbm4b:s1+s22], $0x80, s8, s22, $0xb8;
	[tilespmem:$0x1C880] =	vst v63  }
0xc8: {  	s9 =	rddreg [dreg:$0x16]  }
0xc9: {  	[spmem:s3] =	stream.indirect.scatter.add.f32 [tilespmem:s23], [sflag:$0x6], $0x80, s9, s22, $0xb8;
	[tilespmem:$0x1C880] =	vst v63  }
0xca: {  	_ =	swait.ge [sflag:s16], $0x3E80  }
0xcb: {  	[sflag:s16] =	ssyncset.done $0x0  }
0xcc: {  	[sflag:s16] =	ssyncadd.s32 $0xFFFFC180  }
0xcd: {  	_ =	swait.ge [sflag:s26], $0x3E80  }
0xce: {  	[sflag:s26] =	ssyncset.done $0x0  }
0xcf: {  	s13 =	rddreg [dreg:$0x17];
	[sflag:s26] =	ssyncadd.s32 $0xFFFFC180  }
0xd0: {  	[tilespmem:s23], [sflag:$0x2] =	stream.indirect.gather [hbm4b:s1+s22], $0x80, s13, s22, $0xb8;
	[tilespmem:$0x1C880] =	vst v63  }
0xd1: {  	s14 =	rddreg [dreg:$0x18]  }
0xd2: {  	[spmem:s3] =	stream.indirect.scatter.add.f32 [tilespmem:s15], [sflag:$0x5], $0x80, s14, s22, $0xb8;
	[tilespmem:$0x1C880] =	vst v63  }
0xd3: {  	_ =	swait.ge [sflag:s24], $0x3E80  }
0xd4: {  	[sflag:s24] =	ssyncset.done $0x0  }
0xd5: {  	[sflag:s24] =	ssyncadd.s32 $0xFFFFC180  }
0xd6: {  	_ =	swait.ge [sflag:s25], $0x3E80  }
0xd7: {  	[sflag:s25] =	ssyncset.done $0x0  }
0xd8: {  	s8 =	rddreg [dreg:$0x19];
	[sflag:s25] =	ssyncadd.s32 $0xFFFFC180  }
0xd9: {  	[tilespmem:s15], [sflag:$0x1] =	stream.indirect.gather [hbm4b:s1+s22], $0x80, s8, s22, $0xb8;
	[tilespmem:$0x1C880] =	vst v63  }
0xda: {  	s9 =	rddreg [dreg:$0x1a]  }
0xdb: {  	[spmem:s3] =	stream.indirect.scatter.add.f32 [tilespmem:s23], [sflag:$0x6], $0x80, s9, s22, $0xb8;
	[tilespmem:$0x1C880] =	vst v63  }
0xdc: {  	_ =	swait.ge [sflag:s16], $0x3E80  }
0xdd: {  	[sflag:s16] =	ssyncset.done $0x0  }
0xde: {  	[sflag:s16] =	ssyncadd.s32 $0xFFFFC180  }
0xdf: {  	_ =	swait.ge [sflag:s26], $0x3E80  }
0xe0: {  	[sflag:s26] =	ssyncset.done $0x0  }
0xe1: {  	s13 =	rddreg [dreg:$0x1b];
	[sflag:s26] =	ssyncadd.s32 $0xFFFFC180  }
0xe2: {  	[tilespmem:s23], [sflag:$0x2] =	stream.indirect.gather [hbm4b:s1+s22], $0x80, s13, s22, $0xb8;
	[tilespmem:$0x1C880] =	vst v63  }
0xe3: {  	s14 =	rddreg [dreg:$0x1c]  }
0xe4: {  	[spmem:s3] =	stream.indirect.scatter.add.f32 [tilespmem:s15], [sflag:$0x5], $0x80, s14, s22, $0xb8;
	[tilespmem:$0x1C880] =	vst v63  }
0xe5: {  	_ =	swait.ge [sflag:s24], $0x3E80  }
0xe6: {  	[sflag:s24] =	ssyncset.done $0x0  }
0xe7: {  	[sflag:s24] =	ssyncadd.s32 $0xFFFFC180  }
0xe8: {  	_ =	swait.ge [sflag:s25], $0x3E80  }
0xe9: {  	[sflag:s25] =	ssyncset.done $0x0  }
0xea: {  	s9 =	rddreg [dreg:$0x1d];
	[sflag:s25] =	ssyncadd.s32 $0xFFFFC180  }
0xeb: {  	[tilespmem:s15], [sflag:$0x1] =	stream.indirect.gather [hbm4b:s1+s22], $0x80, s9, s22, $0xb8;
	[tilespmem:$0x1C880] =	vst v63  }
0xec: {  	s13 =	rddreg [dreg:$0x1e]  }
0xed: {  	[spmem:s3] =	stream.indirect.scatter.add.f32 [tilespmem:s23], [sflag:$0x6], $0x80, s13, s22, $0xb8;
	[tilespmem:$0x1C880] =	vst v63  }
0xee: {  	_ =	swait.ge [sflag:s16], $0x3E80  }
0xef: {  	[sflag:s16] =	ssyncset.done $0x0  }
0xf0: {  	[sflag:s16] =	ssyncadd.s32 $0xFFFFC180  }
0xf1: {  	_ =	swait.ge [sflag:s26], $0x3E80  }
0xf2: {  	[sflag:s26] =	ssyncset.done $0x0  }
0xf3: {  	s14 =	rddreg [dreg:$0x1f];
	[sflag:s26] =	ssyncadd.s32 $0xFFFFC180  }
0xf4: {  	[tilespmem:s23], [sflag:$0x2] =	stream.indirect.gather [hbm4b:s1+s22], $0x80, s14, s22, $0xb8;
	[tilespmem:$0x1C880] =	vst v63  }
0xf5: {  	_ = 	snop  }
0xf6: {  	[spmem:s3] =	stream.indirect.scatter.add.f32 [tilespmem:s15], [sflag:$0x5], $0x80, s29, s22, $0xb8;
	[tilespmem:$0x1C880] =	vst v63  }
0xf7: {  	_ =	swait.ge [sflag:s24], $0x3E80  }
0xf8: {  	[sflag:s24] =	ssyncset.done $0x0  }
0xf9: {  	[sflag:s24] =	ssyncadd.s32 $0xFFFFC180  }
0xfa: {  	_ =	swait.ge [sflag:s25], $0x3E80  }
0xfb: {  	[sflag:s25] =	ssyncset.done $0x0  }
0xfc: {  	s2 =	simm.s32 $0x100;
	s8 =	sadd.s32 $0x800, s10;
	[sflag:s25] =	ssyncadd.s32 $0xFFFFC180  }
.LBB2_10:
0xfd: {  	[spmem:s3] =	stream.indirect.scatter.add.f32 [tilespmem:s23], [sflag:$0x6], $0x80, s30, s22, $0xb8;
	[tilespmem:$0x1C880] =	vst v63  }
0xfe: {  	_ =	swait.ge [sflag:s19], $0x400  }
0xff: {  	[sflag:s19] =	ssyncset.done $0x0  }
0x100: {  	[sflag:s19] =	ssyncadd.s32 $0xFFFFFC00  }
0x101: {  	_ =	swait.ge [sflag:s19], $0x400  }
0x102: {  	s9 =	smov.u32 s2;
	s14 =	rddreg [dreg:$0x5];
	[sflag:s19] =	ssyncset.done $0x0  }
0x103: {  	s10 =	rddreg [dreg:$0x4];
	[sflag:s19] =	ssyncadd.s32 $0xFFFFFC00;
	s14 =	sadd.s32 s9, s14  }
0x104: {  	[tilespmem:s20], [sflag:$0x4] =	stream.linear.gather [hbm4b:s14+s4], $0x400, $0x38;
	[tilespmem:$0x1C880] =	vst v63  }
0x105: {  	s10 =	sadd.s32 s9, s10  }
0x106: {  	[tilespmem:s21], [sflag:$0x4] =	stream.linear.gather [hbm4b:s10+s4], $0x400, $0x38;
	[tilespmem:$0x1C880] =	vst v63  }
0x107: {  	_ = 	snop  }
0x108: {  	[tilespmem:s15], [sflag:$0x1] =	stream.indirect.gather [hbm4b:s1+s22], $0x80, s17, s22, $0xb8;
	[tilespmem:$0x1C880] =	vst v63  }
0x109: {  	_ =	swait.ge [sflag:s16], $0x3E80  }
0x10a: {  	p2 =	seq.s32 s9, $0x0;
	[sflag:s16] =	ssyncset.done $0x0  }
0x10b: {  	s10 =	simm.s32 @!p2 $0x6;
	[sflag:s16] =	ssyncadd.s32 $0xFFFFC180  }
0x10c: {  	_ =	swait.ge @!p2 [sflag:s10], $0x3E80  }
0x10d: {  	[sflag:s10] =	ssyncset.done @!p2 $0x0  }
0x10e: {  	s13 =	rddreg [dreg:$0x6];
	[sflag:s10] =	ssyncadd.s32 @!p2 $0xFFFFC180  }
0x10f: {  	[tilespmem:s23], [sflag:$0x2] =	stream.indirect.gather [hbm4b:s1+s22], $0x80, s13, s22, $0xb8;
	[tilespmem:$0x1C880] =	vst v63  }
0x110: {  	_ = 	snop  }
0x111: {  	[spmem:s3] =	stream.indirect.scatter.add.f32 [tilespmem:s15], [sflag:$0x5], $0x80, s18, s22, $0xb8;
	[tilespmem:$0x1C880] =	vst v63  }
0x112: {  	_ =	swait.ge [sflag:s24], $0x3E80  }
0x113: {  	[sflag:s24] =	ssyncset.done $0x0  }
0x114: {  	[sflag:s24] =	ssyncadd.s32 $0xFFFFC180  }
0x115: {  	_ =	swait.ge [sflag:s25], $0x3E80  }
0x116: {  	[sflag:s25] =	ssyncset.done $0x0  }
0x117: {  	s14 =	rddreg [dreg:$0x7];
	[sflag:s25] =	ssyncadd.s32 $0xFFFFC180  }
0x118: {  	[tilespmem:s15], [sflag:$0x1] =	stream.indirect.gather [hbm4b:s1+s22], $0x80, s14, s22, $0xb8;
	[tilespmem:$0x1C880] =	vst v63  }
0x119: {  	s13 =	rddreg [dreg:$0x8]  }
0x11a: {  	[spmem:s3] =	stream.indirect.scatter.add.f32 [tilespmem:s23], [sflag:$0x6], $0x80, s13, s22, $0xb8;
	[tilespmem:$0x1C880] =	vst v63  }
0x11b: {  	_ =	swait.ge [sflag:s16], $0x3E80  }
0x11c: {  	[sflag:s16] =	ssyncset.done $0x0  }
0x11d: {  	[sflag:s16] =	ssyncadd.s32 $0xFFFFC180  }
0x11e: {  	_ =	swait.ge [sflag:s26], $0x3E80  }
0x11f: {  	[sflag:s26] =	ssyncset.done $0x0  }
0x120: {  	s14 =	rddreg [dreg:$0x9];
	[sflag:s26] =	ssyncadd.s32 $0xFFFFC180  }
0x121: {  	[tilespmem:s23], [sflag:$0x2] =	stream.indirect.gather [hbm4b:s1+s22], $0x80, s14, s22, $0xb8;
	[tilespmem:$0x1C880] =	vst v63  }
0x122: {  	s13 =	rddreg [dreg:$0xa]  }
0x123: {  	[spmem:s3] =	stream.indirect.scatter.add.f32 [tilespmem:s15], [sflag:$0x5], $0x80, s13, s22, $0xb8;
	[tilespmem:$0x1C880] =	vst v63  }
0x124: {  	_ =	swait.ge [sflag:s24], $0x3E80  }
0x125: {  	[sflag:s24] =	ssyncset.done $0x0  }
0x126: {  	[sflag:s24] =	ssyncadd.s32 $0xFFFFC180  }
0x127: {  	_ =	swait.ge [sflag:s25], $0x3E80  }
0x128: {  	[sflag:s25] =	ssyncset.done $0x0  }
0x129: {  	s14 =	rddreg [dreg:$0xb];
	[sflag:s25] =	ssyncadd.s32 $0xFFFFC180  }
0x12a: {  	[tilespmem:s15], [sflag:$0x1] =	stream.indirect.gather [hbm4b:s1+s22], $0x80, s14, s22, $0xb8;
	[tilespmem:$0x1C880] =	vst v63  }
0x12b: {  	s13 =	rddreg [dreg:$0xc]  }
0x12c: {  	[spmem:s3] =	stream.indirect.scatter.add.f32 [tilespmem:s23], [sflag:$0x6], $0x80, s13, s22, $0xb8;
	[tilespmem:$0x1C880] =	vst v63  }
0x12d: {  	_ =	swait.ge [sflag:s16], $0x3E80  }
0x12e: {  	[sflag:s16] =	ssyncset.done $0x0  }
0x12f: {  	[sflag:s16] =	ssyncadd.s32 $0xFFFFC180  }
0x130: {  	_ =	swait.ge [sflag:s26], $0x3E80  }
0x131: {  	[sflag:s26] =	ssyncset.done $0x0  }
0x132: {  	s14 =	rddreg [dreg:$0xd];
	[sflag:s26] =	ssyncadd.s32 $0xFFFFC180  }
0x133: {  	[tilespmem:s23], [sflag:$0x2] =	stream.indirect.gather [hbm4b:s1+s22], $0x80, s14, s22, $0xb8;
	[tilespmem:$0x1C880] =	vst v63  }
0x134: {  	s13 =	rddreg [dreg:$0xe]  }
0x135: {  	[spmem:s3] =	stream.indirect.scatter.add.f32 [tilespmem:s15], [sflag:$0x5], $0x80, s13, s22, $0xb8;
	[tilespmem:$0x1C880] =	vst v63  }
0x136: {  	_ =	swait.ge [sflag:s24], $0x3E80  }
0x137: {  	[sflag:s24] =	ssyncset.done $0x0  }
0x138: {  	[sflag:s24] =	ssyncadd.s32 $0xFFFFC180  }
0x139: {  	_ =	swait.ge [sflag:s25], $0x3E80  }
0x13a: {  	[sflag:s25] =	ssyncset.done $0x0  }
0x13b: {  	s14 =	rddreg [dreg:$0xf];
	[sflag:s25] =	ssyncadd.s32 $0xFFFFC180  }
0x13c: {  	[tilespmem:s15], [sflag:$0x1] =	stream.indirect.gather [hbm4b:s1+s22], $0x80, s14, s22, $0xb8;
	[tilespmem:$0x1C880] =	vst v63  }
0x13d: {  	s13 =	rddreg [dreg:$0x10]  }
0x13e: {  	[spmem:s3] =	stream.indirect.scatter.add.f32 [tilespmem:s23], [sflag:$0x6], $0x80, s13, s22, $0xb8;
	[tilespmem:$0x1C880] =	vst v63  }
0x13f: {  	_ =	swait.ge [sflag:s16], $0x3E80  }
0x140: {  	[sflag:s16] =	ssyncset.done $0x0  }
0x141: {  	[sflag:s16] =	ssyncadd.s32 $0xFFFFC180  }
0x142: {  	_ =	swait.ge [sflag:s26], $0x3E80  }
0x143: {  	[sflag:s26] =	ssyncset.done $0x0  }
0x144: {  	s14 =	rddreg [dreg:$0x11];
	[sflag:s26] =	ssyncadd.s32 $0xFFFFC180  }
0x145: {  	[tilespmem:s23], [sflag:$0x2] =	stream.indirect.gather [hbm4b:s1+s22], $0x80, s14, s22, $0xb8;
	[tilespmem:$0x1C880] =	vst v63  }
0x146: {  	s13 =	rddreg [dreg:$0x12]  }
0x147: {  	[spmem:s3] =	stream.indirect.scatter.add.f32 [tilespmem:s15], [sflag:$0x5], $0x80, s13, s22, $0xb8;
	[tilespmem:$0x1C880] =	vst v63  }
0x148: {  	_ =	swait.ge [sflag:s24], $0x3E80  }
0x149: {  	[sflag:s24] =	ssyncset.done $0x0  }
0x14a: {  	[sflag:s24] =	ssyncadd.s32 $0xFFFFC180  }
0x14b: {  	_ =	swait.ge [sflag:s25], $0x3E80  }
0x14c: {  	[sflag:s25] =	ssyncset.done $0x0  }
0x14d: {  	s14 =	rddreg [dreg:$0x13];
	[sflag:s25] =	ssyncadd.s32 $0xFFFFC180  }
0x14e: {  	[spmem:s3] =	stream.indirect.scatter.add.f32 [tilespmem:s23], [sflag:$0x6], $0x80, s14, s22, $0xb8;
	[tilespmem:$0x1C880] =	vst v63  }
0x14f: {  	_ =	swait.ge [sflag:s28], $0x400  }
0x150: {  	[sflag:s28] =	ssyncset.done $0x0  }
0x151: {  	[sflag:s28] =	ssyncadd.s32 $0xFFFFFC00  }
0x152: {  	p2 =	seq.s32 s9, $0x400;
	_ =	swait.ge [sflag:s28], $0x400  }
0x153: {  	s9 =	sshrl.u32 @!p2 s8, $0x3;
	s10 =	simm.s32 @!p2 $0x13880;
	[sflag:s28] =	ssyncset.done $0x0  }
0x154: {  	s13 =	simm.s32 @!p2 $0x0;
	s14 =	sadd.s32 @!p2 s5, s9;
	[sflag:s28] =	ssyncadd.s32 $0xFFFFFC00  }
0x155: {  	[tilespmem:s10], [sflag:$0x3] =	stream.linear.gather @!p2 [hbm4b:s14+s13], $0x400, $0x38;
	[tilespmem:$0x1C880] =	vst v63  }
0x156: {  	s9 =	sadd.s32 @!p2 s6, s9;
	s10 =	simm.s32 @!p2 $0x13C80  }
0x157: {  	[tilespmem:s10], [sflag:$0x3] =	stream.linear.gather @!p2 [hbm4b:s9+s13], $0x400, $0x38;
	[tilespmem:$0x1C880] =	vst v63  }
0x158: {  	_ = 	snop  }
0x159: {  	[tilespmem:s15], [sflag:$0x1] =	stream.indirect.gather [hbm4b:s1+s22], $0x80, s20, s22, $0xb8;
	[tilespmem:$0x1C880] =	vst v63  }
0x15a: {  	_ =	swait.ge [sflag:s16], $0x3E80  }
0x15b: {  	[sflag:s16] =	ssyncset.done $0x0  }
0x15c: {  	[sflag:s16] =	ssyncadd.s32 $0xFFFFC180  }
0x15d: {  	_ =	swait.ge [sflag:s26], $0x3E80  }
0x15e: {  	[sflag:s26] =	ssyncset.done $0x0  }
0x15f: {  	s10 =	rddreg [dreg:$0x14];
	[sflag:s26] =	ssyncadd.s32 $0xFFFFC180  }
0x160: {  	[tilespmem:s23], [sflag:$0x2] =	stream.indirect.gather [hbm4b:s1+s22], $0x80, s10, s22, $0xb8;
	[tilespmem:$0x1C880] =	vst v63  }
0x161: {  	_ = 	snop  }
0x162: {  	[spmem:s3] =	stream.indirect.scatter.add.f32 [tilespmem:s15], [sflag:$0x5], $0x80, s21, s22, $0xb8;
	[tilespmem:$0x1C880] =	vst v63  }
0x163: {  	_ =	swait.ge [sflag:s24], $0x3E80  }
0x164: {  	[sflag:s24] =	ssyncset.done $0x0  }
0x165: {  	[sflag:s24] =	ssyncadd.s32 $0xFFFFC180  }
0x166: {  	_ =	swait.ge [sflag:s25], $0x3E80  }
0x167: {  	[sflag:s25] =	ssyncset.done $0x0  }
0x168: {  	s13 =	rddreg [dreg:$0x15];
	[sflag:s25] =	ssyncadd.s32 $0xFFFFC180  }
0x169: {  	[tilespmem:s15], [sflag:$0x1] =	stream.indirect.gather [hbm4b:s1+s22], $0x80, s13, s22, $0xb8;
	[tilespmem:$0x1C880] =	vst v63  }
0x16a: {  	s14 =	rddreg [dreg:$0x16]  }
0x16b: {  	[spmem:s3] =	stream.indirect.scatter.add.f32 [tilespmem:s23], [sflag:$0x6], $0x80, s14, s22, $0xb8;
	[tilespmem:$0x1C880] =	vst v63  }
0x16c: {  	_ =	swait.ge [sflag:s16], $0x3E80  }
0x16d: {  	[sflag:s16] =	ssyncset.done $0x0  }
0x16e: {  	[sflag:s16] =	ssyncadd.s32 $0xFFFFC180  }
0x16f: {  	_ =	swait.ge [sflag:s26], $0x3E80  }
0x170: {  	[sflag:s26] =	ssyncset.done $0x0  }
0x171: {  	s13 =	rddreg [dreg:$0x17];
	[sflag:s26] =	ssyncadd.s32 $0xFFFFC180  }
0x172: {  	[tilespmem:s23], [sflag:$0x2] =	stream.indirect.gather [hbm4b:s1+s22], $0x80, s13, s22, $0xb8;
	[tilespmem:$0x1C880] =	vst v63  }
0x173: {  	s14 =	rddreg [dreg:$0x18]  }
0x174: {  	[spmem:s3] =	stream.indirect.scatter.add.f32 [tilespmem:s15], [sflag:$0x5], $0x80, s14, s22, $0xb8;
	[tilespmem:$0x1C880] =	vst v63  }
0x175: {  	_ =	swait.ge [sflag:s24], $0x3E80  }
0x176: {  	[sflag:s24] =	ssyncset.done $0x0  }
0x177: {  	[sflag:s24] =	ssyncadd.s32 $0xFFFFC180  }
0x178: {  	_ =	swait.ge [sflag:s25], $0x3E80  }
0x179: {  	[sflag:s25] =	ssyncset.done $0x0  }
0x17a: {  	s13 =	rddreg [dreg:$0x19];
	[sflag:s25] =	ssyncadd.s32 $0xFFFFC180  }
0x17b: {  	[tilespmem:s15], [sflag:$0x1] =	stream.indirect.gather [hbm4b:s1+s22], $0x80, s13, s22, $0xb8;
	[tilespmem:$0x1C880] =	vst v63  }
0x17c: {  	s14 =	rddreg [dreg:$0x1a]  }
0x17d: {  	[spmem:s3] =	stream.indirect.scatter.add.f32 [tilespmem:s23], [sflag:$0x6], $0x80, s14, s22, $0xb8;
	[tilespmem:$0x1C880] =	vst v63  }
0x17e: {  	_ =	swait.ge [sflag:s16], $0x3E80  }
0x17f: {  	[sflag:s16] =	ssyncset.done $0x0  }
0x180: {  	[sflag:s16] =	ssyncadd.s32 $0xFFFFC180  }
0x181: {  	_ =	swait.ge [sflag:s26], $0x3E80  }
0x182: {  	[sflag:s26] =	ssyncset.done $0x0  }
0x183: {  	s13 =	rddreg [dreg:$0x1b];
	[sflag:s26] =	ssyncadd.s32 $0xFFFFC180  }
0x184: {  	[tilespmem:s23], [sflag:$0x2] =	stream.indirect.gather [hbm4b:s1+s22], $0x80, s13, s22, $0xb8;
	[tilespmem:$0x1C880] =	vst v63  }
0x185: {  	s14 =	rddreg [dreg:$0x1c]  }
0x186: {  	[spmem:s3] =	stream.indirect.scatter.add.f32 [tilespmem:s15], [sflag:$0x5], $0x80, s14, s22, $0xb8;
	[tilespmem:$0x1C880] =	vst v63  }
0x187: {  	_ =	swait.ge [sflag:s24], $0x3E80  }
0x188: {  	[sflag:s24] =	ssyncset.done $0x0  }
0x189: {  	[sflag:s24] =	ssyncadd.s32 $0xFFFFC180  }
0x18a: {  	_ =	swait.ge [sflag:s25], $0x3E80  }
0x18b: {  	[sflag:s25] =	ssyncset.done $0x0  }
0x18c: {  	s10 =	rddreg [dreg:$0x1d];
	[sflag:s25] =	ssyncadd.s32 $0xFFFFC180  }
0x18d: {  	[tilespmem:s15], [sflag:$0x1] =	stream.indirect.gather [hbm4b:s1+s22], $0x80, s10, s22, $0xb8;
	[tilespmem:$0x1C880] =	vst v63  }
0x18e: {  	s13 =	rddreg [dreg:$0x1e]  }
0x18f: {  	[spmem:s3] =	stream.indirect.scatter.add.f32 [tilespmem:s23], [sflag:$0x6], $0x80, s13, s22, $0xb8;
	[tilespmem:$0x1C880] =	vst v63  }
0x190: {  	_ =	swait.ge [sflag:s16], $0x3E80  }
0x191: {  	[sflag:s16] =	ssyncset.done $0x0  }
0x192: {  	[sflag:s16] =	ssyncadd.s32 $0xFFFFC180  }
0x193: {  	_ =	swait.ge [sflag:s26], $0x3E80  }
0x194: {  	[sflag:s26] =	ssyncset.done $0x0  }
0x195: {  	s14 =	rddreg [dreg:$0x1f];
	[sflag:s26] =	ssyncadd.s32 $0xFFFFC180  }
0x196: {  	[tilespmem:s23], [sflag:$0x2] =	stream.indirect.gather [hbm4b:s1+s22], $0x80, s14, s22, $0xb8;
	[tilespmem:$0x1C880] =	vst v63  }
0x197: {  	s2 =	sadd.s32 $0x100, s2  }
0x198: {  	[spmem:s3] =	stream.indirect.scatter.add.f32 [tilespmem:s15], [sflag:$0x5], $0x80, s29, s22, $0xb8;
	[tilespmem:$0x1C880] =	vst v63  }
0x199: {  	p1 =	sne.s32 s2, $0x500;
	_ =	swait.ge [sflag:s24], $0x3E80  }
.Ltmp8:
0x19a: {  	[sflag:s24] =	ssyncset.done $0x0;
	(pc) =	sbr.rel @p1 .LBB2_10-.Ltmp8, $4  }
0x19b: {  	[sflag:s24] =	ssyncadd.s32 $0xFFFFC180  }
0x19c: {  	_ =	swait.ge [sflag:s25], $0x3E80  }
0x19d: {  	[sflag:s25] =	ssyncset.done $0x0  }
0x19e: {  	s8 =	sadd.s32 $0x800, s8;
	[sflag:s25] =	ssyncadd.s32 $0xFFFFC180  }
0x19f: {  	[spmem:s3] =	stream.indirect.scatter.add.f32 [tilespmem:s23], [sflag:$0x6], $0x80, s30, s22, $0xb8;
	[tilespmem:$0x1C880] =	vst v63  }
.Ltmp9:
0x1a0: {  	_ =	swait.ge [sflag:s26], $0x3E80;
	(pc) =	sbr.rel @p0 .LBB2_15-.Ltmp9, $3  }
0x1a1: {  	[sflag:s26] =	ssyncset.done $0x0  }
0x1a2: {  	[sflag:s26] =	ssyncadd.s32 $0xFFFFC180  }
0x1a3: {  	[bflag:$0x0] =	sbarrier.arrive $0xFFFF;
	_ =	sdelay $0x1  }
0x1a4: {  	s14 =	sld [smem:$0x7FD]  }
0x1a5: {  	p1 =	sne.s32 s11, $0x1  }
.Ltmp10:
0x1a6: {  	s2 =	stileid.u32;
	(pc) =	sbr.rel @!p1 .LBB2_14-.Ltmp10, $4  }
0x1a7: {  	s2 =	sshll.u32 s2, $0x6;
	s8 =	sshrl.u32 s14, $0x3  }
0x1a8: {  	s9 =	sshrl.u32 s12, $0x3;
	s2 =	sor.u32 $0x1C07, s2;
	s8 =	sadd.s32 s7, s8  }
0x1a9: {  	[hbm:s8], [sflag:s2] =	dma.local [spmem:s9], $0x500  }
0x1aa: {  	s8 =	sadd.s32 $0xFFFFFFFF, s11;
	s9 =	sadd.s32 $0x2800, s12  }
.LBB2_13:
0x1ab: {  	_ =	swait.ge [sflag:s31], $0x500  }
0x1ac: {  	s14 =	sadd.s32 $0x2800, s14;
	s13 =	sshrl.u32 s9, $0x3;
	p1 =	sne.s32 s8, $0x1  }
.Ltmp11:
0x1ad: {  	s10 =	sshrl.u32 s14, $0x3;
	[sflag:s31] =	ssyncset.done $0x0;
	(pc) =	sbr.rel @p1 .LBB2_13-.Ltmp11, $4  }
0x1ae: {  	s10 =	sadd.s32 s7, s10;
	[sflag:s31] =	ssyncadd.s32 $0xFFFFFB00  }
0x1af: {  	[hbm:s10], [sflag:s2] =	dma.local [spmem:s13], $0x500  }
0x1b0: {  	s8 =	sadd.s32 $0xFFFFFFFF, s8  }
0x1b1: {  	s9 =	sadd.s32 $0x2800, s9  }
.Ltmp12:
0x1b2: {  	_ = 	snop;
	(pc) =	sbr.rel .LBB2_14-.Ltmp12, $1  }
0x1b3: {  	_ =	sdelay $0x3  }
.LBB2_16:
0x1b4: {  	_ =	sfence.sel $0x180000  }
0x1b5: {  	[bflag:$0x0] =	sbarrier.arrive $0xFFFF  }
0x1b6: {  	_ =	strace $0x9000004A  }
0x1b7: {  	s0 =	stileid.u32;
	[bflag:$0x2] =	sbarrier.arrive $0xFFFF  }
0x1b8: {  	p0 =	sne.s32 s0, $0x0;
	s0 =	rddreg [dreg:$0x3]  }
0x1b9: {  	s0 =	sadd.s32 @!p0 $0x100000, s0  }
0x1ba: {  	[sflag:s0] =	ssyncadd.tile.s32 @!p0 $0x1;
	_ =	shalt  }
.Lfunc_end2:
_tile_overlayer_lowered:
.L_overlay_start_2:
0x1bb: {  	(tag) =	ssettag $0x2  }
0x1bc: {  	s0 =	rddreg [dreg:$0x0];
	s2 =	stileid.u32  }
0x1bd: {  	s1 =	rddreg [dreg:$0x1];
	p0 =	sne.s32 s2, $0x0  }
0x1be: {  	s3 =	rddreg [dreg:$0x2];
	[bflag:$0x3] =	sbarrier.arrive $0xFFFF;
	s2 =	simm.s32 @!p0 $0x1C07  }
0x1bf: {  	[timem:s3], [sflag:s2] =	dma.local @!p0 [hbm:s0], s1  }
0x1c0: {  	s0 =	simm.s32 @!p0 $0x7  }
0x1c1: {  	_ =	swait.ge @!p0 [sflag:s0], s1  }
0x1c2: {  	s1 =	ssub.s32 @!p0 $0x0, s1;
	[sflag:s0] =	ssyncset.done @!p0 $0x0  }
0x1c3: {  	[sflag:s0] =	ssyncadd.s32 @!p0 s1  }
0x1c4: {  	[bflag:$0x3] =	sbarrier.arrive $0xFFFF  }
0x1c5: {  	_ =	shalt  }

// kernel: kernel.14.cloned.1.call-start
scs
__scs_entry_jumppad:
0x0: {  	(pc) =	sbr.rel $0x88, $3  }
0x1: {  	(tag) =	ssettag $0x0;
	lr =	simm.s32 $0x1  }
0x2: {  	[smem:$0x3F99] =	sst lr;
	_ =	strace $0xD0000000  }
0x3: {  	_ = 	snop  }
0x4: {  	_ = 	snop  }
0x5: {  	_ = 	snop  }
0x6: {  	_ = 	snop  }
0x7: {  	_ = 	snop  }
__scs_overlays_trampoline_lowered:
0x8: {  	[smem:$0x3FA8] =	sst s0  }
0x9: {  	[smem:$0x3FA9] =	sst s1  }
0xa: {  	[smem:$0x3FAA] =	sst s2  }
0xb: {  	[smem:$0x3FAB] =	sst s3  }
0xc: {  	[smem:$0x3FAC] =	sst s4  }
0xd: {  	[smem:$0x3FAD] =	sst s5  }
0xe: {  	[smem:$0x3FAE] =	sst s6  }
0xf: {  	[smem:$0x3FAF] =	sst s7  }
0x10: {  	[smem:$0x3FB0] =	sst s8  }
0x11: {  	[smem:$0x3FB1] =	sst s9;
	s0 =	simm.s32 @!p0 $0x0  }
0x12: {  	s1 =	sld [smem:$0x3F97];
	s0 =	simm.s32 @p0 $0x1  }
0x13: {  	[smem:$0x3FB2] =	sst s0;
	s0 =	simm.s32 @!p1 $0x0  }
0x14: {  	s2 =	sld [smem:$0x3F96];
	s0 =	simm.s32 @p1 $0x1  }
0x15: {  	[smem:$0x3FB3] =	sst s0;
	s0 =	simm.s32 @!p2 $0x0  }
0x16: {  	s3 =	sld [smem:$0x3FDB];
	s0 =	simm.s32 @p2 $0x1  }
0x17: {  	s4 =	simm.s32 $0x1BF5;
	[smem:$0x3FB5] =	sst s0  }
0x18: {  	s0 =	sld [smem:$0x3F98];
	_ =	swait.ge [sflag:s4], $0x0  }
0x19: {  	s7 =	sld [smem:$0x3F99]  }
0x1a: {  	s8 =	sadd.s32 $0xFFFFE003, lr  }
0x1b: {  	s9 =	sadd.s32 $0xFFFFFEF7, lr;
	s5 =	simm.s32 $0xFFFFFFFF;
	p2 =	slt.u32 s8, $0xFFFFF086  }
0x1c: {  	p1 =	slt.u32 s9, $0xF7A;
	s5 =	simm.s32 @!p2 $0x0  }
0x1d: {  	s5 =	simm.s32 @p1 $0x1;
	p0 =	seq.s32 s7, s2  }
0x1e: {  	s7 =	smul.u32 @!p0 $0xF7A, s2;
	p2 =	seq.s32 @!p0 s5, $0x0  }
0x1f: {  	s9 =	smul.u32 $0xF7A, s1;
	s8 =	simm.s32 @!p0 $0x1BF5;
	p2 =	por !p2, p0  }
0x20: {  	[sflag:s8] =	ssyncset.s32 @!p0 $0xFFFFF086;
	s6 =	sadd.s32 @!p0 s3, s7;
	s7 =	simm.s32 @!p0 $0x108  }
0x21: {  	s3 =	sadd.s32 s3, s9;
	s6 =	sadd.s32 @!p0 $0x88, s6;
	s7 =	simm.s32 @p2 $0x1082  }
0x22: {  	[simem:s7], [sflag:s8] =	dma.local @!p0 [hbm:s6], $0xF7A  }
0x23: {  	s9 =	sor.u32 $0xD0000000, s2;
	s6 =	simm.s32 $0x108;
	_ =	swait.ge @!p0 [sflag:s8], $0x0  }
0x24: {  	s3 =	sadd.s32 $0x88, s3;
	s6 =	simm.s32 @!p1 $0x1082;
	[sflag:s4] =	ssyncset.s32 $0xFFFFF086  }
0x25: {  	[simem:s6], [sflag:s4] =	dma.local [hbm:s3], $0xF7A  }
0x26: {  	[smem:$0x3F99] =	sst s1;
	(tag) =	ssettag s2;
	_ =	strace s9  }
0x27: {  	s1 =	sld [smem:$0x3FA9]  }
0x28: {  	s2 =	sld [smem:$0x3FAA]  }
0x29: {  	s4 =	sld [smem:$0x3FAC]  }
0x2a: {  	p0 =	seq.s32 s5, $0x0;
	s5 =	sld [smem:$0x3FAD]  }
0x2b: {  	s6 =	sld [smem:$0x3FAE]  }
0x2c: {  	s7 =	sld [smem:$0x3FAF]  }
0x2d: {  	s3 =	simm.s32 $0x108;
	s8 =	sld [smem:$0x3FB0]  }
0x2e: {  	s3 =	simm.s32 @!p0 $0x1082;
	s9 =	sld [smem:$0x3FB1]  }
0x2f: {  	lr =	sadd.s32 s0, s3;
	s0 =	sld [smem:$0x3FA8]  }
0x30: {  	s3 =	sld [smem:$0x3FAB]  }
0x31: {  	[smem:$0x3FB4] =	sst s10  }
0x32: {  	s10 =	sld [smem:$0x3FB2];
	_ =	sdelay $0x3  }
0x33: {  	p0 =	seq.s32 s10, $0x1;
	s10 =	sld [smem:$0x3FB4];
	_ =	sdelay $0x3  }
0x34: {  	[smem:$0x3FB4] =	sst s10  }
0x35: {  	s10 =	sld [smem:$0x3FB3];
	_ =	sdelay $0x3  }
0x36: {  	p1 =	seq.s32 s10, $0x1;
	s10 =	sld [smem:$0x3FB4];
	_ =	sdelay $0x3  }
0x37: {  	[smem:$0x3FB4] =	sst s10  }
0x38: {  	s10 =	sld [smem:$0x3FB5]  }
0x39: {  	_ = 	snop;
	(pc) =	sbr.ind lr, $3  }
0x3a: {  	_ = 	snop  }
0x3b: {  	_ = 	snop  }
0x3c: {  	p2 =	seq.s32 s10, $0x1;
	s10 =	sld [smem:$0x3FB4]  }
0x3d: {  	_ =	shalt  }
0x3e: {  	_ =	shalt  }
0x3f: {  	_ =	shalt  }
0x40: {  	_ =	shalt  }
0x41: {  	_ =	shalt  }
0x42: {  	_ =	shalt  }
0x43: {  	_ =	shalt  }
0x44: {  	_ =	shalt  }
0x45: {  	_ =	shalt  }
0x46: {  	_ =	shalt  }
0x47: {  	_ =	shalt  }
0x48: {  	_ =	shalt  }
0x49: {  	_ =	shalt  }
0x4a: {  	_ =	shalt  }
0x4b: {  	_ =	shalt  }
0x4c: {  	_ =	shalt  }
0x4d: {  	_ =	shalt  }
0x4e: {  	_ =	shalt  }
0x4f: {  	_ =	shalt  }
0x50: {  	_ =	shalt  }
0x51: {  	_ =	shalt  }
0x52: {  	_ =	shalt  }
0x53: {  	_ =	shalt  }
0x54: {  	_ =	shalt  }
0x55: {  	_ =	shalt  }
0x56: {  	_ =	shalt  }
0x57: {  	_ =	shalt  }
0x58: {  	_ =	shalt  }
0x59: {  	_ =	shalt  }
0x5a: {  	_ =	shalt  }
0x5b: {  	_ =	shalt  }
0x5c: {  	_ =	shalt  }
0x5d: {  	_ =	shalt  }
0x5e: {  	_ =	shalt  }
0x5f: {  	_ =	shalt  }
0x60: {  	_ =	shalt  }
0x61: {  	_ =	shalt  }
0x62: {  	_ =	shalt  }
0x63: {  	_ =	shalt  }
0x64: {  	_ =	shalt  }
0x65: {  	_ =	shalt  }
0x66: {  	_ =	shalt  }
0x67: {  	_ =	shalt  }
0x68: {  	_ =	shalt  }
0x69: {  	_ =	shalt  }
0x6a: {  	_ =	shalt  }
0x6b: {  	_ =	shalt  }
0x6c: {  	_ =	shalt  }
0x6d: {  	_ =	shalt  }
0x6e: {  	_ =	shalt  }
0x6f: {  	_ =	shalt  }
0x70: {  	_ =	shalt  }
0x71: {  	_ =	shalt  }
0x72: {  	_ =	shalt  }
0x73: {  	_ =	shalt  }
0x74: {  	_ =	shalt  }
0x75: {  	_ =	shalt  }
0x76: {  	_ =	shalt  }
0x77: {  	_ =	shalt  }
0x78: {  	_ =	shalt  }
0x79: {  	_ =	shalt  }
0x7a: {  	_ =	shalt  }
0x7b: {  	_ =	shalt  }
0x7c: {  	_ =	shalt  }
0x7d: {  	_ =	shalt  }
0x7e: {  	_ =	shalt  }
0x7f: {  	_ =	shalt  }
0x80: {  	_ =	shalt  }
0x81: {  	_ =	shalt  }
0x82: {  	_ =	shalt  }
0x83: {  	_ =	shalt  }
0x84: {  	_ =	shalt  }
0x85: {  	_ =	shalt  }
0x86: {  	_ =	shalt  }
0x87: {  	_ =	shalt  }
.Lfunc_end0:
.L_simem_size_0:
called_computation.2_lowered:
.L_overlay_start_0:
0x88: {  	s2 =	sld [smem:$0x3FD9]  }
0x89: {  	s3 =	sld [smem:$0x3FFE];
	_ =	sdelay $0x1  }
0x8a: {  	s1 =	srdreg.scid  }
0x8b: {  	s0 =	sand.u32 $0x1, s1  }
0x8c: {  	s17 =	sshll.u32 s0, $0xA;
	s2 =	sadd.s32 s3, s2  }
0x8d: {  	s2 =	sadd.s32 s2, s17  }
0x8e: {  	[smem:$0x3FC0] =	sst s2  }
0x8f: {  	_ = 	snop  }
0x90: {  	s2 =	sld [smem:$0x3FD0];
	(tm) =	ssettm $0x1  }
0x91: {  	s18 =	sld [smem:$0x3FFB];
	_ =	sdelay $0x3  }
0x92: {  	_ =	strace s18  }
0x93: {  	s3 =	sld [smem:$0x3FFC];
	_ =	sdelay $0x3  }
0x94: {  	_ =	strace s3  }
0x95: {  	s3 =	sld [smem:$0x3FFD];
	_ =	sdelay $0x3  }
0x96: {  	_ =	strace s3  }
0x97: {  	_ =	strace $0x8FFFFFFF  }
0x98: {  	s19 =	sld [smem:$0x3FDB];
	_ =	sdelay $0x1  }
0x99: {  	s4 =	simm.s32 $_scs_section_size  }
0x9a: {  	s5 =	simm.s32 $_size__tile_overlayer_lowered;
	s6 =	simm.s32 $_tile_overlayer_lowered  }
0x9b: {  	s22 =	simm.s32 $0x1BFF;
	s21 =	sshll.u32 s6, $0x1;
	s3 =	sadd.s32 s4, s19  }
0x9c: {  	s7 =	simm.s32 $0x0;
	s20 =	sshll.u32 s5, $0x1;
	s5 =	sadd.s32 s21, s3  }
0x9d: {  	[timem:s7], [sflag:s22] =	dma.local [hbm:s5], s20  }
0x9e: {  	_ =	swait.ge [sflag:s22], s20  }
0x9f: {  	s4 =	ssub.s32 $0x0, s20;
	[sflag:s22] =	ssyncset.done $0x0  }
0xa0: {  	[sflag:s22] =	ssyncadd.s32 s4;
	_ =	sdelay $0x1  }
0xa1: {  	s23 =	simm.s32 $0x1B8B  }
0xa2: {  	_ =	swait.ge [sflag:s23], $0x1  }
0xa3: {  	[sflag:s23] =	ssyncset.done $0x0  }
0xa4: {  	s25 =	simm.s32 $0x1B8E;
	s24 =	sld [smem:$0x3FFE];
	[sflag:s23] =	ssyncadd.s32 $0xFFFFFFFF  }
0xa5: {  	s26 =	simm.s32 $execute0_lowered;
	[smem:$0x3FD2] =	sst s25  }
0xa6: {  	s5 =	sshll.u32 s26, $0x1;
	_ =	strace $0x8000004C;
	[dreg:$0x1] =	wrdreg $0xFFFFFFFF  }
0xa7: {  	s28 =	simm.s32 $_size_execute0_lowered;
	s3 =	sadd.s32 s3, s5;
	[dreg:$0x0] =	wrdreg $0x0  }
0xa8: {  	s5 =	sshll.u32 s28, $0x1;
	[dreg:$0x2] =	wrdreg s3  }
0xa9: {  	[dreg:$0x3] =	wrdreg s5  }
0xaa: {  	[dreg:$0x4] =	wrdreg $0xC0  }
0xab: {  	_ =	task [dreg:s7], $0x5FFFF  }
0xac: {  	[dreg:$0x1] =	wrdreg $0xFFFFFFFF  }
0xad: {  	[dreg:$0x0] =	wrdreg $0x60  }
0xae: {  	[dreg:$0x2] =	wrdreg s2  }
0xaf: {  	[dreg:$0x3] =	wrdreg s24  }
0xb0: {  	[dreg:$0x4] =	wrdreg $0x0  }
0xb1: {  	[dreg:$0x5] =	wrdreg $0x9  }
0xb2: {  	_ =	task.clear_ibuf [dreg:s7], $0x6FFFF;
	_ =	strace $0x9000004C  }
0xb3: {  	s29 =	simm.s32 $0x9;
	_ =	strace $0x8000004E  }
0xb4: {  	_ =	swait.ge [sflag:s29], $0x1  }
0xb5: {  	[sflag:s29] =	ssyncadd.s32 $0xFFFFFFFF  }
0xb6: {  	_ =	strace $0x9000004E  }
0xb7: {  	_ =	sfence  }
0xb8: {  	s30 =	sld [smem:$0x0];
	_ =	sdelay $0x2  }
0xb9: {  	s31 =	sshll.u32 s1, $0xD;
	s1 =	sshrl.u32 s1, $0x2  }
0xba: {  	s3 =	sand.u32 $0x4000, s31;
	s1 =	sadd.s32 s1, s30  }
0xbb: {  	s0 =	sor.u32 s3, s0;
	s1 =	sshll.u32 s1, $0x11  }
0xbc: {  	s0 =	sor.u32 s1, s0  }
0xbd: {  	s0 =	sadd.s32 $0x8F2B, s0  }
0xbe: {  	[sflag:s0] =	ssyncadd.remote.s32 $0x1  }
0xbf: {  	_ =	sfence.sel $0xFFFF  }
0xc0: {  	[dreg:$0x0] =	wrdreg $0xFFFFFFFF;
	(pc) =	sbr.abs _section_cstart, $3  }
0xc1: {  	[dreg:$0x1] =	wrdreg $0xFFFFFFFF  }
0xc2: {  	_ =	task.clear_ibuf [dreg:s7], $0x2FFFF;
	_ =	strace $0x9FFFFFFF  }
0xc3: {  	(tm) =	ssettm $0x7FFFFFFF  }
tec
execute0_lowered:
.L_overlay_start_1:
0x0: {  	(tag) =	ssettag $0x1  }
0x1: {  	s1 =	rddreg [dreg:$0x0]  }
0x2: {  	s0 =	rddreg [dreg:$0x1]  }
0x3: {  	s3 =	rddreg [dreg:$0x2];
	s12 =	stileid.u32;
	s4 =	simm.s32 $0x0  }
0x4: {  	s24 =	simm.s32 $0x13900;
	s25 =	simm.s32 $0x13980;
	[smem:$0x7FF] =	sst s4  }
0x5: {  	s26 =	simm.s32 $0x13D00;
	_ =	strace $0x8000004D;
	[dreg:$0x6] =	wrdreg s24  }
0x6: {  	s6 =	smul.u32 $0x5000, s12;
	s21 =	sshll.u32 s12, $0x1;
	[dreg:$0x7] =	wrdreg s25  }
0x7: {  	s22 =	smul.u32 $0x7D, s12;
	s12 =	simm.s32 $0x13A00;
	[dreg:$0x8] =	wrdreg s26  }
0x8: {  	s2 =	srdreg.scid;
	s13 =	simm.s32 $0x13D80;
	[dreg:$0x9] =	wrdreg s12  }
0x9: {  	s17 =	simm.s32 $0x13A80;
	s18 =	simm.s32 $0x13E00;
	[dreg:$0xa] =	wrdreg s13  }
0xa: {  	s19 =	simm.s32 $0x13B00;
	s28 =	simm.s32 $0x4;
	[dreg:$0xb] =	wrdreg s17  }
0xb: {  	s29 =	simm.s32 $0x14780;
	s30 =	simm.s32 $0x14800;
	[dreg:$0xc] =	wrdreg s18  }
0xc: {  	s31 =	simm.s32 $0x7;
	[dreg:$0xd] =	wrdreg s19;
	s24 =	simm.s32 $0x13C00  }
0xd: {  	s2 =	sand.u32 $0x1, s2;
	s25 =	simm.s32 $0x13F80;
	[dreg:$0x11] =	wrdreg s24  }
0xe: {  	s5 =	sadd.s32 $0x2E00, s0;
	s13 =	simm.s32 $0x14100;
	[dreg:$0x12] =	wrdreg s25  }
0xf: {  	s7 =	smul.u32 $0x2800, s2;
	s17 =	simm.s32 $0x14500;
	[dreg:$0x14] =	wrdreg s13  }
0x10: {  	s8 =	ssub.s32 $0x2, s2;
	s18 =	simm.s32 $0x14200;
	[dreg:$0x16] =	wrdreg s17  }
0x11: {  	s19 =	simm.s32 $0x14580;
	s10 =	sshrl.u32 s8, $0x1;
	[dreg:$0x17] =	wrdreg s18  }
0x12: {  	s14 =	sshrl.u32 s22, $0x4;
	s17 =	simm.s32 $0x13880;
	[dreg:$0x18] =	wrdreg s19  }
0x13: {  	s18 =	simm.s32 $0x13C80;
	s19 =	simm.s32 $0x3;
	s24 =	simm.s32 $0x14380  }
0x14: {  	s9 =	sadd.s32 s7, s6;
	s6 =	sadd.s32 $0xCE00, s0;
	s7 =	sadd.s32 $0x16E00, s0  }
0x15: {  	s0 =	ssub.s32 s8, s10;
	s10 =	sor.u32 s2, s21;
	s2 =	smul.u32 $0x138800, s2  }
0x16: {  	s25 =	simm.s32 $0x14700;
	s21 =	smul.u32 $0xA000, s14;
	[dreg:$0x1d] =	wrdreg s24  }
0x17: {  	s26 =	smul.u32 $0x2800, s14;
	[dreg:$0x1e] =	wrdreg s25;
	s24 =	simm.s32 $0x2  }
0x18: {  	s25 =	simm.s32 $0x5;
	s11 =	sor.u32 $0x400, s9;
	s0 =	smax.u32 s0, $0x1  }
0x19: {  	s9 =	sadd.s32 $0x800, s9;
	s20 =	sshrl.u32 s11, $0x3;
	[smem:$0x7FB] =	sst s0  }
0x1a: {  	s11 =	sadd.s32 $0x7D, s22;
	s22 =	simm.s32 $0x13B80;
	[smem:$0x7FC] =	sst s9  }
0x1b: {  	s10 =	smul.u32 $0x2800, s10;
	s2 =	sadd.s32 s26, s2;
	[dreg:$0xf] =	wrdreg s22  }
0x1c: {  	s26 =	simm.s32 $0x14400;
	s0 =	simm.s32 $0x0;
	[smem:$0x7FD] =	sst s2  }
0x1d: {  	s23 =	sadd.s32 s20, s6;
	s8 =	sadd.s32 s20, s5;
	[dreg:$0x1f] =	wrdreg s26  }
0x1e: {  	s15 =	sshrl.u32 s11, $0x4;
	s10 =	sshrl.u32 s10, $0x3;
	[dreg:$0x4] =	wrdreg s23  }
0x1f: {  	s20 =	simm.s32 $0x13E80;
	s22 =	simm.s32 $0x14300;
	[dreg:$0x5] =	wrdreg s8  }
0x20: {  	s26 =	simm.s32 $0x6;
	s16 =	sadd.s32 s5, s10;
	[dreg:$0xe] =	wrdreg s20  }
0x21: {  	s10 =	sadd.s32 s6, s10;
	s11 =	ssub.s32 s15, s14;
	[dreg:$0x1b] =	wrdreg s22  }
0x22: {  	s23 =	simm.s32 $0x13F00;
	s8 =	sshrl.u32 s21, $0x2;
	[smem:$0x7F9] =	sst s16  }
0x23: {  	p0 =	sle.u32 s15, s14;
	s15 =	simm.s32 $0x14880;
	[smem:$0x7FA] =	sst s10  }
0x24: {  	s20 =	simm.s32 $0x14280;
	s21 =	simm.s32 $0x14600;
	[dreg:$0x10] =	wrdreg s23  }
.Ltmp0:
0x25: {  	s22 =	simm.s32 $0x7D;
	[dreg:$0x19] =	wrdreg s20;
	(pc) =	sbr.rel .LBB2_1-.Ltmp0, $4  }
0x26: {  	s12 =	sadd.s32 s8, s3;
	s10 =	simm.s32 $0x14000;
	[dreg:$0x1a] =	wrdreg s21  }
0x27: {  	s16 =	simm.s32 $0x14180;
	s20 =	simm.s32 $0x14080;
	[dreg:$0x13] =	wrdreg s10  }
0x28: {  	s23 =	simm.s32 $0x14680;
	s21 =	simm.s32 $0x14480;
	[dreg:$0x15] =	wrdreg s16  }
0x29: {  	v0 =	vimm.f32 $0.0e+00;
	s16 =	simm.s32 $0x1;
	[dreg:$0x1c] =	wrdreg s23;
	s23 =	simm.s32 $0x18880  }
.LBB2_14:
0x2a: {  	_ =	swait.ge [sflag:s31], $0x500  }
0x2b: {  	[sflag:s31] =	ssyncset.done $0x0  }
0x2c: {  	[sflag:s31] =	ssyncadd.s32 $0xFFFFFB00  }
.LBB2_15:
0x2d: {  	s2 =	sld [smem:$0x7FB];
	_ =	sdelay $0x1  }
0x2e: {  	s0 =	sadd.s32 $0x1, s0  }
0x2f: {  	p1 =	sne.s32 s0, s2  }
.Ltmp1:
0x30: {  	_ = 	snop;
	(pc) =	sbr.rel @!p1 .LBB2_16-.Ltmp1, $1  }
0x31: {  	_ =	sdelay $0x3  }
.LBB2_1:
0x32: {  	s2 =	sand.u32 $0xFE00, s4  }
0x33: {  	s8 =	sand.u32 $0x70, s4;
	s9 =	sshrl.u32 s2, $0x2  }
0x34: {  	s2 =	simm.s32 $0x40;
	s9 =	sor.u32 s8, s9;
	s8 =	simm.s32 $0x0  }
.LBB2_2:
0x35: {  	p1 =	sne.s32 s2, $0x9FC0  }
0x36: {  	[tilespmem:s9+$0x14880] =	vst v0;
	s8 =	sadd.s32 $0x10, s8;
	s9 =	smov.u32 s2;
	s2 =	sadd.s32 $0x40, s2  }
.Ltmp2:
0x37: {  	(pc) =	sbr.rel @p1 .LBB2_2-.Ltmp2, $4  }
0x38: {  	_ = 	snop  }
0x39: {  	s9 =	sand.u32 $0xFE00, s9  }
0x3a: {  	s14 =	sand.u32 $0x70, s8;
	s9 =	sshrl.u32 s9, $0x2  }
0x3b: {  	s9 =	sor.u32 s14, s9  }
.Ltmp3:
0x3c: {  	(pc) =	sbr.rel @p0 .LBB2_9-.Ltmp3, $2  }
0x3d: {  	_ =	sdelay $0x2  }
0x3e: {  	[tilespmem:s9+$0x14880] =	vst v0  }
0x3f: {  	p1 =	sne.s32 s11, $0x1  }
.Ltmp4:
0x40: {  	_ = 	snop;
	(pc) =	sbr.rel @!p1 .LBB2_6-.Ltmp4, $3  }
0x41: {  	_ =	sdelay $0x1  }
0x42: {  	[spmem:s12] =	stream.linear.scatter [tilespmem:s15], [sflag:$0x1], $0x2800, $0x38;
	[tilespmem:$0x1C880] =	vst v63  }
0x43: {  	s2 =	sadd.s32 $0xFFFFFFFF, s11;
	s8 =	smov.u32 s12  }
.LBB2_5:
0x44: {  	p1 =	sne.s32 s2, $0x1  }
.Ltmp5:
0x45: {  	_ = 	snop;
	(pc) =	sbr.rel @p1 .LBB2_5-.Ltmp5, $3  }
0x46: {  	_ = 	snop  }
0x47: {  	s2 =	sadd.s32 $0xFFFFFFFF, s2;
	s8 =	sadd.s32 $0x2800, s8;
	_ =	sdelay $0x1  }
0x48: {  	[spmem:s8] =	stream.linear.scatter [tilespmem:s15], [sflag:$0x1], $0x2800, $0x38;
	[tilespmem:$0x1C880] =	vst v63  }
.LBB2_6:
0x49: {  	p1 =	sne.s32 s11, $0x1  }
.Ltmp6:
0x4a: {  	_ = 	snop;
	(pc) =	sbr.rel @!p1 .LBB2_8-.Ltmp6, $3  }
0x4b: {  	_ =	sdelay $0x1  }
0x4c: {  	_ =	swait.ge [sflag:s16], $0x2800  }
0x4d: {  	s2 =	sadd.s32 $0xFFFFFFFF, s11;
	[sflag:s16] =	ssyncset.done $0x0  }
.LBB2_7:
0x4e: {  	p1 =	sne.s32 s2, $0x1;
	s2 =	sadd.s32 $0xFFFFFFFF, s2;
	[sflag:s16] =	ssyncadd.s32 $0xFFFFD800  }
.Ltmp7:
0x4f: {  	(pc) =	sbr.rel @p1 .LBB2_7-.Ltmp7, $3  }
0x50: {  	_ =	sdelay $0x1  }
0x51: {  	_ =	swait.ge [sflag:s16], $0x2800  }
0x52: {  	[sflag:s16] =	ssyncset.done $0x0  }
.LBB2_8:
0x53: {  	[sflag:s16] =	ssyncadd.s32 $0xFFFFD800  }
.LBB2_9:
0x54: {  	[bflag:$0x0] =	sbarrier.arrive $0xFFFF  }
0x55: {  	s8 =	sld [smem:$0x7F9];
	_ =	sdelay $0x1  }
0x56: {  	s2 =	simm.s32 $0x0;
	s10 =	sld [smem:$0x7FA]  }
0x57: {  	[tilespmem:s17], [sflag:$0x3] =	stream.linear.gather [hbm4b:s8+s2], $0x400, $0x38;
	[tilespmem:$0x1C880] =	vst v63  }
0x58: {  	_ = 	snop  }
0x59: {  	[tilespmem:s18], [sflag:$0x3] =	stream.linear.gather [hbm4b:s10+s2], $0x400, $0x38;
	[tilespmem:$0x1C880] =	vst v63  }
0x5a: {  	_ =	swait.ge [sflag:s19], $0x400  }
0x5b: {  	[sflag:s19] =	ssyncset.done $0x0  }
0x5c: {  	[sflag:s19] =	ssyncadd.s32 $0xFFFFFC00  }
0x5d: {  	_ =	swait.ge [sflag:s19], $0x400  }
0x5e: {  	s13 =	rddreg [dreg:$0x5];
	[sflag:s19] =	ssyncset.done $0x0  }
0x5f: {  	s14 =	rddreg [dreg:$0x4];
	[sflag:s19] =	ssyncadd.s32 $0xFFFFFC00;
	s2 =	sadd.s32 $0x0, s13  }
0x60: {  	[tilespmem:s20], [sflag:$0x4] =	stream.linear.gather [hbm4b:s2+s4], $0x400, $0x38;
	[tilespmem:$0x1C880] =	vst v63  }
0x61: {  	s9 =	sadd.s32 $0x0, s14  }
0x62: {  	[tilespmem:s21], [sflag:$0x4] =	stream.linear.gather [hbm4b:s9+s4], $0x400, $0x38;
	[tilespmem:$0x1C880] =	vst v63  }
0x63: {  	_ = 	snop  }
0x64: {  	[tilespmem:s15], [sflag:$0x1] =	stream.indirect.gather [hbm4b:s1+s22], $0x80, s17, s22, $0xb8;
	[tilespmem:$0x1C880] =	vst v63  }
0x65: {  	_ =	swait.ge [sflag:s16], $0x3E80  }
0x66: {  	p1 =	por $0x1, $0x1;
	[sflag:s16] =	ssyncset.done $0x0  }
0x67: {  	s2 =	simm.s32 @!p1 $0x6;
	[sflag:s16] =	ssyncadd.s32 $0xFFFFC180  }
0x68: {  	_ =	swait.ge @!p1 [sflag:s2], $0x3E80  }
0x69: {  	[sflag:s2] =	ssyncset.done @!p1 $0x0  }
0x6a: {  	s10 =	rddreg [dreg:$0x6];
	[sflag:s2] =	ssyncadd.s32 @!p1 $0xFFFFC180  }
0x6b: {  	[tilespmem:s23], [sflag:$0x2] =	stream.indirect.gather [hbm4b:s1+s22], $0x80, s10, s22, $0xb8;
	[tilespmem:$0x1C880] =	vst v63  }
0x6c: {  	_ = 	snop  }
0x6d: {  	[spmem:s3] =	stream.indirect.scatter.add.f32 [tilespmem:s15], [sflag:$0x5], $0x80, s18, s22, $0xb8;
	[tilespmem:$0x1C880] =	vst v63  }
0x6e: {  	_ =	swait.ge [sflag:s24], $0x3E80  }
0x6f: {  	[sflag:s24] =	ssyncset.done $0x0  }
0x70: {  	[sflag:s24] =	ssyncadd.s32 $0xFFFFC180  }
0x71: {  	_ =	swait.ge [sflag:s25], $0x3E80  }
0x72: {  	[sflag:s25] =	ssyncset.done $0x0  }
0x73: {  	s13 =	rddreg [dreg:$0x7];
	[sflag:s25] =	ssyncadd.s32 $0xFFFFC180  }
0x74: {  	[tilespmem:s15], [sflag:$0x1] =	stream.indirect.gather [hbm4b:s1+s22], $0x80, s13, s22, $0xb8;
	[tilespmem:$0x1C880] =	vst v63  }
0x75: {  	s14 =	rddreg [dreg:$0x8]  }
0x76: {  	[spmem:s3] =	stream.indirect.scatter.add.f32 [tilespmem:s23], [sflag:$0x6], $0x80, s14, s22, $0xb8;
	[tilespmem:$0x1C880] =	vst v63  }
0x77: {  	_ =	swait.ge [sflag:s16], $0x3E80  }
0x78: {  	[sflag:s16] =	ssyncset.done $0x0  }
0x79: {  	[sflag:s16] =	ssyncadd.s32 $0xFFFFC180  }
0x7a: {  	_ =	swait.ge [sflag:s26], $0x3E80  }
0x7b: {  	[sflag:s26] =	ssyncset.done $0x0  }
0x7c: {  	s9 =	rddreg [dreg:$0x9];
	[sflag:s26] =	ssyncadd.s32 $0xFFFFC180  }
0x7d: {  	[tilespmem:s23], [sflag:$0x2] =	stream.indirect.gather [hbm4b:s1+s22], $0x80, s9, s22, $0xb8;
	[tilespmem:$0x1C880] =	vst v63  }
0x7e: {  	s10 =	rddreg [dreg:$0xa]  }
0x7f: {  	[spmem:s3] =	stream.indirect.scatter.add.f32 [tilespmem:s15], [sflag:$0x5], $0x80, s10, s22, $0xb8;
	[tilespmem:$0x1C880] =	vst v63  }
0x80: {  	_ =	swait.ge [sflag:s24], $0x3E80  }
0x81: {  	[sflag:s24] =	ssyncset.done $0x0  }
0x82: {  	[sflag:s24] =	ssyncadd.s32 $0xFFFFC180  }
0x83: {  	_ =	swait.ge [sflag:s25], $0x3E80  }
0x84: {  	[sflag:s25] =	ssyncset.done $0x0  }
0x85: {  	s13 =	rddreg [dreg:$0xb];
	[sflag:s25] =	ssyncadd.s32 $0xFFFFC180  }
0x86: {  	[tilespmem:s15], [sflag:$0x1] =	stream.indirect.gather [hbm4b:s1+s22], $0x80, s13, s22, $0xb8;
	[tilespmem:$0x1C880] =	vst v63  }
0x87: {  	s14 =	rddreg [dreg:$0xc]  }
0x88: {  	[spmem:s3] =	stream.indirect.scatter.add.f32 [tilespmem:s23], [sflag:$0x6], $0x80, s14, s22, $0xb8;
	[tilespmem:$0x1C880] =	vst v63  }
0x89: {  	_ =	swait.ge [sflag:s16], $0x3E80  }
0x8a: {  	[sflag:s16] =	ssyncset.done $0x0  }
0x8b: {  	[sflag:s16] =	ssyncadd.s32 $0xFFFFC180  }
0x8c: {  	_ =	swait.ge [sflag:s26], $0x3E80  }
0x8d: {  	[sflag:s26] =	ssyncset.done $0x0  }
0x8e: {  	s9 =	rddreg [dreg:$0xd];
	[sflag:s26] =	ssyncadd.s32 $0xFFFFC180  }
0x8f: {  	[tilespmem:s23], [sflag:$0x2] =	stream.indirect.gather [hbm4b:s1+s22], $0x80, s9, s22, $0xb8;
	[tilespmem:$0x1C880] =	vst v63  }
0x90: {  	s10 =	rddreg [dreg:$0xe]  }
0x91: {  	[spmem:s3] =	stream.indirect.scatter.add.f32 [tilespmem:s15], [sflag:$0x5], $0x80, s10, s22, $0xb8;
	[tilespmem:$0x1C880] =	vst v63  }
0x92: {  	_ =	swait.ge [sflag:s24], $0x3E80  }
0x93: {  	[sflag:s24] =	ssyncset.done $0x0  }
0x94: {  	[sflag:s24] =	ssyncadd.s32 $0xFFFFC180  }
0x95: {  	_ =	swait.ge [sflag:s25], $0x3E80  }
0x96: {  	[sflag:s25] =	ssyncset.done $0x0  }
0x97: {  	s13 =	rddreg [dreg:$0xf];
	[sflag:s25] =	ssyncadd.s32 $0xFFFFC180  }
0x98: {  	[tilespmem:s15], [sflag:$0x1] =	stream.indirect.gather [hbm4b:s1+s22], $0x80, s13, s22, $0xb8;
	[tilespmem:$0x1C880] =	vst v63  }
0x99: {  	s14 =	rddreg [dreg:$0x10]  }
0x9a: {  	[spmem:s3] =	stream.indirect.scatter.add.f32 [tilespmem:s23], [sflag:$0x6], $0x80, s14, s22, $0xb8;
	[tilespmem:$0x1C880] =	vst v63  }
0x9b: {  	_ =	swait.ge [sflag:s16], $0x3E80  }
0x9c: {  	[sflag:s16] =	ssyncset.done $0x0  }
0x9d: {  	[sflag:s16] =	ssyncadd.s32 $0xFFFFC180  }
0x9e: {  	_ =	swait.ge [sflag:s26], $0x3E80  }
0x9f: {  	[sflag:s26] =	ssyncset.done $0x0  }
0xa0: {  	s9 =	rddreg [dreg:$0x11];
	[sflag:s26] =	ssyncadd.s32 $0xFFFFC180  }
0xa1: {  	[tilespmem:s23], [sflag:$0x2] =	stream.indirect.gather [hbm4b:s1+s22], $0x80, s9, s22, $0xb8;
	[tilespmem:$0x1C880] =	vst v63  }
0xa2: {  	s10 =	rddreg [dreg:$0x12]  }
0xa3: {  	[spmem:s3] =	stream.indirect.scatter.add.f32 [tilespmem:s15], [sflag:$0x5], $0x80, s10, s22, $0xb8;
	[tilespmem:$0x1C880] =	vst v63  }
0xa4: {  	_ =	swait.ge [sflag:s24], $0x3E80  }
0xa5: {  	[sflag:s24] =	ssyncset.done $0x0  }
0xa6: {  	[sflag:s24] =	ssyncadd.s32 $0xFFFFC180  }
0xa7: {  	_ =	swait.ge [sflag:s25], $0x3E80  }
0xa8: {  	[sflag:s25] =	ssyncset.done $0x0  }
0xa9: {  	s13 =	rddreg [dreg:$0x13];
	[sflag:s25] =	ssyncadd.s32 $0xFFFFC180  }
0xaa: {  	[spmem:s3] =	stream.indirect.scatter.add.f32 [tilespmem:s23], [sflag:$0x6], $0x80, s13, s22, $0xb8;
	[tilespmem:$0x1C880] =	vst v63  }
0xab: {  	_ =	swait.ge [sflag:s28], $0x400  }
0xac: {  	[sflag:s28] =	ssyncset.done $0x0  }
0xad: {  	[sflag:s28] =	ssyncadd.s32 $0xFFFFFC00  }
0xae: {  	_ =	swait.ge [sflag:s28], $0x400  }
0xaf: {  	s10 =	sld [smem:$0x7FC];
	_ =	sdelay $0x1  }
0xb0: {  	p1 =	por $0x0, $0x0  }
0xb1: {  	s8 =	simm.s32 @!p1 $0x13880;
	[sflag:s28] =	ssyncset.done $0x0;
	s2 =	sshrl.u32 @!p1 s10, $0x3  }
0xb2: {  	s14 =	simm.s32 @!p1 $0x0;
	[sflag:s28] =	ssyncadd.s32 $0xFFFFFC00;
	s9 =	sadd.s32 @!p1 s5, s2  }
0xb3: {  	[tilespmem:s8], [sflag:$0x3] =	stream.linear.gather @!p1 [hbm4b:s9+s14], $0x400, $0x38;
	[tilespmem:$0x1C880] =	vst v63  }
0xb4: {  	s2 =	sadd.s32 @!p1 s6, s2;
	s8 =	simm.s32 @!p1 $0x13C80  }
0xb5: {  	[tilespmem:s8], [sflag:$0x3] =	stream.linear.gather @!p1 [hbm4b:s2+s14], $0x400, $0x38;
	[tilespmem:$0x1C880] =	vst v63  }
0xb6: {  	_ = 	snop  }
0xb7: {  	[tilespmem:s15], [sflag:$0x1] =	stream.indirect.gather [hbm4b:s1+s22], $0x80, s20, s22, $0xb8;
	[tilespmem:$0x1C880] =	vst v63  }
0xb8: {  	_ =	swait.ge [sflag:s16], $0x3E80  }
0xb9: {  	[sflag:s16] =	ssyncset.done $0x0  }
0xba: {  	[sflag:s16] =	ssyncadd.s32 $0xFFFFC180  }
0xbb: {  	_ =	swait.ge [sflag:s26], $0x3E80  }
0xbc: {  	[sflag:s26] =	ssyncset.done $0x0  }
0xbd: {  	s14 =	rddreg [dreg:$0x14];
	[sflag:s26] =	ssyncadd.s32 $0xFFFFC180  }
0xbe: {  	[tilespmem:s23], [sflag:$0x2] =	stream.indirect.gather [hbm4b:s1+s22], $0x80, s14, s22, $0xb8;
	[tilespmem:$0x1C880] =	vst v63  }
0xbf: {  	_ = 	snop  }
0xc0: {  	[spmem:s3] =	stream.indirect.scatter.add.f32 [tilespmem:s15], [sflag:$0x5], $0x80, s21, s22, $0xb8;
	[tilespmem:$0x1C880] =	vst v63  }
0xc1: {  	_ =	swait.ge [sflag:s24], $0x3E80  }
0xc2: {  	[sflag:s24] =	ssyncset.done $0x0  }
0xc3: {  	[sflag:s24] =	ssyncadd.s32 $0xFFFFC180  }
0xc4: {  	_ =	swait.ge [sflag:s25], $0x3E80  }
0xc5: {  	[sflag:s25] =	ssyncset.done $0x0  }
0xc6: {  	s8 =	rddreg [dreg:$0x15];
	[sflag:s25] =	ssyncadd.s32 $0xFFFFC180  }
0xc7: {  	[tilespmem:s15], [sflag:$0x1] =	stream.indirect.gather [hbm4b:s1+s22], $0x80, s8, s22, $0xb8;
	[tilespmem:$0x1C880] =	vst v63  }
0xc8: {  	s9 =	rddreg [dreg:$0x16]  }
0xc9: {  	[spmem:s3] =	stream.indirect.scatter.add.f32 [tilespmem:s23], [sflag:$0x6], $0x80, s9, s22, $0xb8;
	[tilespmem:$0x1C880] =	vst v63  }
0xca: {  	_ =	swait.ge [sflag:s16], $0x3E80  }
0xcb: {  	[sflag:s16] =	ssyncset.done $0x0  }
0xcc: {  	[sflag:s16] =	ssyncadd.s32 $0xFFFFC180  }
0xcd: {  	_ =	swait.ge [sflag:s26], $0x3E80  }
0xce: {  	[sflag:s26] =	ssyncset.done $0x0  }
0xcf: {  	s13 =	rddreg [dreg:$0x17];
	[sflag:s26] =	ssyncadd.s32 $0xFFFFC180  }
0xd0: {  	[tilespmem:s23], [sflag:$0x2] =	stream.indirect.gather [hbm4b:s1+s22], $0x80, s13, s22, $0xb8;
	[tilespmem:$0x1C880] =	vst v63  }
0xd1: {  	s14 =	rddreg [dreg:$0x18]  }
0xd2: {  	[spmem:s3] =	stream.indirect.scatter.add.f32 [tilespmem:s15], [sflag:$0x5], $0x80, s14, s22, $0xb8;
	[tilespmem:$0x1C880] =	vst v63  }
0xd3: {  	_ =	swait.ge [sflag:s24], $0x3E80  }
0xd4: {  	[sflag:s24] =	ssyncset.done $0x0  }
0xd5: {  	[sflag:s24] =	ssyncadd.s32 $0xFFFFC180  }
0xd6: {  	_ =	swait.ge [sflag:s25], $0x3E80  }
0xd7: {  	[sflag:s25] =	ssyncset.done $0x0  }
0xd8: {  	s8 =	rddreg [dreg:$0x19];
	[sflag:s25] =	ssyncadd.s32 $0xFFFFC180  }
0xd9: {  	[tilespmem:s15], [sflag:$0x1] =	stream.indirect.gather [hbm4b:s1+s22], $0x80, s8, s22, $0xb8;
	[tilespmem:$0x1C880] =	vst v63  }
0xda: {  	s9 =	rddreg [dreg:$0x1a]  }
0xdb: {  	[spmem:s3] =	stream.indirect.scatter.add.f32 [tilespmem:s23], [sflag:$0x6], $0x80, s9, s22, $0xb8;
	[tilespmem:$0x1C880] =	vst v63  }
0xdc: {  	_ =	swait.ge [sflag:s16], $0x3E80  }
0xdd: {  	[sflag:s16] =	ssyncset.done $0x0  }
0xde: {  	[sflag:s16] =	ssyncadd.s32 $0xFFFFC180  }
0xdf: {  	_ =	swait.ge [sflag:s26], $0x3E80  }
0xe0: {  	[sflag:s26] =	ssyncset.done $0x0  }
0xe1: {  	s13 =	rddreg [dreg:$0x1b];
	[sflag:s26] =	ssyncadd.s32 $0xFFFFC180  }
0xe2: {  	[tilespmem:s23], [sflag:$0x2] =	stream.indirect.gather [hbm4b:s1+s22], $0x80, s13, s22, $0xb8;
	[tilespmem:$0x1C880] =	vst v63  }
0xe3: {  	s14 =	rddreg [dreg:$0x1c]  }
0xe4: {  	[spmem:s3] =	stream.indirect.scatter.add.f32 [tilespmem:s15], [sflag:$0x5], $0x80, s14, s22, $0xb8;
	[tilespmem:$0x1C880] =	vst v63  }
0xe5: {  	_ =	swait.ge [sflag:s24], $0x3E80  }
0xe6: {  	[sflag:s24] =	ssyncset.done $0x0  }
0xe7: {  	[sflag:s24] =	ssyncadd.s32 $0xFFFFC180  }
0xe8: {  	_ =	swait.ge [sflag:s25], $0x3E80  }
0xe9: {  	[sflag:s25] =	ssyncset.done $0x0  }
0xea: {  	s9 =	rddreg [dreg:$0x1d];
	[sflag:s25] =	ssyncadd.s32 $0xFFFFC180  }
0xeb: {  	[tilespmem:s15], [sflag:$0x1] =	stream.indirect.gather [hbm4b:s1+s22], $0x80, s9, s22, $0xb8;
	[tilespmem:$0x1C880] =	vst v63  }
0xec: {  	s13 =	rddreg [dreg:$0x1e]  }
0xed: {  	[spmem:s3] =	stream.indirect.scatter.add.f32 [tilespmem:s23], [sflag:$0x6], $0x80, s13, s22, $0xb8;
	[tilespmem:$0x1C880] =	vst v63  }
0xee: {  	_ =	swait.ge [sflag:s16], $0x3E80  }
0xef: {  	[sflag:s16] =	ssyncset.done $0x0  }
0xf0: {  	[sflag:s16] =	ssyncadd.s32 $0xFFFFC180  }
0xf1: {  	_ =	swait.ge [sflag:s26], $0x3E80  }
0xf2: {  	[sflag:s26] =	ssyncset.done $0x0  }
0xf3: {  	s14 =	rddreg [dreg:$0x1f];
	[sflag:s26] =	ssyncadd.s32 $0xFFFFC180  }
0xf4: {  	[tilespmem:s23], [sflag:$0x2] =	stream.indirect.gather [hbm4b:s1+s22], $0x80, s14, s22, $0xb8;
	[tilespmem:$0x1C880] =	vst v63  }
0xf5: {  	_ = 	snop  }
0xf6: {  	[spmem:s3] =	stream.indirect.scatter.add.f32 [tilespmem:s15], [sflag:$0x5], $0x80, s29, s22, $0xb8;
	[tilespmem:$0x1C880] =	vst v63  }
0xf7: {  	_ =	swait.ge [sflag:s24], $0x3E80  }
0xf8: {  	[sflag:s24] =	ssyncset.done $0x0  }
0xf9: {  	[sflag:s24] =	ssyncadd.s32 $0xFFFFC180  }
0xfa: {  	_ =	swait.ge [sflag:s25], $0x3E80  }
0xfb: {  	[sflag:s25] =	ssyncset.done $0x0  }
0xfc: {  	s2 =	simm.s32 $0x100;
	s8 =	sadd.s32 $0x800, s10;
	[sflag:s25] =	ssyncadd.s32 $0xFFFFC180  }
.LBB2_10:
0xfd: {  	[spmem:s3] =	stream.indirect.scatter.add.f32 [tilespmem:s23], [sflag:$0x6], $0x80, s30, s22, $0xb8;
	[tilespmem:$0x1C880] =	vst v63  }
0xfe: {  	_ =	swait.ge [sflag:s19], $0x400  }
0xff: {  	[sflag:s19] =	ssyncset.done $0x0  }
0x100: {  	[sflag:s19] =	ssyncadd.s32 $0xFFFFFC00  }
0x101: {  	_ =	swait.ge [sflag:s19], $0x400  }
0x102: {  	s9 =	smov.u32 s2;
	s14 =	rddreg [dreg:$0x5];
	[sflag:s19] =	ssyncset.done $0x0  }
0x103: {  	s10 =	rddreg [dreg:$0x4];
	[sflag:s19] =	ssyncadd.s32 $0xFFFFFC00;
	s14 =	sadd.s32 s9, s14  }
0x104: {  	[tilespmem:s20], [sflag:$0x4] =	stream.linear.gather [hbm4b:s14+s4], $0x400, $0x38;
	[tilespmem:$0x1C880] =	vst v63  }
0x105: {  	s10 =	sadd.s32 s9, s10  }
0x106: {  	[tilespmem:s21], [sflag:$0x4] =	stream.linear.gather [hbm4b:s10+s4], $0x400, $0x38;
	[tilespmem:$0x1C880] =	vst v63  }
0x107: {  	_ = 	snop  }
0x108: {  	[tilespmem:s15], [sflag:$0x1] =	stream.indirect.gather [hbm4b:s1+s22], $0x80, s17, s22, $0xb8;
	[tilespmem:$0x1C880] =	vst v63  }
0x109: {  	_ =	swait.ge [sflag:s16], $0x3E80  }
0x10a: {  	p2 =	seq.s32 s9, $0x0;
	[sflag:s16] =	ssyncset.done $0x0  }
0x10b: {  	s10 =	simm.s32 @!p2 $0x6;
	[sflag:s16] =	ssyncadd.s32 $0xFFFFC180  }
0x10c: {  	_ =	swait.ge @!p2 [sflag:s10], $0x3E80  }
0x10d: {  	[sflag:s10] =	ssyncset.done @!p2 $0x0  }
0x10e: {  	s13 =	rddreg [dreg:$0x6];
	[sflag:s10] =	ssyncadd.s32 @!p2 $0xFFFFC180  }
0x10f: {  	[tilespmem:s23], [sflag:$0x2] =	stream.indirect.gather [hbm4b:s1+s22], $0x80, s13, s22, $0xb8;
	[tilespmem:$0x1C880] =	vst v63  }
0x110: {  	_ = 	snop  }
0x111: {  	[spmem:s3] =	stream.indirect.scatter.add.f32 [tilespmem:s15], [sflag:$0x5], $0x80, s18, s22, $0xb8;
	[tilespmem:$0x1C880] =	vst v63  }
0x112: {  	_ =	swait.ge [sflag:s24], $0x3E80  }
0x113: {  	[sflag:s24] =	ssyncset.done $0x0  }
0x114: {  	[sflag:s24] =	ssyncadd.s32 $0xFFFFC180  }
0x115: {  	_ =	swait.ge [sflag:s25], $0x3E80  }
0x116: {  	[sflag:s25] =	ssyncset.done $0x0  }
0x117: {  	s14 =	rddreg [dreg:$0x7];
	[sflag:s25] =	ssyncadd.s32 $0xFFFFC180  }
0x118: {  	[tilespmem:s15], [sflag:$0x1] =	stream.indirect.gather [hbm4b:s1+s22], $0x80, s14, s22, $0xb8;
	[tilespmem:$0x1C880] =	vst v63  }
0x119: {  	s13 =	rddreg [dreg:$0x8]  }
0x11a: {  	[spmem:s3] =	stream.indirect.scatter.add.f32 [tilespmem:s23], [sflag:$0x6], $0x80, s13, s22, $0xb8;
	[tilespmem:$0x1C880] =	vst v63  }
0x11b: {  	_ =	swait.ge [sflag:s16], $0x3E80  }
0x11c: {  	[sflag:s16] =	ssyncset.done $0x0  }
0x11d: {  	[sflag:s16] =	ssyncadd.s32 $0xFFFFC180  }
0x11e: {  	_ =	swait.ge [sflag:s26], $0x3E80  }
0x11f: {  	[sflag:s26] =	ssyncset.done $0x0  }
0x120: {  	s14 =	rddreg [dreg:$0x9];
	[sflag:s26] =	ssyncadd.s32 $0xFFFFC180  }
0x121: {  	[tilespmem:s23], [sflag:$0x2] =	stream.indirect.gather [hbm4b:s1+s22], $0x80, s14, s22, $0xb8;
	[tilespmem:$0x1C880] =	vst v63  }
0x122: {  	s13 =	rddreg [dreg:$0xa]  }
0x123: {  	[spmem:s3] =	stream.indirect.scatter.add.f32 [tilespmem:s15], [sflag:$0x5], $0x80, s13, s22, $0xb8;
	[tilespmem:$0x1C880] =	vst v63  }
0x124: {  	_ =	swait.ge [sflag:s24], $0x3E80  }
0x125: {  	[sflag:s24] =	ssyncset.done $0x0  }
0x126: {  	[sflag:s24] =	ssyncadd.s32 $0xFFFFC180  }
0x127: {  	_ =	swait.ge [sflag:s25], $0x3E80  }
0x128: {  	[sflag:s25] =	ssyncset.done $0x0  }
0x129: {  	s14 =	rddreg [dreg:$0xb];
	[sflag:s25] =	ssyncadd.s32 $0xFFFFC180  }
0x12a: {  	[tilespmem:s15], [sflag:$0x1] =	stream.indirect.gather [hbm4b:s1+s22], $0x80, s14, s22, $0xb8;
	[tilespmem:$0x1C880] =	vst v63  }
0x12b: {  	s13 =	rddreg [dreg:$0xc]  }
0x12c: {  	[spmem:s3] =	stream.indirect.scatter.add.f32 [tilespmem:s23], [sflag:$0x6], $0x80, s13, s22, $0xb8;
	[tilespmem:$0x1C880] =	vst v63  }
0x12d: {  	_ =	swait.ge [sflag:s16], $0x3E80  }
0x12e: {  	[sflag:s16] =	ssyncset.done $0x0  }
0x12f: {  	[sflag:s16] =	ssyncadd.s32 $0xFFFFC180  }
0x130: {  	_ =	swait.ge [sflag:s26], $0x3E80  }
0x131: {  	[sflag:s26] =	ssyncset.done $0x0  }
0x132: {  	s14 =	rddreg [dreg:$0xd];
	[sflag:s26] =	ssyncadd.s32 $0xFFFFC180  }
0x133: {  	[tilespmem:s23], [sflag:$0x2] =	stream.indirect.gather [hbm4b:s1+s22], $0x80, s14, s22, $0xb8;
	[tilespmem:$0x1C880] =	vst v63  }
0x134: {  	s13 =	rddreg [dreg:$0xe]  }
0x135: {  	[spmem:s3] =	stream.indirect.scatter.add.f32 [tilespmem:s15], [sflag:$0x5], $0x80, s13, s22, $0xb8;
	[tilespmem:$0x1C880] =	vst v63  }
0x136: {  	_ =	swait.ge [sflag:s24], $0x3E80  }
0x137: {  	[sflag:s24] =	ssyncset.done $0x0  }
0x138: {  	[sflag:s24] =	ssyncadd.s32 $0xFFFFC180  }
0x139: {  	_ =	swait.ge [sflag:s25], $0x3E80  }
0x13a: {  	[sflag:s25] =	ssyncset.done $0x0  }
0x13b: {  	s14 =	rddreg [dreg:$0xf];
	[sflag:s25] =	ssyncadd.s32 $0xFFFFC180  }
0x13c: {  	[tilespmem:s15], [sflag:$0x1] =	stream.indirect.gather [hbm4b:s1+s22], $0x80, s14, s22, $0xb8;
	[tilespmem:$0x1C880] =	vst v63  }
0x13d: {  	s13 =	rddreg [dreg:$0x10]  }
0x13e: {  	[spmem:s3] =	stream.indirect.scatter.add.f32 [tilespmem:s23], [sflag:$0x6], $0x80, s13, s22, $0xb8;
	[tilespmem:$0x1C880] =	vst v63  }
0x13f: {  	_ =	swait.ge [sflag:s16], $0x3E80  }
0x140: {  	[sflag:s16] =	ssyncset.done $0x0  }
0x141: {  	[sflag:s16] =	ssyncadd.s32 $0xFFFFC180  }
0x142: {  	_ =	swait.ge [sflag:s26], $0x3E80  }
0x143: {  	[sflag:s26] =	ssyncset.done $0x0  }
0x144: {  	s14 =	rddreg [dreg:$0x11];
	[sflag:s26] =	ssyncadd.s32 $0xFFFFC180  }
0x145: {  	[tilespmem:s23], [sflag:$0x2] =	stream.indirect.gather [hbm4b:s1+s22], $0x80, s14, s22, $0xb8;
	[tilespmem:$0x1C880] =	vst v63  }
0x146: {  	s13 =	rddreg [dreg:$0x12]  }
0x147: {  	[spmem:s3] =	stream.indirect.scatter.add.f32 [tilespmem:s15], [sflag:$0x5], $0x80, s13, s22, $0xb8;
	[tilespmem:$0x1C880] =	vst v63  }
0x148: {  	_ =	swait.ge [sflag:s24], $0x3E80  }
0x149: {  	[sflag:s24] =	ssyncset.done $0x0  }
0x14a: {  	[sflag:s24] =	ssyncadd.s32 $0xFFFFC180  }
0x14b: {  	_ =	swait.ge [sflag:s25], $0x3E80  }
0x14c: {  	[sflag:s25] =	ssyncset.done $0x0  }
0x14d: {  	s14 =	rddreg [dreg:$0x13];
	[sflag:s25] =	ssyncadd.s32 $0xFFFFC180  }
0x14e: {  	[spmem:s3] =	stream.indirect.scatter.add.f32 [tilespmem:s23], [sflag:$0x6], $0x80, s14, s22, $0xb8;
	[tilespmem:$0x1C880] =	vst v63  }
0x14f: {  	_ =	swait.ge [sflag:s28], $0x400  }
0x150: {  	[sflag:s28] =	ssyncset.done $0x0  }
0x151: {  	[sflag:s28] =	ssyncadd.s32 $0xFFFFFC00  }
0x152: {  	p2 =	seq.s32 s9, $0x400;
	_ =	swait.ge [sflag:s28], $0x400  }
0x153: {  	s9 =	sshrl.u32 @!p2 s8, $0x3;
	s10 =	simm.s32 @!p2 $0x13880;
	[sflag:s28] =	ssyncset.done $0x0  }
0x154: {  	s13 =	simm.s32 @!p2 $0x0;
	s14 =	sadd.s32 @!p2 s5, s9;
	[sflag:s28] =	ssyncadd.s32 $0xFFFFFC00  }
0x155: {  	[tilespmem:s10], [sflag:$0x3] =	stream.linear.gather @!p2 [hbm4b:s14+s13], $0x400, $0x38;
	[tilespmem:$0x1C880] =	vst v63  }
0x156: {  	s9 =	sadd.s32 @!p2 s6, s9;
	s10 =	simm.s32 @!p2 $0x13C80  }
0x157: {  	[tilespmem:s10], [sflag:$0x3] =	stream.linear.gather @!p2 [hbm4b:s9+s13], $0x400, $0x38;
	[tilespmem:$0x1C880] =	vst v63  }
0x158: {  	_ = 	snop  }
0x159: {  	[tilespmem:s15], [sflag:$0x1] =	stream.indirect.gather [hbm4b:s1+s22], $0x80, s20, s22, $0xb8;
	[tilespmem:$0x1C880] =	vst v63  }
0x15a: {  	_ =	swait.ge [sflag:s16], $0x3E80  }
0x15b: {  	[sflag:s16] =	ssyncset.done $0x0  }
0x15c: {  	[sflag:s16] =	ssyncadd.s32 $0xFFFFC180  }
0x15d: {  	_ =	swait.ge [sflag:s26], $0x3E80  }
0x15e: {  	[sflag:s26] =	ssyncset.done $0x0  }
0x15f: {  	s10 =	rddreg [dreg:$0x14];
	[sflag:s26] =	ssyncadd.s32 $0xFFFFC180  }
0x160: {  	[tilespmem:s23], [sflag:$0x2] =	stream.indirect.gather [hbm4b:s1+s22], $0x80, s10, s22, $0xb8;
	[tilespmem:$0x1C880] =	vst v63  }
0x161: {  	_ = 	snop  }
0x162: {  	[spmem:s3] =	stream.indirect.scatter.add.f32 [tilespmem:s15], [sflag:$0x5], $0x80, s21, s22, $0xb8;
	[tilespmem:$0x1C880] =	vst v63  }
0x163: {  	_ =	swait.ge [sflag:s24], $0x3E80  }
0x164: {  	[sflag:s24] =	ssyncset.done $0x0  }
0x165: {  	[sflag:s24] =	ssyncadd.s32 $0xFFFFC180  }
0x166: {  	_ =	swait.ge [sflag:s25], $0x3E80  }
0x167: {  	[sflag:s25] =	ssyncset.done $0x0  }
0x168: {  	s13 =	rddreg [dreg:$0x15];
	[sflag:s25] =	ssyncadd.s32 $0xFFFFC180  }
0x169: {  	[tilespmem:s15], [sflag:$0x1] =	stream.indirect.gather [hbm4b:s1+s22], $0x80, s13, s22, $0xb8;
	[tilespmem:$0x1C880] =	vst v63  }
0x16a: {  	s14 =	rddreg [dreg:$0x16]  }
0x16b: {  	[spmem:s3] =	stream.indirect.scatter.add.f32 [tilespmem:s23], [sflag:$0x6], $0x80, s14, s22, $0xb8;
	[tilespmem:$0x1C880] =	vst v63  }
0x16c: {  	_ =	swait.ge [sflag:s16], $0x3E80  }
0x16d: {  	[sflag:s16] =	ssyncset.done $0x0  }
0x16e: {  	[sflag:s16] =	ssyncadd.s32 $0xFFFFC180  }
0x16f: {  	_ =	swait.ge [sflag:s26], $0x3E80  }
0x170: {  	[sflag:s26] =	ssyncset.done $0x0  }
0x171: {  	s13 =	rddreg [dreg:$0x17];
	[sflag:s26] =	ssyncadd.s32 $0xFFFFC180  }
0x172: {  	[tilespmem:s23], [sflag:$0x2] =	stream.indirect.gather [hbm4b:s1+s22], $0x80, s13, s22, $0xb8;
	[tilespmem:$0x1C880] =	vst v63  }
0x173: {  	s14 =	rddreg [dreg:$0x18]  }
0x174: {  	[spmem:s3] =	stream.indirect.scatter.add.f32 [tilespmem:s15], [sflag:$0x5], $0x80, s14, s22, $0xb8;
	[tilespmem:$0x1C880] =	vst v63  }
0x175: {  	_ =	swait.ge [sflag:s24], $0x3E80  }
0x176: {  	[sflag:s24] =	ssyncset.done $0x0  }
0x177: {  	[sflag:s24] =	ssyncadd.s32 $0xFFFFC180  }
0x178: {  	_ =	swait.ge [sflag:s25], $0x3E80  }
0x179: {  	[sflag:s25] =	ssyncset.done $0x0  }
0x17a: {  	s13 =	rddreg [dreg:$0x19];
	[sflag:s25] =	ssyncadd.s32 $0xFFFFC180  }
0x17b: {  	[tilespmem:s15], [sflag:$0x1] =	stream.indirect.gather [hbm4b:s1+s22], $0x80, s13, s22, $0xb8;
	[tilespmem:$0x1C880] =	vst v63  }
0x17c: {  	s14 =	rddreg [dreg:$0x1a]  }
0x17d: {  	[spmem:s3] =	stream.indirect.scatter.add.f32 [tilespmem:s23], [sflag:$0x6], $0x80, s14, s22, $0xb8;
	[tilespmem:$0x1C880] =	vst v63  }
0x17e: {  	_ =	swait.ge [sflag:s16], $0x3E80  }
0x17f: {  	[sflag:s16] =	ssyncset.done $0x0  }
0x180: {  	[sflag:s16] =	ssyncadd.s32 $0xFFFFC180  }
0x181: {  	_ =	swait.ge [sflag:s26], $0x3E80  }
0x182: {  	[sflag:s26] =	ssyncset.done $0x0  }
0x183: {  	s13 =	rddreg [dreg:$0x1b];
	[sflag:s26] =	ssyncadd.s32 $0xFFFFC180  }
0x184: {  	[tilespmem:s23], [sflag:$0x2] =	stream.indirect.gather [hbm4b:s1+s22], $0x80, s13, s22, $0xb8;
	[tilespmem:$0x1C880] =	vst v63  }
0x185: {  	s14 =	rddreg [dreg:$0x1c]  }
0x186: {  	[spmem:s3] =	stream.indirect.scatter.add.f32 [tilespmem:s15], [sflag:$0x5], $0x80, s14, s22, $0xb8;
	[tilespmem:$0x1C880] =	vst v63  }
0x187: {  	_ =	swait.ge [sflag:s24], $0x3E80  }
0x188: {  	[sflag:s24] =	ssyncset.done $0x0  }
0x189: {  	[sflag:s24] =	ssyncadd.s32 $0xFFFFC180  }
0x18a: {  	_ =	swait.ge [sflag:s25], $0x3E80  }
0x18b: {  	[sflag:s25] =	ssyncset.done $0x0  }
0x18c: {  	s10 =	rddreg [dreg:$0x1d];
	[sflag:s25] =	ssyncadd.s32 $0xFFFFC180  }
0x18d: {  	[tilespmem:s15], [sflag:$0x1] =	stream.indirect.gather [hbm4b:s1+s22], $0x80, s10, s22, $0xb8;
	[tilespmem:$0x1C880] =	vst v63  }
0x18e: {  	s13 =	rddreg [dreg:$0x1e]  }
0x18f: {  	[spmem:s3] =	stream.indirect.scatter.add.f32 [tilespmem:s23], [sflag:$0x6], $0x80, s13, s22, $0xb8;
	[tilespmem:$0x1C880] =	vst v63  }
0x190: {  	_ =	swait.ge [sflag:s16], $0x3E80  }
0x191: {  	[sflag:s16] =	ssyncset.done $0x0  }
0x192: {  	[sflag:s16] =	ssyncadd.s32 $0xFFFFC180  }
0x193: {  	_ =	swait.ge [sflag:s26], $0x3E80  }
0x194: {  	[sflag:s26] =	ssyncset.done $0x0  }
0x195: {  	s14 =	rddreg [dreg:$0x1f];
	[sflag:s26] =	ssyncadd.s32 $0xFFFFC180  }
0x196: {  	[tilespmem:s23], [sflag:$0x2] =	stream.indirect.gather [hbm4b:s1+s22], $0x80, s14, s22, $0xb8;
	[tilespmem:$0x1C880] =	vst v63  }
0x197: {  	s2 =	sadd.s32 $0x100, s2  }
0x198: {  	[spmem:s3] =	stream.indirect.scatter.add.f32 [tilespmem:s15], [sflag:$0x5], $0x80, s29, s22, $0xb8;
	[tilespmem:$0x1C880] =	vst v63  }
0x199: {  	p1 =	sne.s32 s2, $0x500;
	_ =	swait.ge [sflag:s24], $0x3E80  }
.Ltmp8:
0x19a: {  	[sflag:s24] =	ssyncset.done $0x0;
	(pc) =	sbr.rel @p1 .LBB2_10-.Ltmp8, $4  }
0x19b: {  	[sflag:s24] =	ssyncadd.s32 $0xFFFFC180  }
0x19c: {  	_ =	swait.ge [sflag:s25], $0x3E80  }
0x19d: {  	[sflag:s25] =	ssyncset.done $0x0  }
0x19e: {  	s8 =	sadd.s32 $0x800, s8;
	[sflag:s25] =	ssyncadd.s32 $0xFFFFC180  }
0x19f: {  	[spmem:s3] =	stream.indirect.scatter.add.f32 [tilespmem:s23], [sflag:$0x6], $0x80, s30, s22, $0xb8;
	[tilespmem:$0x1C880] =	vst v63  }
.Ltmp9:
0x1a0: {  	_ =	swait.ge [sflag:s26], $0x3E80;
	(pc) =	sbr.rel @p0 .LBB2_15-.Ltmp9, $3  }
0x1a1: {  	[sflag:s26] =	ssyncset.done $0x0  }
0x1a2: {  	[sflag:s26] =	ssyncadd.s32 $0xFFFFC180  }
0x1a3: {  	[bflag:$0x0] =	sbarrier.arrive $0xFFFF;
	_ =	sdelay $0x1  }
0x1a4: {  	s14 =	sld [smem:$0x7FD]  }
0x1a5: {  	p1 =	sne.s32 s11, $0x1  }
.Ltmp10:
0x1a6: {  	s2 =	stileid.u32;
	(pc) =	sbr.rel @!p1 .LBB2_14-.Ltmp10, $4  }
0x1a7: {  	s2 =	sshll.u32 s2, $0x6;
	s8 =	sshrl.u32 s14, $0x3  }
0x1a8: {  	s9 =	sshrl.u32 s12, $0x3;
	s2 =	sor.u32 $0x1C07, s2;
	s8 =	sadd.s32 s7, s8  }
0x1a9: {  	[hbm:s8], [sflag:s2] =	dma.local [spmem:s9], $0x500  }
0x1aa: {  	s8 =	sadd.s32 $0xFFFFFFFF, s11;
	s9 =	sadd.s32 $0x2800, s12  }
.LBB2_13:
0x1ab: {  	_ =	swait.ge [sflag:s31], $0x500  }
0x1ac: {  	s14 =	sadd.s32 $0x2800, s14;
	s13 =	sshrl.u32 s9, $0x3;
	p1 =	sne.s32 s8, $0x1  }
.Ltmp11:
0x1ad: {  	s10 =	sshrl.u32 s14, $0x3;
	[sflag:s31] =	ssyncset.done $0x0;
	(pc) =	sbr.rel @p1 .LBB2_13-.Ltmp11, $4  }
0x1ae: {  	s10 =	sadd.s32 s7, s10;
	[sflag:s31] =	ssyncadd.s32 $0xFFFFFB00  }
0x1af: {  	[hbm:s10], [sflag:s2] =	dma.local [spmem:s13], $0x500  }
0x1b0: {  	s8 =	sadd.s32 $0xFFFFFFFF, s8  }
0x1b1: {  	s9 =	sadd.s32 $0x2800, s9  }
.Ltmp12:
0x1b2: {  	_ = 	snop;
	(pc) =	sbr.rel .LBB2_14-.Ltmp12, $1  }
0x1b3: {  	_ =	sdelay $0x3  }
.LBB2_16:
0x1b4: {  	_ =	sfence.sel $0x180000  }
0x1b5: {  	[bflag:$0x0] =	sbarrier.arrive $0xFFFF  }
0x1b6: {  	_ =	strace $0x9000004D  }
0x1b7: {  	s0 =	stileid.u32;
	[bflag:$0x2] =	sbarrier.arrive $0xFFFF  }
0x1b8: {  	p0 =	sne.s32 s0, $0x0;
	s0 =	rddreg [dreg:$0x3]  }
0x1b9: {  	s0 =	sadd.s32 @!p0 $0x100000, s0  }
0x1ba: {  	[sflag:s0] =	ssyncadd.tile.s32 @!p0 $0x1;
	_ =	shalt  }
.Lfunc_end2:
_tile_overlayer_lowered:
.L_overlay_start_2:
0x1bb: {  	(tag) =	ssettag $0x2  }
0x1bc: {  	s0 =	rddreg [dreg:$0x0];
	s2 =	stileid.u32  }
0x1bd: {  	s1 =	rddreg [dreg:$0x1];
	p0 =	sne.s32 s2, $0x0  }
0x1be: {  	s3 =	rddreg [dreg:$0x2];
	[bflag:$0x3] =	sbarrier.arrive $0xFFFF;
	s2 =	simm.s32 @!p0 $0x1C07  }
0x1bf: {  	[timem:s3], [sflag:s2] =	dma.local @!p0 [hbm:s0], s1  }
0x1c0: {  	s0 =	simm.s32 @!p0 $0x7  }
0x1c1: {  	_ =	swait.ge @!p0 [sflag:s0], s1  }
0x1c2: {  	s1 =	ssub.s32 @!p0 $0x0, s1;
	[sflag:s0] =	ssyncset.done @!p0 $0x0  }
0x1c3: {  	[sflag:s0] =	ssyncadd.s32 @!p0 s1  }
0x1c4: {  	[bflag:$0x3] =	sbarrier.arrive $0xFFFF  }
0x1c5: {  	_ =	shalt  }

// kernel: kernel.8.cloned.1.call-start
scs
__scs_entry_jumppad:
0x0: {  	(pc) =	sbr.rel $0x88, $3  }
0x1: {  	(tag) =	ssettag $0x0;
	lr =	simm.s32 $0x1  }
0x2: {  	[smem:$0x3F99] =	sst lr;
	_ =	strace $0xD0000000  }
0x3: {  	_ = 	snop  }
0x4: {  	_ = 	snop  }
0x5: {  	_ = 	snop  }
0x6: {  	_ = 	snop  }
0x7: {  	_ = 	snop  }
__scs_overlays_trampoline_lowered:
0x8: {  	[smem:$0x3FA8] =	sst s0  }
0x9: {  	[smem:$0x3FA9] =	sst s1  }
0xa: {  	[smem:$0x3FAA] =	sst s2  }
0xb: {  	[smem:$0x3FAB] =	sst s3  }
0xc: {  	[smem:$0x3FAC] =	sst s4  }
0xd: {  	[smem:$0x3FAD] =	sst s5  }
0xe: {  	[smem:$0x3FAE] =	sst s6  }
0xf: {  	[smem:$0x3FAF] =	sst s7  }
0x10: {  	[smem:$0x3FB0] =	sst s8  }
0x11: {  	[smem:$0x3FB1] =	sst s9;
	s0 =	simm.s32 @!p0 $0x0  }
0x12: {  	s1 =	sld [smem:$0x3F97];
	s0 =	simm.s32 @p0 $0x1  }
0x13: {  	[smem:$0x3FB2] =	sst s0;
	s0 =	simm.s32 @!p1 $0x0  }
0x14: {  	s2 =	sld [smem:$0x3F96];
	s0 =	simm.s32 @p1 $0x1  }
0x15: {  	[smem:$0x3FB3] =	sst s0;
	s0 =	simm.s32 @!p2 $0x0  }
0x16: {  	s3 =	sld [smem:$0x3FDB];
	s0 =	simm.s32 @p2 $0x1  }
0x17: {  	s4 =	simm.s32 $0x1BF5;
	[smem:$0x3FB5] =	sst s0  }
0x18: {  	s0 =	sld [smem:$0x3F98];
	_ =	swait.ge [sflag:s4], $0x0  }
0x19: {  	s7 =	sld [smem:$0x3F99]  }
0x1a: {  	s8 =	sadd.s32 $0xFFFFE003, lr  }
0x1b: {  	s9 =	sadd.s32 $0xFFFFFEF7, lr;
	s5 =	simm.s32 $0xFFFFFFFF;
	p2 =	slt.u32 s8, $0xFFFFF086  }
0x1c: {  	p1 =	slt.u32 s9, $0xF7A;
	s5 =	simm.s32 @!p2 $0x0  }
0x1d: {  	s5 =	simm.s32 @p1 $0x1;
	p0 =	seq.s32 s7, s2  }
0x1e: {  	s7 =	smul.u32 @!p0 $0xF7A, s2;
	p2 =	seq.s32 @!p0 s5, $0x0  }
0x1f: {  	s9 =	smul.u32 $0xF7A, s1;
	s8 =	simm.s32 @!p0 $0x1BF5;
	p2 =	por !p2, p0  }
0x20: {  	[sflag:s8] =	ssyncset.s32 @!p0 $0xFFFFF086;
	s6 =	sadd.s32 @!p0 s3, s7;
	s7 =	simm.s32 @!p0 $0x108  }
0x21: {  	s3 =	sadd.s32 s3, s9;
	s6 =	sadd.s32 @!p0 $0x88, s6;
	s7 =	simm.s32 @p2 $0x1082  }
0x22: {  	[simem:s7], [sflag:s8] =	dma.local @!p0 [hbm:s6], $0xF7A  }
0x23: {  	s9 =	sor.u32 $0xD0000000, s2;
	s6 =	simm.s32 $0x108;
	_ =	swait.ge @!p0 [sflag:s8], $0x0  }
0x24: {  	s3 =	sadd.s32 $0x88, s3;
	s6 =	simm.s32 @!p1 $0x1082;
	[sflag:s4] =	ssyncset.s32 $0xFFFFF086  }
0x25: {  	[simem:s6], [sflag:s4] =	dma.local [hbm:s3], $0xF7A  }
0x26: {  	[smem:$0x3F99] =	sst s1;
	(tag) =	ssettag s2;
	_ =	strace s9  }
0x27: {  	s1 =	sld [smem:$0x3FA9]  }
0x28: {  	s2 =	sld [smem:$0x3FAA]  }
0x29: {  	s4 =	sld [smem:$0x3FAC]  }
0x2a: {  	p0 =	seq.s32 s5, $0x0;
	s5 =	sld [smem:$0x3FAD]  }
0x2b: {  	s6 =	sld [smem:$0x3FAE]  }
0x2c: {  	s7 =	sld [smem:$0x3FAF]  }
0x2d: {  	s3 =	simm.s32 $0x108;
	s8 =	sld [smem:$0x3FB0]  }
0x2e: {  	s3 =	simm.s32 @!p0 $0x1082;
	s9 =	sld [smem:$0x3FB1]  }
0x2f: {  	lr =	sadd.s32 s0, s3;
	s0 =	sld [smem:$0x3FA8]  }
0x30: {  	s3 =	sld [smem:$0x3FAB]  }
0x31: {  	[smem:$0x3FB4] =	sst s10  }
0x32: {  	s10 =	sld [smem:$0x3FB2];
	_ =	sdelay $0x3  }
0x33: {  	p0 =	seq.s32 s10, $0x1;
	s10 =	sld [smem:$0x3FB4];
	_ =	sdelay $0x3  }
0x34: {  	[smem:$0x3FB4] =	sst s10  }
0x35: {  	s10 =	sld [smem:$0x3FB3];
	_ =	sdelay $0x3  }
0x36: {  	p1 =	seq.s32 s10, $0x1;
	s10 =	sld [smem:$0x3FB4];
	_ =	sdelay $0x3  }
0x37: {  	[smem:$0x3FB4] =	sst s10  }
0x38: {  	s10 =	sld [smem:$0x3FB5]  }
0x39: {  	_ = 	snop;
	(pc) =	sbr.ind lr, $3  }
0x3a: {  	_ = 	snop  }
0x3b: {  	_ = 	snop  }
0x3c: {  	p2 =	seq.s32 s10, $0x1;
	s10 =	sld [smem:$0x3FB4]  }
0x3d: {  	_ =	shalt  }
0x3e: {  	_ =	shalt  }
0x3f: {  	_ =	shalt  }
0x40: {  	_ =	shalt  }
0x41: {  	_ =	shalt  }
0x42: {  	_ =	shalt  }
0x43: {  	_ =	shalt  }
0x44: {  	_ =	shalt  }
0x45: {  	_ =	shalt  }
0x46: {  	_ =	shalt  }
0x47: {  	_ =	shalt  }
0x48: {  	_ =	shalt  }
0x49: {  	_ =	shalt  }
0x4a: {  	_ =	shalt  }
0x4b: {  	_ =	shalt  }
0x4c: {  	_ =	shalt  }
0x4d: {  	_ =	shalt  }
0x4e: {  	_ =	shalt  }
0x4f: {  	_ =	shalt  }
0x50: {  	_ =	shalt  }
0x51: {  	_ =	shalt  }
0x52: {  	_ =	shalt  }
0x53: {  	_ =	shalt  }
0x54: {  	_ =	shalt  }
0x55: {  	_ =	shalt  }
0x56: {  	_ =	shalt  }
0x57: {  	_ =	shalt  }
0x58: {  	_ =	shalt  }
0x59: {  	_ =	shalt  }
0x5a: {  	_ =	shalt  }
0x5b: {  	_ =	shalt  }
0x5c: {  	_ =	shalt  }
0x5d: {  	_ =	shalt  }
0x5e: {  	_ =	shalt  }
0x5f: {  	_ =	shalt  }
0x60: {  	_ =	shalt  }
0x61: {  	_ =	shalt  }
0x62: {  	_ =	shalt  }
0x63: {  	_ =	shalt  }
0x64: {  	_ =	shalt  }
0x65: {  	_ =	shalt  }
0x66: {  	_ =	shalt  }
0x67: {  	_ =	shalt  }
0x68: {  	_ =	shalt  }
0x69: {  	_ =	shalt  }
0x6a: {  	_ =	shalt  }
0x6b: {  	_ =	shalt  }
0x6c: {  	_ =	shalt  }
0x6d: {  	_ =	shalt  }
0x6e: {  	_ =	shalt  }
0x6f: {  	_ =	shalt  }
0x70: {  	_ =	shalt  }
0x71: {  	_ =	shalt  }
0x72: {  	_ =	shalt  }
0x73: {  	_ =	shalt  }
0x74: {  	_ =	shalt  }
0x75: {  	_ =	shalt  }
0x76: {  	_ =	shalt  }
0x77: {  	_ =	shalt  }
0x78: {  	_ =	shalt  }
0x79: {  	_ =	shalt  }
0x7a: {  	_ =	shalt  }
0x7b: {  	_ =	shalt  }
0x7c: {  	_ =	shalt  }
0x7d: {  	_ =	shalt  }
0x7e: {  	_ =	shalt  }
0x7f: {  	_ =	shalt  }
0x80: {  	_ =	shalt  }
0x81: {  	_ =	shalt  }
0x82: {  	_ =	shalt  }
0x83: {  	_ =	shalt  }
0x84: {  	_ =	shalt  }
0x85: {  	_ =	shalt  }
0x86: {  	_ =	shalt  }
0x87: {  	_ =	shalt  }
.Lfunc_end0:
.L_simem_size_0:
called_computation_lowered:
.L_overlay_start_0:
0x88: {  	s2 =	sld [smem:$0x3FD9]  }
0x89: {  	s3 =	sld [smem:$0x3FFE];
	_ =	sdelay $0x1  }
0x8a: {  	s1 =	srdreg.scid  }
0x8b: {  	s0 =	sand.u32 $0x1, s1  }
0x8c: {  	s17 =	sshll.u32 s0, $0xA;
	s2 =	sadd.s32 s3, s2  }
0x8d: {  	s2 =	sadd.s32 s2, s17  }
0x8e: {  	[smem:$0x3FC0] =	sst s2  }
0x8f: {  	_ = 	snop  }
0x90: {  	s2 =	sld [smem:$0x3FD0];
	(tm) =	ssettm $0x1  }
0x91: {  	s18 =	sld [smem:$0x3FFB];
	_ =	sdelay $0x3  }
0x92: {  	_ =	strace s18  }
0x93: {  	s3 =	sld [smem:$0x3FFC];
	_ =	sdelay $0x3  }
0x94: {  	_ =	strace s3  }
0x95: {  	s3 =	sld [smem:$0x3FFD];
	_ =	sdelay $0x3  }
0x96: {  	_ =	strace s3  }
0x97: {  	_ =	strace $0x8FFFFFFF  }
0x98: {  	s19 =	sld [smem:$0x3FDB];
	_ =	sdelay $0x1  }
0x99: {  	s4 =	simm.s32 $_scs_section_size  }
0x9a: {  	s5 =	simm.s32 $_size__tile_overlayer_lowered;
	s6 =	simm.s32 $_tile_overlayer_lowered  }
0x9b: {  	s22 =	simm.s32 $0x1BFF;
	s21 =	sshll.u32 s6, $0x1;
	s3 =	sadd.s32 s4, s19  }
0x9c: {  	s7 =	simm.s32 $0x0;
	s20 =	sshll.u32 s5, $0x1;
	s5 =	sadd.s32 s21, s3  }
0x9d: {  	[timem:s7], [sflag:s22] =	dma.local [hbm:s5], s20  }
0x9e: {  	_ =	swait.ge [sflag:s22], s20  }
0x9f: {  	s4 =	ssub.s32 $0x0, s20;
	[sflag:s22] =	ssyncset.done $0x0  }
0xa0: {  	[sflag:s22] =	ssyncadd.s32 s4;
	_ =	sdelay $0x1  }
0xa1: {  	s23 =	simm.s32 $0x1B8B  }
0xa2: {  	_ =	swait.ge [sflag:s23], $0x1  }
0xa3: {  	[sflag:s23] =	ssyncset.done $0x0  }
0xa4: {  	s25 =	simm.s32 $0x1B8E;
	s24 =	sld [smem:$0x3FFE];
	[sflag:s23] =	ssyncadd.s32 $0xFFFFFFFF  }
0xa5: {  	s26 =	simm.s32 $execute0_lowered;
	[smem:$0x3FD2] =	sst s25  }
0xa6: {  	s5 =	sshll.u32 s26, $0x1;
	_ =	strace $0x80000046;
	[dreg:$0x1] =	wrdreg $0xFFFFFFFF  }
0xa7: {  	s28 =	simm.s32 $_size_execute0_lowered;
	s3 =	sadd.s32 s3, s5;
	[dreg:$0x0] =	wrdreg $0x0  }
0xa8: {  	s5 =	sshll.u32 s28, $0x1;
	[dreg:$0x2] =	wrdreg s3  }
0xa9: {  	[dreg:$0x3] =	wrdreg s5  }
0xaa: {  	[dreg:$0x4] =	wrdreg $0xC0  }
0xab: {  	_ =	task [dreg:s7], $0x5FFFF  }
0xac: {  	[dreg:$0x1] =	wrdreg $0xFFFFFFFF  }
0xad: {  	[dreg:$0x0] =	wrdreg $0x60  }
0xae: {  	[dreg:$0x2] =	wrdreg s24  }
0xaf: {  	[dreg:$0x3] =	wrdreg s2  }
0xb0: {  	[dreg:$0x4] =	wrdreg $0x0  }
0xb1: {  	[dreg:$0x5] =	wrdreg $0x2780  }
0xb2: {  	[dreg:$0x6] =	wrdreg $0x9  }
0xb3: {  	_ =	task.clear_ibuf [dreg:s7], $0x7FFFF;
	_ =	strace $0x90000046  }
0xb4: {  	s29 =	simm.s32 $0x9;
	_ =	strace $0x80000048  }
0xb5: {  	_ =	swait.ge [sflag:s29], $0x1  }
0xb6: {  	[sflag:s29] =	ssyncadd.s32 $0xFFFFFFFF  }
0xb7: {  	_ =	strace $0x90000048  }
0xb8: {  	_ =	sfence  }
0xb9: {  	s30 =	sld [smem:$0x0];
	_ =	sdelay $0x2  }
0xba: {  	s31 =	sshll.u32 s1, $0xD;
	s1 =	sshrl.u32 s1, $0x2  }
0xbb: {  	s3 =	sand.u32 $0x4000, s31;
	s1 =	sadd.s32 s1, s30  }
0xbc: {  	s0 =	sor.u32 s3, s0;
	s1 =	sshll.u32 s1, $0x11  }
0xbd: {  	s0 =	sor.u32 s1, s0  }
0xbe: {  	s0 =	sadd.s32 $0x8F2B, s0  }
0xbf: {  	[sflag:s0] =	ssyncadd.remote.s32 $0x1  }
0xc0: {  	_ =	sfence.sel $0xFFFF  }
0xc1: {  	[dreg:$0x0] =	wrdreg $0xFFFFFFFF;
	(pc) =	sbr.abs _section_cstart, $3  }
0xc2: {  	[dreg:$0x1] =	wrdreg $0xFFFFFFFF  }
0xc3: {  	_ =	task.clear_ibuf [dreg:s7], $0x2FFFF;
	_ =	strace $0x9FFFFFFF  }
0xc4: {  	(tm) =	ssettm $0x7FFFFFFF  }
0xc5: {  	_ =	shalt  }
tec
execute0_lowered:
.L_overlay_start_1:
0x0: {  	(tag) =	ssettag $0x1  }
0x1: {  	s0 =	rddreg [dreg:$0x0]  }
0x2: {  	s1 =	rddreg [dreg:$0x1]  }
0x3: {  	s2 =	srdreg.scid;
	s3 =	rddreg [dreg:$0x2]  }
0x4: {  	s8 =	stileid.u32;
	s4 =	rddreg [dreg:$0x3];
	s14 =	simm.s32 $0x2CF0  }
0x5: {  	s15 =	simm.s32 $0x5570;
	s16 =	simm.s32 $0x1;
	s17 =	simm.s32 $0x2  }
0x6: {  	s18 =	simm.s32 $0x7D;
	s19 =	simm.s32 $0x54F0;
	s29 =	simm.s32 $0x770  }
0x7: {  	s30 =	simm.s32 $0x2F70;
	s31 =	simm.s32 $0x7F0;
	s20 =	simm.s32 $0x3070  }
0x8: {  	s21 =	simm.s32 $0x3;
	s2 =	sand.u32 $0x1, s2;
	s5 =	sshll.u32 s8, $0x1  }
0x9: {  	s22 =	simm.s32 $0x0;
	s8 =	smul.u32 $0x7D, s8;
	s6 =	sor.u32 s2, s5  }
0xa: {  	s5 =	simm.s32 $0x0;
	s7 =	ssub.s32 $0x2, s2;
	s2 =	smul.u32 $0x4E20, s2  }
0xb: {  	s6 =	smul.u32 $0x500, s6;
	[smem:$0x7FF] =	sst s5;
	s11 =	sshrl.u32 s8, $0x4  }
0xc: {  	s26 =	sshrl.u32 s7, $0x1;
	s8 =	sadd.s32 $0x7D, s8;
	s10 =	smul.u32 $0x140, s11  }
0xd: {  	_ =	strace $0x80000047;
	s9 =	ssub.s32 s7, s26;
	s12 =	smul.u32 $0x50, s11  }
.Ltmp0:
0xe: {  	s28 =	sshrl.u32 s8, $0x4;
	s0 =	sadd.s32 s6, s0;
	(pc) =	sbr.rel .LBB2_1-.Ltmp0, $4  }
0xf: {  	s8 =	smax.u32 s9, $0x1;
	s9 =	ssub.s32 s28, s11;
	p0 =	sle.u32 s28, s11  }
0x10: {  	s6 =	sadd.s32 $0x2E00, s0;
	s7 =	sadd.s32 $0xCE00, s0;
	s13 =	sshrl.u32 s10, $0x2  }
0x11: {  	s12 =	sadd.s32 s12, s2;
	s2 =	simm.s32 $0x2FF0;
	s0 =	simm.s32 $0x870  }
0x12: {  	v0 =	vimm.f32 $1.000000000e+00;
	v1 =	vimm.f32 $0.0e+00;
	s10 =	sadd.s32 s13, s4;
	s26 =	sadd.s32 s13, s3;
	s13 =	simm.s32 $0x4F0  }
.LBB2_13:
0x13: {  	[sflag:s21] =	ssyncadd.s32 $0xFFFFFFB0  }
.LBB2_14:
0x14: {  	s22 =	sadd.s32 $0x1, s22  }
0x15: {  	p1 =	sne.s32 s22, s8  }
.Ltmp1:
0x16: {  	_ = 	snop;
	(pc) =	sbr.rel @!p1 .LBB2_15-.Ltmp1, $1  }
0x17: {  	_ =	sdelay $0x3  }
.LBB2_1:
0x18: {  	[tilespmem:s13], [sflag:$0x1] =	stream.linear.gather [hbm4b:s6+s5], $0x2800, $0x38;
	[tilespmem:$0x55F0] =	vst v63  }
0x19: {  	_ = 	snop  }
0x1a: {  	[tilespmem:s14], [sflag:$0x1] =	stream.linear.gather [hbm4b:s7+s5], $0x2800, $0x38;
	[tilespmem:$0x55F0] =	vst v63  }
0x1b: {  	[tilespmem:$0x54F0] =	vst v0  }
0x1c: {  	[tilespmem:$0x5500] =	vst v0  }
0x1d: {  	[tilespmem:$0x5510] =	vst v0  }
0x1e: {  	[tilespmem:$0x5520] =	vst v0  }
0x1f: {  	[tilespmem:$0x5530] =	vst v0  }
0x20: {  	[tilespmem:$0x5540] =	vst v0  }
0x21: {  	[tilespmem:$0x5550] =	vst v0  }
0x22: {  	[tilespmem:$0x5560] =	vst v0  }
.Ltmp2:
0x23: {  	[tilespmem:$0x5570] =	vst v1;
	(pc) =	sbr.rel @p0 .LBB2_7-.Ltmp2, $4  }
0x24: {  	[tilespmem:$0x5580] =	vst v1  }
0x25: {  	[tilespmem:$0x5590] =	vst v1  }
0x26: {  	[tilespmem:$0x55A0] =	vst v1  }
0x27: {  	[tilespmem:$0x55B0] =	vst v1  }
0x28: {  	p1 =	sne.s32 s9, $0x1  }
.Ltmp3:
0x29: {  	_ = 	snop;
	(pc) =	sbr.rel @!p1 .LBB2_4-.Ltmp3, $4  }
0x2a: {  	_ = 	snop  }
0x2b: {  	[spmem:s26] =	stream.linear.scatter [tilespmem:s15], [sflag:$0x2], $0x50, $0x38;
	[tilespmem:$0x55F0] =	vst v63  }
0x2c: {  	s11 =	sadd.s32 $0xFFFFFFFF, s9;
	s23 =	sadd.s32 $0x50, s26;
	s24 =	smov.u32 s10  }
0x2d: {  	[spmem:s10] =	stream.linear.scatter [tilespmem:s15], [sflag:$0x2], $0x50, $0x38;
	[tilespmem:$0x55F0] =	vst v63  }
.LBB2_3:
0x2e: {  	[spmem:s23] =	stream.linear.scatter [tilespmem:s15], [sflag:$0x2], $0x50, $0x38;
	[tilespmem:$0x55F0] =	vst v63  }
0x2f: {  	p1 =	sne.s32 s11, $0x1  }
.Ltmp4:
0x30: {  	s11 =	sadd.s32 $0xFFFFFFFF, s11;
	(pc) =	sbr.rel @p1 .LBB2_3-.Ltmp4, $4  }
0x31: {  	s24 =	sadd.s32 $0x50, s24  }
0x32: {  	[spmem:s24] =	stream.linear.scatter [tilespmem:s15], [sflag:$0x2], $0x50, $0x38;
	[tilespmem:$0x55F0] =	vst v63  }
0x33: {  	_ = 	snop  }
0x34: {  	s23 =	sadd.s32 $0x50, s23  }
.LBB2_4:
0x35: {  	_ =	swait.ge [sflag:s16], $0x2800  }
0x36: {  	[sflag:s16] =	ssyncset.done $0x0  }
0x37: {  	[sflag:s16] =	ssyncadd.s32 $0xFFFFD800  }
0x38: {  	_ =	swait.ge [sflag:s16], $0x2800  }
0x39: {  	[sflag:s16] =	ssyncset.done $0x0  }
0x3a: {  	p1 =	seq.s32 s9, $0x1;
	[sflag:s16] =	ssyncadd.s32 $0xFFFFD800  }
.Ltmp5:
0x3b: {  	_ =	swait.ge [sflag:s17], $0x50;
	(pc) =	sbr.rel @p1 .LBB2_6-.Ltmp5, $4  }
0x3c: {  	[sflag:s17] =	ssyncset.done $0x0  }
0x3d: {  	[sflag:s17] =	ssyncadd.s32 $0xFFFFFFB0  }
0x3e: {  	_ =	swait.ge [sflag:s17], $0x50  }
0x3f: {  	s11 =	sadd.s32 $0xFFFFFFFF, s9;
	[sflag:s17] =	ssyncset.done $0x0  }
.LBB2_5:
0x40: {  	p1 =	seq.s32 s11, $0x1;
	s11 =	sadd.s32 $0xFFFFFFFF, s11;
	[sflag:s17] =	ssyncadd.s32 $0xFFFFFFB0  }
.Ltmp6:
0x41: {  	_ =	swait.ge [sflag:s17], $0x50;
	(pc) =	sbr.rel @!p1 .LBB2_5-.Ltmp6, $4  }
0x42: {  	[sflag:s17] =	ssyncset.done $0x0  }
0x43: {  	[sflag:s17] =	ssyncadd.s32 $0xFFFFFFB0  }
0x44: {  	_ =	swait.ge [sflag:s17], $0x50  }
0x45: {  	[sflag:s17] =	ssyncset.done $0x0  }
.LBB2_6:
.Ltmp7:
0x46: {  	(pc) =	sbr.rel .LBB2_8-.Ltmp7, $2  }
0x47: {  	_ =	sdelay $0x2  }
0x48: {  	[sflag:s17] =	ssyncadd.s32 $0xFFFFFFB0  }
.LBB2_7:
0x49: {  	_ =	swait.ge [sflag:s16], $0x2800  }
0x4a: {  	[sflag:s16] =	ssyncset.done $0x0  }
0x4b: {  	[sflag:s16] =	ssyncadd.s32 $0xFFFFD800  }
0x4c: {  	_ =	swait.ge [sflag:s16], $0x2800  }
0x4d: {  	[sflag:s16] =	ssyncset.done $0x0  }
0x4e: {  	[sflag:s16] =	ssyncadd.s32 $0xFFFFD800  }
.LBB2_8:
0x4f: {  	[bflag:$0x0] =	sbarrier.arrive $0xFFFF  }
0x50: {  	[spmem:s3] =	stream.indirect.scatter.add.f32 [tilespmem:s19], [sflag:$0x1], $0x1, s13, s18, $0xb8;
	[tilespmem:$0x55F0] =	vst v63  }
0x51: {  	_ = 	snop  }
0x52: {  	[spmem:s4] =	stream.indirect.scatter.add.f32 [tilespmem:s19], [sflag:$0x2], $0x1, s14, s18, $0xb8;
	[tilespmem:$0x55F0] =	vst v63  }
0x53: {  	s11 =	simm.s32 $0x570  }
0x54: {  	[spmem:s3] =	stream.indirect.scatter.add.f32 [tilespmem:s19], [sflag:$0x1], $0x1, s11, s18, $0xb8;
	[tilespmem:$0x55F0] =	vst v63  }
0x55: {  	s24 =	simm.s32 $0x2D70  }
0x56: {  	[spmem:s4] =	stream.indirect.scatter.add.f32 [tilespmem:s19], [sflag:$0x2], $0x1, s24, s18, $0xb8;
	[tilespmem:$0x55F0] =	vst v63  }
0x57: {  	s25 =	simm.s32 $0x5F0  }
0x58: {  	[spmem:s3] =	stream.indirect.scatter.add.f32 [tilespmem:s19], [sflag:$0x1], $0x1, s25, s18, $0xb8;
	[tilespmem:$0x55F0] =	vst v63  }
0x59: {  	s28 =	simm.s32 $0x2DF0  }
0x5a: {  	[spmem:s4] =	stream.indirect.scatter.add.f32 [tilespmem:s19], [sflag:$0x2], $0x1, s28, s18, $0xb8;
	[tilespmem:$0x55F0] =	vst v63  }
0x5b: {  	s23 =	simm.s32 $0x670  }
0x5c: {  	[spmem:s3] =	stream.indirect.scatter.add.f32 [tilespmem:s19], [sflag:$0x1], $0x1, s23, s18, $0xb8;
	[tilespmem:$0x55F0] =	vst v63  }
0x5d: {  	s24 =	simm.s32 $0x2E70  }
0x5e: {  	[spmem:s4] =	stream.indirect.scatter.add.f32 [tilespmem:s19], [sflag:$0x2], $0x1, s24, s18, $0xb8;
	[tilespmem:$0x55F0] =	vst v63  }
0x5f: {  	s25 =	simm.s32 $0x6F0  }
0x60: {  	[spmem:s3] =	stream.indirect.scatter.add.f32 [tilespmem:s19], [sflag:$0x1], $0x1, s25, s18, $0xb8;
	[tilespmem:$0x55F0] =	vst v63  }
0x61: {  	s28 =	simm.s32 $0x2EF0  }
0x62: {  	[spmem:s4] =	stream.indirect.scatter.add.f32 [tilespmem:s19], [sflag:$0x2], $0x1, s28, s18, $0xb8;
	[tilespmem:$0x55F0] =	vst v63  }
0x63: {  	_ = 	snop  }
0x64: {  	[spmem:s3] =	stream.indirect.scatter.add.f32 [tilespmem:s19], [sflag:$0x1], $0x1, s29, s18, $0xb8;
	[tilespmem:$0x55F0] =	vst v63  }
0x65: {  	_ = 	snop  }
0x66: {  	[spmem:s4] =	stream.indirect.scatter.add.f32 [tilespmem:s19], [sflag:$0x2], $0x1, s30, s18, $0xb8;
	[tilespmem:$0x55F0] =	vst v63  }
0x67: {  	_ = 	snop  }
0x68: {  	[spmem:s3] =	stream.indirect.scatter.add.f32 [tilespmem:s19], [sflag:$0x1], $0x1, s31, s18, $0xb8;
	[tilespmem:$0x55F0] =	vst v63  }
0x69: {  	_ = 	snop  }
0x6a: {  	[spmem:s4] =	stream.indirect.scatter.add.f32 [tilespmem:s19], [sflag:$0x2], $0x1, s2, s18, $0xb8;
	[tilespmem:$0x55F0] =	vst v63  }
0x6b: {  	_ = 	snop  }
0x6c: {  	[spmem:s3] =	stream.indirect.scatter.add.f32 [tilespmem:s19], [sflag:$0x1], $0x1, s0, s18, $0xb8;
	[tilespmem:$0x55F0] =	vst v63  }
0x6d: {  	_ = 	snop  }
0x6e: {  	[spmem:s4] =	stream.indirect.scatter.add.f32 [tilespmem:s19], [sflag:$0x2], $0x1, s20, s18, $0xb8;
	[tilespmem:$0x55F0] =	vst v63  }
0x6f: {  	s23 =	simm.s32 $0x8F0  }
0x70: {  	[spmem:s3] =	stream.indirect.scatter.add.f32 [tilespmem:s19], [sflag:$0x1], $0x1, s23, s18, $0xb8;
	[tilespmem:$0x55F0] =	vst v63  }
0x71: {  	s24 =	simm.s32 $0x30F0  }
0x72: {  	[spmem:s4] =	stream.indirect.scatter.add.f32 [tilespmem:s19], [sflag:$0x2], $0x1, s24, s18, $0xb8;
	[tilespmem:$0x55F0] =	vst v63  }
0x73: {  	s25 =	simm.s32 $0x970  }
0x74: {  	[spmem:s3] =	stream.indirect.scatter.add.f32 [tilespmem:s19], [sflag:$0x1], $0x1, s25, s18, $0xb8;
	[tilespmem:$0x55F0] =	vst v63  }
0x75: {  	s28 =	simm.s32 $0x3170  }
0x76: {  	[spmem:s4] =	stream.indirect.scatter.add.f32 [tilespmem:s19], [sflag:$0x2], $0x1, s28, s18, $0xb8;
	[tilespmem:$0x55F0] =	vst v63  }
0x77: {  	s23 =	simm.s32 $0x9F0  }
0x78: {  	[spmem:s3] =	stream.indirect.scatter.add.f32 [tilespmem:s19], [sflag:$0x1], $0x1, s23, s18, $0xb8;
	[tilespmem:$0x55F0] =	vst v63  }
0x79: {  	s24 =	simm.s32 $0x31F0  }
0x7a: {  	[spmem:s4] =	stream.indirect.scatter.add.f32 [tilespmem:s19], [sflag:$0x2], $0x1, s24, s18, $0xb8;
	[tilespmem:$0x55F0] =	vst v63  }
0x7b: {  	s25 =	simm.s32 $0xA70  }
0x7c: {  	[spmem:s3] =	stream.indirect.scatter.add.f32 [tilespmem:s19], [sflag:$0x1], $0x1, s25, s18, $0xb8;
	[tilespmem:$0x55F0] =	vst v63  }
0x7d: {  	s28 =	simm.s32 $0x3270  }
0x7e: {  	[spmem:s4] =	stream.indirect.scatter.add.f32 [tilespmem:s19], [sflag:$0x2], $0x1, s28, s18, $0xb8;
	[tilespmem:$0x55F0] =	vst v63  }
0x7f: {  	s23 =	simm.s32 $0xAF0  }
0x80: {  	[spmem:s3] =	stream.indirect.scatter.add.f32 [tilespmem:s19], [sflag:$0x1], $0x1, s23, s18, $0xb8;
	[tilespmem:$0x55F0] =	vst v63  }
0x81: {  	s24 =	simm.s32 $0x32F0  }
0x82: {  	[spmem:s4] =	stream.indirect.scatter.add.f32 [tilespmem:s19], [sflag:$0x2], $0x1, s24, s18, $0xb8;
	[tilespmem:$0x55F0] =	vst v63  }
0x83: {  	s25 =	simm.s32 $0xB70  }
0x84: {  	[spmem:s3] =	stream.indirect.scatter.add.f32 [tilespmem:s19], [sflag:$0x1], $0x1, s25, s18, $0xb8;
	[tilespmem:$0x55F0] =	vst v63  }
0x85: {  	s28 =	simm.s32 $0x3370  }
0x86: {  	[spmem:s4] =	stream.indirect.scatter.add.f32 [tilespmem:s19], [sflag:$0x2], $0x1, s28, s18, $0xb8;
	[tilespmem:$0x55F0] =	vst v63  }
0x87: {  	s23 =	simm.s32 $0xBF0  }
0x88: {  	[spmem:s3] =	stream.indirect.scatter.add.f32 [tilespmem:s19], [sflag:$0x1], $0x1, s23, s18, $0xb8;
	[tilespmem:$0x55F0] =	vst v63  }
0x89: {  	s24 =	simm.s32 $0x33F0  }
0x8a: {  	[spmem:s4] =	stream.indirect.scatter.add.f32 [tilespmem:s19], [sflag:$0x2], $0x1, s24, s18, $0xb8;
	[tilespmem:$0x55F0] =	vst v63  }
0x8b: {  	s25 =	simm.s32 $0xC70  }
0x8c: {  	[spmem:s3] =	stream.indirect.scatter.add.f32 [tilespmem:s19], [sflag:$0x1], $0x1, s25, s18, $0xb8;
	[tilespmem:$0x55F0] =	vst v63  }
0x8d: {  	s28 =	simm.s32 $0x3470  }
0x8e: {  	[spmem:s4] =	stream.indirect.scatter.add.f32 [tilespmem:s19], [sflag:$0x2], $0x1, s28, s18, $0xb8;
	[tilespmem:$0x55F0] =	vst v63  }
0x8f: {  	_ =	swait.ge [sflag:s16], $0x7D  }
0x90: {  	[sflag:s16] =	ssyncset.done $0x0  }
0x91: {  	[sflag:s16] =	ssyncadd.s32 $0xFFFFFF83  }
0x92: {  	_ =	swait.ge [sflag:s17], $0x7D  }
0x93: {  	[sflag:s17] =	ssyncset.done $0x0  }
0x94: {  	[sflag:s17] =	ssyncadd.s32 $0xFFFFFF83  }
0x95: {  	_ =	swait.ge [sflag:s16], $0x7D  }
0x96: {  	[sflag:s16] =	ssyncset.done $0x0  }
0x97: {  	[sflag:s16] =	ssyncadd.s32 $0xFFFFFF83  }
0x98: {  	_ =	swait.ge [sflag:s17], $0x7D  }
0x99: {  	[sflag:s17] =	ssyncset.done $0x0  }
0x9a: {  	[sflag:s17] =	ssyncadd.s32 $0xFFFFFF83  }
0x9b: {  	_ =	swait.ge [sflag:s16], $0x7D  }
0x9c: {  	[sflag:s16] =	ssyncset.done $0x0  }
0x9d: {  	[sflag:s16] =	ssyncadd.s32 $0xFFFFFF83  }
0x9e: {  	_ =	swait.ge [sflag:s17], $0x7D  }
0x9f: {  	[sflag:s17] =	ssyncset.done $0x0  }
0xa0: {  	[sflag:s17] =	ssyncadd.s32 $0xFFFFFF83  }
0xa1: {  	_ =	swait.ge [sflag:s16], $0x7D  }
0xa2: {  	[sflag:s16] =	ssyncset.done $0x0  }
0xa3: {  	[sflag:s16] =	ssyncadd.s32 $0xFFFFFF83  }
0xa4: {  	_ =	swait.ge [sflag:s17], $0x7D  }
0xa5: {  	[sflag:s17] =	ssyncset.done $0x0  }
0xa6: {  	[sflag:s17] =	ssyncadd.s32 $0xFFFFFF83  }
0xa7: {  	_ =	swait.ge [sflag:s16], $0x7D  }
0xa8: {  	[sflag:s16] =	ssyncset.done $0x0  }
0xa9: {  	[sflag:s16] =	ssyncadd.s32 $0xFFFFFF83  }
0xaa: {  	_ =	swait.ge [sflag:s17], $0x7D  }
0xab: {  	[sflag:s17] =	ssyncset.done $0x0  }
0xac: {  	[sflag:s17] =	ssyncadd.s32 $0xFFFFFF83  }
0xad: {  	_ =	swait.ge [sflag:s16], $0x7D  }
0xae: {  	[sflag:s16] =	ssyncset.done $0x0  }
0xaf: {  	[sflag:s16] =	ssyncadd.s32 $0xFFFFFF83  }
0xb0: {  	_ =	swait.ge [sflag:s17], $0x7D  }
0xb1: {  	[sflag:s17] =	ssyncset.done $0x0  }
0xb2: {  	[sflag:s17] =	ssyncadd.s32 $0xFFFFFF83  }
0xb3: {  	_ =	swait.ge [sflag:s16], $0x7D  }
0xb4: {  	[sflag:s16] =	ssyncset.done $0x0  }
0xb5: {  	[sflag:s16] =	ssyncadd.s32 $0xFFFFFF83  }
0xb6: {  	_ =	swait.ge [sflag:s17], $0x7D  }
0xb7: {  	[sflag:s17] =	ssyncset.done $0x0  }
0xb8: {  	[sflag:s17] =	ssyncadd.s32 $0xFFFFFF83  }
0xb9: {  	_ =	swait.ge [sflag:s16], $0x7D  }
0xba: {  	[sflag:s16] =	ssyncset.done $0x0  }
0xbb: {  	[sflag:s16] =	ssyncadd.s32 $0xFFFFFF83  }
0xbc: {  	_ =	swait.ge [sflag:s17], $0x7D  }
0xbd: {  	s11 =	simm.s32 $0x2000;
	s25 =	simm.s32 $0x400;
	[sflag:s17] =	ssyncset.done $0x0  }
.LBB2_9:
0xbe: {  	s28 =	sadd.s32 $0x8F0, s25  }
0xbf: {  	[sflag:s17] =	ssyncadd.s32 $0xFFFFFF83;
	s24 =	smov.u32 s11;
	s23 =	sadd.s32 $0x1000, s11  }
0xc0: {  	[spmem:s3] =	stream.indirect.scatter.add.f32 [tilespmem:s19], [sflag:$0x1], $0x1, s28, s18, $0xb8;
	[tilespmem:$0x55F0] =	vst v63  }
0xc1: {  	p1 =	sne.s32 s11, $0x8000;
	s11 =	sadd.s32 $0x30F0, s25  }
0xc2: {  	[spmem:s4] =	stream.indirect.scatter.add.f32 [tilespmem:s19], [sflag:$0x2], $0x1, s11, s18, $0xb8;
	[tilespmem:$0x55F0] =	vst v63  }
0xc3: {  	s11 =	sadd.s32 $0x970, s25  }
0xc4: {  	[spmem:s3] =	stream.indirect.scatter.add.f32 [tilespmem:s19], [sflag:$0x1], $0x1, s11, s18, $0xb8;
	[tilespmem:$0x55F0] =	vst v63  }
0xc5: {  	s11 =	sadd.s32 $0x3170, s25  }
0xc6: {  	[spmem:s4] =	stream.indirect.scatter.add.f32 [tilespmem:s19], [sflag:$0x2], $0x1, s11, s18, $0xb8;
	[tilespmem:$0x55F0] =	vst v63  }
0xc7: {  	s11 =	sadd.s32 $0x9F0, s25  }
0xc8: {  	[spmem:s3] =	stream.indirect.scatter.add.f32 [tilespmem:s19], [sflag:$0x1], $0x1, s11, s18, $0xb8;
	[tilespmem:$0x55F0] =	vst v63  }
0xc9: {  	s11 =	sadd.s32 $0x31F0, s25  }
0xca: {  	[spmem:s4] =	stream.indirect.scatter.add.f32 [tilespmem:s19], [sflag:$0x2], $0x1, s11, s18, $0xb8;
	[tilespmem:$0x55F0] =	vst v63  }
0xcb: {  	s11 =	sadd.s32 $0xA70, s25  }
0xcc: {  	[spmem:s3] =	stream.indirect.scatter.add.f32 [tilespmem:s19], [sflag:$0x1], $0x1, s11, s18, $0xb8;
	[tilespmem:$0x55F0] =	vst v63  }
0xcd: {  	s11 =	sadd.s32 $0x3270, s25  }
0xce: {  	[spmem:s4] =	stream.indirect.scatter.add.f32 [tilespmem:s19], [sflag:$0x2], $0x1, s11, s18, $0xb8;
	[tilespmem:$0x55F0] =	vst v63  }
0xcf: {  	s11 =	sadd.s32 $0xAF0, s25  }
0xd0: {  	[spmem:s3] =	stream.indirect.scatter.add.f32 [tilespmem:s19], [sflag:$0x1], $0x1, s11, s18, $0xb8;
	[tilespmem:$0x55F0] =	vst v63  }
0xd1: {  	s11 =	sadd.s32 $0x32F0, s25  }
0xd2: {  	[spmem:s4] =	stream.indirect.scatter.add.f32 [tilespmem:s19], [sflag:$0x2], $0x1, s11, s18, $0xb8;
	[tilespmem:$0x55F0] =	vst v63  }
0xd3: {  	s11 =	sadd.s32 $0xB70, s25  }
0xd4: {  	[spmem:s3] =	stream.indirect.scatter.add.f32 [tilespmem:s19], [sflag:$0x1], $0x1, s11, s18, $0xb8;
	[tilespmem:$0x55F0] =	vst v63  }
0xd5: {  	s11 =	sadd.s32 $0x3370, s25  }
0xd6: {  	[spmem:s4] =	stream.indirect.scatter.add.f32 [tilespmem:s19], [sflag:$0x2], $0x1, s11, s18, $0xb8;
	[tilespmem:$0x55F0] =	vst v63  }
0xd7: {  	s11 =	sadd.s32 $0xBF0, s25  }
0xd8: {  	[spmem:s3] =	stream.indirect.scatter.add.f32 [tilespmem:s19], [sflag:$0x1], $0x1, s11, s18, $0xb8;
	[tilespmem:$0x55F0] =	vst v63  }
0xd9: {  	s11 =	sadd.s32 $0x33F0, s25  }
0xda: {  	[spmem:s4] =	stream.indirect.scatter.add.f32 [tilespmem:s19], [sflag:$0x2], $0x1, s11, s18, $0xb8;
	[tilespmem:$0x55F0] =	vst v63  }
0xdb: {  	s11 =	sadd.s32 $0xC70, s25  }
0xdc: {  	[spmem:s3] =	stream.indirect.scatter.add.f32 [tilespmem:s19], [sflag:$0x1], $0x1, s11, s18, $0xb8;
	[tilespmem:$0x55F0] =	vst v63  }
0xdd: {  	s11 =	sadd.s32 $0x3470, s25  }
0xde: {  	[spmem:s4] =	stream.indirect.scatter.add.f32 [tilespmem:s19], [sflag:$0x2], $0x1, s11, s18, $0xb8;
	[tilespmem:$0x55F0] =	vst v63  }
0xdf: {  	_ =	swait.ge [sflag:s16], $0x7D  }
0xe0: {  	[sflag:s16] =	ssyncset.done $0x0  }
0xe1: {  	[sflag:s16] =	ssyncadd.s32 $0xFFFFFF83  }
0xe2: {  	_ =	swait.ge [sflag:s17], $0x7D  }
0xe3: {  	[sflag:s17] =	ssyncset.done $0x0  }
0xe4: {  	[sflag:s17] =	ssyncadd.s32 $0xFFFFFF83  }
0xe5: {  	_ =	swait.ge [sflag:s16], $0x7D  }
0xe6: {  	[sflag:s16] =	ssyncset.done $0x0  }
0xe7: {  	[sflag:s16] =	ssyncadd.s32 $0xFFFFFF83  }
0xe8: {  	_ =	swait.ge [sflag:s17], $0x7D  }
0xe9: {  	[sflag:s17] =	ssyncset.done $0x0  }
0xea: {  	[sflag:s17] =	ssyncadd.s32 $0xFFFFFF83  }
0xeb: {  	_ =	swait.ge [sflag:s16], $0x7D  }
0xec: {  	[sflag:s16] =	ssyncset.done $0x0  }
0xed: {  	[sflag:s16] =	ssyncadd.s32 $0xFFFFFF83  }
0xee: {  	_ =	swait.ge [sflag:s17], $0x7D  }
0xef: {  	[sflag:s17] =	ssyncset.done $0x0  }
0xf0: {  	[sflag:s17] =	ssyncadd.s32 $0xFFFFFF83  }
0xf1: {  	_ =	swait.ge [sflag:s16], $0x7D  }
0xf2: {  	[sflag:s16] =	ssyncset.done $0x0  }
0xf3: {  	[sflag:s16] =	ssyncadd.s32 $0xFFFFFF83  }
0xf4: {  	_ =	swait.ge [sflag:s17], $0x7D  }
0xf5: {  	[sflag:s17] =	ssyncset.done $0x0  }
0xf6: {  	[sflag:s17] =	ssyncadd.s32 $0xFFFFFF83  }
0xf7: {  	_ =	swait.ge [sflag:s16], $0x7D  }
0xf8: {  	[sflag:s16] =	ssyncset.done $0x0  }
0xf9: {  	[sflag:s16] =	ssyncadd.s32 $0xFFFFFF83  }
0xfa: {  	_ =	swait.ge [sflag:s17], $0x7D  }
0xfb: {  	[sflag:s17] =	ssyncset.done $0x0  }
0xfc: {  	[sflag:s17] =	ssyncadd.s32 $0xFFFFFF83  }
0xfd: {  	_ =	swait.ge [sflag:s16], $0x7D  }
0xfe: {  	[sflag:s16] =	ssyncset.done $0x0  }
0xff: {  	[sflag:s16] =	ssyncadd.s32 $0xFFFFFF83  }
0x100: {  	_ =	swait.ge [sflag:s17], $0x7D  }
0x101: {  	[sflag:s17] =	ssyncset.done $0x0  }
0x102: {  	[sflag:s17] =	ssyncadd.s32 $0xFFFFFF83  }
0x103: {  	_ =	swait.ge [sflag:s16], $0x7D  }
0x104: {  	[sflag:s16] =	ssyncset.done $0x0  }
0x105: {  	[sflag:s16] =	ssyncadd.s32 $0xFFFFFF83  }
0x106: {  	_ =	swait.ge [sflag:s17], $0x7D  }
0x107: {  	[sflag:s17] =	ssyncset.done $0x0  }
0x108: {  	[sflag:s17] =	ssyncadd.s32 $0xFFFFFF83  }
.Ltmp8:
0x109: {  	_ =	swait.ge [sflag:s16], $0x7D;
	(pc) =	sbr.rel @p1 .LBB2_9-.Ltmp8, $4  }
0x10a: {  	[sflag:s16] =	ssyncset.done $0x0  }
0x10b: {  	[sflag:s16] =	ssyncadd.s32 $0xFFFFFF83  }
0x10c: {  	_ =	swait.ge [sflag:s17], $0x7D  }
0x10d: {  	s25 =	sshra.s32 s24, $0x2;
	s11 =	smov.u32 s23;
	[sflag:s17] =	ssyncset.done $0x0  }
0x10e: {  	s11 =	sadd.s32 $0x8F0, s25;
	[sflag:s17] =	ssyncadd.s32 $0xFFFFFF83  }
0x10f: {  	[spmem:s3] =	stream.indirect.scatter.add.f32 [tilespmem:s19], [sflag:$0x1], $0x1, s11, s18, $0xb8;
	[tilespmem:$0x55F0] =	vst v63  }
0x110: {  	s23 =	sadd.s32 $0x30F0, s25  }
0x111: {  	[spmem:s4] =	stream.indirect.scatter.add.f32 [tilespmem:s19], [sflag:$0x2], $0x1, s23, s18, $0xb8;
	[tilespmem:$0x55F0] =	vst v63  }
0x112: {  	s24 =	sadd.s32 $0x970, s25  }
0x113: {  	[spmem:s3] =	stream.indirect.scatter.add.f32 [tilespmem:s19], [sflag:$0x1], $0x1, s24, s18, $0xb8;
	[tilespmem:$0x55F0] =	vst v63  }
0x114: {  	s28 =	sadd.s32 $0x3170, s25  }
0x115: {  	[spmem:s4] =	stream.indirect.scatter.add.f32 [tilespmem:s19], [sflag:$0x2], $0x1, s28, s18, $0xb8;
	[tilespmem:$0x55F0] =	vst v63  }
0x116: {  	s23 =	sadd.s32 $0x9F0, s25  }
0x117: {  	[spmem:s3] =	stream.indirect.scatter.add.f32 [tilespmem:s19], [sflag:$0x1], $0x1, s23, s18, $0xb8;
	[tilespmem:$0x55F0] =	vst v63  }
0x118: {  	s24 =	sadd.s32 $0x31F0, s25  }
0x119: {  	[spmem:s4] =	stream.indirect.scatter.add.f32 [tilespmem:s19], [sflag:$0x2], $0x1, s24, s18, $0xb8;
	[tilespmem:$0x55F0] =	vst v63  }
0x11a: {  	s28 =	sadd.s32 $0xA70, s25  }
0x11b: {  	[spmem:s3] =	stream.indirect.scatter.add.f32 [tilespmem:s19], [sflag:$0x1], $0x1, s28, s18, $0xb8;
	[tilespmem:$0x55F0] =	vst v63  }
0x11c: {  	s23 =	sadd.s32 $0x3270, s25  }
0x11d: {  	[spmem:s4] =	stream.indirect.scatter.add.f32 [tilespmem:s19], [sflag:$0x2], $0x1, s23, s18, $0xb8;
	[tilespmem:$0x55F0] =	vst v63  }
0x11e: {  	s24 =	sadd.s32 $0xAF0, s25  }
0x11f: {  	[spmem:s3] =	stream.indirect.scatter.add.f32 [tilespmem:s19], [sflag:$0x1], $0x1, s24, s18, $0xb8;
	[tilespmem:$0x55F0] =	vst v63  }
0x120: {  	s28 =	sadd.s32 $0x32F0, s25  }
0x121: {  	[spmem:s4] =	stream.indirect.scatter.add.f32 [tilespmem:s19], [sflag:$0x2], $0x1, s28, s18, $0xb8;
	[tilespmem:$0x55F0] =	vst v63  }
0x122: {  	s23 =	sadd.s32 $0xB70, s25  }
0x123: {  	[spmem:s3] =	stream.indirect.scatter.add.f32 [tilespmem:s19], [sflag:$0x1], $0x1, s23, s18, $0xb8;
	[tilespmem:$0x55F0] =	vst v63  }
0x124: {  	s24 =	sadd.s32 $0x3370, s25  }
0x125: {  	[spmem:s4] =	stream.indirect.scatter.add.f32 [tilespmem:s19], [sflag:$0x2], $0x1, s24, s18, $0xb8;
	[tilespmem:$0x55F0] =	vst v63  }
0x126: {  	s28 =	sadd.s32 $0xBF0, s25  }
0x127: {  	[spmem:s3] =	stream.indirect.scatter.add.f32 [tilespmem:s19], [sflag:$0x1], $0x1, s28, s18, $0xb8;
	[tilespmem:$0x55F0] =	vst v63  }
0x128: {  	s23 =	sadd.s32 $0x33F0, s25  }
0x129: {  	[spmem:s4] =	stream.indirect.scatter.add.f32 [tilespmem:s19], [sflag:$0x2], $0x1, s23, s18, $0xb8;
	[tilespmem:$0x55F0] =	vst v63  }
0x12a: {  	s24 =	sadd.s32 $0xC70, s25  }
0x12b: {  	[spmem:s3] =	stream.indirect.scatter.add.f32 [tilespmem:s19], [sflag:$0x1], $0x1, s24, s18, $0xb8;
	[tilespmem:$0x55F0] =	vst v63  }
0x12c: {  	s28 =	sadd.s32 $0x3470, s25  }
0x12d: {  	[spmem:s4] =	stream.indirect.scatter.add.f32 [tilespmem:s19], [sflag:$0x2], $0x1, s28, s18, $0xb8;
	[tilespmem:$0x55F0] =	vst v63  }
0x12e: {  	_ =	swait.ge [sflag:s16], $0x7D  }
0x12f: {  	[sflag:s16] =	ssyncset.done $0x0  }
0x130: {  	[sflag:s16] =	ssyncadd.s32 $0xFFFFFF83  }
0x131: {  	_ =	swait.ge [sflag:s17], $0x7D  }
0x132: {  	[sflag:s17] =	ssyncset.done $0x0  }
0x133: {  	[sflag:s17] =	ssyncadd.s32 $0xFFFFFF83  }
0x134: {  	_ =	swait.ge [sflag:s16], $0x7D  }
0x135: {  	[sflag:s16] =	ssyncset.done $0x0  }
0x136: {  	[sflag:s16] =	ssyncadd.s32 $0xFFFFFF83  }
0x137: {  	_ =	swait.ge [sflag:s17], $0x7D  }
0x138: {  	[sflag:s17] =	ssyncset.done $0x0  }
0x139: {  	[sflag:s17] =	ssyncadd.s32 $0xFFFFFF83  }
0x13a: {  	_ =	swait.ge [sflag:s16], $0x7D  }
0x13b: {  	[sflag:s16] =	ssyncset.done $0x0  }
0x13c: {  	[sflag:s16] =	ssyncadd.s32 $0xFFFFFF83  }
0x13d: {  	_ =	swait.ge [sflag:s17], $0x7D  }
0x13e: {  	[sflag:s17] =	ssyncset.done $0x0  }
0x13f: {  	[sflag:s17] =	ssyncadd.s32 $0xFFFFFF83  }
0x140: {  	_ =	swait.ge [sflag:s16], $0x7D  }
0x141: {  	[sflag:s16] =	ssyncset.done $0x0  }
0x142: {  	[sflag:s16] =	ssyncadd.s32 $0xFFFFFF83  }
0x143: {  	_ =	swait.ge [sflag:s17], $0x7D  }
0x144: {  	[sflag:s17] =	ssyncset.done $0x0  }
0x145: {  	[sflag:s17] =	ssyncadd.s32 $0xFFFFFF83  }
0x146: {  	_ =	swait.ge [sflag:s16], $0x7D  }
0x147: {  	[sflag:s16] =	ssyncset.done $0x0  }
0x148: {  	[sflag:s16] =	ssyncadd.s32 $0xFFFFFF83  }
0x149: {  	_ =	swait.ge [sflag:s17], $0x7D  }
0x14a: {  	[sflag:s17] =	ssyncset.done $0x0  }
0x14b: {  	[sflag:s17] =	ssyncadd.s32 $0xFFFFFF83  }
0x14c: {  	_ =	swait.ge [sflag:s16], $0x7D  }
0x14d: {  	[sflag:s16] =	ssyncset.done $0x0  }
0x14e: {  	[sflag:s16] =	ssyncadd.s32 $0xFFFFFF83  }
0x14f: {  	_ =	swait.ge [sflag:s17], $0x7D  }
0x150: {  	[sflag:s17] =	ssyncset.done $0x0  }
0x151: {  	[sflag:s17] =	ssyncadd.s32 $0xFFFFFF83  }
0x152: {  	_ =	swait.ge [sflag:s16], $0x7D  }
0x153: {  	[sflag:s16] =	ssyncset.done $0x0  }
0x154: {  	[sflag:s16] =	ssyncadd.s32 $0xFFFFFF83  }
0x155: {  	_ =	swait.ge [sflag:s17], $0x7D  }
0x156: {  	[sflag:s17] =	ssyncset.done $0x0  }
0x157: {  	[sflag:s17] =	ssyncadd.s32 $0xFFFFFF83  }
0x158: {  	_ =	swait.ge [sflag:s16], $0x7D  }
0x159: {  	[sflag:s16] =	ssyncset.done $0x0  }
0x15a: {  	[sflag:s16] =	ssyncadd.s32 $0xFFFFFF83  }
0x15b: {  	_ =	swait.ge [sflag:s17], $0x7D  }
0x15c: {  	[sflag:s17] =	ssyncset.done $0x0  }
0x15d: {  	[sflag:s17] =	ssyncadd.s32 $0xFFFFFF83  }
0x15e: {  	_ =	swait.ge [sflag:s16], $0x7D  }
0x15f: {  	[sflag:s16] =	ssyncset.done $0x0  }
0x160: {  	[sflag:s16] =	ssyncadd.s32 $0xFFFFFF83  }
0x161: {  	_ =	swait.ge [sflag:s17], $0x7D  }
0x162: {  	[sflag:s17] =	ssyncset.done $0x0  }
0x163: {  	[sflag:s17] =	ssyncadd.s32 $0xFFFFFF83  }
0x164: {  	_ =	swait.ge [sflag:s16], $0x7D  }
0x165: {  	[sflag:s16] =	ssyncset.done $0x0  }
0x166: {  	[sflag:s16] =	ssyncadd.s32 $0xFFFFFF83  }
0x167: {  	_ =	swait.ge [sflag:s17], $0x7D  }
0x168: {  	[sflag:s17] =	ssyncset.done $0x0  }
0x169: {  	[sflag:s17] =	ssyncadd.s32 $0xFFFFFF83  }
0x16a: {  	_ =	swait.ge [sflag:s16], $0x7D  }
0x16b: {  	[sflag:s16] =	ssyncset.done $0x0  }
0x16c: {  	[sflag:s16] =	ssyncadd.s32 $0xFFFFFF83  }
0x16d: {  	_ =	swait.ge [sflag:s17], $0x7D  }
0x16e: {  	[sflag:s17] =	ssyncset.done $0x0  }
0x16f: {  	[sflag:s17] =	ssyncadd.s32 $0xFFFFFF83  }
0x170: {  	_ =	swait.ge [sflag:s16], $0x7D  }
0x171: {  	[sflag:s16] =	ssyncset.done $0x0  }
0x172: {  	[sflag:s16] =	ssyncadd.s32 $0xFFFFFF83  }
0x173: {  	_ =	swait.ge [sflag:s17], $0x7D  }
0x174: {  	[sflag:s17] =	ssyncset.done $0x0  }
0x175: {  	[sflag:s17] =	ssyncadd.s32 $0xFFFFFF83  }
0x176: {  	_ =	swait.ge [sflag:s16], $0x7D  }
0x177: {  	[sflag:s16] =	ssyncset.done $0x0  }
0x178: {  	[sflag:s16] =	ssyncadd.s32 $0xFFFFFF83  }
0x179: {  	_ =	swait.ge [sflag:s17], $0x7D  }
0x17a: {  	[sflag:s17] =	ssyncset.done $0x0  }
0x17b: {  	[sflag:s17] =	ssyncadd.s32 $0xFFFFFF83  }
0x17c: {  	_ =	swait.ge [sflag:s16], $0x7D  }
0x17d: {  	[sflag:s16] =	ssyncset.done $0x0  }
0x17e: {  	[sflag:s16] =	ssyncadd.s32 $0xFFFFFF83  }
0x17f: {  	_ =	swait.ge [sflag:s17], $0x7D  }
0x180: {  	[sflag:s17] =	ssyncset.done $0x0  }
0x181: {  	[sflag:s17] =	ssyncadd.s32 $0xFFFFFF83  }
0x182: {  	_ =	swait.ge [sflag:s16], $0x7D  }
0x183: {  	[sflag:s16] =	ssyncset.done $0x0  }
0x184: {  	[sflag:s16] =	ssyncadd.s32 $0xFFFFFF83  }
0x185: {  	_ =	swait.ge [sflag:s17], $0x7D  }
0x186: {  	[sflag:s17] =	ssyncset.done $0x0  }
0x187: {  	[sflag:s17] =	ssyncadd.s32 $0xFFFFFF83  }
0x188: {  	_ =	swait.ge [sflag:s16], $0x7D  }
0x189: {  	[sflag:s16] =	ssyncset.done $0x0  }
0x18a: {  	[sflag:s16] =	ssyncadd.s32 $0xFFFFFF83  }
.Ltmp9:
0x18b: {  	_ =	swait.ge [sflag:s17], $0x7D;
	(pc) =	sbr.rel @p0 .LBB2_14-.Ltmp9, $3  }
0x18c: {  	[sflag:s17] =	ssyncset.done $0x0  }
0x18d: {  	[sflag:s17] =	ssyncadd.s32 $0xFFFFFF83  }
0x18e: {  	[bflag:$0x0] =	sbarrier.arrive $0xFFFF;
	_ =	sdelay $0x1  }
0x18f: {  	[tilespmem:s15], [sflag:$0x3] =	stream.linear.gather [spmem:s26], $0x50, $0x38;
	[tilespmem:$0x55F0] =	vst v63  }
0x190: {  	_ =	swait.ge [sflag:s21], $0x50  }
0x191: {  	s11 =	sshrl.u32 s12, $0x3;
	[sflag:s21] =	ssyncset.done $0x0  }
0x192: {  	s11 =	sadd.s32 s1, s11;
	[sflag:s21] =	ssyncadd.s32 $0xFFFFFFB0  }
0x193: {  	[hbm4b:s11+s5] =	stream.linear.scatter [tilespmem:s15], [sflag:$0x3], $0x50, $0x38;
	[tilespmem:$0x55F0] =	vst v63  }
0x194: {  	_ =	swait.ge [sflag:s21], $0x50  }
0x195: {  	[sflag:s21] =	ssyncset.done $0x0  }
0x196: {  	[sflag:s21] =	ssyncadd.s32 $0xFFFFFFB0  }
0x197: {  	[tilespmem:s15], [sflag:$0x3] =	stream.linear.gather [spmem:s10], $0x50, $0x38;
	[tilespmem:$0x55F0] =	vst v63  }
0x198: {  	s28 =	sadd.s32 $0x2710, s12;
	p1 =	sne.s32 s9, $0x1;
	_ =	swait.ge [sflag:s21], $0x50  }
.Ltmp10:
0x199: {  	s11 =	sshrl.u32 s28, $0x3;
	[sflag:s21] =	ssyncset.done $0x0;
	(pc) =	sbr.rel @!p1 .LBB2_13-.Ltmp10, $4  }
0x19a: {  	s11 =	sadd.s32 s1, s11;
	[sflag:s21] =	ssyncadd.s32 $0xFFFFFFB0  }
0x19b: {  	[hbm4b:s11+s5] =	stream.linear.scatter [tilespmem:s15], [sflag:$0x3], $0x50, $0x38;
	[tilespmem:$0x55F0] =	vst v63  }
0x19c: {  	s23 =	sadd.s32 $0xFFFFFFFF, s9;
	s24 =	sadd.s32 $0x50, s12;
	_ =	swait.ge [sflag:s21], $0x50  }
0x19d: {  	s25 =	smov.u32 s10;
	s11 =	smov.u32 s26;
	[sflag:s21] =	ssyncset.done $0x0  }
.LBB2_12:
0x19e: {  	[sflag:s21] =	ssyncadd.s32 $0xFFFFFFB0;
	s25 =	sadd.s32 $0x50, s25;
	s11 =	sadd.s32 $0x50, s11  }
0x19f: {  	[tilespmem:s15], [sflag:$0x3] =	stream.linear.gather [spmem:s11], $0x50, $0x38;
	[tilespmem:$0x55F0] =	vst v63  }
0x1a0: {  	p1 =	sne.s32 s23, $0x1;
	s23 =	sadd.s32 $0xFFFFFFFF, s23;
	_ =	swait.ge [sflag:s21], $0x50  }
0x1a1: {  	s28 =	sshrl.u32 s24, $0x3;
	[sflag:s21] =	ssyncset.done $0x0  }
0x1a2: {  	s28 =	sadd.s32 s1, s28;
	[sflag:s21] =	ssyncadd.s32 $0xFFFFFFB0  }
0x1a3: {  	[hbm4b:s28+s5] =	stream.linear.scatter [tilespmem:s15], [sflag:$0x3], $0x50, $0x38;
	[tilespmem:$0x55F0] =	vst v63  }
0x1a4: {  	_ =	swait.ge [sflag:s21], $0x50  }
0x1a5: {  	[sflag:s21] =	ssyncset.done $0x0  }
0x1a6: {  	[sflag:s21] =	ssyncadd.s32 $0xFFFFFFB0  }
0x1a7: {  	[tilespmem:s15], [sflag:$0x3] =	stream.linear.gather [spmem:s25], $0x50, $0x38;
	[tilespmem:$0x55F0] =	vst v63  }
0x1a8: {  	s28 =	sadd.s32 $0x2710, s24;
	_ =	swait.ge [sflag:s21], $0x50  }
.Ltmp11:
0x1a9: {  	s28 =	sshrl.u32 s28, $0x3;
	[sflag:s21] =	ssyncset.done $0x0;
	(pc) =	sbr.rel @p1 .LBB2_12-.Ltmp11, $4  }
0x1aa: {  	s28 =	sadd.s32 s1, s28;
	[sflag:s21] =	ssyncadd.s32 $0xFFFFFFB0  }
0x1ab: {  	[hbm4b:s28+s5] =	stream.linear.scatter [tilespmem:s15], [sflag:$0x3], $0x50, $0x38;
	[tilespmem:$0x55F0] =	vst v63  }
0x1ac: {  	_ =	swait.ge [sflag:s21], $0x50  }
0x1ad: {  	s24 =	sadd.s32 $0x50, s24;
	[sflag:s21] =	ssyncset.done $0x0  }
.Ltmp12:
0x1ae: {  	_ = 	snop;
	(pc) =	sbr.rel .LBB2_13-.Ltmp12, $1  }
0x1af: {  	_ =	sdelay $0x3  }
.LBB2_15:
0x1b0: {  	_ =	sfence.sel $0x180000  }
0x1b1: {  	[bflag:$0x0] =	sbarrier.arrive $0xFFFF  }
0x1b2: {  	_ =	strace $0x90000047  }
0x1b3: {  	s0 =	stileid.u32;
	[bflag:$0x2] =	sbarrier.arrive $0xFFFF  }
0x1b4: {  	p0 =	sne.s32 s0, $0x0;
	s0 =	rddreg [dreg:$0x4]  }
0x1b5: {  	s0 =	sadd.s32 @!p0 $0x100000, s0  }
0x1b6: {  	[sflag:s0] =	ssyncadd.tile.s32 @!p0 $0x1;
	_ =	shalt  }
.Lfunc_end2:
_tile_overlayer_lowered:
.L_overlay_start_2:
0x1b7: {  	(tag) =	ssettag $0x2  }
0x1b8: {  	s0 =	rddreg [dreg:$0x0];
	s2 =	stileid.u32  }
0x1b9: {  	s1 =	rddreg [dreg:$0x1];
	p0 =	sne.s32 s2, $0x0  }
0x1ba: {  	s3 =	rddreg [dreg:$0x2];
	[bflag:$0x3] =	sbarrier.arrive $0xFFFF;
	s2 =	simm.s32 @!p0 $0x1C03  }
0x1bb: {  	[timem:s3], [sflag:s2] =	dma.local @!p0 [hbm:s0], s1  }
0x1bc: {  	s0 =	simm.s32 @!p0 $0x3  }
0x1bd: {  	_ =	swait.ge @!p0 [sflag:s0], s1  }
0x1be: {  	s1 =	ssub.s32 @!p0 $0x0, s1;
	[sflag:s0] =	ssyncset.done @!p0 $0x0  }
0x1bf: {  	[sflag:s0] =	ssyncadd.s32 @!p0 s1  }
0x1c0: {  	[bflag:$0x3] =	sbarrier.arrive $0xFFFF  }
0x1c1: {  	_ =	shalt  }

</sc_bundles>
